<compile_context>
chip_gen: v7x
topology: tpu7x:2x2x1
jax: 0.10.2.dev20260603
libtpu: 0.0.44.dev20260713+nightly
codegen_flags: <defaults>
</compile_context>

<pallas_src>
import jax
import jax.numpy as jnp
from jax import lax
from jax.experimental import pallas as pl
from jax.experimental.pallas import tpu as pltpu
from jax.experimental.pallas import tpu_sc as plsc

N_NODES = 10000
N_EDGES = 320000
D_NODE = 128
D_EDGE = 16
EPS = 1e-5

NC = 2
NS = 16
NW = NC * NS
EPT = N_EDGES // NW
EB = 40
EPH = N_EDGES // 2 // NW
NBLKH = EPH // EB
EBC = 80
NBLKC = EPT // EBC
N_PAD = 10240
ROWS_PT = N_PAD // NS


def _pool_body(v_ref, paw_ref, pab_ref, pbw_ref, pbb_ref, out_ref):
    v = v_ref[...]
    v = jnp.where(v >= 0.0, v, 0.2 * v)
    h = jnp.dot(v, paw_ref[...], preferred_element_type=jnp.float32) + pab_ref[...]
    h = jnp.where(h >= 0.0, h, 0.2 * h)
    out_ref[...] = jnp.dot(h, pbw_ref[...], preferred_element_type=jnp.float32) + pbb_ref[...]


def _pool(V, Pa_w, Pa_b, Pb_w, Pb_b):
    blk = 2000
    grid = N_NODES // blk
    wspec = pl.BlockSpec((D_NODE, D_NODE), lambda i: (0, 0))
    bspec = pl.BlockSpec((1, D_NODE), lambda i: (0, 0))
    return pl.pallas_call(
        _pool_body,
        grid=(grid,),
        in_specs=[pl.BlockSpec((blk, D_NODE), lambda i: (i, 0)),
                  wspec, bspec, wspec, bspec],
        out_specs=pl.BlockSpec((blk, D_NODE), lambda i: (i, 0)),
        out_shape=jax.ShapeDtypeStruct((N_NODES, D_NODE), jnp.float32),
    )(V, Pa_w, Pa_b.reshape(1, D_NODE), Pb_w, Pb_b.reshape(1, D_NODE))


def _msg_body(e_ref, a1w, a1b, a2w, a2b, bmw, bmb, cmw, cmb, scale_ref, shift_ref):
    e = e_ref[...]
    x = jnp.maximum(jnp.dot(e, a1w[...], preferred_element_type=jnp.float32) + a1b[...], 0.0)
    x = jnp.dot(x, a2w[...], preferred_element_type=jnp.float32) + a2b[...]
    scale_ref[...] = jax.nn.sigmoid(
        jnp.dot(x, bmw[...], preferred_element_type=jnp.float32) + bmb[...])
    shift_ref[...] = jnp.dot(x, cmw[...], preferred_element_type=jnp.float32) + cmb[...]


def _edge_messages(E, A1_w, A1_b, A2_w, A2_b, Bm_w, Bm_b, Cm_w, Cm_b):
    n = E.shape[0]
    blk = 8000
    grid = n // blk
    wee = pl.BlockSpec((D_EDGE, D_EDGE), lambda i: (0, 0))
    bee = pl.BlockSpec((1, D_EDGE), lambda i: (0, 0))
    wen = pl.BlockSpec((D_EDGE, D_NODE), lambda i: (0, 0))
    ben = pl.BlockSpec((1, D_NODE), lambda i: (0, 0))
    ospec = pl.BlockSpec((blk, D_NODE), lambda i: (i, 0))
    return pl.pallas_call(
        _msg_body,
        grid=(grid,),
        in_specs=[pl.BlockSpec((blk, D_EDGE), lambda i: (i, 0)),
                  wee, bee, wee, bee, wen, ben, wen, ben],
        out_specs=[ospec, ospec],
        out_shape=[jax.ShapeDtypeStruct((n, D_NODE), jnp.float32),
                   jax.ShapeDtypeStruct((n, D_NODE), jnp.float32)],
    )(E, A1_w, A1_b.reshape(1, D_EDGE), A2_w, A2_b.reshape(1, D_EDGE),
      Bm_w, Bm_b.reshape(1, D_NODE), Cm_w, Cm_b.reshape(1, D_NODE))


def _cnt_body(dst_hbm, z128_hbm, ones_hbm, cnt_out, dstv0, dstv1, onesv, cnts,
              csem0, csem1):
    c = lax.axis_index("c")
    s = lax.axis_index("s")
    wid = c * NS + s
    row0 = s * ROWS_PT

    pltpu.sync_copy(z128_hbm.at[pl.ds(row0, ROWS_PT)], cnts.at[pl.ds(row0, ROWS_PT)])
    pltpu.sync_copy(ones_hbm, onesv)

    plsc.subcore_barrier()

    base0 = wid * EPT

    def cload(i, dstv):
        pltpu.sync_copy(dst_hbm.at[pl.ds(base0 + i * EBC, EBC)], dstv)

    def cscat(dstv, sem):
        pltpu.async_copy(onesv, cnts.at[dstv], sem, add=True)

    def cwait(dstv, sem):
        pltpu.make_async_copy(onesv, cnts.at[dstv], sem).wait()

    cload(0, dstv0)

    @pl.loop(0, (NBLKC - 1) // 2)
    def _(j):
        cscat(dstv0, csem0)
        cload(2 * j + 1, dstv1)
        cwait(dstv0, csem0)
        cscat(dstv1, csem1)
        cload(2 * j + 2, dstv0)
        cwait(dstv1, csem1)

    cscat(dstv0, csem0)
    cwait(dstv0, csem0)

    plsc.subcore_barrier()

    pltpu.sync_copy(cnts.at[pl.ds(row0, ROWS_PT)],
                    cnt_out.at[pl.ds(c * N_PAD + row0, ROWS_PT)])


def _sc_counts(dst, z128, ones128):
    mesh = plsc.VectorSubcoreMesh(core_axis_name="c", subcore_axis_name="s")
    fn = pl.kernel(
        _cnt_body,
        mesh=mesh,
        out_type=jax.ShapeDtypeStruct((NC * N_PAD, D_NODE), jnp.float32),
        scratch_types=[
            pltpu.VMEM((EBC,), jnp.int32),
            pltpu.VMEM((EBC,), jnp.int32),
            pltpu.VMEM((EBC, D_NODE), jnp.float32),
            pltpu.VMEM_SHARED((N_PAD, D_NODE), jnp.float32),
            pltpu.SemaphoreType.DMA,
            pltpu.SemaphoreType.DMA,
        ],
    )
    return fn(dst, z128, ones128)


def _make_sc_body(eoff):
    def _sc_body(vp_hbm, scale_hbm, shift_hbm, src_hbm, dst_hbm, init_hbm,
                 acc_out,
                 srcv0, dstv0, rows0, scv0, shv0,
                 srcv1, dstv1, rows1, scv1, shv1,
                 accs, gsem0, ssem0, hsem0, gsem1, ssem1, hsem1):
        c = lax.axis_index("c")
        s = lax.axis_index("s")
        wid = c * NS + s
        row0 = s * ROWS_PT

        pltpu.sync_copy(init_hbm.at[pl.ds(c * N_PAD + row0, ROWS_PT)],
                        accs.at[pl.ds(row0, ROWS_PT)])

        plsc.subcore_barrier()

        sbase0 = wid * EPH
        ebase0 = eoff + sbase0

        def load(i, srcv, dstv, rows, scv, shv, gsem, ssem, hsem):
            sbase = sbase0 + i * EB
            ebase = ebase0 + i * EB
            pltpu.sync_copy(src_hbm.at[pl.ds(ebase, EB)], srcv)
            pltpu.sync_copy(dst_hbm.at[pl.ds(ebase, EB)], dstv)
            pltpu.async_copy(vp_hbm.at[srcv], rows, gsem)
            pltpu.async_copy(scale_hbm.at[pl.ds(sbase, EB)], scv, ssem)
            pltpu.async_copy(shift_hbm.at[pl.ds(sbase, EB)], shv, hsem)

        def process(srcv, dstv, rows, scv, shv, gsem, ssem, hsem):
            pltpu.make_async_copy(vp_hbm.at[srcv], rows, gsem).wait()
            pltpu.make_async_copy(scale_hbm.at[pl.ds(0, EB)], scv, ssem).wait()
            pltpu.make_async_copy(shift_hbm.at[pl.ds(0, EB)], shv, hsem).wait()

            @plsc.parallel_loop(0, EB, 1, unroll=4)
            def _(r):
                for ch in range(D_NODE // 16):
                    slc = (pl.ds(r, 1), pl.ds(ch * 16, 16))
                    v = rows.at[slc[0], slc[1]][...]
                    sc_ = scv.at[slc[0], slc[1]][...]
                    sh_ = shv.at[slc[0], slc[1]][...]
                    m = jnp.maximum(sc_ * v + sh_, EPS)
                    rows.at[slc[0], slc[1]][...] = m * m

            pltpu.sync_copy(rows, accs.at[dstv], add=True)

        buf0 = (srcv0, dstv0, rows0, scv0, shv0, gsem0, ssem0, hsem0)
        buf1 = (srcv1, dstv1, rows1, scv1, shv1, gsem1, ssem1, hsem1)

        load(0, *buf0)

        @pl.loop(0, (NBLKH - 1) // 2)
        def _(j):
            load(2 * j + 1, *buf1)
            process(*buf0)
            load(2 * j + 2, *buf0)
            process(*buf1)

        process(*buf0)

        plsc.subcore_barrier()

        pltpu.sync_copy(accs.at[pl.ds(row0, ROWS_PT)],
                        acc_out.at[pl.ds(c * N_PAD + row0, ROWS_PT)])

    return _sc_body


def _sc_aggregate(eoff, Vp, scale, shift, src, dst, init):
    mesh = plsc.VectorSubcoreMesh(core_axis_name="c", subcore_axis_name="s")
    fn = pl.kernel(
        _make_sc_body(eoff),
        mesh=mesh,
        out_type=jax.ShapeDtypeStruct((NC * N_PAD, D_NODE), jnp.float32),
        scratch_types=[
            pltpu.VMEM((EB,), jnp.int32),
            pltpu.VMEM((EB,), jnp.int32),
            pltpu.VMEM((EB, D_NODE), jnp.float32),
            pltpu.VMEM((EB, D_NODE), jnp.float32),
            pltpu.VMEM((EB, D_NODE), jnp.float32),
            pltpu.VMEM((EB,), jnp.int32),
            pltpu.VMEM((EB,), jnp.int32),
            pltpu.VMEM((EB, D_NODE), jnp.float32),
            pltpu.VMEM((EB, D_NODE), jnp.float32),
            pltpu.VMEM((EB, D_NODE), jnp.float32),
            pltpu.VMEM_SHARED((N_PAD, D_NODE), jnp.float32),
            pltpu.SemaphoreType.DMA,
            pltpu.SemaphoreType.DMA,
            pltpu.SemaphoreType.DMA,
            pltpu.SemaphoreType.DMA,
            pltpu.SemaphoreType.DMA,
            pltpu.SemaphoreType.DMA,
        ],
    )
    return fn(Vp, scale, shift, src, dst, init)


def _fin_body(a0_ref, a1_ref, c0_ref, c1_ref, out_ref):
    a = a0_ref[...] + a1_ref[...]
    cnt = c0_ref[...][:, 0:1] + c1_ref[...][:, 0:1]
    mean = a / jnp.maximum(cnt, 1.0)
    out_ref[...] = jnp.sqrt(jnp.maximum(mean, 1e-12))


def _finalize(acc_flat, cnt_flat):
    blk = 2048
    grid = N_PAD // blk
    return pl.pallas_call(
        _fin_body,
        grid=(grid,),
        in_specs=[pl.BlockSpec((blk, D_NODE), lambda i: (i, 0)),
                  pl.BlockSpec((blk, D_NODE), lambda i: (i + grid, 0)),
                  pl.BlockSpec((blk, D_NODE), lambda i: (i, 0)),
                  pl.BlockSpec((blk, D_NODE), lambda i: (i + grid, 0))],
        out_specs=pl.BlockSpec((blk, D_NODE), lambda i: (i, 0)),
        out_shape=jax.ShapeDtypeStruct((N_PAD, D_NODE), jnp.float32),
    )(acc_flat, acc_flat, cnt_flat, cnt_flat)


def kernel(V, E, edge_index, A1_w, A1_b, A2_w, A2_b, Bm_w, Bm_b, Cm_w, Cm_b,
           Pa_w, Pa_b, Pb_w, Pb_b):
    half = N_EDGES // 2
    Vp = _pool(V, Pa_w, Pa_b, Pb_w, Pb_b)
    scA, shA = _edge_messages(E[:half], A1_w, A1_b, A2_w, A2_b,
                              Bm_w, Bm_b, Cm_w, Cm_b)
    scB, shB = _edge_messages(E[half:], A1_w, A1_b, A2_w, A2_b,
                              Bm_w, Bm_b, Cm_w, Cm_b)
    src = edge_index[0]
    dst = edge_index[1]
    z128 = jnp.zeros((NC * N_PAD, D_NODE), jnp.float32)
    ones128 = jnp.ones((EBC, D_NODE), jnp.float32)
    cnt_flat = _sc_counts(dst, z128[:N_PAD], ones128)
    accA = _sc_aggregate(0, Vp, scA, shA, src, dst, z128)
    acc_flat = _sc_aggregate(half, Vp, scB, shB, src, dst, accA)
    return _finalize(acc_flat, cnt_flat)[:N_NODES]

# --- scband reference (transcript-rebuilt; emitter-appended) ---
"""Pipeline reference for scband-v-gem-52123723105098 (READ-ONLY COPY).

The authoritative reference and input builder live on the scoring server;
editing this copy changes nothing except your own understanding.
"""

import jax, jax.numpy as jnp
import numpy as np

N_NODES = 10000
N_EDGES = 320000
D_NODE = 128
D_EDGE = 16
ALPHA = 2.0
EPS = 1e-5


def _glorot(key, shape):
    fan_in = shape[0]
    return (jax.random.normal(key, shape, dtype=jnp.float32) / np.sqrt(fan_in)).astype(jnp.float32)


def setup_inputs(seed: int = 0):
    key = jax.random.key(seed)
    ks = jax.random.split(key, 16)
    inp = {}
    inp['V'] = jax.random.normal(ks[0], (N_NODES, D_NODE), dtype=jnp.float32)
    inp['E'] = jax.random.normal(ks[1], (N_EDGES, D_EDGE), dtype=jnp.float32)
    inp['edge_index'] = jax.random.randint(ks[2], (2, N_EDGES), 0, N_NODES, dtype=jnp.int32)
    # GenMessage.A : MLP with channels (edge_dim,)*(nb_mlp_layer+1) -> 2 linear layers 16->16
    inp['A1_w'] = _glorot(ks[3], (D_EDGE, D_EDGE)); inp['A1_b'] = jnp.zeros((D_EDGE,), jnp.float32)
    inp['A2_w'] = _glorot(ks[4], (D_EDGE, D_EDGE)); inp['A2_b'] = jnp.zeros((D_EDGE,), jnp.float32)
    # GenMessage.B / GenMessage.C : Linear(edge_dim -> node_dim)
    inp['Bm_w'] = _glorot(ks[5], (D_EDGE, D_NODE)); inp['Bm_b'] = jnp.zeros((D_NODE,), jnp.float32)
    inp['Cm_w'] = _glorot(ks[6], (D_EDGE, D_NODE)); inp['Cm_b'] = jnp.zeros((D_NODE,), jnp.float32)
    # NodePooling.A / NodePooling.B : Linear(node_dim -> node_dim)
    inp['Pa_w'] = _glorot(ks[7], (D_NODE, D_NODE)); inp['Pa_b'] = jnp.zeros((D_NODE,), jnp.float32)
    inp['Pb_w'] = _glorot(ks[8], (D_NODE, D_NODE)); inp['Pb_b'] = jnp.zeros((D_NODE,), jnp.float32)
    return inp


def _leaky_relu(x):
    return jnp.where(x >= 0, x, 0.2 * x)


def reference(V, E, edge_index, A1_w, A1_b, A2_w, A2_b, Bm_w, Bm_b, Cm_w, Cm_b, Pa_w, Pa_b, Pb_w, Pb_b):
    # V_Gem.forward: V = act(V); G.ndata['V'] = pooling(V)
    V = _leaky_relu(V)
    Vp = _leaky_relu(V @ Pa_w + Pa_b) @ Pb_w + Pb_b
    src = edge_index[0]
    dst = edge_index[1]
    # GenMessage on edges (edge_feature=True branch)
    x = jax.nn.relu(E @ A1_w + A1_b) @ A2_w + A2_b
    scale = jax.nn.sigmoid(x @ Bm_w + Bm_b)
    shift = x @ Cm_w + Cm_b
    Vs = jnp.take(Vp, src, axis=0)  # gather of src node features
    msg = scale * Vs + shift
    M = jnp.power(jnp.maximum(msg, EPS), ALPHA)
    # fn.mean('M', 'V'): mean of incoming messages per dst node
    ssum = jax.ops.segment_sum(M, dst, num_segments=N_NODES)
    cnt = jax.ops.segment_sum(jnp.ones((N_EDGES,), jnp.float32), dst, num_segments=N_NODES)
    mean = ssum / jnp.maximum(cnt, 1.0)[:, None]
    return jnp.power(jnp.maximum(mean, 1e-12), 1.0 / ALPHA)

if __name__ == "__main__":
    import jax
    _d = setup_inputs()
    print(jax.jit(kernel)(*tuple(_d.values())))

</pallas_src>

<mosaic_0001>
#map = affine_map<(d0, d1) -> (0, 0)>
#map1 = affine_map<(d0, d1) -> (0)>
module attributes {stable_mosaic.version = 14 : i64} {
  func.func @_sc_body(%arg0: i32, %arg1: i32, %arg2: memref<10000x128xf32, #tpu.memory_space<hbm>>, %arg3: memref<160000x128xf32, #tpu.memory_space<hbm>>, %arg4: memref<160000x128xf32, #tpu.memory_space<hbm>>, %arg5: memref<320000xi32, #tpu.memory_space<hbm>>, %arg6: memref<320000xi32, #tpu.memory_space<hbm>>, %arg7: memref<20480x128xf32, #tpu.memory_space<hbm>>, %arg8: memref<20480x128xf32, #tpu.memory_space<hbm>>, %arg9: memref<40xi32, #tpu.memory_space<vmem>>, %arg10: memref<40xi32, #tpu.memory_space<vmem>>, %arg11: memref<40x128xf32, #tpu.memory_space<vmem>>, %arg12: memref<40x128xf32, #tpu.memory_space<vmem>>, %arg13: memref<40x128xf32, #tpu.memory_space<vmem>>, %arg14: memref<40xi32, #tpu.memory_space<vmem>>, %arg15: memref<40xi32, #tpu.memory_space<vmem>>, %arg16: memref<40x128xf32, #tpu.memory_space<vmem>>, %arg17: memref<40x128xf32, #tpu.memory_space<vmem>>, %arg18: memref<40x128xf32, #tpu.memory_space<vmem>>, %arg19: memref<10240x128xf32, #tpu.memory_space<vmem_shared>>, %arg20: memref<!tpu.dma_semaphore, #tpu.memory_space<semaphore_mem>>, %arg21: memref<!tpu.dma_semaphore, #tpu.memory_space<semaphore_mem>>, %arg22: memref<!tpu.dma_semaphore, #tpu.memory_space<semaphore_mem>>, %arg23: memref<!tpu.dma_semaphore, #tpu.memory_space<semaphore_mem>>, %arg24: memref<!tpu.dma_semaphore, #tpu.memory_space<semaphore_mem>>, %arg25: memref<!tpu.dma_semaphore, #tpu.memory_space<semaphore_mem>>) attributes {dimension_semantics = [#tpu.dimension_semantics<core_parallel>, #tpu.dimension_semantics<subcore_parallel>], iteration_bounds = array<i64: 2, 16>, scalar_prefetch = 0 : i64, scratch_operands = 17 : i64, tpu.core_type = #tpu.core_type<sc_vector_subcore>, window_params = [{transform_indices = #map}, {transform_indices = #map}, {transform_indices = #map}, {transform_indices = #map1}, {transform_indices = #map1}, {transform_indices = #map}, {transform_indices = #map}]} {
    %mul3A = arith.constant 16 : i32
    %mul3A_0 = arith.muli %arg0, %mul3A : i32
    %add3A = arith.addi %mul3A_0, %arg1 : i32
    %mul3A_1 = arith.constant 640 : i32
    %mul3A_2 = arith.muli %arg1, %mul3A_1 : i32
    %mul3A_3 = arith.constant 10240 : i32
    %mul3A_4 = arith.muli %arg0, %mul3A_3 : i32
    %add3A_5 = arith.addi %mul3A_4, %mul3A_2 : i32
    "tpu.region"() ({
      %run_scoped3A = tpu.sem_alloc : memref<!tpu.dma_semaphore, #tpu.memory_space<semaphore_mem>>
      %dma_start3A_48 = arith.constant 0 : i32
      %dma_start3A_49 = tpu.memref_slice %arg19[%mul3A_2, %dma_start3A_48] : memref<10240x128xf32, #tpu.memory_space<vmem_shared>> -> memref<640x128xf32, #tpu.memory_space<vmem_shared>>
      %dma_start3A_50 = arith.constant 0 : i32
      %dma_start3A_51 = tpu.memref_slice %arg7[%add3A_5, %dma_start3A_50] : memref<20480x128xf32, #tpu.memory_space<hbm>> -> memref<640x128xf32, #tpu.memory_space<hbm>>
      tpu.enqueue_dma source(%dma_start3A_51 : memref<640x128xf32, #tpu.memory_space<hbm>>) target(%dma_start3A_49 : memref<640x128xf32, #tpu.memory_space<vmem_shared>>) target_semaphore(%run_scoped3A : memref<!tpu.dma_semaphore, #tpu.memory_space<semaphore_mem>>)
      %dma_wait3A_52 = arith.constant 0 : i32
      %dma_wait3A_53 = tpu.memref_slice %arg19[%mul3A_2, %dma_wait3A_52] : memref<10240x128xf32, #tpu.memory_space<vmem_shared>> -> memref<640x128xf32, #tpu.memory_space<vmem_shared>>
      %dma_wait3A_54 = arith.constant 0 : i32
      %dma_wait3A_55 = tpu.memref_slice %arg7[%add3A_5, %dma_wait3A_54] : memref<20480x128xf32, #tpu.memory_space<hbm>> -> memref<640x128xf32, #tpu.memory_space<hbm>>
      tpu.wait_dma2 semaphore(%run_scoped3A : memref<!tpu.dma_semaphore, #tpu.memory_space<semaphore_mem>>) src(%dma_wait3A_55 : memref<640x128xf32, #tpu.memory_space<hbm>>) dst(%dma_wait3A_53 : memref<640x128xf32, #tpu.memory_space<vmem_shared>>)
      tpu.yield
    }) : () -> ()
    %barrier3A = arith.constant 0 : index
    tpu.barrier barrier_id(%barrier3A)
    %mul3A_6 = arith.constant 5000 : i32
    %mul3A_7 = arith.muli %add3A, %mul3A_6 : i32
    %add3A_8 = arith.constant 160000 : i32
    %add3A_9 = arith.addi %add3A_8, %mul3A_7 : i32
    %add3A_10 = arith.constant 0 : i32
    %add3A_11 = arith.addi %mul3A_7, %add3A_10 : i32
    %add3A_12 = arith.constant 0 : i32
    %add3A_13 = arith.addi %add3A_9, %add3A_12 : i32
    "tpu.region"() ({
      %run_scoped3A = tpu.sem_alloc : memref<!tpu.dma_semaphore, #tpu.memory_space<semaphore_mem>>
      %dma_start3A_48 = tpu.memref_slice %arg5[%add3A_13] : memref<320000xi32, #tpu.memory_space<hbm>> -> memref<40xi32, #tpu.memory_space<hbm>>
      %dma_start3A_49 = tpu.memref_slice %arg5[%add3A_13] : memref<320000xi32, #tpu.memory_space<hbm>> -> memref<40xi32, #tpu.memory_space<hbm>>
      tpu.enqueue_dma source(%dma_start3A_49 : memref<40xi32, #tpu.memory_space<hbm>>) target(%arg9 : memref<40xi32, #tpu.memory_space<vmem>>) target_semaphore(%run_scoped3A : memref<!tpu.dma_semaphore, #tpu.memory_space<semaphore_mem>>)
      %dma_wait3A_50 = tpu.memref_slice %arg5[%add3A_13] : memref<320000xi32, #tpu.memory_space<hbm>> -> memref<40xi32, #tpu.memory_space<hbm>>
      %dma_wait3A_51 = tpu.memref_slice %arg5[%add3A_13] : memref<320000xi32, #tpu.memory_space<hbm>> -> memref<40xi32, #tpu.memory_space<hbm>>
      tpu.wait_dma2 semaphore(%run_scoped3A : memref<!tpu.dma_semaphore, #tpu.memory_space<semaphore_mem>>) src(%dma_wait3A_51 : memref<40xi32, #tpu.memory_space<hbm>>) dst(%arg9 : memref<40xi32, #tpu.memory_space<vmem>>)
      tpu.yield
    }) : () -> ()
    "tpu.region"() ({
      %run_scoped3A = tpu.sem_alloc : memref<!tpu.dma_semaphore, #tpu.memory_space<semaphore_mem>>
      %dma_start3A_48 = tpu.memref_slice %arg6[%add3A_13] : memref<320000xi32, #tpu.memory_space<hbm>> -> memref<40xi32, #tpu.memory_space<hbm>>
      %dma_start3A_49 = tpu.memref_slice %arg6[%add3A_13] : memref<320000xi32, #tpu.memory_space<hbm>> -> memref<40xi32, #tpu.memory_space<hbm>>
      tpu.enqueue_dma source(%dma_start3A_49 : memref<40xi32, #tpu.memory_space<hbm>>) target(%arg10 : memref<40xi32, #tpu.memory_space<vmem>>) target_semaphore(%run_scoped3A : memref<!tpu.dma_semaphore, #tpu.memory_space<semaphore_mem>>)
      %dma_wait3A_50 = tpu.memref_slice %arg6[%add3A_13] : memref<320000xi32, #tpu.memory_space<hbm>> -> memref<40xi32, #tpu.memory_space<hbm>>
      %dma_wait3A_51 = tpu.memref_slice %arg6[%add3A_13] : memref<320000xi32, #tpu.memory_space<hbm>> -> memref<40xi32, #tpu.memory_space<hbm>>
      tpu.wait_dma2 semaphore(%run_scoped3A : memref<!tpu.dma_semaphore, #tpu.memory_space<semaphore_mem>>) src(%dma_wait3A_51 : memref<40xi32, #tpu.memory_space<hbm>>) dst(%arg10 : memref<40xi32, #tpu.memory_space<vmem>>)
      tpu.yield
    }) : () -> ()
    %dma_start3A = arith.constant 0 : i32
    %dma_start3A_14 = arith.constant 0 : i32
    %dma_start3A_15 = tpu.memref_slice %arg2[%dma_start3A, %dma_start3A_14] : memref<10000x128xf32, #tpu.memory_space<hbm>> -> memref<10000x128xf32, #tpu.memory_space<hbm>>
    tpu.enqueue_indirect_dma source(%dma_start3A_15 : memref<10000x128xf32, #tpu.memory_space<hbm>>) target(%arg11 : memref<40x128xf32, #tpu.memory_space<vmem>>) offsets(%arg9 : memref<40xi32, #tpu.memory_space<vmem>>) semaphore(%arg20 : memref<!tpu.dma_semaphore, #tpu.memory_space<semaphore_mem>>)
    %dma_start3A_16 = arith.constant 0 : i32
    %dma_start3A_17 = tpu.memref_slice %arg3[%add3A_11, %dma_start3A_16] : memref<160000x128xf32, #tpu.memory_space<hbm>> -> memref<40x128xf32, #tpu.memory_space<hbm>>
    %dma_start3A_18 = arith.constant 0 : i32
    %dma_start3A_19 = tpu.memref_slice %arg3[%add3A_11, %dma_start3A_18] : memref<160000x128xf32, #tpu.memory_space<hbm>> -> memref<40x128xf32, #tpu.memory_space<hbm>>
    tpu.enqueue_dma source(%dma_start3A_19 : memref<40x128xf32, #tpu.memory_space<hbm>>) target(%arg12 : memref<40x128xf32, #tpu.memory_space<vmem>>) target_semaphore(%arg21 : memref<!tpu.dma_semaphore, #tpu.memory_space<semaphore_mem>>)
    %dma_start3A_20 = arith.constant 0 : i32
    %dma_start3A_21 = tpu.memref_slice %arg4[%add3A_11, %dma_start3A_20] : memref<160000x128xf32, #tpu.memory_space<hbm>> -> memref<40x128xf32, #tpu.memory_space<hbm>>
    %dma_start3A_22 = arith.constant 0 : i32
    %dma_start3A_23 = tpu.memref_slice %arg4[%add3A_11, %dma_start3A_22] : memref<160000x128xf32, #tpu.memory_space<hbm>> -> memref<40x128xf32, #tpu.memory_space<hbm>>
    tpu.enqueue_dma source(%dma_start3A_23 : memref<40x128xf32, #tpu.memory_space<hbm>>) target(%arg13 : memref<40x128xf32, #tpu.memory_space<vmem>>) target_semaphore(%arg22 : memref<!tpu.dma_semaphore, #tpu.memory_space<semaphore_mem>>)
    %scan3A = arith.constant 0 : i32
    %scan3A_24 = arith.constant 62 : i32
    %scan3A_25 = arith.addi %scan3A, %scan3A_24 : i32
    %scan3A_26 = arith.constant 1 : i32
    scf.for %scan3A_48 = %scan3A to %scan3A_25 step %scan3A_26  : i32 {
      %mul3A_49 = arith.constant 1 : i32
      %mul3A_50 = arith.muli %scan3A_48, %mul3A_49 : i32
      %add3A_51 = arith.constant 0 : i32
      %add3A_52 = arith.addi %add3A_51, %mul3A_50 : i32
      %mul3A_53 = arith.constant 2 : i32
      %mul3A_54 = arith.muli %mul3A_53, %add3A_52 : i32
      %add3A_55 = arith.constant 1 : i32
      %add3A_56 = arith.addi %mul3A_54, %add3A_55 : i32
      %mul3A_57 = arith.constant 40 : i32
      %mul3A_58 = arith.muli %add3A_56, %mul3A_57 : i32
      %add3A_59 = arith.addi %mul3A_7, %mul3A_58 : i32
      %mul3A_60 = arith.constant 40 : i32
      %mul3A_61 = arith.muli %add3A_56, %mul3A_60 : i32
      %add3A_62 = arith.addi %add3A_9, %mul3A_61 : i32
      "tpu.region"() ({
        %run_scoped3A = tpu.sem_alloc : memref<!tpu.dma_semaphore, #tpu.memory_space<semaphore_mem>>
        %dma_start3A_131 = tpu.memref_slice %arg5[%add3A_62] : memref<320000xi32, #tpu.memory_space<hbm>> -> memref<40xi32, #tpu.memory_space<hbm>>
        %dma_start3A_132 = tpu.memref_slice %arg5[%add3A_62] : memref<320000xi32, #tpu.memory_space<hbm>> -> memref<40xi32, #tpu.memory_space<hbm>>
        tpu.enqueue_dma source(%dma_start3A_132 : memref<40xi32, #tpu.memory_space<hbm>>) target(%arg14 : memref<40xi32, #tpu.memory_space<vmem>>) target_semaphore(%run_scoped3A : memref<!tpu.dma_semaphore, #tpu.memory_space<semaphore_mem>>)
        %dma_wait3A_133 = tpu.memref_slice %arg5[%add3A_62] : memref<320000xi32, #tpu.memory_space<hbm>> -> memref<40xi32, #tpu.memory_space<hbm>>
        %dma_wait3A_134 = tpu.memref_slice %arg5[%add3A_62] : memref<320000xi32, #tpu.memory_space<hbm>> -> memref<40xi32, #tpu.memory_space<hbm>>
        tpu.wait_dma2 semaphore(%run_scoped3A : memref<!tpu.dma_semaphore, #tpu.memory_space<semaphore_mem>>) src(%dma_wait3A_134 : memref<40xi32, #tpu.memory_space<hbm>>) dst(%arg14 : memref<40xi32, #tpu.memory_space<vmem>>)
        tpu.yield
      }) : () -> ()
      "tpu.region"() ({
        %run_scoped3A = tpu.sem_alloc : memref<!tpu.dma_semaphore, #tpu.memory_space<semaphore_mem>>
        %dma_start3A_131 = tpu.memref_slice %arg6[%add3A_62] : memref<320000xi32, #tpu.memory_space<hbm>> -> memref<40xi32, #tpu.memory_space<hbm>>
        %dma_start3A_132 = tpu.memref_slice %arg6[%add3A_62] : memref<320000xi32, #tpu.memory_space<hbm>> -> memref<40xi32, #tpu.memory_space<hbm>>
        tpu.enqueue_dma source(%dma_start3A_132 : memref<40xi32, #tpu.memory_space<hbm>>) target(%arg15 : memref<40xi32, #tpu.memory_space<vmem>>) target_semaphore(%run_scoped3A : memref<!tpu.dma_semaphore, #tpu.memory_space<semaphore_mem>>)
        %dma_wait3A_133 = tpu.memref_slice %arg6[%add3A_62] : memref<320000xi32, #tpu.memory_space<hbm>> -> memref<40xi32, #tpu.memory_space<hbm>>
        %dma_wait3A_134 = tpu.memref_slice %arg6[%add3A_62] : memref<320000xi32, #tpu.memory_space<hbm>> -> memref<40xi32, #tpu.memory_space<hbm>>
        tpu.wait_dma2 semaphore(%run_scoped3A : memref<!tpu.dma_semaphore, #tpu.memory_space<semaphore_mem>>) src(%dma_wait3A_134 : memref<40xi32, #tpu.memory_space<hbm>>) dst(%arg15 : memref<40xi32, #tpu.memory_space<vmem>>)
        tpu.yield
      }) : () -> ()
      %dma_start3A_63 = arith.constant 0 : i32
      %dma_start3A_64 = arith.constant 0 : i32
      %dma_start3A_65 = tpu.memref_slice %arg2[%dma_start3A_63, %dma_start3A_64] : memref<10000x128xf32, #tpu.memory_space<hbm>> -> memref<10000x128xf32, #tpu.memory_space<hbm>>
      tpu.enqueue_indirect_dma source(%dma_start3A_65 : memref<10000x128xf32, #tpu.memory_space<hbm>>) target(%arg16 : memref<40x128xf32, #tpu.memory_space<vmem>>) offsets(%arg14 : memref<40xi32, #tpu.memory_space<vmem>>) semaphore(%arg23 : memref<!tpu.dma_semaphore, #tpu.memory_space<semaphore_mem>>)
      %dma_start3A_66 = arith.constant 0 : i32
      %dma_start3A_67 = tpu.memref_slice %arg3[%add3A_59, %dma_start3A_66] : memref<160000x128xf32, #tpu.memory_space<hbm>> -> memref<40x128xf32, #tpu.memory_space<hbm>>
      %dma_start3A_68 = arith.constant 0 : i32
      %dma_start3A_69 = tpu.memref_slice %arg3[%add3A_59, %dma_start3A_68] : memref<160000x128xf32, #tpu.memory_space<hbm>> -> memref<40x128xf32, #tpu.memory_space<hbm>>
      tpu.enqueue_dma source(%dma_start3A_69 : memref<40x128xf32, #tpu.memory_space<hbm>>) target(%arg17 : memref<40x128xf32, #tpu.memory_space<vmem>>) target_semaphore(%arg24 : memref<!tpu.dma_semaphore, #tpu.memory_space<semaphore_mem>>)
      %dma_start3A_70 = arith.constant 0 : i32
      %dma_start3A_71 = tpu.memref_slice %arg4[%add3A_59, %dma_start3A_70] : memref<160000x128xf32, #tpu.memory_space<hbm>> -> memref<40x128xf32, #tpu.memory_space<hbm>>
      %dma_start3A_72 = arith.constant 0 : i32
      %dma_start3A_73 = tpu.memref_slice %arg4[%add3A_59, %dma_start3A_72] : memref<160000x128xf32, #tpu.memory_space<hbm>> -> memref<40x128xf32, #tpu.memory_space<hbm>>
      tpu.enqueue_dma source(%dma_start3A_73 : memref<40x128xf32, #tpu.memory_space<hbm>>) target(%arg18 : memref<40x128xf32, #tpu.memory_space<vmem>>) target_semaphore(%arg25 : memref<!tpu.dma_semaphore, #tpu.memory_space<semaphore_mem>>)
      %dma_wait3A_74 = arith.constant 0 : i32
      %dma_wait3A_75 = arith.constant 0 : i32
      %dma_wait3A_76 = tpu.memref_slice %arg2[%dma_wait3A_74, %dma_wait3A_75] : memref<10000x128xf32, #tpu.memory_space<hbm>> -> memref<10000x128xf32, #tpu.memory_space<hbm>>
      tpu.wait_indirect_dma semaphore(%arg20 : memref<!tpu.dma_semaphore, #tpu.memory_space<semaphore_mem>>) src(%dma_wait3A_76 : memref<10000x128xf32, #tpu.memory_space<hbm>>) dst(%arg11 : memref<40x128xf32, #tpu.memory_space<vmem>>)
      %dma_wait3A_77 = arith.constant 0 : i32
      %dma_wait3A_78 = arith.constant 0 : i32
      %dma_wait3A_79 = tpu.memref_slice %arg3[%dma_wait3A_77, %dma_wait3A_78] : memref<160000x128xf32, #tpu.memory_space<hbm>> -> memref<40x128xf32, #tpu.memory_space<hbm>>
      %dma_wait3A_80 = arith.constant 0 : i32
      %dma_wait3A_81 = arith.constant 0 : i32
      %dma_wait3A_82 = tpu.memref_slice %arg3[%dma_wait3A_80, %dma_wait3A_81] : memref<160000x128xf32, #tpu.memory_space<hbm>> -> memref<40x128xf32, #tpu.memory_space<hbm>>
      tpu.wait_dma2 semaphore(%arg21 : memref<!tpu.dma_semaphore, #tpu.memory_space<semaphore_mem>>) src(%dma_wait3A_82 : memref<40x128xf32, #tpu.memory_space<hbm>>) dst(%arg12 : memref<40x128xf32, #tpu.memory_space<vmem>>)
      %dma_wait3A_83 = arith.constant 0 : i32
      %dma_wait3A_84 = arith.constant 0 : i32
      %dma_wait3A_85 = tpu.memref_slice %arg4[%dma_wait3A_83, %dma_wait3A_84] : memref<160000x128xf32, #tpu.memory_space<hbm>> -> memref<40x128xf32, #tpu.memory_space<hbm>>
      %dma_wait3A_86 = arith.constant 0 : i32
      %dma_wait3A_87 = arith.constant 0 : i32
      %dma_wait3A_88 = tpu.memref_slice %arg4[%dma_wait3A_86, %dma_wait3A_87] : memref<160000x128xf32, #tpu.memory_space<hbm>> -> memref<40x128xf32, #tpu.memory_space<hbm>>
      tpu.wait_dma2 semaphore(%arg22 : memref<!tpu.dma_semaphore, #tpu.memory_space<semaphore_mem>>) src(%dma_wait3A_88 : memref<40x128xf32, #tpu.memory_space<hbm>>) dst(%arg13 : memref<40x128xf32, #tpu.memory_space<vmem>>)
      %parallel_loop3A_89 = arith.constant 0 : i32
      %parallel_loop3A_90 = arith.constant 40 : i32
      %parallel_loop3A_91 = arith.constant 1 : i32
      scf.for %parallel_loop3A_131 = %parallel_loop3A_89 to %parallel_loop3A_90 step %parallel_loop3A_91  : i32 {
        %parallel_loop3A_132 = arith.index_cast %parallel_loop3A_131 : i32 to index
        %parallel_loop3A_133 = arith.constant 0 : index
        %parallel_loop3A_134 = tpu.vector_load %arg11[%parallel_loop3A_132, %parallel_loop3A_133] {strides = array<i32>} : memref<40x128xf32, #tpu.memory_space<vmem>>, vector<1x16xf32>,
        %parallel_loop3A_135 = vector.shape_cast %parallel_loop3A_134 : vector<1x16xf32> to vector<1x16xf32>
        %parallel_loop3A_136 = arith.index_cast %parallel_loop3A_131 : i32 to index
        %parallel_loop3A_137 = arith.constant 0 : index
        %parallel_loop3A_138 = tpu.vector_load %arg12[%parallel_loop3A_136, %parallel_loop3A_137] {strides = array<i32>} : memref<40x128xf32, #tpu.memory_space<vmem>>, vector<1x16xf32>,
        %parallel_loop3A_139 = vector.shape_cast %parallel_loop3A_138 : vector<1x16xf32> to vector<1x16xf32>
        %parallel_loop3A_140 = arith.index_cast %parallel_loop3A_131 : i32 to index
        %parallel_loop3A_141 = arith.constant 0 : index
        %parallel_loop3A_142 = tpu.vector_load %arg13[%parallel_loop3A_140, %parallel_loop3A_141] {strides = array<i32>} : memref<40x128xf32, #tpu.memory_space<vmem>>, vector<1x16xf32>,
        %parallel_loop3A_143 = vector.shape_cast %parallel_loop3A_142 : vector<1x16xf32> to vector<1x16xf32>
        %parallel_loop3A_144 = arith.mulf %parallel_loop3A_139, %parallel_loop3A_135 : vector<1x16xf32>
        %parallel_loop3A_145 = arith.addf %parallel_loop3A_144, %parallel_loop3A_143 : vector<1x16xf32>
        %parallel_loop3A_146 = arith.constant 9.99999974E-6 : f32
        %parallel_loop3A_147 = vector.broadcast %parallel_loop3A_146 : f32 to vector<1x16xf32>
        %parallel_loop3A_148 = arith.maximumf %parallel_loop3A_145, %parallel_loop3A_147 : vector<1x16xf32>
        %parallel_loop3A_149 = arith.mulf %parallel_loop3A_148, %parallel_loop3A_148 : vector<1x16xf32>
        %parallel_loop3A_150 = arith.index_cast %parallel_loop3A_131 : i32 to index
        %parallel_loop3A_151 = arith.constant 0 : index
        %parallel_loop3A_152 = tpu.vector_load %arg11[%parallel_loop3A_150, %parallel_loop3A_151] {strides = array<i32>} : memref<40x128xf32, #tpu.memory_space<vmem>>, vector<1x16xf32>,
        %parallel_loop3A_153 = vector.shape_cast %parallel_loop3A_152 : vector<1x16xf32> to vector<1x16xf32>
        %parallel_loop3A_154 = vector.shape_cast %parallel_loop3A_149 : vector<1x16xf32> to vector<1x16xf32>
        tpu.vector_store %arg11[%parallel_loop3A_150, %parallel_loop3A_151], %parallel_loop3A_154 {strides = array<i32>} : memref<40x128xf32, #tpu.memory_space<vmem>>, vector<1x16xf32>,
        %parallel_loop3A_155 = arith.index_cast %parallel_loop3A_131 : i32 to index
        %parallel_loop3A_156 = arith.constant 16 : index
        %parallel_loop3A_157 = tpu.vector_load %arg11[%parallel_loop3A_155, %parallel_loop3A_156] {strides = array<i32>} : memref<40x128xf32, #tpu.memory_space<vmem>>, vector<1x16xf32>,
        %parallel_loop3A_158 = vector.shape_cast %parallel_loop3A_157 : vector<1x16xf32> to vector<1x16xf32>
        %parallel_loop3A_159 = arith.index_cast %parallel_loop3A_131 : i32 to index
        %parallel_loop3A_160 = arith.constant 16 : index
        %parallel_loop3A_161 = tpu.vector_load %arg12[%parallel_loop3A_159, %parallel_loop3A_160] {strides = array<i32>} : memref<40x128xf32, #tpu.memory_space<vmem>>, vector<1x16xf32>,
        %parallel_loop3A_162 = vector.shape_cast %parallel_loop3A_161 : vector<1x16xf32> to vector<1x16xf32>
        %parallel_loop3A_163 = arith.index_cast %parallel_loop3A_131 : i32 to index
        %parallel_loop3A_164 = arith.constant 16 : index
        %parallel_loop3A_165 = tpu.vector_load %arg13[%parallel_loop3A_163, %parallel_loop3A_164] {strides = array<i32>} : memref<40x128xf32, #tpu.memory_space<vmem>>, vector<1x16xf32>,
        %parallel_loop3A_166 = vector.shape_cast %parallel_loop3A_165 : vector<1x16xf32> to vector<1x16xf32>
        %parallel_loop3A_167 = arith.mulf %parallel_loop3A_162, %parallel_loop3A_158 : vector<1x16xf32>
        %parallel_loop3A_168 = arith.addf %parallel_loop3A_167, %parallel_loop3A_166 : vector<1x16xf32>
        %parallel_loop3A_169 = arith.constant 9.99999974E-6 : f32
        %parallel_loop3A_170 = vector.broadcast %parallel_loop3A_169 : f32 to vector<1x16xf32>
        %parallel_loop3A_171 = arith.maximumf %parallel_loop3A_168, %parallel_loop3A_170 : vector<1x16xf32>
        %parallel_loop3A_172 = arith.mulf %parallel_loop3A_171, %parallel_loop3A_171 : vector<1x16xf32>
        %parallel_loop3A_173 = arith.index_cast %parallel_loop3A_131 : i32 to index
        %parallel_loop3A_174 = arith.constant 16 : index
        %parallel_loop3A_175 = tpu.vector_load %arg11[%parallel_loop3A_173, %parallel_loop3A_174] {strides = array<i32>} : memref<40x128xf32, #tpu.memory_space<vmem>>, vector<1x16xf32>,
        %parallel_loop3A_176 = vector.shape_cast %parallel_loop3A_175 : vector<1x16xf32> to vector<1x16xf32>
        %parallel_loop3A_177 = vector.shape_cast %parallel_loop3A_172 : vector<1x16xf32> to vector<1x16xf32>
        tpu.vector_store %arg11[%parallel_loop3A_173, %parallel_loop3A_174], %parallel_loop3A_177 {strides = array<i32>} : memref<40x128xf32, #tpu.memory_space<vmem>>, vector<1x16xf32>,
        %parallel_loop3A_178 = arith.index_cast %parallel_loop3A_131 : i32 to index
        %parallel_loop3A_179 = arith.constant 32 : index
        %parallel_loop3A_180 = tpu.vector_load %arg11[%parallel_loop3A_178, %parallel_loop3A_179] {strides = array<i32>} : memref<40x128xf32, #tpu.memory_space<vmem>>, vector<1x16xf32>,
        %parallel_loop3A_181 = vector.shape_cast %parallel_loop3A_180 : vector<1x16xf32> to vector<1x16xf32>
        %parallel_loop3A_182 = arith.index_cast %parallel_loop3A_131 : i32 to index
        %parallel_loop3A_183 = arith.constant 32 : index
        %parallel_loop3A_184 = tpu.vector_load %arg12[%parallel_loop3A_182, %parallel_loop3A_183] {strides = array<i32>} : memref<40x128xf32, #tpu.memory_space<vmem>>, vector<1x16xf32>,
        %parallel_loop3A_185 = vector.shape_cast %parallel_loop3A_184 : vector<1x16xf32> to vector<1x16xf32>
        %parallel_loop3A_186 = arith.index_cast %parallel_loop3A_131 : i32 to index
        %parallel_loop3A_187 = arith.constant 32 : index
        %parallel_loop3A_188 = tpu.vector_load %arg13[%parallel_loop3A_186, %parallel_loop3A_187] {strides = array<i32>} : memref<40x128xf32, #tpu.memory_space<vmem>>, vector<1x16xf32>,
        %parallel_loop3A_189 = vector.shape_cast %parallel_loop3A_188 : vector<1x16xf32> to vector<1x16xf32>
        %parallel_loop3A_190 = arith.mulf %parallel_loop3A_185, %parallel_loop3A_181 : vector<1x16xf32>
        %parallel_loop3A_191 = arith.addf %parallel_loop3A_190, %parallel_loop3A_189 : vector<1x16xf32>
        %parallel_loop3A_192 = arith.constant 9.99999974E-6 : f32
        %parallel_loop3A_193 = vector.broadcast %parallel_loop3A_192 : f32 to vector<1x16xf32>
        %parallel_loop3A_194 = arith.maximumf %parallel_loop3A_191, %parallel_loop3A_193 : vector<1x16xf32>
        %parallel_loop3A_195 = arith.mulf %parallel_loop3A_194, %parallel_loop3A_194 : vector<1x16xf32>
        %parallel_loop3A_196 = arith.index_cast %parallel_loop3A_131 : i32 to index
        %parallel_loop3A_197 = arith.constant 32 : index
        %parallel_loop3A_198 = tpu.vector_load %arg11[%parallel_loop3A_196, %parallel_loop3A_197] {strides = array<i32>} : memref<40x128xf32, #tpu.memory_space<vmem>>, vector<1x16xf32>,
        %parallel_loop3A_199 = vector.shape_cast %parallel_loop3A_198 : vector<1x16xf32> to vector<1x16xf32>
        %parallel_loop3A_200 = vector.shape_cast %parallel_loop3A_195 : vector<1x16xf32> to vector<1x16xf32>
        tpu.vector_store %arg11[%parallel_loop3A_196, %parallel_loop3A_197], %parallel_loop3A_200 {strides = array<i32>} : memref<40x128xf32, #tpu.memory_space<vmem>>, vector<1x16xf32>,
        %parallel_loop3A_201 = arith.index_cast %parallel_loop3A_131 : i32 to index
        %parallel_loop3A_202 = arith.constant 48 : index
        %parallel_loop3A_203 = tpu.vector_load %arg11[%parallel_loop3A_201, %parallel_loop3A_202] {strides = array<i32>} : memref<40x128xf32, #tpu.memory_space<vmem>>, vector<1x16xf32>,
        %parallel_loop3A_204 = vector.shape_cast %parallel_loop3A_203 : vector<1x16xf32> to vector<1x16xf32>
        %parallel_loop3A_205 = arith.index_cast %parallel_loop3A_131 : i32 to index
        %parallel_loop3A_206 = arith.constant 48 : index
        %parallel_loop3A_207 = tpu.vector_load %arg12[%parallel_loop3A_205, %parallel_loop3A_206] {strides = array<i32>} : memref<40x128xf32, #tpu.memory_space<vmem>>, vector<1x16xf32>,
        %parallel_loop3A_208 = vector.shape_cast %parallel_loop3A_207 : vector<1x16xf32> to vector<1x16xf32>
        %parallel_loop3A_209 = arith.index_cast %parallel_loop3A_131 : i32 to index
        %parallel_loop3A_210 = arith.constant 48 : index
        %parallel_loop3A_211 = tpu.vector_load %arg13[%parallel_loop3A_209, %parallel_loop3A_210] {strides = array<i32>} : memref<40x128xf32, #tpu.memory_space<vmem>>, vector<1x16xf32>,
        %parallel_loop3A_212 = vector.shape_cast %parallel_loop3A_211 : vector<1x16xf32> to vector<1x16xf32>
        %parallel_loop3A_213 = arith.mulf %parallel_loop3A_208, %parallel_loop3A_204 : vector<1x16xf32>
        %parallel_loop3A_214 = arith.addf %parallel_loop3A_213, %parallel_loop3A_212 : vector<1x16xf32>
        %parallel_loop3A_215 = arith.constant 9.99999974E-6 : f32
        %parallel_loop3A_216 = vector.broadcast %parallel_loop3A_215 : f32 to vector<1x16xf32>
        %parallel_loop3A_217 = arith.maximumf %parallel_loop3A_214, %parallel_loop3A_216 : vector<1x16xf32>
        %parallel_loop3A_218 = arith.mulf %parallel_loop3A_217, %parallel_loop3A_217 : vector<1x16xf32>
        %parallel_loop3A_219 = arith.index_cast %parallel_loop3A_131 : i32 to index
        %parallel_loop3A_220 = arith.constant 48 : index
        %parallel_loop3A_221 = tpu.vector_load %arg11[%parallel_loop3A_219, %parallel_loop3A_220] {strides = array<i32>} : memref<40x128xf32, #tpu.memory_space<vmem>>, vector<1x16xf32>,
        %parallel_loop3A_222 = vector.shape_cast %parallel_loop3A_221 : vector<1x16xf32> to vector<1x16xf32>
        %parallel_loop3A_223 = vector.shape_cast %parallel_loop3A_218 : vector<1x16xf32> to vector<1x16xf32>
        tpu.vector_store %arg11[%parallel_loop3A_219, %parallel_loop3A_220], %parallel_loop3A_223 {strides = array<i32>} : memref<40x128xf32, #tpu.memory_space<vmem>>, vector<1x16xf32>,
        %parallel_loop3A_224 = arith.index_cast %parallel_loop3A_131 : i32 to index
        %parallel_loop3A_225 = arith.constant 64 : index
        %parallel_loop3A_226 = tpu.vector_load %arg11[%parallel_loop3A_224, %parallel_loop3A_225] {strides = array<i32>} : memref<40x128xf32, #tpu.memory_space<vmem>>, vector<1x16xf32>,
        %parallel_loop3A_227 = vector.shape_cast %parallel_loop3A_226 : vector<1x16xf32> to vector<1x16xf32>
        %parallel_loop3A_228 = arith.index_cast %parallel_loop3A_131 : i32 to index
        %parallel_loop3A_229 = arith.constant 64 : index
        %parallel_loop3A_230 = tpu.vector_load %arg12[%parallel_loop3A_228, %parallel_loop3A_229] {strides = array<i32>} : memref<40x128xf32, #tpu.memory_space<vmem>>, vector<1x16xf32>,
        %parallel_loop3A_231 = vector.shape_cast %parallel_loop3A_230 : vector<1x16xf32> to vector<1x16xf32>
        %parallel_loop3A_232 = arith.index_cast %parallel_loop3A_131 : i32 to index
        %parallel_loop3A_233 = arith.constant 64 : index
        %parallel_loop3A_234 = tpu.vector_load %arg13[%parallel_loop3A_232, %parallel_loop3A_233] {strides = array<i32>} : memref<40x128xf32, #tpu.memory_space<vmem>>, vector<1x16xf32>,
        %parallel_loop3A_235 = vector.shape_cast %parallel_loop3A_234 : vector<1x16xf32> to vector<1x16xf32>
        %parallel_loop3A_236 = arith.mulf %parallel_loop3A_231, %parallel_loop3A_227 : vector<1x16xf32>
        %parallel_loop3A_237 = arith.addf %parallel_loop3A_236, %parallel_loop3A_235 : vector<1x16xf32>
        %parallel_loop3A_238 = arith.constant 9.99999974E-6 : f32
        %parallel_loop3A_239 = vector.broadcast %parallel_loop3A_238 : f32 to vector<1x16xf32>
        %parallel_loop3A_240 = arith.maximumf %parallel_loop3A_237, %parallel_loop3A_239 : vector<1x16xf32>
        %parallel_loop3A_241 = arith.mulf %parallel_loop3A_240, %parallel_loop3A_240 : vector<1x16xf32>
        %parallel_loop3A_242 = arith.index_cast %parallel_loop3A_131 : i32 to index
        %parallel_loop3A_243 = arith.constant 64 : index
        %parallel_loop3A_244 = tpu.vector_load %arg11[%parallel_loop3A_242, %parallel_loop3A_243] {strides = array<i32>} : memref<40x128xf32, #tpu.memory_space<vmem>>, vector<1x16xf32>,
        %parallel_loop3A_245 = vector.shape_cast %parallel_loop3A_244 : vector<1x16xf32> to vector<1x16xf32>
        %parallel_loop3A_246 = vector.shape_cast %parallel_loop3A_241 : vector<1x16xf32> to vector<1x16xf32>
        tpu.vector_store %arg11[%parallel_loop3A_242, %parallel_loop3A_243], %parallel_loop3A_246 {strides = array<i32>} : memref<40x128xf32, #tpu.memory_space<vmem>>, vector<1x16xf32>,
        %parallel_loop3A_247 = arith.index_cast %parallel_loop3A_131 : i32 to index
        %parallel_loop3A_248 = arith.constant 80 : index
        %parallel_loop3A_249 = tpu.vector_load %arg11[%parallel_loop3A_247, %parallel_loop3A_248] {strides = array<i32>} : memref<40x128xf32, #tpu.memory_space<vmem>>, vector<1x16xf32>,
        %parallel_loop3A_250 = vector.shape_cast %parallel_loop3A_249 : vector<1x16xf32> to vector<1x16xf32>
        %parallel_loop3A_251 = arith.index_cast %parallel_loop3A_131 : i32 to index
        %parallel_loop3A_252 = arith.constant 80 : index
        %parallel_loop3A_253 = tpu.vector_load %arg12[%parallel_loop3A_251, %parallel_loop3A_252] {strides = array<i32>} : memref<40x128xf32, #tpu.memory_space<vmem>>, vector<1x16xf32>,
        %parallel_loop3A_254 = vector.shape_cast %parallel_loop3A_253 : vector<1x16xf32> to vector<1x16xf32>
        %parallel_loop3A_255 = arith.index_cast %parallel_loop3A_131 : i32 to index
        %parallel_loop3A_256 = arith.constant 80 : index
        %parallel_loop3A_257 = tpu.vector_load %arg13[%parallel_loop3A_255, %parallel_loop3A_256] {strides = array<i32>} : memref<40x128xf32, #tpu.memory_space<vmem>>, vector<1x16xf32>,
        %parallel_loop3A_258 = vector.shape_cast %parallel_loop3A_257 : vector<1x16xf32> to vector<1x16xf32>
        %parallel_loop3A_259 = arith.mulf %parallel_loop3A_254, %parallel_loop3A_250 : vector<1x16xf32>
        %parallel_loop3A_260 = arith.addf %parallel_loop3A_259, %parallel_loop3A_258 : vector<1x16xf32>
        %parallel_loop3A_261 = arith.constant 9.99999974E-6 : f32
        %parallel_loop3A_262 = vector.broadcast %parallel_loop3A_261 : f32 to vector<1x16xf32>
        %parallel_loop3A_263 = arith.maximumf %parallel_loop3A_260, %parallel_loop3A_262 : vector<1x16xf32>
        %parallel_loop3A_264 = arith.mulf %parallel_loop3A_263, %parallel_loop3A_263 : vector<1x16xf32>
        %parallel_loop3A_265 = arith.index_cast %parallel_loop3A_131 : i32 to index
        %parallel_loop3A_266 = arith.constant 80 : index
        %parallel_loop3A_267 = tpu.vector_load %arg11[%parallel_loop3A_265, %parallel_loop3A_266] {strides = array<i32>} : memref<40x128xf32, #tpu.memory_space<vmem>>, vector<1x16xf32>,
        %parallel_loop3A_268 = vector.shape_cast %parallel_loop3A_267 : vector<1x16xf32> to vector<1x16xf32>
        %parallel_loop3A_269 = vector.shape_cast %parallel_loop3A_264 : vector<1x16xf32> to vector<1x16xf32>
        tpu.vector_store %arg11[%parallel_loop3A_265, %parallel_loop3A_266], %parallel_loop3A_269 {strides = array<i32>} : memref<40x128xf32, #tpu.memory_space<vmem>>, vector<1x16xf32>,
        %parallel_loop3A_270 = arith.index_cast %parallel_loop3A_131 : i32 to index
        %parallel_loop3A_271 = arith.constant 96 : index
        %parallel_loop3A_272 = tpu.vector_load %arg11[%parallel_loop3A_270, %parallel_loop3A_271] {strides = array<i32>} : memref<40x128xf32, #tpu.memory_space<vmem>>, vector<1x16xf32>,
        %parallel_loop3A_273 = vector.shape_cast %parallel_loop3A_272 : vector<1x16xf32> to vector<1x16xf32>
        %parallel_loop3A_274 = arith.index_cast %parallel_loop3A_131 : i32 to index
        %parallel_loop3A_275 = arith.constant 96 : index
        %parallel_loop3A_276 = tpu.vector_load %arg12[%parallel_loop3A_274, %parallel_loop3A_275] {strides = array<i32>} : memref<40x128xf32, #tpu.memory_space<vmem>>, vector<1x16xf32>,
        %parallel_loop3A_277 = vector.shape_cast %parallel_loop3A_276 : vector<1x16xf32> to vector<1x16xf32>
        %parallel_loop3A_278 = arith.index_cast %parallel_loop3A_131 : i32 to index
        %parallel_loop3A_279 = arith.constant 96 : index
        %parallel_loop3A_280 = tpu.vector_load %arg13[%parallel_loop3A_278, %parallel_loop3A_279] {strides = array<i32>} : memref<40x128xf32, #tpu.memory_space<vmem>>, vector<1x16xf32>,
        %parallel_loop3A_281 = vector.shape_cast %parallel_loop3A_280 : vector<1x16xf32> to vector<1x16xf32>
        %parallel_loop3A_282 = arith.mulf %parallel_loop3A_277, %parallel_loop3A_273 : vector<1x16xf32>
        %parallel_loop3A_283 = arith.addf %parallel_loop3A_282, %parallel_loop3A_281 : vector<1x16xf32>
        %parallel_loop3A_284 = arith.constant 9.99999974E-6 : f32
        %parallel_loop3A_285 = vector.broadcast %parallel_loop3A_284 : f32 to vector<1x16xf32>
        %parallel_loop3A_286 = arith.maximumf %parallel_loop3A_283, %parallel_loop3A_285 : vector<1x16xf32>
        %parallel_loop3A_287 = arith.mulf %parallel_loop3A_286, %parallel_loop3A_286 : vector<1x16xf32>
        %parallel_loop3A_288 = arith.index_cast %parallel_loop3A_131 : i32 to index
        %parallel_loop3A_289 = arith.constant 96 : index
        %parallel_loop3A_290 = tpu.vector_load %arg11[%parallel_loop3A_288, %parallel_loop3A_289] {strides = array<i32>} : memref<40x128xf32, #tpu.memory_space<vmem>>, vector<1x16xf32>,
        %parallel_loop3A_291 = vector.shape_cast %parallel_loop3A_290 : vector<1x16xf32> to vector<1x16xf32>
        %parallel_loop3A_292 = vector.shape_cast %parallel_loop3A_287 : vector<1x16xf32> to vector<1x16xf32>
        tpu.vector_store %arg11[%parallel_loop3A_288, %parallel_loop3A_289], %parallel_loop3A_292 {strides = array<i32>} : memref<40x128xf32, #tpu.memory_space<vmem>>, vector<1x16xf32>,
        %parallel_loop3A_293 = arith.index_cast %parallel_loop3A_131 : i32 to index
        %parallel_loop3A_294 = arith.constant 112 : index
        %parallel_loop3A_295 = tpu.vector_load %arg11[%parallel_loop3A_293, %parallel_loop3A_294] {strides = array<i32>} : memref<40x128xf32, #tpu.memory_space<vmem>>, vector<1x16xf32>,
        %parallel_loop3A_296 = vector.shape_cast %parallel_loop3A_295 : vector<1x16xf32> to vector<1x16xf32>
        %parallel_loop3A_297 = arith.index_cast %parallel_loop3A_131 : i32 to index
        %parallel_loop3A_298 = arith.constant 112 : index
        %parallel_loop3A_299 = tpu.vector_load %arg12[%parallel_loop3A_297, %parallel_loop3A_298] {strides = array<i32>} : memref<40x128xf32, #tpu.memory_space<vmem>>, vector<1x16xf32>,
        %parallel_loop3A_300 = vector.shape_cast %parallel_loop3A_299 : vector<1x16xf32> to vector<1x16xf32>
        %parallel_loop3A_301 = arith.index_cast %parallel_loop3A_131 : i32 to index
        %parallel_loop3A_302 = arith.constant 112 : index
        %parallel_loop3A_303 = tpu.vector_load %arg13[%parallel_loop3A_301, %parallel_loop3A_302] {strides = array<i32>} : memref<40x128xf32, #tpu.memory_space<vmem>>, vector<1x16xf32>,
        %parallel_loop3A_304 = vector.shape_cast %parallel_loop3A_303 : vector<1x16xf32> to vector<1x16xf32>
        %parallel_loop3A_305 = arith.mulf %parallel_loop3A_300, %parallel_loop3A_296 : vector<1x16xf32>
        %parallel_loop3A_306 = arith.addf %parallel_loop3A_305, %parallel_loop3A_304 : vector<1x16xf32>
        %parallel_loop3A_307 = arith.constant 9.99999974E-6 : f32
        %parallel_loop3A_308 = vector.broadcast %parallel_loop3A_307 : f32 to vector<1x16xf32>
        %parallel_loop3A_309 = arith.maximumf %parallel_loop3A_306, %parallel_loop3A_308 : vector<1x16xf32>
        %parallel_loop3A_310 = arith.mulf %parallel_loop3A_309, %parallel_loop3A_309 : vector<1x16xf32>
        %parallel_loop3A_311 = arith.index_cast %parallel_loop3A_131 : i32 to index
        %parallel_loop3A_312 = arith.constant 112 : index
        %parallel_loop3A_313 = tpu.vector_load %arg11[%parallel_loop3A_311, %parallel_loop3A_312] {strides = array<i32>} : memref<40x128xf32, #tpu.memory_space<vmem>>, vector<1x16xf32>,
        %parallel_loop3A_314 = vector.shape_cast %parallel_loop3A_313 : vector<1x16xf32> to vector<1x16xf32>
        %parallel_loop3A_315 = vector.shape_cast %parallel_loop3A_310 : vector<1x16xf32> to vector<1x16xf32>
        tpu.vector_store %arg11[%parallel_loop3A_311, %parallel_loop3A_312], %parallel_loop3A_315 {strides = array<i32>} : memref<40x128xf32, #tpu.memory_space<vmem>>, vector<1x16xf32>,
      } {sc.loop_unroll_factor = 4 : i64, sc.parallel_access}
      "tpu.region"() ({
        %run_scoped3A = tpu.sem_alloc : memref<!tpu.dma_semaphore, #tpu.memory_space<semaphore_mem>>
        %dma_start3A_131 = arith.constant 0 : i32
        %dma_start3A_132 = arith.constant 0 : i32
        %dma_start3A_133 = tpu.memref_slice %arg19[%dma_start3A_131, %dma_start3A_132] : memref<10240x128xf32, #tpu.memory_space<vmem_shared>> -> memref<10240x128xf32, #tpu.memory_space<vmem_shared>>
        tpu.enqueue_indirect_dma source(%arg11 : memref<40x128xf32, #tpu.memory_space<vmem>>) target(%dma_start3A_133 : memref<10240x128xf32, #tpu.memory_space<vmem_shared>>) offsets(%arg10 : memref<40xi32, #tpu.memory_space<vmem>>) semaphore(%run_scoped3A : memref<!tpu.dma_semaphore, #tpu.memory_space<semaphore_mem>>) {add = true}
        %dma_wait3A_134 = arith.constant 0 : i32
        %dma_wait3A_135 = arith.constant 0 : i32
        %dma_wait3A_136 = tpu.memref_slice %arg19[%dma_wait3A_134, %dma_wait3A_135] : memref<10240x128xf32, #tpu.memory_space<vmem_shared>> -> memref<10240x128xf32, #tpu.memory_space<vmem_shared>>
        tpu.wait_indirect_dma semaphore(%run_scoped3A : memref<!tpu.dma_semaphore, #tpu.memory_space<semaphore_mem>>) src(%arg11 : memref<40x128xf32, #tpu.memory_space<vmem>>) dst(%dma_wait3A_136 : memref<10240x128xf32, #tpu.memory_space<vmem_shared>>)
        tpu.yield
      }) : () -> ()
      %mul3A_92 = arith.constant 2 : i32
      %mul3A_93 = arith.muli %mul3A_92, %add3A_52 : i32
      %add3A_94 = arith.constant 2 : i32
      %add3A_95 = arith.addi %mul3A_93, %add3A_94 : i32
      %mul3A_96 = arith.constant 40 : i32
      %mul3A_97 = arith.muli %add3A_95, %mul3A_96 : i32
      %add3A_98 = arith.addi %mul3A_7, %mul3A_97 : i32
      %mul3A_99 = arith.constant 40 : i32
      %mul3A_100 = arith.muli %add3A_95, %mul3A_99 : i32
      %add3A_101 = arith.addi %add3A_9, %mul3A_100 : i32
      "tpu.region"() ({
        %run_scoped3A = tpu.sem_alloc : memref<!tpu.dma_semaphore, #tpu.memory_space<semaphore_mem>>
        %dma_start3A_131 = tpu.memref_slice %arg5[%add3A_101] : memref<320000xi32, #tpu.memory_space<hbm>> -> memref<40xi32, #tpu.memory_space<hbm>>
        %dma_start3A_132 = tpu.memref_slice %arg5[%add3A_101] : memref<320000xi32, #tpu.memory_space<hbm>> -> memref<40xi32, #tpu.memory_space<hbm>>
        tpu.enqueue_dma source(%dma_start3A_132 : memref<40xi32, #tpu.memory_space<hbm>>) target(%arg9 : memref<40xi32, #tpu.memory_space<vmem>>) target_semaphore(%run_scoped3A : memref<!tpu.dma_semaphore, #tpu.memory_space<semaphore_mem>>)
        %dma_wait3A_133 = tpu.memref_slice %arg5[%add3A_101] : memref<320000xi32, #tpu.memory_space<hbm>> -> memref<40xi32, #tpu.memory_space<hbm>>
        %dma_wait3A_134 = tpu.memref_slice %arg5[%add3A_101] : memref<320000xi32, #tpu.memory_space<hbm>> -> memref<40xi32, #tpu.memory_space<hbm>>
        tpu.wait_dma2 semaphore(%run_scoped3A : memref<!tpu.dma_semaphore, #tpu.memory_space<semaphore_mem>>) src(%dma_wait3A_134 : memref<40xi32, #tpu.memory_space<hbm>>) dst(%arg9 : memref<40xi32, #tpu.memory_space<vmem>>)
        tpu.yield
      }) : () -> ()
      "tpu.region"() ({
        %run_scoped3A = tpu.sem_alloc : memref<!tpu.dma_semaphore, #tpu.memory_space<semaphore_mem>>
        %dma_start3A_131 = tpu.memref_slice %arg6[%add3A_101] : memref<320000xi32, #tpu.memory_space<hbm>> -> memref<40xi32, #tpu.memory_space<hbm>>
        %dma_start3A_132 = tpu.memref_slice %arg6[%add3A_101] : memref<320000xi32, #tpu.memory_space<hbm>> -> memref<40xi32, #tpu.memory_space<hbm>>
        tpu.enqueue_dma source(%dma_start3A_132 : memref<40xi32, #tpu.memory_space<hbm>>) target(%arg10 : memref<40xi32, #tpu.memory_space<vmem>>) target_semaphore(%run_scoped3A : memref<!tpu.dma_semaphore, #tpu.memory_space<semaphore_mem>>)
        %dma_wait3A_133 = tpu.memref_slice %arg6[%add3A_101] : memref<320000xi32, #tpu.memory_space<hbm>> -> memref<40xi32, #tpu.memory_space<hbm>>
        %dma_wait3A_134 = tpu.memref_slice %arg6[%add3A_101] : memref<320000xi32, #tpu.memory_space<hbm>> -> memref<40xi32, #tpu.memory_space<hbm>>
        tpu.wait_dma2 semaphore(%run_scoped3A : memref<!tpu.dma_semaphore, #tpu.memory_space<semaphore_mem>>) src(%dma_wait3A_134 : memref<40xi32, #tpu.memory_space<hbm>>) dst(%arg10 : memref<40xi32, #tpu.memory_space<vmem>>)
        tpu.yield
      }) : () -> ()
      %dma_start3A_102 = arith.constant 0 : i32
      %dma_start3A_103 = arith.constant 0 : i32
      %dma_start3A_104 = tpu.memref_slice %arg2[%dma_start3A_102, %dma_start3A_103] : memref<10000x128xf32, #tpu.memory_space<hbm>> -> memref<10000x128xf32, #tpu.memory_space<hbm>>
      tpu.enqueue_indirect_dma source(%dma_start3A_104 : memref<10000x128xf32, #tpu.memory_space<hbm>>) target(%arg11 : memref<40x128xf32, #tpu.memory_space<vmem>>) offsets(%arg9 : memref<40xi32, #tpu.memory_space<vmem>>) semaphore(%arg20 : memref<!tpu.dma_semaphore, #tpu.memory_space<semaphore_mem>>)
      %dma_start3A_105 = arith.constant 0 : i32
      %dma_start3A_106 = tpu.memref_slice %arg3[%add3A_98, %dma_start3A_105] : memref<160000x128xf32, #tpu.memory_space<hbm>> -> memref<40x128xf32, #tpu.memory_space<hbm>>
      %dma_start3A_107 = arith.constant 0 : i32
      %dma_start3A_108 = tpu.memref_slice %arg3[%add3A_98, %dma_start3A_107] : memref<160000x128xf32, #tpu.memory_space<hbm>> -> memref<40x128xf32, #tpu.memory_space<hbm>>
      tpu.enqueue_dma source(%dma_start3A_108 : memref<40x128xf32, #tpu.memory_space<hbm>>) target(%arg12 : memref<40x128xf32, #tpu.memory_space<vmem>>) target_semaphore(%arg21 : memref<!tpu.dma_semaphore, #tpu.memory_space<semaphore_mem>>)
      %dma_start3A_109 = arith.constant 0 : i32
      %dma_start3A_110 = tpu.memref_slice %arg4[%add3A_98, %dma_start3A_109] : memref<160000x128xf32, #tpu.memory_space<hbm>> -> memref<40x128xf32, #tpu.memory_space<hbm>>
      %dma_start3A_111 = arith.constant 0 : i32
      %dma_start3A_112 = tpu.memref_slice %arg4[%add3A_98, %dma_start3A_111] : memref<160000x128xf32, #tpu.memory_space<hbm>> -> memref<40x128xf32, #tpu.memory_space<hbm>>
      tpu.enqueue_dma source(%dma_start3A_112 : memref<40x128xf32, #tpu.memory_space<hbm>>) target(%arg13 : memref<40x128xf32, #tpu.memory_space<vmem>>) target_semaphore(%arg22 : memref<!tpu.dma_semaphore, #tpu.memory_space<semaphore_mem>>)
      %dma_wait3A_113 = arith.constant 0 : i32
      %dma_wait3A_114 = arith.constant 0 : i32
      %dma_wait3A_115 = tpu.memref_slice %arg2[%dma_wait3A_113, %dma_wait3A_114] : memref<10000x128xf32, #tpu.memory_space<hbm>> -> memref<10000x128xf32, #tpu.memory_space<hbm>>
      tpu.wait_indirect_dma semaphore(%arg23 : memref<!tpu.dma_semaphore, #tpu.memory_space<semaphore_mem>>) src(%dma_wait3A_115 : memref<10000x128xf32, #tpu.memory_space<hbm>>) dst(%arg16 : memref<40x128xf32, #tpu.memory_space<vmem>>)
      %dma_wait3A_116 = arith.constant 0 : i32
      %dma_wait3A_117 = arith.constant 0 : i32
      %dma_wait3A_118 = tpu.memref_slice %arg3[%dma_wait3A_116, %dma_wait3A_117] : memref<160000x128xf32, #tpu.memory_space<hbm>> -> memref<40x128xf32, #tpu.memory_space<hbm>>
      %dma_wait3A_119 = arith.constant 0 : i32
      %dma_wait3A_120 = arith.constant 0 : i32
      %dma_wait3A_121 = tpu.memref_slice %arg3[%dma_wait3A_119, %dma_wait3A_120] : memref<160000x128xf32, #tpu.memory_space<hbm>> -> memref<40x128xf32, #tpu.memory_space<hbm>>
      tpu.wait_dma2 semaphore(%arg24 : memref<!tpu.dma_semaphore, #tpu.memory_space<semaphore_mem>>) src(%dma_wait3A_121 : memref<40x128xf32, #tpu.memory_space<hbm>>) dst(%arg17 : memref<40x128xf32, #tpu.memory_space<vmem>>)
      %dma_wait3A_122 = arith.constant 0 : i32
      %dma_wait3A_123 = arith.constant 0 : i32
      %dma_wait3A_124 = tpu.memref_slice %arg4[%dma_wait3A_122, %dma_wait3A_123] : memref<160000x128xf32, #tpu.memory_space<hbm>> -> memref<40x128xf32, #tpu.memory_space<hbm>>
      %dma_wait3A_125 = arith.constant 0 : i32
      %dma_wait3A_126 = arith.constant 0 : i32
      %dma_wait3A_127 = tpu.memref_slice %arg4[%dma_wait3A_125, %dma_wait3A_126] : memref<160000x128xf32, #tpu.memory_space<hbm>> -> memref<40x128xf32, #tpu.memory_space<hbm>>
      tpu.wait_dma2 semaphore(%arg25 : memref<!tpu.dma_semaphore, #tpu.memory_space<semaphore_mem>>) src(%dma_wait3A_127 : memref<40x128xf32, #tpu.memory_space<hbm>>) dst(%arg18 : memref<40x128xf32, #tpu.memory_space<vmem>>)
      %parallel_loop3A_128 = arith.constant 0 : i32
      %parallel_loop3A_129 = arith.constant 40 : i32
      %parallel_loop3A_130 = arith.constant 1 : i32
      scf.for %parallel_loop3A_131 = %parallel_loop3A_128 to %parallel_loop3A_129 step %parallel_loop3A_130  : i32 {
        %parallel_loop3A_132 = arith.index_cast %parallel_loop3A_131 : i32 to index
        %parallel_loop3A_133 = arith.constant 0 : index
        %parallel_loop3A_134 = tpu.vector_load %arg16[%parallel_loop3A_132, %parallel_loop3A_133] {strides = array<i32>} : memref<40x128xf32, #tpu.memory_space<vmem>>, vector<1x16xf32>,
        %parallel_loop3A_135 = vector.shape_cast %parallel_loop3A_134 : vector<1x16xf32> to vector<1x16xf32>
        %parallel_loop3A_136 = arith.index_cast %parallel_loop3A_131 : i32 to index
        %parallel_loop3A_137 = arith.constant 0 : index
        %parallel_loop3A_138 = tpu.vector_load %arg17[%parallel_loop3A_136, %parallel_loop3A_137] {strides = array<i32>} : memref<40x128xf32, #tpu.memory_space<vmem>>, vector<1x16xf32>,
        %parallel_loop3A_139 = vector.shape_cast %parallel_loop3A_138 : vector<1x16xf32> to vector<1x16xf32>
        %parallel_loop3A_140 = arith.index_cast %parallel_loop3A_131 : i32 to index
        %parallel_loop3A_141 = arith.constant 0 : index
        %parallel_loop3A_142 = tpu.vector_load %arg18[%parallel_loop3A_140, %parallel_loop3A_141] {strides = array<i32>} : memref<40x128xf32, #tpu.memory_space<vmem>>, vector<1x16xf32>,
        %parallel_loop3A_143 = vector.shape_cast %parallel_loop3A_142 : vector<1x16xf32> to vector<1x16xf32>
        %parallel_loop3A_144 = arith.mulf %parallel_loop3A_139, %parallel_loop3A_135 : vector<1x16xf32>
        %parallel_loop3A_145 = arith.addf %parallel_loop3A_144, %parallel_loop3A_143 : vector<1x16xf32>
        %parallel_loop3A_146 = arith.constant 9.99999974E-6 : f32
        %parallel_loop3A_147 = vector.broadcast %parallel_loop3A_146 : f32 to vector<1x16xf32>
        %parallel_loop3A_148 = arith.maximumf %parallel_loop3A_145, %parallel_loop3A_147 : vector<1x16xf32>
        %parallel_loop3A_149 = arith.mulf %parallel_loop3A_148, %parallel_loop3A_148 : vector<1x16xf32>
        %parallel_loop3A_150 = arith.index_cast %parallel_loop3A_131 : i32 to index
        %parallel_loop3A_151 = arith.constant 0 : index
        %parallel_loop3A_152 = tpu.vector_load %arg16[%parallel_loop3A_150, %parallel_loop3A_151] {strides = array<i32>} : memref<40x128xf32, #tpu.memory_space<vmem>>, vector<1x16xf32>,
        %parallel_loop3A_153 = vector.shape_cast %parallel_loop3A_152 : vector<1x16xf32> to vector<1x16xf32>
        %parallel_loop3A_154 = vector.shape_cast %parallel_loop3A_149 : vector<1x16xf32> to vector<1x16xf32>
        tpu.vector_store %arg16[%parallel_loop3A_150, %parallel_loop3A_151], %parallel_loop3A_154 {strides = array<i32>} : memref<40x128xf32, #tpu.memory_space<vmem>>, vector<1x16xf32>,
        %parallel_loop3A_155 = arith.index_cast %parallel_loop3A_131 : i32 to index
        %parallel_loop3A_156 = arith.constant 16 : index
        %parallel_loop3A_157 = tpu.vector_load %arg16[%parallel_loop3A_155, %parallel_loop3A_156] {strides = array<i32>} : memref<40x128xf32, #tpu.memory_space<vmem>>, vector<1x16xf32>,
        %parallel_loop3A_158 = vector.shape_cast %parallel_loop3A_157 : vector<1x16xf32> to vector<1x16xf32>
        %parallel_loop3A_159 = arith.index_cast %parallel_loop3A_131 : i32 to index
        %parallel_loop3A_160 = arith.constant 16 : index
        %parallel_loop3A_161 = tpu.vector_load %arg17[%parallel_loop3A_159, %parallel_loop3A_160] {strides = array<i32>} : memref<40x128xf32, #tpu.memory_space<vmem>>, vector<1x16xf32>,
        %parallel_loop3A_162 = vector.shape_cast %parallel_loop3A_161 : vector<1x16xf32> to vector<1x16xf32>
        %parallel_loop3A_163 = arith.index_cast %parallel_loop3A_131 : i32 to index
        %parallel_loop3A_164 = arith.constant 16 : index
        %parallel_loop3A_165 = tpu.vector_load %arg18[%parallel_loop3A_163, %parallel_loop3A_164] {strides = array<i32>} : memref<40x128xf32, #tpu.memory_space<vmem>>, vector<1x16xf32>,
        %parallel_loop3A_166 = vector.shape_cast %parallel_loop3A_165 : vector<1x16xf32> to vector<1x16xf32>
        %parallel_loop3A_167 = arith.mulf %parallel_loop3A_162, %parallel_loop3A_158 : vector<1x16xf32>
        %parallel_loop3A_168 = arith.addf %parallel_loop3A_167, %parallel_loop3A_166 : vector<1x16xf32>
        %parallel_loop3A_169 = arith.constant 9.99999974E-6 : f32
        %parallel_loop3A_170 = vector.broadcast %parallel_loop3A_169 : f32 to vector<1x16xf32>
        %parallel_loop3A_171 = arith.maximumf %parallel_loop3A_168, %parallel_loop3A_170 : vector<1x16xf32>
        %parallel_loop3A_172 = arith.mulf %parallel_loop3A_171, %parallel_loop3A_171 : vector<1x16xf32>
        %parallel_loop3A_173 = arith.index_cast %parallel_loop3A_131 : i32 to index
        %parallel_loop3A_174 = arith.constant 16 : index
        %parallel_loop3A_175 = tpu.vector_load %arg16[%parallel_loop3A_173, %parallel_loop3A_174] {strides = array<i32>} : memref<40x128xf32, #tpu.memory_space<vmem>>, vector<1x16xf32>,
        %parallel_loop3A_176 = vector.shape_cast %parallel_loop3A_175 : vector<1x16xf32> to vector<1x16xf32>
        %parallel_loop3A_177 = vector.shape_cast %parallel_loop3A_172 : vector<1x16xf32> to vector<1x16xf32>
        tpu.vector_store %arg16[%parallel_loop3A_173, %parallel_loop3A_174], %parallel_loop3A_177 {strides = array<i32>} : memref<40x128xf32, #tpu.memory_space<vmem>>, vector<1x16xf32>,
        %parallel_loop3A_178 = arith.index_cast %parallel_loop3A_131 : i32 to index
        %parallel_loop3A_179 = arith.constant 32 : index
        %parallel_loop3A_180 = tpu.vector_load %arg16[%parallel_loop3A_178, %parallel_loop3A_179] {strides = array<i32>} : memref<40x128xf32, #tpu.memory_space<vmem>>, vector<1x16xf32>,
        %parallel_loop3A_181 = vector.shape_cast %parallel_loop3A_180 : vector<1x16xf32> to vector<1x16xf32>
        %parallel_loop3A_182 = arith.index_cast %parallel_loop3A_131 : i32 to index
        %parallel_loop3A_183 = arith.constant 32 : index
        %parallel_loop3A_184 = tpu.vector_load %arg17[%parallel_loop3A_182, %parallel_loop3A_183] {strides = array<i32>} : memref<40x128xf32, #tpu.memory_space<vmem>>, vector<1x16xf32>,
        %parallel_loop3A_185 = vector.shape_cast %parallel_loop3A_184 : vector<1x16xf32> to vector<1x16xf32>
        %parallel_loop3A_186 = arith.index_cast %parallel_loop3A_131 : i32 to index
        %parallel_loop3A_187 = arith.constant 32 : index
        %parallel_loop3A_188 = tpu.vector_load %arg18[%parallel_loop3A_186, %parallel_loop3A_187] {strides = array<i32>} : memref<40x128xf32, #tpu.memory_space<vmem>>, vector<1x16xf32>,
        %parallel_loop3A_189 = vector.shape_cast %parallel_loop3A_188 : vector<1x16xf32> to vector<1x16xf32>
        %parallel_loop3A_190 = arith.mulf %parallel_loop3A_185, %parallel_loop3A_181 : vector<1x16xf32>
        %parallel_loop3A_191 = arith.addf %parallel_loop3A_190, %parallel_loop3A_189 : vector<1x16xf32>
        %parallel_loop3A_192 = arith.constant 9.99999974E-6 : f32
        %parallel_loop3A_193 = vector.broadcast %parallel_loop3A_192 : f32 to vector<1x16xf32>
        %parallel_loop3A_194 = arith.maximumf %parallel_loop3A_191, %parallel_loop3A_193 : vector<1x16xf32>
        %parallel_loop3A_195 = arith.mulf %parallel_loop3A_194, %parallel_loop3A_194 : vector<1x16xf32>
        %parallel_loop3A_196 = arith.index_cast %parallel_loop3A_131 : i32 to index
        %parallel_loop3A_197 = arith.constant 32 : index
        %parallel_loop3A_198 = tpu.vector_load %arg16[%parallel_loop3A_196, %parallel_loop3A_197] {strides = array<i32>} : memref<40x128xf32, #tpu.memory_space<vmem>>, vector<1x16xf32>,
        %parallel_loop3A_199 = vector.shape_cast %parallel_loop3A_198 : vector<1x16xf32> to vector<1x16xf32>
        %parallel_loop3A_200 = vector.shape_cast %parallel_loop3A_195 : vector<1x16xf32> to vector<1x16xf32>
        tpu.vector_store %arg16[%parallel_loop3A_196, %parallel_loop3A_197], %parallel_loop3A_200 {strides = array<i32>} : memref<40x128xf32, #tpu.memory_space<vmem>>, vector<1x16xf32>,
        %parallel_loop3A_201 = arith.index_cast %parallel_loop3A_131 : i32 to index
        %parallel_loop3A_202 = arith.constant 48 : index
        %parallel_loop3A_203 = tpu.vector_load %arg16[%parallel_loop3A_201, %parallel_loop3A_202] {strides = array<i32>} : memref<40x128xf32, #tpu.memory_space<vmem>>, vector<1x16xf32>,
        %parallel_loop3A_204 = vector.shape_cast %parallel_loop3A_203 : vector<1x16xf32> to vector<1x16xf32>
        %parallel_loop3A_205 = arith.index_cast %parallel_loop3A_131 : i32 to index
        %parallel_loop3A_206 = arith.constant 48 : index
        %parallel_loop3A_207 = tpu.vector_load %arg17[%parallel_loop3A_205, %parallel_loop3A_206] {strides = array<i32>} : memref<40x128xf32, #tpu.memory_space<vmem>>, vector<1x16xf32>,
        %parallel_loop3A_208 = vector.shape_cast %parallel_loop3A_207 : vector<1x16xf32> to vector<1x16xf32>
        %parallel_loop3A_209 = arith.index_cast %parallel_loop3A_131 : i32 to index
        %parallel_loop3A_210 = arith.constant 48 : index
        %parallel_loop3A_211 = tpu.vector_load %arg18[%parallel_loop3A_209, %parallel_loop3A_210] {strides = array<i32>} : memref<40x128xf32, #tpu.memory_space<vmem>>, vector<1x16xf32>,
        %parallel_loop3A_212 = vector.shape_cast %parallel_loop3A_211 : vector<1x16xf32> to vector<1x16xf32>
        %parallel_loop3A_213 = arith.mulf %parallel_loop3A_208, %parallel_loop3A_204 : vector<1x16xf32>
        %parallel_loop3A_214 = arith.addf %parallel_loop3A_213, %parallel_loop3A_212 : vector<1x16xf32>
        %parallel_loop3A_215 = arith.constant 9.99999974E-6 : f32
        %parallel_loop3A_216 = vector.broadcast %parallel_loop3A_215 : f32 to vector<1x16xf32>
        %parallel_loop3A_217 = arith.maximumf %parallel_loop3A_214, %parallel_loop3A_216 : vector<1x16xf32>
        %parallel_loop3A_218 = arith.mulf %parallel_loop3A_217, %parallel_loop3A_217 : vector<1x16xf32>
        %parallel_loop3A_219 = arith.index_cast %parallel_loop3A_131 : i32 to index
        %parallel_loop3A_220 = arith.constant 48 : index
        %parallel_loop3A_221 = tpu.vector_load %arg16[%parallel_loop3A_219, %parallel_loop3A_220] {strides = array<i32>} : memref<40x128xf32, #tpu.memory_space<vmem>>, vector<1x16xf32>,
        %parallel_loop3A_222 = vector.shape_cast %parallel_loop3A_221 : vector<1x16xf32> to vector<1x16xf32>
        %parallel_loop3A_223 = vector.shape_cast %parallel_loop3A_218 : vector<1x16xf32> to vector<1x16xf32>
        tpu.vector_store %arg16[%parallel_loop3A_219, %parallel_loop3A_220], %parallel_loop3A_223 {strides = array<i32>} : memref<40x128xf32, #tpu.memory_space<vmem>>, vector<1x16xf32>,
        %parallel_loop3A_224 = arith.index_cast %parallel_loop3A_131 : i32 to index
        %parallel_loop3A_225 = arith.constant 64 : index
        %parallel_loop3A_226 = tpu.vector_load %arg16[%parallel_loop3A_224, %parallel_loop3A_225] {strides = array<i32>} : memref<40x128xf32, #tpu.memory_space<vmem>>, vector<1x16xf32>,
        %parallel_loop3A_227 = vector.shape_cast %parallel_loop3A_226 : vector<1x16xf32> to vector<1x16xf32>
        %parallel_loop3A_228 = arith.index_cast %parallel_loop3A_131 : i32 to index
        %parallel_loop3A_229 = arith.constant 64 : index
        %parallel_loop3A_230 = tpu.vector_load %arg17[%parallel_loop3A_228, %parallel_loop3A_229] {strides = array<i32>} : memref<40x128xf32, #tpu.memory_space<vmem>>, vector<1x16xf32>,
        %parallel_loop3A_231 = vector.shape_cast %parallel_loop3A_230 : vector<1x16xf32> to vector<1x16xf32>
        %parallel_loop3A_232 = arith.index_cast %parallel_loop3A_131 : i32 to index
        %parallel_loop3A_233 = arith.constant 64 : index
        %parallel_loop3A_234 = tpu.vector_load %arg18[%parallel_loop3A_232, %parallel_loop3A_233] {strides = array<i32>} : memref<40x128xf32, #tpu.memory_space<vmem>>, vector<1x16xf32>,
        %parallel_loop3A_235 = vector.shape_cast %parallel_loop3A_234 : vector<1x16xf32> to vector<1x16xf32>
        %parallel_loop3A_236 = arith.mulf %parallel_loop3A_231, %parallel_loop3A_227 : vector<1x16xf32>
        %parallel_loop3A_237 = arith.addf %parallel_loop3A_236, %parallel_loop3A_235 : vector<1x16xf32>
        %parallel_loop3A_238 = arith.constant 9.99999974E-6 : f32
        %parallel_loop3A_239 = vector.broadcast %parallel_loop3A_238 : f32 to vector<1x16xf32>
        %parallel_loop3A_240 = arith.maximumf %parallel_loop3A_237, %parallel_loop3A_239 : vector<1x16xf32>
        %parallel_loop3A_241 = arith.mulf %parallel_loop3A_240, %parallel_loop3A_240 : vector<1x16xf32>
        %parallel_loop3A_242 = arith.index_cast %parallel_loop3A_131 : i32 to index
        %parallel_loop3A_243 = arith.constant 64 : index
        %parallel_loop3A_244 = tpu.vector_load %arg16[%parallel_loop3A_242, %parallel_loop3A_243] {strides = array<i32>} : memref<40x128xf32, #tpu.memory_space<vmem>>, vector<1x16xf32>,
        %parallel_loop3A_245 = vector.shape_cast %parallel_loop3A_244 : vector<1x16xf32> to vector<1x16xf32>
        %parallel_loop3A_246 = vector.shape_cast %parallel_loop3A_241 : vector<1x16xf32> to vector<1x16xf32>
        tpu.vector_store %arg16[%parallel_loop3A_242, %parallel_loop3A_243], %parallel_loop3A_246 {strides = array<i32>} : memref<40x128xf32, #tpu.memory_space<vmem>>, vector<1x16xf32>,
        %parallel_loop3A_247 = arith.index_cast %parallel_loop3A_131 : i32 to index
        %parallel_loop3A_248 = arith.constant 80 : index
        %parallel_loop3A_249 = tpu.vector_load %arg16[%parallel_loop3A_247, %parallel_loop3A_248] {strides = array<i32>} : memref<40x128xf32, #tpu.memory_space<vmem>>, vector<1x16xf32>,
        %parallel_loop3A_250 = vector.shape_cast %parallel_loop3A_249 : vector<1x16xf32> to vector<1x16xf32>
        %parallel_loop3A_251 = arith.index_cast %parallel_loop3A_131 : i32 to index
        %parallel_loop3A_252 = arith.constant 80 : index
        %parallel_loop3A_253 = tpu.vector_load %arg17[%parallel_loop3A_251, %parallel_loop3A_252] {strides = array<i32>} : memref<40x128xf32, #tpu.memory_space<vmem>>, vector<1x16xf32>,
        %parallel_loop3A_254 = vector.shape_cast %parallel_loop3A_253 : vector<1x16xf32> to vector<1x16xf32>
        %parallel_loop3A_255 = arith.index_cast %parallel_loop3A_131 : i32 to index
        %parallel_loop3A_256 = arith.constant 80 : index
        %parallel_loop3A_257 = tpu.vector_load %arg18[%parallel_loop3A_255, %parallel_loop3A_256] {strides = array<i32>} : memref<40x128xf32, #tpu.memory_space<vmem>>, vector<1x16xf32>,
        %parallel_loop3A_258 = vector.shape_cast %parallel_loop3A_257 : vector<1x16xf32> to vector<1x16xf32>
        %parallel_loop3A_259 = arith.mulf %parallel_loop3A_254, %parallel_loop3A_250 : vector<1x16xf32>
        %parallel_loop3A_260 = arith.addf %parallel_loop3A_259, %parallel_loop3A_258 : vector<1x16xf32>
        %parallel_loop3A_261 = arith.constant 9.99999974E-6 : f32
        %parallel_loop3A_262 = vector.broadcast %parallel_loop3A_261 : f32 to vector<1x16xf32>
        %parallel_loop3A_263 = arith.maximumf %parallel_loop3A_260, %parallel_loop3A_262 : vector<1x16xf32>
        %parallel_loop3A_264 = arith.mulf %parallel_loop3A_263, %parallel_loop3A_263 : vector<1x16xf32>
        %parallel_loop3A_265 = arith.index_cast %parallel_loop3A_131 : i32 to index
        %parallel_loop3A_266 = arith.constant 80 : index
        %parallel_loop3A_267 = tpu.vector_load %arg16[%parallel_loop3A_265, %parallel_loop3A_266] {strides = array<i32>} : memref<40x128xf32, #tpu.memory_space<vmem>>, vector<1x16xf32>,
        %parallel_loop3A_268 = vector.shape_cast %parallel_loop3A_267 : vector<1x16xf32> to vector<1x16xf32>
        %parallel_loop3A_269 = vector.shape_cast %parallel_loop3A_264 : vector<1x16xf32> to vector<1x16xf32>
        tpu.vector_store %arg16[%parallel_loop3A_265, %parallel_loop3A_266], %parallel_loop3A_269 {strides = array<i32>} : memref<40x128xf32, #tpu.memory_space<vmem>>, vector<1x16xf32>,
        %parallel_loop3A_270 = arith.index_cast %parallel_loop3A_131 : i32 to index
        %parallel_loop3A_271 = arith.constant 96 : index
        %parallel_loop3A_272 = tpu.vector_load %arg16[%parallel_loop3A_270, %parallel_loop3A_271] {strides = array<i32>} : memref<40x128xf32, #tpu.memory_space<vmem>>, vector<1x16xf32>,
        %parallel_loop3A_273 = vector.shape_cast %parallel_loop3A_272 : vector<1x16xf32> to vector<1x16xf32>
        %parallel_loop3A_274 = arith.index_cast %parallel_loop3A_131 : i32 to index
        %parallel_loop3A_275 = arith.constant 96 : index
        %parallel_loop3A_276 = tpu.vector_load %arg17[%parallel_loop3A_274, %parallel_loop3A_275] {strides = array<i32>} : memref<40x128xf32, #tpu.memory_space<vmem>>, vector<1x16xf32>,
        %parallel_loop3A_277 = vector.shape_cast %parallel_loop3A_276 : vector<1x16xf32> to vector<1x16xf32>
        %parallel_loop3A_278 = arith.index_cast %parallel_loop3A_131 : i32 to index
        %parallel_loop3A_279 = arith.constant 96 : index
        %parallel_loop3A_280 = tpu.vector_load %arg18[%parallel_loop3A_278, %parallel_loop3A_279] {strides = array<i32>} : memref<40x128xf32, #tpu.memory_space<vmem>>, vector<1x16xf32>,
        %parallel_loop3A_281 = vector.shape_cast %parallel_loop3A_280 : vector<1x16xf32> to vector<1x16xf32>
        %parallel_loop3A_282 = arith.mulf %parallel_loop3A_277, %parallel_loop3A_273 : vector<1x16xf32>
        %parallel_loop3A_283 = arith.addf %parallel_loop3A_282, %parallel_loop3A_281 : vector<1x16xf32>
        %parallel_loop3A_284 = arith.constant 9.99999974E-6 : f32
        %parallel_loop3A_285 = vector.broadcast %parallel_loop3A_284 : f32 to vector<1x16xf32>
        %parallel_loop3A_286 = arith.maximumf %parallel_loop3A_283, %parallel_loop3A_285 : vector<1x16xf32>
        %parallel_loop3A_287 = arith.mulf %parallel_loop3A_286, %parallel_loop3A_286 : vector<1x16xf32>
        %parallel_loop3A_288 = arith.index_cast %parallel_loop3A_131 : i32 to index
        %parallel_loop3A_289 = arith.constant 96 : index
        %parallel_loop3A_290 = tpu.vector_load %arg16[%parallel_loop3A_288, %parallel_loop3A_289] {strides = array<i32>} : memref<40x128xf32, #tpu.memory_space<vmem>>, vector<1x16xf32>,
        %parallel_loop3A_291 = vector.shape_cast %parallel_loop3A_290 : vector<1x16xf32> to vector<1x16xf32>
        %parallel_loop3A_292 = vector.shape_cast %parallel_loop3A_287 : vector<1x16xf32> to vector<1x16xf32>
        tpu.vector_store %arg16[%parallel_loop3A_288, %parallel_loop3A_289], %parallel_loop3A_292 {strides = array<i32>} : memref<40x128xf32, #tpu.memory_space<vmem>>, vector<1x16xf32>,
        %parallel_loop3A_293 = arith.index_cast %parallel_loop3A_131 : i32 to index
        %parallel_loop3A_294 = arith.constant 112 : index
        %parallel_loop3A_295 = tpu.vector_load %arg16[%parallel_loop3A_293, %parallel_loop3A_294] {strides = array<i32>} : memref<40x128xf32, #tpu.memory_space<vmem>>, vector<1x16xf32>,
        %parallel_loop3A_296 = vector.shape_cast %parallel_loop3A_295 : vector<1x16xf32> to vector<1x16xf32>
        %parallel_loop3A_297 = arith.index_cast %parallel_loop3A_131 : i32 to index
        %parallel_loop3A_298 = arith.constant 112 : index
        %parallel_loop3A_299 = tpu.vector_load %arg17[%parallel_loop3A_297, %parallel_loop3A_298] {strides = array<i32>} : memref<40x128xf32, #tpu.memory_space<vmem>>, vector<1x16xf32>,
        %parallel_loop3A_300 = vector.shape_cast %parallel_loop3A_299 : vector<1x16xf32> to vector<1x16xf32>
        %parallel_loop3A_301 = arith.index_cast %parallel_loop3A_131 : i32 to index
        %parallel_loop3A_302 = arith.constant 112 : index
        %parallel_loop3A_303 = tpu.vector_load %arg18[%parallel_loop3A_301, %parallel_loop3A_302] {strides = array<i32>} : memref<40x128xf32, #tpu.memory_space<vmem>>, vector<1x16xf32>,
        %parallel_loop3A_304 = vector.shape_cast %parallel_loop3A_303 : vector<1x16xf32> to vector<1x16xf32>
        %parallel_loop3A_305 = arith.mulf %parallel_loop3A_300, %parallel_loop3A_296 : vector<1x16xf32>
        %parallel_loop3A_306 = arith.addf %parallel_loop3A_305, %parallel_loop3A_304 : vector<1x16xf32>
        %parallel_loop3A_307 = arith.constant 9.99999974E-6 : f32
        %parallel_loop3A_308 = vector.broadcast %parallel_loop3A_307 : f32 to vector<1x16xf32>
        %parallel_loop3A_309 = arith.maximumf %parallel_loop3A_306, %parallel_loop3A_308 : vector<1x16xf32>
        %parallel_loop3A_310 = arith.mulf %parallel_loop3A_309, %parallel_loop3A_309 : vector<1x16xf32>
        %parallel_loop3A_311 = arith.index_cast %parallel_loop3A_131 : i32 to index
        %parallel_loop3A_312 = arith.constant 112 : index
        %parallel_loop3A_313 = tpu.vector_load %arg16[%parallel_loop3A_311, %parallel_loop3A_312] {strides = array<i32>} : memref<40x128xf32, #tpu.memory_space<vmem>>, vector<1x16xf32>,
        %parallel_loop3A_314 = vector.shape_cast %parallel_loop3A_313 : vector<1x16xf32> to vector<1x16xf32>
        %parallel_loop3A_315 = vector.shape_cast %parallel_loop3A_310 : vector<1x16xf32> to vector<1x16xf32>
        tpu.vector_store %arg16[%parallel_loop3A_311, %parallel_loop3A_312], %parallel_loop3A_315 {strides = array<i32>} : memref<40x128xf32, #tpu.memory_space<vmem>>, vector<1x16xf32>,
      } {sc.loop_unroll_factor = 4 : i64, sc.parallel_access}
      "tpu.region"() ({
        %run_scoped3A = tpu.sem_alloc : memref<!tpu.dma_semaphore, #tpu.memory_space<semaphore_mem>>
        %dma_start3A_131 = arith.constant 0 : i32
        %dma_start3A_132 = arith.constant 0 : i32
        %dma_start3A_133 = tpu.memref_slice %arg19[%dma_start3A_131, %dma_start3A_132] : memref<10240x128xf32, #tpu.memory_space<vmem_shared>> -> memref<10240x128xf32, #tpu.memory_space<vmem_shared>>
        tpu.enqueue_indirect_dma source(%arg16 : memref<40x128xf32, #tpu.memory_space<vmem>>) target(%dma_start3A_133 : memref<10240x128xf32, #tpu.memory_space<vmem_shared>>) offsets(%arg15 : memref<40xi32, #tpu.memory_space<vmem>>) semaphore(%run_scoped3A : memref<!tpu.dma_semaphore, #tpu.memory_space<semaphore_mem>>) {add = true}
        %dma_wait3A_134 = arith.constant 0 : i32
        %dma_wait3A_135 = arith.constant 0 : i32
        %dma_wait3A_136 = tpu.memref_slice %arg19[%dma_wait3A_134, %dma_wait3A_135] : memref<10240x128xf32, #tpu.memory_space<vmem_shared>> -> memref<10240x128xf32, #tpu.memory_space<vmem_shared>>
        tpu.wait_indirect_dma semaphore(%run_scoped3A : memref<!tpu.dma_semaphore, #tpu.memory_space<semaphore_mem>>) src(%arg16 : memref<40x128xf32, #tpu.memory_space<vmem>>) dst(%dma_wait3A_136 : memref<10240x128xf32, #tpu.memory_space<vmem_shared>>)
        tpu.yield
      }) : () -> ()
    }
    %scan3A_27 = arith.constant 62 : i32
    %dma_wait3A = arith.constant 0 : i32
    %dma_wait3A_28 = arith.constant 0 : i32
    %dma_wait3A_29 = tpu.memref_slice %arg2[%dma_wait3A, %dma_wait3A_28] : memref<10000x128xf32, #tpu.memory_space<hbm>> -> memref<10000x128xf32, #tpu.memory_space<hbm>>
    tpu.wait_indirect_dma semaphore(%arg20 : memref<!tpu.dma_semaphore, #tpu.memory_space<semaphore_mem>>) src(%dma_wait3A_29 : memref<10000x128xf32, #tpu.memory_space<hbm>>) dst(%arg11 : memref<40x128xf32, #tpu.memory_space<vmem>>)
    %dma_wait3A_30 = arith.constant 0 : i32
    %dma_wait3A_31 = arith.constant 0 : i32
    %dma_wait3A_32 = tpu.memref_slice %arg3[%dma_wait3A_30, %dma_wait3A_31] : memref<160000x128xf32, #tpu.memory_space<hbm>> -> memref<40x128xf32, #tpu.memory_space<hbm>>
    %dma_wait3A_33 = arith.constant 0 : i32
    %dma_wait3A_34 = arith.constant 0 : i32
    %dma_wait3A_35 = tpu.memref_slice %arg3[%dma_wait3A_33, %dma_wait3A_34] : memref<160000x128xf32, #tpu.memory_space<hbm>> -> memref<40x128xf32, #tpu.memory_space<hbm>>
    tpu.wait_dma2 semaphore(%arg21 : memref<!tpu.dma_semaphore, #tpu.memory_space<semaphore_mem>>) src(%dma_wait3A_35 : memref<40x128xf32, #tpu.memory_space<hbm>>) dst(%arg12 : memref<40x128xf32, #tpu.memory_space<vmem>>)
    %dma_wait3A_36 = arith.constant 0 : i32
    %dma_wait3A_37 = arith.constant 0 : i32
    %dma_wait3A_38 = tpu.memref_slice %arg4[%dma_wait3A_36, %dma_wait3A_37] : memref<160000x128xf32, #tpu.memory_space<hbm>> -> memref<40x128xf32, #tpu.memory_space<hbm>>
    %dma_wait3A_39 = arith.constant 0 : i32
    %dma_wait3A_40 = arith.constant 0 : i32
    %dma_wait3A_41 = tpu.memref_slice %arg4[%dma_wait3A_39, %dma_wait3A_40] : memref<160000x128xf32, #tpu.memory_space<hbm>> -> memref<40x128xf32, #tpu.memory_space<hbm>>
    tpu.wait_dma2 semaphore(%arg22 : memref<!tpu.dma_semaphore, #tpu.memory_space<semaphore_mem>>) src(%dma_wait3A_41 : memref<40x128xf32, #tpu.memory_space<hbm>>) dst(%arg13 : memref<40x128xf32, #tpu.memory_space<vmem>>)
    %parallel_loop3A = arith.constant 0 : i32
    %parallel_loop3A_42 = arith.constant 40 : i32
    %parallel_loop3A_43 = arith.constant 1 : i32
    scf.for %parallel_loop3A_48 = %parallel_loop3A to %parallel_loop3A_42 step %parallel_loop3A_43  : i32 {
      %parallel_loop3A_49 = arith.index_cast %parallel_loop3A_48 : i32 to index
      %parallel_loop3A_50 = arith.constant 0 : index
      %parallel_loop3A_51 = tpu.vector_load %arg11[%parallel_loop3A_49, %parallel_loop3A_50] {strides = array<i32>} : memref<40x128xf32, #tpu.memory_space<vmem>>, vector<1x16xf32>,
      %parallel_loop3A_52 = vector.shape_cast %parallel_loop3A_51 : vector<1x16xf32> to vector<1x16xf32>
      %parallel_loop3A_53 = arith.index_cast %parallel_loop3A_48 : i32 to index
      %parallel_loop3A_54 = arith.constant 0 : index
      %parallel_loop3A_55 = tpu.vector_load %arg12[%parallel_loop3A_53, %parallel_loop3A_54] {strides = array<i32>} : memref<40x128xf32, #tpu.memory_space<vmem>>, vector<1x16xf32>,
      %parallel_loop3A_56 = vector.shape_cast %parallel_loop3A_55 : vector<1x16xf32> to vector<1x16xf32>
      %parallel_loop3A_57 = arith.index_cast %parallel_loop3A_48 : i32 to index
      %parallel_loop3A_58 = arith.constant 0 : index
      %parallel_loop3A_59 = tpu.vector_load %arg13[%parallel_loop3A_57, %parallel_loop3A_58] {strides = array<i32>} : memref<40x128xf32, #tpu.memory_space<vmem>>, vector<1x16xf32>,
      %parallel_loop3A_60 = vector.shape_cast %parallel_loop3A_59 : vector<1x16xf32> to vector<1x16xf32>
      %parallel_loop3A_61 = arith.mulf %parallel_loop3A_56, %parallel_loop3A_52 : vector<1x16xf32>
      %parallel_loop3A_62 = arith.addf %parallel_loop3A_61, %parallel_loop3A_60 : vector<1x16xf32>
      %parallel_loop3A_63 = arith.constant 9.99999974E-6 : f32
      %parallel_loop3A_64 = vector.broadcast %parallel_loop3A_63 : f32 to vector<1x16xf32>
      %parallel_loop3A_65 = arith.maximumf %parallel_loop3A_62, %parallel_loop3A_64 : vector<1x16xf32>
      %parallel_loop3A_66 = arith.mulf %parallel_loop3A_65, %parallel_loop3A_65 : vector<1x16xf32>
      %parallel_loop3A_67 = arith.index_cast %parallel_loop3A_48 : i32 to index
      %parallel_loop3A_68 = arith.constant 0 : index
      %parallel_loop3A_69 = tpu.vector_load %arg11[%parallel_loop3A_67, %parallel_loop3A_68] {strides = array<i32>} : memref<40x128xf32, #tpu.memory_space<vmem>>, vector<1x16xf32>,
      %parallel_loop3A_70 = vector.shape_cast %parallel_loop3A_69 : vector<1x16xf32> to vector<1x16xf32>
      %parallel_loop3A_71 = vector.shape_cast %parallel_loop3A_66 : vector<1x16xf32> to vector<1x16xf32>
      tpu.vector_store %arg11[%parallel_loop3A_67, %parallel_loop3A_68], %parallel_loop3A_71 {strides = array<i32>} : memref<40x128xf32, #tpu.memory_space<vmem>>, vector<1x16xf32>,
      %parallel_loop3A_72 = arith.index_cast %parallel_loop3A_48 : i32 to index
      %parallel_loop3A_73 = arith.constant 16 : index
      %parallel_loop3A_74 = tpu.vector_load %arg11[%parallel_loop3A_72, %parallel_loop3A_73] {strides = array<i32>} : memref<40x128xf32, #tpu.memory_space<vmem>>, vector<1x16xf32>,
      %parallel_loop3A_75 = vector.shape_cast %parallel_loop3A_74 : vector<1x16xf32> to vector<1x16xf32>
      %parallel_loop3A_76 = arith.index_cast %parallel_loop3A_48 : i32 to index
      %parallel_loop3A_77 = arith.constant 16 : index
      %parallel_loop3A_78 = tpu.vector_load %arg12[%parallel_loop3A_76, %parallel_loop3A_77] {strides = array<i32>} : memref<40x128xf32, #tpu.memory_space<vmem>>, vector<1x16xf32>,
      %parallel_loop3A_79 = vector.shape_cast %parallel_loop3A_78 : vector<1x16xf32> to vector<1x16xf32>
      %parallel_loop3A_80 = arith.index_cast %parallel_loop3A_48 : i32 to index
      %parallel_loop3A_81 = arith.constant 16 : index
      %parallel_loop3A_82 = tpu.vector_load %arg13[%parallel_loop3A_80, %parallel_loop3A_81] {strides = array<i32>} : memref<40x128xf32, #tpu.memory_space<vmem>>, vector<1x16xf32>,
      %parallel_loop3A_83 = vector.shape_cast %parallel_loop3A_82 : vector<1x16xf32> to vector<1x16xf32>
      %parallel_loop3A_84 = arith.mulf %parallel_loop3A_79, %parallel_loop3A_75 : vector<1x16xf32>
      %parallel_loop3A_85 = arith.addf %parallel_loop3A_84, %parallel_loop3A_83 : vector<1x16xf32>
      %parallel_loop3A_86 = arith.constant 9.99999974E-6 : f32
      %parallel_loop3A_87 = vector.broadcast %parallel_loop3A_86 : f32 to vector<1x16xf32>
      %parallel_loop3A_88 = arith.maximumf %parallel_loop3A_85, %parallel_loop3A_87 : vector<1x16xf32>
      %parallel_loop3A_89 = arith.mulf %parallel_loop3A_88, %parallel_loop3A_88 : vector<1x16xf32>
      %parallel_loop3A_90 = arith.index_cast %parallel_loop3A_48 : i32 to index
      %parallel_loop3A_91 = arith.constant 16 : index
      %parallel_loop3A_92 = tpu.vector_load %arg11[%parallel_loop3A_90, %parallel_loop3A_91] {strides = array<i32>} : memref<40x128xf32, #tpu.memory_space<vmem>>, vector<1x16xf32>,
      %parallel_loop3A_93 = vector.shape_cast %parallel_loop3A_92 : vector<1x16xf32> to vector<1x16xf32>
      %parallel_loop3A_94 = vector.shape_cast %parallel_loop3A_89 : vector<1x16xf32> to vector<1x16xf32>
      tpu.vector_store %arg11[%parallel_loop3A_90, %parallel_loop3A_91], %parallel_loop3A_94 {strides = array<i32>} : memref<40x128xf32, #tpu.memory_space<vmem>>, vector<1x16xf32>,
      %parallel_loop3A_95 = arith.index_cast %parallel_loop3A_48 : i32 to index
      %parallel_loop3A_96 = arith.constant 32 : index
      %parallel_loop3A_97 = tpu.vector_load %arg11[%parallel_loop3A_95, %parallel_loop3A_96] {strides = array<i32>} : memref<40x128xf32, #tpu.memory_space<vmem>>, vector<1x16xf32>,
      %parallel_loop3A_98 = vector.shape_cast %parallel_loop3A_97 : vector<1x16xf32> to vector<1x16xf32>
      %parallel_loop3A_99 = arith.index_cast %parallel_loop3A_48 : i32 to index
      %parallel_loop3A_100 = arith.constant 32 : index
      %parallel_loop3A_101 = tpu.vector_load %arg12[%parallel_loop3A_99, %parallel_loop3A_100] {strides = array<i32>} : memref<40x128xf32, #tpu.memory_space<vmem>>, vector<1x16xf32>,
      %parallel_loop3A_102 = vector.shape_cast %parallel_loop3A_101 : vector<1x16xf32> to vector<1x16xf32>
      %parallel_loop3A_103 = arith.index_cast %parallel_loop3A_48 : i32 to index
      %parallel_loop3A_104 = arith.constant 32 : index
      %parallel_loop3A_105 = tpu.vector_load %arg13[%parallel_loop3A_103, %parallel_loop3A_104] {strides = array<i32>} : memref<40x128xf32, #tpu.memory_space<vmem>>, vector<1x16xf32>,
      %parallel_loop3A_106 = vector.shape_cast %parallel_loop3A_105 : vector<1x16xf32> to vector<1x16xf32>
      %parallel_loop3A_107 = arith.mulf %parallel_loop3A_102, %parallel_loop3A_98 : vector<1x16xf32>
      %parallel_loop3A_108 = arith.addf %parallel_loop3A_107, %parallel_loop3A_106 : vector<1x16xf32>
      %parallel_loop3A_109 = arith.constant 9.99999974E-6 : f32
      %parallel_loop3A_110 = vector.broadcast %parallel_loop3A_109 : f32 to vector<1x16xf32>
      %parallel_loop3A_111 = arith.maximumf %parallel_loop3A_108, %parallel_loop3A_110 : vector<1x16xf32>
      %parallel_loop3A_112 = arith.mulf %parallel_loop3A_111, %parallel_loop3A_111 : vector<1x16xf32>
      %parallel_loop3A_113 = arith.index_cast %parallel_loop3A_48 : i32 to index
      %parallel_loop3A_114 = arith.constant 32 : index
      %parallel_loop3A_115 = tpu.vector_load %arg11[%parallel_loop3A_113, %parallel_loop3A_114] {strides = array<i32>} : memref<40x128xf32, #tpu.memory_space<vmem>>, vector<1x16xf32>,
      %parallel_loop3A_116 = vector.shape_cast %parallel_loop3A_115 : vector<1x16xf32> to vector<1x16xf32>
      %parallel_loop3A_117 = vector.shape_cast %parallel_loop3A_112 : vector<1x16xf32> to vector<1x16xf32>
      tpu.vector_store %arg11[%parallel_loop3A_113, %parallel_loop3A_114], %parallel_loop3A_117 {strides = array<i32>} : memref<40x128xf32, #tpu.memory_space<vmem>>, vector<1x16xf32>,
      %parallel_loop3A_118 = arith.index_cast %parallel_loop3A_48 : i32 to index
      %parallel_loop3A_119 = arith.constant 48 : index
      %parallel_loop3A_120 = tpu.vector_load %arg11[%parallel_loop3A_118, %parallel_loop3A_119] {strides = array<i32>} : memref<40x128xf32, #tpu.memory_space<vmem>>, vector<1x16xf32>,
      %parallel_loop3A_121 = vector.shape_cast %parallel_loop3A_120 : vector<1x16xf32> to vector<1x16xf32>
      %parallel_loop3A_122 = arith.index_cast %parallel_loop3A_48 : i32 to index
      %parallel_loop3A_123 = arith.constant 48 : index
      %parallel_loop3A_124 = tpu.vector_load %arg12[%parallel_loop3A_122, %parallel_loop3A_123] {strides = array<i32>} : memref<40x128xf32, #tpu.memory_space<vmem>>, vector<1x16xf32>,
      %parallel_loop3A_125 = vector.shape_cast %parallel_loop3A_124 : vector<1x16xf32> to vector<1x16xf32>
      %parallel_loop3A_126 = arith.index_cast %parallel_loop3A_48 : i32 to index
      %parallel_loop3A_127 = arith.constant 48 : index
      %parallel_loop3A_128 = tpu.vector_load %arg13[%parallel_loop3A_126, %parallel_loop3A_127] {strides = array<i32>} : memref<40x128xf32, #tpu.memory_space<vmem>>, vector<1x16xf32>,
      %parallel_loop3A_129 = vector.shape_cast %parallel_loop3A_128 : vector<1x16xf32> to vector<1x16xf32>
      %parallel_loop3A_130 = arith.mulf %parallel_loop3A_125, %parallel_loop3A_121 : vector<1x16xf32>
      %parallel_loop3A_131 = arith.addf %parallel_loop3A_130, %parallel_loop3A_129 : vector<1x16xf32>
      %parallel_loop3A_132 = arith.constant 9.99999974E-6 : f32
      %parallel_loop3A_133 = vector.broadcast %parallel_loop3A_132 : f32 to vector<1x16xf32>
      %parallel_loop3A_134 = arith.maximumf %parallel_loop3A_131, %parallel_loop3A_133 : vector<1x16xf32>
      %parallel_loop3A_135 = arith.mulf %parallel_loop3A_134, %parallel_loop3A_134 : vector<1x16xf32>
      %parallel_loop3A_136 = arith.index_cast %parallel_loop3A_48 : i32 to index
      %parallel_loop3A_137 = arith.constant 48 : index
      %parallel_loop3A_138 = tpu.vector_load %arg11[%parallel_loop3A_136, %parallel_loop3A_137] {strides = array<i32>} : memref<40x128xf32, #tpu.memory_space<vmem>>, vector<1x16xf32>,
      %parallel_loop3A_139 = vector.shape_cast %parallel_loop3A_138 : vector<1x16xf32> to vector<1x16xf32>
      %parallel_loop3A_140 = vector.shape_cast %parallel_loop3A_135 : vector<1x16xf32> to vector<1x16xf32>
      tpu.vector_store %arg11[%parallel_loop3A_136, %parallel_loop3A_137], %parallel_loop3A_140 {strides = array<i32>} : memref<40x128xf32, #tpu.memory_space<vmem>>, vector<1x16xf32>,
      %parallel_loop3A_141 = arith.index_cast %parallel_loop3A_48 : i32 to index
      %parallel_loop3A_142 = arith.constant 64 : index
      %parallel_loop3A_143 = tpu.vector_load %arg11[%parallel_loop3A_141, %parallel_loop3A_142] {strides = array<i32>} : memref<40x128xf32, #tpu.memory_space<vmem>>, vector<1x16xf32>,
      %parallel_loop3A_144 = vector.shape_cast %parallel_loop3A_143 : vector<1x16xf32> to vector<1x16xf32>
      %parallel_loop3A_145 = arith.index_cast %parallel_loop3A_48 : i32 to index
      %parallel_loop3A_146 = arith.constant 64 : index
      %parallel_loop3A_147 = tpu.vector_load %arg12[%parallel_loop3A_145, %parallel_loop3A_146] {strides = array<i32>} : memref<40x128xf32, #tpu.memory_space<vmem>>, vector<1x16xf32>,
      %parallel_loop3A_148 = vector.shape_cast %parallel_loop3A_147 : vector<1x16xf32> to vector<1x16xf32>
      %parallel_loop3A_149 = arith.index_cast %parallel_loop3A_48 : i32 to index
      %parallel_loop3A_150 = arith.constant 64 : index
      %parallel_loop3A_151 = tpu.vector_load %arg13[%parallel_loop3A_149, %parallel_loop3A_150] {strides = array<i32>} : memref<40x128xf32, #tpu.memory_space<vmem>>, vector<1x16xf32>,
      %parallel_loop3A_152 = vector.shape_cast %parallel_loop3A_151 : vector<1x16xf32> to vector<1x16xf32>
      %parallel_loop3A_153 = arith.mulf %parallel_loop3A_148, %parallel_loop3A_144 : vector<1x16xf32>
      %parallel_loop3A_154 = arith.addf %parallel_loop3A_153, %parallel_loop3A_152 : vector<1x16xf32>
      %parallel_loop3A_155 = arith.constant 9.99999974E-6 : f32
      %parallel_loop3A_156 = vector.broadcast %parallel_loop3A_155 : f32 to vector<1x16xf32>
      %parallel_loop3A_157 = arith.maximumf %parallel_loop3A_154, %parallel_loop3A_156 : vector<1x16xf32>
      %parallel_loop3A_158 = arith.mulf %parallel_loop3A_157, %parallel_loop3A_157 : vector<1x16xf32>
      %parallel_loop3A_159 = arith.index_cast %parallel_loop3A_48 : i32 to index
      %parallel_loop3A_160 = arith.constant 64 : index
      %parallel_loop3A_161 = tpu.vector_load %arg11[%parallel_loop3A_159, %parallel_loop3A_160] {strides = array<i32>} : memref<40x128xf32, #tpu.memory_space<vmem>>, vector<1x16xf32>,
      %parallel_loop3A_162 = vector.shape_cast %parallel_loop3A_161 : vector<1x16xf32> to vector<1x16xf32>
      %parallel_loop3A_163 = vector.shape_cast %parallel_loop3A_158 : vector<1x16xf32> to vector<1x16xf32>
      tpu.vector_store %arg11[%parallel_loop3A_159, %parallel_loop3A_160], %parallel_loop3A_163 {strides = array<i32>} : memref<40x128xf32, #tpu.memory_space<vmem>>, vector<1x16xf32>,
      %parallel_loop3A_164 = arith.index_cast %parallel_loop3A_48 : i32 to index
      %parallel_loop3A_165 = arith.constant 80 : index
      %parallel_loop3A_166 = tpu.vector_load %arg11[%parallel_loop3A_164, %parallel_loop3A_165] {strides = array<i32>} : memref<40x128xf32, #tpu.memory_space<vmem>>, vector<1x16xf32>,
      %parallel_loop3A_167 = vector.shape_cast %parallel_loop3A_166 : vector<1x16xf32> to vector<1x16xf32>
      %parallel_loop3A_168 = arith.index_cast %parallel_loop3A_48 : i32 to index
      %parallel_loop3A_169 = arith.constant 80 : index
      %parallel_loop3A_170 = tpu.vector_load %arg12[%parallel_loop3A_168, %parallel_loop3A_169] {strides = array<i32>} : memref<40x128xf32, #tpu.memory_space<vmem>>, vector<1x16xf32>,
      %parallel_loop3A_171 = vector.shape_cast %parallel_loop3A_170 : vector<1x16xf32> to vector<1x16xf32>
      %parallel_loop3A_172 = arith.index_cast %parallel_loop3A_48 : i32 to index
      %parallel_loop3A_173 = arith.constant 80 : index
      %parallel_loop3A_174 = tpu.vector_load %arg13[%parallel_loop3A_172, %parallel_loop3A_173] {strides = array<i32>} : memref<40x128xf32, #tpu.memory_space<vmem>>, vector<1x16xf32>,
      %parallel_loop3A_175 = vector.shape_cast %parallel_loop3A_174 : vector<1x16xf32> to vector<1x16xf32>
      %parallel_loop3A_176 = arith.mulf %parallel_loop3A_171, %parallel_loop3A_167 : vector<1x16xf32>
      %parallel_loop3A_177 = arith.addf %parallel_loop3A_176, %parallel_loop3A_175 : vector<1x16xf32>
      %parallel_loop3A_178 = arith.constant 9.99999974E-6 : f32
      %parallel_loop3A_179 = vector.broadcast %parallel_loop3A_178 : f32 to vector<1x16xf32>
      %parallel_loop3A_180 = arith.maximumf %parallel_loop3A_177, %parallel_loop3A_179 : vector<1x16xf32>
      %parallel_loop3A_181 = arith.mulf %parallel_loop3A_180, %parallel_loop3A_180 : vector<1x16xf32>
      %parallel_loop3A_182 = arith.index_cast %parallel_loop3A_48 : i32 to index
      %parallel_loop3A_183 = arith.constant 80 : index
      %parallel_loop3A_184 = tpu.vector_load %arg11[%parallel_loop3A_182, %parallel_loop3A_183] {strides = array<i32>} : memref<40x128xf32, #tpu.memory_space<vmem>>, vector<1x16xf32>,
      %parallel_loop3A_185 = vector.shape_cast %parallel_loop3A_184 : vector<1x16xf32> to vector<1x16xf32>
      %parallel_loop3A_186 = vector.shape_cast %parallel_loop3A_181 : vector<1x16xf32> to vector<1x16xf32>
      tpu.vector_store %arg11[%parallel_loop3A_182, %parallel_loop3A_183], %parallel_loop3A_186 {strides = array<i32>} : memref<40x128xf32, #tpu.memory_space<vmem>>, vector<1x16xf32>,
      %parallel_loop3A_187 = arith.index_cast %parallel_loop3A_48 : i32 to index
      %parallel_loop3A_188 = arith.constant 96 : index
      %parallel_loop3A_189 = tpu.vector_load %arg11[%parallel_loop3A_187, %parallel_loop3A_188] {strides = array<i32>} : memref<40x128xf32, #tpu.memory_space<vmem>>, vector<1x16xf32>,
      %parallel_loop3A_190 = vector.shape_cast %parallel_loop3A_189 : vector<1x16xf32> to vector<1x16xf32>
      %parallel_loop3A_191 = arith.index_cast %parallel_loop3A_48 : i32 to index
      %parallel_loop3A_192 = arith.constant 96 : index
      %parallel_loop3A_193 = tpu.vector_load %arg12[%parallel_loop3A_191, %parallel_loop3A_192] {strides = array<i32>} : memref<40x128xf32, #tpu.memory_space<vmem>>, vector<1x16xf32>,
      %parallel_loop3A_194 = vector.shape_cast %parallel_loop3A_193 : vector<1x16xf32> to vector<1x16xf32>
      %parallel_loop3A_195 = arith.index_cast %parallel_loop3A_48 : i32 to index
      %parallel_loop3A_196 = arith.constant 96 : index
      %parallel_loop3A_197 = tpu.vector_load %arg13[%parallel_loop3A_195, %parallel_loop3A_196] {strides = array<i32>} : memref<40x128xf32, #tpu.memory_space<vmem>>, vector<1x16xf32>,
      %parallel_loop3A_198 = vector.shape_cast %parallel_loop3A_197 : vector<1x16xf32> to vector<1x16xf32>
      %parallel_loop3A_199 = arith.mulf %parallel_loop3A_194, %parallel_loop3A_190 : vector<1x16xf32>
      %parallel_loop3A_200 = arith.addf %parallel_loop3A_199, %parallel_loop3A_198 : vector<1x16xf32>
      %parallel_loop3A_201 = arith.constant 9.99999974E-6 : f32
      %parallel_loop3A_202 = vector.broadcast %parallel_loop3A_201 : f32 to vector<1x16xf32>
      %parallel_loop3A_203 = arith.maximumf %parallel_loop3A_200, %parallel_loop3A_202 : vector<1x16xf32>
      %parallel_loop3A_204 = arith.mulf %parallel_loop3A_203, %parallel_loop3A_203 : vector<1x16xf32>
      %parallel_loop3A_205 = arith.index_cast %parallel_loop3A_48 : i32 to index
      %parallel_loop3A_206 = arith.constant 96 : index
      %parallel_loop3A_207 = tpu.vector_load %arg11[%parallel_loop3A_205, %parallel_loop3A_206] {strides = array<i32>} : memref<40x128xf32, #tpu.memory_space<vmem>>, vector<1x16xf32>,
      %parallel_loop3A_208 = vector.shape_cast %parallel_loop3A_207 : vector<1x16xf32> to vector<1x16xf32>
      %parallel_loop3A_209 = vector.shape_cast %parallel_loop3A_204 : vector<1x16xf32> to vector<1x16xf32>
      tpu.vector_store %arg11[%parallel_loop3A_205, %parallel_loop3A_206], %parallel_loop3A_209 {strides = array<i32>} : memref<40x128xf32, #tpu.memory_space<vmem>>, vector<1x16xf32>,
      %parallel_loop3A_210 = arith.index_cast %parallel_loop3A_48 : i32 to index
      %parallel_loop3A_211 = arith.constant 112 : index
      %parallel_loop3A_212 = tpu.vector_load %arg11[%parallel_loop3A_210, %parallel_loop3A_211] {strides = array<i32>} : memref<40x128xf32, #tpu.memory_space<vmem>>, vector<1x16xf32>,
      %parallel_loop3A_213 = vector.shape_cast %parallel_loop3A_212 : vector<1x16xf32> to vector<1x16xf32>
      %parallel_loop3A_214 = arith.index_cast %parallel_loop3A_48 : i32 to index
      %parallel_loop3A_215 = arith.constant 112 : index
      %parallel_loop3A_216 = tpu.vector_load %arg12[%parallel_loop3A_214, %parallel_loop3A_215] {strides = array<i32>} : memref<40x128xf32, #tpu.memory_space<vmem>>, vector<1x16xf32>,
      %parallel_loop3A_217 = vector.shape_cast %parallel_loop3A_216 : vector<1x16xf32> to vector<1x16xf32>
      %parallel_loop3A_218 = arith.index_cast %parallel_loop3A_48 : i32 to index
      %parallel_loop3A_219 = arith.constant 112 : index
      %parallel_loop3A_220 = tpu.vector_load %arg13[%parallel_loop3A_218, %parallel_loop3A_219] {strides = array<i32>} : memref<40x128xf32, #tpu.memory_space<vmem>>, vector<1x16xf32>,
      %parallel_loop3A_221 = vector.shape_cast %parallel_loop3A_220 : vector<1x16xf32> to vector<1x16xf32>
      %parallel_loop3A_222 = arith.mulf %parallel_loop3A_217, %parallel_loop3A_213 : vector<1x16xf32>
      %parallel_loop3A_223 = arith.addf %parallel_loop3A_222, %parallel_loop3A_221 : vector<1x16xf32>
      %parallel_loop3A_224 = arith.constant 9.99999974E-6 : f32
      %parallel_loop3A_225 = vector.broadcast %parallel_loop3A_224 : f32 to vector<1x16xf32>
      %parallel_loop3A_226 = arith.maximumf %parallel_loop3A_223, %parallel_loop3A_225 : vector<1x16xf32>
      %parallel_loop3A_227 = arith.mulf %parallel_loop3A_226, %parallel_loop3A_226 : vector<1x16xf32>
      %parallel_loop3A_228 = arith.index_cast %parallel_loop3A_48 : i32 to index
      %parallel_loop3A_229 = arith.constant 112 : index
      %parallel_loop3A_230 = tpu.vector_load %arg11[%parallel_loop3A_228, %parallel_loop3A_229] {strides = array<i32>} : memref<40x128xf32, #tpu.memory_space<vmem>>, vector<1x16xf32>,
      %parallel_loop3A_231 = vector.shape_cast %parallel_loop3A_230 : vector<1x16xf32> to vector<1x16xf32>
      %parallel_loop3A_232 = vector.shape_cast %parallel_loop3A_227 : vector<1x16xf32> to vector<1x16xf32>
      tpu.vector_store %arg11[%parallel_loop3A_228, %parallel_loop3A_229], %parallel_loop3A_232 {strides = array<i32>} : memref<40x128xf32, #tpu.memory_space<vmem>>, vector<1x16xf32>,
    } {sc.loop_unroll_factor = 4 : i64, sc.parallel_access}
    "tpu.region"() ({
      %run_scoped3A = tpu.sem_alloc : memref<!tpu.dma_semaphore, #tpu.memory_space<semaphore_mem>>
      %dma_start3A_48 = arith.constant 0 : i32
      %dma_start3A_49 = arith.constant 0 : i32
      %dma_start3A_50 = tpu.memref_slice %arg19[%dma_start3A_48, %dma_start3A_49] : memref<10240x128xf32, #tpu.memory_space<vmem_shared>> -> memref<10240x128xf32, #tpu.memory_space<vmem_shared>>
      tpu.enqueue_indirect_dma source(%arg11 : memref<40x128xf32, #tpu.memory_space<vmem>>) target(%dma_start3A_50 : memref<10240x128xf32, #tpu.memory_space<vmem_shared>>) offsets(%arg10 : memref<40xi32, #tpu.memory_space<vmem>>) semaphore(%run_scoped3A : memref<!tpu.dma_semaphore, #tpu.memory_space<semaphore_mem>>) {add = true}
      %dma_wait3A_51 = arith.constant 0 : i32
      %dma_wait3A_52 = arith.constant 0 : i32
      %dma_wait3A_53 = tpu.memref_slice %arg19[%dma_wait3A_51, %dma_wait3A_52] : memref<10240x128xf32, #tpu.memory_space<vmem_shared>> -> memref<10240x128xf32, #tpu.memory_space<vmem_shared>>
      tpu.wait_indirect_dma semaphore(%run_scoped3A : memref<!tpu.dma_semaphore, #tpu.memory_space<semaphore_mem>>) src(%arg11 : memref<40x128xf32, #tpu.memory_space<vmem>>) dst(%dma_wait3A_53 : memref<10240x128xf32, #tpu.memory_space<vmem_shared>>)
      tpu.yield
    }) : () -> ()
    %barrier3A_44 = arith.constant 0 : index
    tpu.barrier barrier_id(%barrier3A_44)
    %mul3A_45 = arith.constant 10240 : i32
    %mul3A_46 = arith.muli %arg0, %mul3A_45 : i32
    %add3A_47 = arith.addi %mul3A_46, %mul3A_2 : i32
    "tpu.region"() ({
      %run_scoped3A = tpu.sem_alloc : memref<!tpu.dma_semaphore, #tpu.memory_space<semaphore_mem>>
      %dma_start3A_48 = arith.constant 0 : i32
      %dma_start3A_49 = tpu.memref_slice %arg8[%add3A_47, %dma_start3A_48] : memref<20480x128xf32, #tpu.memory_space<hbm>> -> memref<640x128xf32, #tpu.memory_space<hbm>>
      %dma_start3A_50 = arith.constant 0 : i32
      %dma_start3A_51 = tpu.memref_slice %arg19[%mul3A_2, %dma_start3A_50] : memref<10240x128xf32, #tpu.memory_space<vmem_shared>> -> memref<640x128xf32, #tpu.memory_space<vmem_shared>>
      tpu.enqueue_dma source(%dma_start3A_51 : memref<640x128xf32, #tpu.memory_space<vmem_shared>>) target(%dma_start3A_49 : memref<640x128xf32, #tpu.memory_space<hbm>>) target_semaphore(%run_scoped3A : memref<!tpu.dma_semaphore, #tpu.memory_space<semaphore_mem>>)
      %dma_wait3A_52 = arith.constant 0 : i32
      %dma_wait3A_53 = tpu.memref_slice %arg8[%add3A_47, %dma_wait3A_52] : memref<20480x128xf32, #tpu.memory_space<hbm>> -> memref<640x128xf32, #tpu.memory_space<hbm>>
      %dma_wait3A_54 = arith.constant 0 : i32
      %dma_wait3A_55 = tpu.memref_slice %arg19[%mul3A_2, %dma_wait3A_54] : memref<10240x128xf32, #tpu.memory_space<vmem_shared>> -> memref<640x128xf32, #tpu.memory_space<vmem_shared>>
      tpu.wait_dma2 semaphore(%run_scoped3A : memref<!tpu.dma_semaphore, #tpu.memory_space<semaphore_mem>>) src(%dma_wait3A_55 : memref<640x128xf32, #tpu.memory_space<vmem_shared>>) dst(%dma_wait3A_53 : memref<640x128xf32, #tpu.memory_space<hbm>>)
      tpu.yield
    }) : () -> ()
    return
  }
}

#map = affine_map<(d0, d1) -> (0)>
#map1 = affine_map<(d0, d1) -> (0, 0)>
module attributes {stable_mosaic.version = 14 : i64} {
  func.func @_cnt_body(%arg0: i32, %arg1: i32, %arg2: memref<320000xi32, #tpu.memory_space<hbm>>, %arg3: memref<10240x128xf32, #tpu.memory_space<hbm>>, %arg4: memref<80x128xf32, #tpu.memory_space<hbm>>, %arg5: memref<20480x128xf32, #tpu.memory_space<hbm>>, %arg6: memref<80xi32, #tpu.memory_space<vmem>>, %arg7: memref<80xi32, #tpu.memory_space<vmem>>, %arg8: memref<80x128xf32, #tpu.memory_space<vmem>>, %arg9: memref<10240x128xf32, #tpu.memory_space<vmem_shared>>, %arg10: memref<!tpu.dma_semaphore, #tpu.memory_space<semaphore_mem>>, %arg11: memref<!tpu.dma_semaphore, #tpu.memory_space<semaphore_mem>>) attributes {dimension_semantics = [#tpu.dimension_semantics<core_parallel>, #tpu.dimension_semantics<subcore_parallel>], iteration_bounds = array<i64: 2, 16>, scalar_prefetch = 0 : i64, scratch_operands = 6 : i64, tpu.core_type = #tpu.core_type<sc_vector_subcore>, window_params = [{transform_indices = #map}, {transform_indices = #map1}, {transform_indices = #map1}, {transform_indices = #map1}]} {
    %mul3A = arith.constant 16 : i32
    %mul3A_0 = arith.muli %arg0, %mul3A : i32
    %add3A = arith.addi %mul3A_0, %arg1 : i32
    %mul3A_1 = arith.constant 640 : i32
    %mul3A_2 = arith.muli %arg1, %mul3A_1 : i32
    "tpu.region"() ({
      %run_scoped3A = tpu.sem_alloc : memref<!tpu.dma_semaphore, #tpu.memory_space<semaphore_mem>>
      %dma_start3A_19 = arith.constant 0 : i32
      %dma_start3A_20 = tpu.memref_slice %arg9[%mul3A_2, %dma_start3A_19] : memref<10240x128xf32, #tpu.memory_space<vmem_shared>> -> memref<640x128xf32, #tpu.memory_space<vmem_shared>>
      %dma_start3A_21 = arith.constant 0 : i32
      %dma_start3A_22 = tpu.memref_slice %arg3[%mul3A_2, %dma_start3A_21] : memref<10240x128xf32, #tpu.memory_space<hbm>> -> memref<640x128xf32, #tpu.memory_space<hbm>>
      tpu.enqueue_dma source(%dma_start3A_22 : memref<640x128xf32, #tpu.memory_space<hbm>>) target(%dma_start3A_20 : memref<640x128xf32, #tpu.memory_space<vmem_shared>>) target_semaphore(%run_scoped3A : memref<!tpu.dma_semaphore, #tpu.memory_space<semaphore_mem>>)
      %dma_wait3A_23 = arith.constant 0 : i32
      %dma_wait3A_24 = tpu.memref_slice %arg9[%mul3A_2, %dma_wait3A_23] : memref<10240x128xf32, #tpu.memory_space<vmem_shared>> -> memref<640x128xf32, #tpu.memory_space<vmem_shared>>
      %dma_wait3A_25 = arith.constant 0 : i32
      %dma_wait3A_26 = tpu.memref_slice %arg3[%mul3A_2, %dma_wait3A_25] : memref<10240x128xf32, #tpu.memory_space<hbm>> -> memref<640x128xf32, #tpu.memory_space<hbm>>
      tpu.wait_dma2 semaphore(%run_scoped3A : memref<!tpu.dma_semaphore, #tpu.memory_space<semaphore_mem>>) src(%dma_wait3A_26 : memref<640x128xf32, #tpu.memory_space<hbm>>) dst(%dma_wait3A_24 : memref<640x128xf32, #tpu.memory_space<vmem_shared>>)
      tpu.yield
    }) : () -> ()
    "tpu.region"() ({
      %run_scoped3A = tpu.sem_alloc : memref<!tpu.dma_semaphore, #tpu.memory_space<semaphore_mem>>
      tpu.enqueue_dma source(%arg4 : memref<80x128xf32, #tpu.memory_space<hbm>>) target(%arg8 : memref<80x128xf32, #tpu.memory_space<vmem>>) target_semaphore(%run_scoped3A : memref<!tpu.dma_semaphore, #tpu.memory_space<semaphore_mem>>)
      tpu.wait_dma2 semaphore(%run_scoped3A : memref<!tpu.dma_semaphore, #tpu.memory_space<semaphore_mem>>) src(%arg4 : memref<80x128xf32, #tpu.memory_space<hbm>>) dst(%arg8 : memref<80x128xf32, #tpu.memory_space<vmem>>)
      tpu.yield
    }) : () -> ()
    %barrier3A = arith.constant 0 : index
    tpu.barrier barrier_id(%barrier3A)
    %mul3A_3 = arith.constant 10000 : i32
    %mul3A_4 = arith.muli %add3A, %mul3A_3 : i32
    %add3A_5 = arith.constant 0 : i32
    %add3A_6 = arith.addi %mul3A_4, %add3A_5 : i32
    "tpu.region"() ({
      %run_scoped3A = tpu.sem_alloc : memref<!tpu.dma_semaphore, #tpu.memory_space<semaphore_mem>>
      %dma_start3A_19 = tpu.memref_slice %arg2[%add3A_6] : memref<320000xi32, #tpu.memory_space<hbm>> -> memref<80xi32, #tpu.memory_space<hbm>>
      %dma_start3A_20 = tpu.memref_slice %arg2[%add3A_6] : memref<320000xi32, #tpu.memory_space<hbm>> -> memref<80xi32, #tpu.memory_space<hbm>>
      tpu.enqueue_dma source(%dma_start3A_20 : memref<80xi32, #tpu.memory_space<hbm>>) target(%arg6 : memref<80xi32, #tpu.memory_space<vmem>>) target_semaphore(%run_scoped3A : memref<!tpu.dma_semaphore, #tpu.memory_space<semaphore_mem>>)
      %dma_wait3A_21 = tpu.memref_slice %arg2[%add3A_6] : memref<320000xi32, #tpu.memory_space<hbm>> -> memref<80xi32, #tpu.memory_space<hbm>>
      %dma_wait3A_22 = tpu.memref_slice %arg2[%add3A_6] : memref<320000xi32, #tpu.memory_space<hbm>> -> memref<80xi32, #tpu.memory_space<hbm>>
      tpu.wait_dma2 semaphore(%run_scoped3A : memref<!tpu.dma_semaphore, #tpu.memory_space<semaphore_mem>>) src(%dma_wait3A_22 : memref<80xi32, #tpu.memory_space<hbm>>) dst(%arg6 : memref<80xi32, #tpu.memory_space<vmem>>)
      tpu.yield
    }) : () -> ()
    %scan3A = arith.constant 0 : i32
    %scan3A_7 = arith.constant 62 : i32
    %scan3A_8 = arith.addi %scan3A, %scan3A_7 : i32
    %scan3A_9 = arith.constant 1 : i32
    scf.for %scan3A_19 = %scan3A to %scan3A_8 step %scan3A_9  : i32 {
      %mul3A_20 = arith.constant 1 : i32
      %mul3A_21 = arith.muli %scan3A_19, %mul3A_20 : i32
      %add3A_22 = arith.constant 0 : i32
      %add3A_23 = arith.addi %add3A_22, %mul3A_21 : i32
      %dma_start3A_24 = arith.constant 0 : i32
      %dma_start3A_25 = arith.constant 0 : i32
      %dma_start3A_26 = tpu.memref_slice %arg9[%dma_start3A_24, %dma_start3A_25] : memref<10240x128xf32, #tpu.memory_space<vmem_shared>> -> memref<10240x128xf32, #tpu.memory_space<vmem_shared>>
      tpu.enqueue_indirect_dma source(%arg8 : memref<80x128xf32, #tpu.memory_space<vmem>>) target(%dma_start3A_26 : memref<10240x128xf32, #tpu.memory_space<vmem_shared>>) offsets(%arg6 : memref<80xi32, #tpu.memory_space<vmem>>) semaphore(%arg10 : memref<!tpu.dma_semaphore, #tpu.memory_space<semaphore_mem>>) {add = true}
      %mul3A_27 = arith.constant 2 : i32
      %mul3A_28 = arith.muli %mul3A_27, %add3A_23 : i32
      %add3A_29 = arith.constant 1 : i32
      %add3A_30 = arith.addi %mul3A_28, %add3A_29 : i32
      %mul3A_31 = arith.constant 80 : i32
      %mul3A_32 = arith.muli %add3A_30, %mul3A_31 : i32
      %add3A_33 = arith.addi %mul3A_4, %mul3A_32 : i32
      "tpu.region"() ({
        %run_scoped3A = tpu.sem_alloc : memref<!tpu.dma_semaphore, #tpu.memory_space<semaphore_mem>>
        %dma_start3A_50 = tpu.memref_slice %arg2[%add3A_33] : memref<320000xi32, #tpu.memory_space<hbm>> -> memref<80xi32, #tpu.memory_space<hbm>>
        %dma_start3A_51 = tpu.memref_slice %arg2[%add3A_33] : memref<320000xi32, #tpu.memory_space<hbm>> -> memref<80xi32, #tpu.memory_space<hbm>>
        tpu.enqueue_dma source(%dma_start3A_51 : memref<80xi32, #tpu.memory_space<hbm>>) target(%arg7 : memref<80xi32, #tpu.memory_space<vmem>>) target_semaphore(%run_scoped3A : memref<!tpu.dma_semaphore, #tpu.memory_space<semaphore_mem>>)
        %dma_wait3A_52 = tpu.memref_slice %arg2[%add3A_33] : memref<320000xi32, #tpu.memory_space<hbm>> -> memref<80xi32, #tpu.memory_space<hbm>>
        %dma_wait3A_53 = tpu.memref_slice %arg2[%add3A_33] : memref<320000xi32, #tpu.memory_space<hbm>> -> memref<80xi32, #tpu.memory_space<hbm>>
        tpu.wait_dma2 semaphore(%run_scoped3A : memref<!tpu.dma_semaphore, #tpu.memory_space<semaphore_mem>>) src(%dma_wait3A_53 : memref<80xi32, #tpu.memory_space<hbm>>) dst(%arg7 : memref<80xi32, #tpu.memory_space<vmem>>)
        tpu.yield
      }) : () -> ()
      %dma_wait3A_34 = arith.constant 0 : i32
      %dma_wait3A_35 = arith.constant 0 : i32
      %dma_wait3A_36 = tpu.memref_slice %arg9[%dma_wait3A_34, %dma_wait3A_35] : memref<10240x128xf32, #tpu.memory_space<vmem_shared>> -> memref<10240x128xf32, #tpu.memory_space<vmem_shared>>
      tpu.wait_indirect_dma semaphore(%arg10 : memref<!tpu.dma_semaphore, #tpu.memory_space<semaphore_mem>>) src(%arg8 : memref<80x128xf32, #tpu.memory_space<vmem>>) dst(%dma_wait3A_36 : memref<10240x128xf32, #tpu.memory_space<vmem_shared>>)
      %dma_start3A_37 = arith.constant 0 : i32
      %dma_start3A_38 = arith.constant 0 : i32
      %dma_start3A_39 = tpu.memref_slice %arg9[%dma_start3A_37, %dma_start3A_38] : memref<10240x128xf32, #tpu.memory_space<vmem_shared>> -> memref<10240x128xf32, #tpu.memory_space<vmem_shared>>
      tpu.enqueue_indirect_dma source(%arg8 : memref<80x128xf32, #tpu.memory_space<vmem>>) target(%dma_start3A_39 : memref<10240x128xf32, #tpu.memory_space<vmem_shared>>) offsets(%arg7 : memref<80xi32, #tpu.memory_space<vmem>>) semaphore(%arg11 : memref<!tpu.dma_semaphore, #tpu.memory_space<semaphore_mem>>) {add = true}
      %mul3A_40 = arith.constant 2 : i32
      %mul3A_41 = arith.muli %mul3A_40, %add3A_23 : i32
      %add3A_42 = arith.constant 2 : i32
      %add3A_43 = arith.addi %mul3A_41, %add3A_42 : i32
      %mul3A_44 = arith.constant 80 : i32
      %mul3A_45 = arith.muli %add3A_43, %mul3A_44 : i32
      %add3A_46 = arith.addi %mul3A_4, %mul3A_45 : i32
      "tpu.region"() ({
        %run_scoped3A = tpu.sem_alloc : memref<!tpu.dma_semaphore, #tpu.memory_space<semaphore_mem>>
        %dma_start3A_50 = tpu.memref_slice %arg2[%add3A_46] : memref<320000xi32, #tpu.memory_space<hbm>> -> memref<80xi32, #tpu.memory_space<hbm>>
        %dma_start3A_51 = tpu.memref_slice %arg2[%add3A_46] : memref<320000xi32, #tpu.memory_space<hbm>> -> memref<80xi32, #tpu.memory_space<hbm>>
        tpu.enqueue_dma source(%dma_start3A_51 : memref<80xi32, #tpu.memory_space<hbm>>) target(%arg6 : memref<80xi32, #tpu.memory_space<vmem>>) target_semaphore(%run_scoped3A : memref<!tpu.dma_semaphore, #tpu.memory_space<semaphore_mem>>)
        %dma_wait3A_52 = tpu.memref_slice %arg2[%add3A_46] : memref<320000xi32, #tpu.memory_space<hbm>> -> memref<80xi32, #tpu.memory_space<hbm>>
        %dma_wait3A_53 = tpu.memref_slice %arg2[%add3A_46] : memref<320000xi32, #tpu.memory_space<hbm>> -> memref<80xi32, #tpu.memory_space<hbm>>
        tpu.wait_dma2 semaphore(%run_scoped3A : memref<!tpu.dma_semaphore, #tpu.memory_space<semaphore_mem>>) src(%dma_wait3A_53 : memref<80xi32, #tpu.memory_space<hbm>>) dst(%arg6 : memref<80xi32, #tpu.memory_space<vmem>>)
        tpu.yield
      }) : () -> ()
      %dma_wait3A_47 = arith.constant 0 : i32
      %dma_wait3A_48 = arith.constant 0 : i32
      %dma_wait3A_49 = tpu.memref_slice %arg9[%dma_wait3A_47, %dma_wait3A_48] : memref<10240x128xf32, #tpu.memory_space<vmem_shared>> -> memref<10240x128xf32, #tpu.memory_space<vmem_shared>>
      tpu.wait_indirect_dma semaphore(%arg11 : memref<!tpu.dma_semaphore, #tpu.memory_space<semaphore_mem>>) src(%arg8 : memref<80x128xf32, #tpu.memory_space<vmem>>) dst(%dma_wait3A_49 : memref<10240x128xf32, #tpu.memory_space<vmem_shared>>)
    }
    %scan3A_10 = arith.constant 62 : i32
    %dma_start3A = arith.constant 0 : i32
    %dma_start3A_11 = arith.constant 0 : i32
    %dma_start3A_12 = tpu.memref_slice %arg9[%dma_start3A, %dma_start3A_11] : memref<10240x128xf32, #tpu.memory_space<vmem_shared>> -> memref<10240x128xf32, #tpu.memory_space<vmem_shared>>
    tpu.enqueue_indirect_dma source(%arg8 : memref<80x128xf32, #tpu.memory_space<vmem>>) target(%dma_start3A_12 : memref<10240x128xf32, #tpu.memory_space<vmem_shared>>) offsets(%arg6 : memref<80xi32, #tpu.memory_space<vmem>>) semaphore(%arg10 : memref<!tpu.dma_semaphore, #tpu.memory_space<semaphore_mem>>) {add = true}
    %dma_wait3A = arith.constant 0 : i32
    %dma_wait3A_13 = arith.constant 0 : i32
    %dma_wait3A_14 = tpu.memref_slice %arg9[%dma_wait3A, %dma_wait3A_13] : memref<10240x128xf32, #tpu.memory_space<vmem_shared>> -> memref<10240x128xf32, #tpu.memory_space<vmem_shared>>
    tpu.wait_indirect_dma semaphore(%arg10 : memref<!tpu.dma_semaphore, #tpu.memory_space<semaphore_mem>>) src(%arg8 : memref<80x128xf32, #tpu.memory_space<vmem>>) dst(%dma_wait3A_14 : memref<10240x128xf32, #tpu.memory_space<vmem_shared>>)
    %barrier3A_15 = arith.constant 0 : index
    tpu.barrier barrier_id(%barrier3A_15)
    %mul3A_16 = arith.constant 10240 : i32
    %mul3A_17 = arith.muli %arg0, %mul3A_16 : i32
    %add3A_18 = arith.addi %mul3A_17, %mul3A_2 : i32
    "tpu.region"() ({
      %run_scoped3A = tpu.sem_alloc : memref<!tpu.dma_semaphore, #tpu.memory_space<semaphore_mem>>
      %dma_start3A_19 = arith.constant 0 : i32
      %dma_start3A_20 = tpu.memref_slice %arg5[%add3A_18, %dma_start3A_19] : memref<20480x128xf32, #tpu.memory_space<hbm>> -> memref<640x128xf32, #tpu.memory_space<hbm>>
      %dma_start3A_21 = arith.constant 0 : i32
      %dma_start3A_22 = tpu.memref_slice %arg9[%mul3A_2, %dma_start3A_21] : memref<10240x128xf32, #tpu.memory_space<vmem_shared>> -> memref<640x128xf32, #tpu.memory_space<vmem_shared>>
      tpu.enqueue_dma source(%dma_start3A_22 : memref<640x128xf32, #tpu.memory_space<vmem_shared>>) target(%dma_start3A_20 : memref<640x128xf32, #tpu.memory_space<hbm>>) target_semaphore(%run_scoped3A : memref<!tpu.dma_semaphore, #tpu.memory_space<semaphore_mem>>)
      %dma_wait3A_23 = arith.constant 0 : i32
      %dma_wait3A_24 = tpu.memref_slice %arg5[%add3A_18, %dma_wait3A_23] : memref<20480x128xf32, #tpu.memory_space<hbm>> -> memref<640x128xf32, #tpu.memory_space<hbm>>
      %dma_wait3A_25 = arith.constant 0 : i32
      %dma_wait3A_26 = tpu.memref_slice %arg9[%mul3A_2, %dma_wait3A_25] : memref<10240x128xf32, #tpu.memory_space<vmem_shared>> -> memref<640x128xf32, #tpu.memory_space<vmem_shared>>
      tpu.wait_dma2 semaphore(%run_scoped3A : memref<!tpu.dma_semaphore, #tpu.memory_space<semaphore_mem>>) src(%dma_wait3A_26 : memref<640x128xf32, #tpu.memory_space<vmem_shared>>) dst(%dma_wait3A_24 : memref<640x128xf32, #tpu.memory_space<hbm>>)
      tpu.yield
    }) : () -> ()
    return
  }
}

#map = affine_map<(d0, d1) -> (0, 0)>
#map1 = affine_map<(d0, d1) -> (0)>
module attributes {stable_mosaic.version = 14 : i64} {
  func.func @_sc_body(%arg0: i32, %arg1: i32, %arg2: memref<10000x128xf32, #tpu.memory_space<hbm>>, %arg3: memref<160000x128xf32, #tpu.memory_space<hbm>>, %arg4: memref<160000x128xf32, #tpu.memory_space<hbm>>, %arg5: memref<320000xi32, #tpu.memory_space<hbm>>, %arg6: memref<320000xi32, #tpu.memory_space<hbm>>, %arg7: memref<20480x128xf32, #tpu.memory_space<hbm>>, %arg8: memref<20480x128xf32, #tpu.memory_space<hbm>>, %arg9: memref<40xi32, #tpu.memory_space<vmem>>, %arg10: memref<40xi32, #tpu.memory_space<vmem>>, %arg11: memref<40x128xf32, #tpu.memory_space<vmem>>, %arg12: memref<40x128xf32, #tpu.memory_space<vmem>>, %arg13: memref<40x128xf32, #tpu.memory_space<vmem>>, %arg14: memref<40xi32, #tpu.memory_space<vmem>>, %arg15: memref<40xi32, #tpu.memory_space<vmem>>, %arg16: memref<40x128xf32, #tpu.memory_space<vmem>>, %arg17: memref<40x128xf32, #tpu.memory_space<vmem>>, %arg18: memref<40x128xf32, #tpu.memory_space<vmem>>, %arg19: memref<10240x128xf32, #tpu.memory_space<vmem_shared>>, %arg20: memref<!tpu.dma_semaphore, #tpu.memory_space<semaphore_mem>>, %arg21: memref<!tpu.dma_semaphore, #tpu.memory_space<semaphore_mem>>, %arg22: memref<!tpu.dma_semaphore, #tpu.memory_space<semaphore_mem>>, %arg23: memref<!tpu.dma_semaphore, #tpu.memory_space<semaphore_mem>>, %arg24: memref<!tpu.dma_semaphore, #tpu.memory_space<semaphore_mem>>, %arg25: memref<!tpu.dma_semaphore, #tpu.memory_space<semaphore_mem>>) attributes {dimension_semantics = [#tpu.dimension_semantics<core_parallel>, #tpu.dimension_semantics<subcore_parallel>], iteration_bounds = array<i64: 2, 16>, scalar_prefetch = 0 : i64, scratch_operands = 17 : i64, tpu.core_type = #tpu.core_type<sc_vector_subcore>, window_params = [{transform_indices = #map}, {transform_indices = #map}, {transform_indices = #map}, {transform_indices = #map1}, {transform_indices = #map1}, {transform_indices = #map}, {transform_indices = #map}]} {
    %mul3A = arith.constant 16 : i32
    %mul3A_0 = arith.muli %arg0, %mul3A : i32
    %add3A = arith.addi %mul3A_0, %arg1 : i32
    %mul3A_1 = arith.constant 640 : i32
    %mul3A_2 = arith.muli %arg1, %mul3A_1 : i32
    %mul3A_3 = arith.constant 10240 : i32
    %mul3A_4 = arith.muli %arg0, %mul3A_3 : i32
    %add3A_5 = arith.addi %mul3A_4, %mul3A_2 : i32
    "tpu.region"() ({
      %run_scoped3A = tpu.sem_alloc : memref<!tpu.dma_semaphore, #tpu.memory_space<semaphore_mem>>
      %dma_start3A_48 = arith.constant 0 : i32
      %dma_start3A_49 = tpu.memref_slice %arg19[%mul3A_2, %dma_start3A_48] : memref<10240x128xf32, #tpu.memory_space<vmem_shared>> -> memref<640x128xf32, #tpu.memory_space<vmem_shared>>
      %dma_start3A_50 = arith.constant 0 : i32
      %dma_start3A_51 = tpu.memref_slice %arg7[%add3A_5, %dma_start3A_50] : memref<20480x128xf32, #tpu.memory_space<hbm>> -> memref<640x128xf32, #tpu.memory_space<hbm>>
      tpu.enqueue_dma source(%dma_start3A_51 : memref<640x128xf32, #tpu.memory_space<hbm>>) target(%dma_start3A_49 : memref<640x128xf32, #tpu.memory_space<vmem_shared>>) target_semaphore(%run_scoped3A : memref<!tpu.dma_semaphore, #tpu.memory_space<semaphore_mem>>)
      %dma_wait3A_52 = arith.constant 0 : i32
      %dma_wait3A_53 = tpu.memref_slice %arg19[%mul3A_2, %dma_wait3A_52] : memref<10240x128xf32, #tpu.memory_space<vmem_shared>> -> memref<640x128xf32, #tpu.memory_space<vmem_shared>>
      %dma_wait3A_54 = arith.constant 0 : i32
      %dma_wait3A_55 = tpu.memref_slice %arg7[%add3A_5, %dma_wait3A_54] : memref<20480x128xf32, #tpu.memory_space<hbm>> -> memref<640x128xf32, #tpu.memory_space<hbm>>
      tpu.wait_dma2 semaphore(%run_scoped3A : memref<!tpu.dma_semaphore, #tpu.memory_space<semaphore_mem>>) src(%dma_wait3A_55 : memref<640x128xf32, #tpu.memory_space<hbm>>) dst(%dma_wait3A_53 : memref<640x128xf32, #tpu.memory_space<vmem_shared>>)
      tpu.yield
    }) : () -> ()
    %barrier3A = arith.constant 0 : index
    tpu.barrier barrier_id(%barrier3A)
    %mul3A_6 = arith.constant 5000 : i32
    %mul3A_7 = arith.muli %add3A, %mul3A_6 : i32
    %add3A_8 = arith.constant 0 : i32
    %add3A_9 = arith.addi %add3A_8, %mul3A_7 : i32
    %add3A_10 = arith.constant 0 : i32
    %add3A_11 = arith.addi %mul3A_7, %add3A_10 : i32
    %add3A_12 = arith.constant 0 : i32
    %add3A_13 = arith.addi %add3A_9, %add3A_12 : i32
    "tpu.region"() ({
      %run_scoped3A = tpu.sem_alloc : memref<!tpu.dma_semaphore, #tpu.memory_space<semaphore_mem>>
      %dma_start3A_48 = tpu.memref_slice %arg5[%add3A_13] : memref<320000xi32, #tpu.memory_space<hbm>> -> memref<40xi32, #tpu.memory_space<hbm>>
      %dma_start3A_49 = tpu.memref_slice %arg5[%add3A_13] : memref<320000xi32, #tpu.memory_space<hbm>> -> memref<40xi32, #tpu.memory_space<hbm>>
      tpu.enqueue_dma source(%dma_start3A_49 : memref<40xi32, #tpu.memory_space<hbm>>) target(%arg9 : memref<40xi32, #tpu.memory_space<vmem>>) target_semaphore(%run_scoped3A : memref<!tpu.dma_semaphore, #tpu.memory_space<semaphore_mem>>)
      %dma_wait3A_50 = tpu.memref_slice %arg5[%add3A_13] : memref<320000xi32, #tpu.memory_space<hbm>> -> memref<40xi32, #tpu.memory_space<hbm>>
      %dma_wait3A_51 = tpu.memref_slice %arg5[%add3A_13] : memref<320000xi32, #tpu.memory_space<hbm>> -> memref<40xi32, #tpu.memory_space<hbm>>
      tpu.wait_dma2 semaphore(%run_scoped3A : memref<!tpu.dma_semaphore, #tpu.memory_space<semaphore_mem>>) src(%dma_wait3A_51 : memref<40xi32, #tpu.memory_space<hbm>>) dst(%arg9 : memref<40xi32, #tpu.memory_space<vmem>>)
      tpu.yield
    }) : () -> ()
    "tpu.region"() ({
      %run_scoped3A = tpu.sem_alloc : memref<!tpu.dma_semaphore, #tpu.memory_space<semaphore_mem>>
      %dma_start3A_48 = tpu.memref_slice %arg6[%add3A_13] : memref<320000xi32, #tpu.memory_space<hbm>> -> memref<40xi32, #tpu.memory_space<hbm>>
      %dma_start3A_49 = tpu.memref_slice %arg6[%add3A_13] : memref<320000xi32, #tpu.memory_space<hbm>> -> memref<40xi32, #tpu.memory_space<hbm>>
      tpu.enqueue_dma source(%dma_start3A_49 : memref<40xi32, #tpu.memory_space<hbm>>) target(%arg10 : memref<40xi32, #tpu.memory_space<vmem>>) target_semaphore(%run_scoped3A : memref<!tpu.dma_semaphore, #tpu.memory_space<semaphore_mem>>)
      %dma_wait3A_50 = tpu.memref_slice %arg6[%add3A_13] : memref<320000xi32, #tpu.memory_space<hbm>> -> memref<40xi32, #tpu.memory_space<hbm>>
      %dma_wait3A_51 = tpu.memref_slice %arg6[%add3A_13] : memref<320000xi32, #tpu.memory_space<hbm>> -> memref<40xi32, #tpu.memory_space<hbm>>
      tpu.wait_dma2 semaphore(%run_scoped3A : memref<!tpu.dma_semaphore, #tpu.memory_space<semaphore_mem>>) src(%dma_wait3A_51 : memref<40xi32, #tpu.memory_space<hbm>>) dst(%arg10 : memref<40xi32, #tpu.memory_space<vmem>>)
      tpu.yield
    }) : () -> ()
    %dma_start3A = arith.constant 0 : i32
    %dma_start3A_14 = arith.constant 0 : i32
    %dma_start3A_15 = tpu.memref_slice %arg2[%dma_start3A, %dma_start3A_14] : memref<10000x128xf32, #tpu.memory_space<hbm>> -> memref<10000x128xf32, #tpu.memory_space<hbm>>
    tpu.enqueue_indirect_dma source(%dma_start3A_15 : memref<10000x128xf32, #tpu.memory_space<hbm>>) target(%arg11 : memref<40x128xf32, #tpu.memory_space<vmem>>) offsets(%arg9 : memref<40xi32, #tpu.memory_space<vmem>>) semaphore(%arg20 : memref<!tpu.dma_semaphore, #tpu.memory_space<semaphore_mem>>)
    %dma_start3A_16 = arith.constant 0 : i32
    %dma_start3A_17 = tpu.memref_slice %arg3[%add3A_11, %dma_start3A_16] : memref<160000x128xf32, #tpu.memory_space<hbm>> -> memref<40x128xf32, #tpu.memory_space<hbm>>
    %dma_start3A_18 = arith.constant 0 : i32
    %dma_start3A_19 = tpu.memref_slice %arg3[%add3A_11, %dma_start3A_18] : memref<160000x128xf32, #tpu.memory_space<hbm>> -> memref<40x128xf32, #tpu.memory_space<hbm>>
    tpu.enqueue_dma source(%dma_start3A_19 : memref<40x128xf32, #tpu.memory_space<hbm>>) target(%arg12 : memref<40x128xf32, #tpu.memory_space<vmem>>) target_semaphore(%arg21 : memref<!tpu.dma_semaphore, #tpu.memory_space<semaphore_mem>>)
    %dma_start3A_20 = arith.constant 0 : i32
    %dma_start3A_21 = tpu.memref_slice %arg4[%add3A_11, %dma_start3A_20] : memref<160000x128xf32, #tpu.memory_space<hbm>> -> memref<40x128xf32, #tpu.memory_space<hbm>>
    %dma_start3A_22 = arith.constant 0 : i32
    %dma_start3A_23 = tpu.memref_slice %arg4[%add3A_11, %dma_start3A_22] : memref<160000x128xf32, #tpu.memory_space<hbm>> -> memref<40x128xf32, #tpu.memory_space<hbm>>
    tpu.enqueue_dma source(%dma_start3A_23 : memref<40x128xf32, #tpu.memory_space<hbm>>) target(%arg13 : memref<40x128xf32, #tpu.memory_space<vmem>>) target_semaphore(%arg22 : memref<!tpu.dma_semaphore, #tpu.memory_space<semaphore_mem>>)
    %scan3A = arith.constant 0 : i32
    %scan3A_24 = arith.constant 62 : i32
    %scan3A_25 = arith.addi %scan3A, %scan3A_24 : i32
    %scan3A_26 = arith.constant 1 : i32
    scf.for %scan3A_48 = %scan3A to %scan3A_25 step %scan3A_26  : i32 {
      %mul3A_49 = arith.constant 1 : i32
      %mul3A_50 = arith.muli %scan3A_48, %mul3A_49 : i32
      %add3A_51 = arith.constant 0 : i32
      %add3A_52 = arith.addi %add3A_51, %mul3A_50 : i32
      %mul3A_53 = arith.constant 2 : i32
      %mul3A_54 = arith.muli %mul3A_53, %add3A_52 : i32
      %add3A_55 = arith.constant 1 : i32
      %add3A_56 = arith.addi %mul3A_54, %add3A_55 : i32
      %mul3A_57 = arith.constant 40 : i32
      %mul3A_58 = arith.muli %add3A_56, %mul3A_57 : i32
      %add3A_59 = arith.addi %mul3A_7, %mul3A_58 : i32
      %mul3A_60 = arith.constant 40 : i32
      %mul3A_61 = arith.muli %add3A_56, %mul3A_60 : i32
      %add3A_62 = arith.addi %add3A_9, %mul3A_61 : i32
      "tpu.region"() ({
        %run_scoped3A = tpu.sem_alloc : memref<!tpu.dma_semaphore, #tpu.memory_space<semaphore_mem>>
        %dma_start3A_131 = tpu.memref_slice %arg5[%add3A_62] : memref<320000xi32, #tpu.memory_space<hbm>> -> memref<40xi32, #tpu.memory_space<hbm>>
        %dma_start3A_132 = tpu.memref_slice %arg5[%add3A_62] : memref<320000xi32, #tpu.memory_space<hbm>> -> memref<40xi32, #tpu.memory_space<hbm>>
        tpu.enqueue_dma source(%dma_start3A_132 : memref<40xi32, #tpu.memory_space<hbm>>) target(%arg14 : memref<40xi32, #tpu.memory_space<vmem>>) target_semaphore(%run_scoped3A : memref<!tpu.dma_semaphore, #tpu.memory_space<semaphore_mem>>)
        %dma_wait3A_133 = tpu.memref_slice %arg5[%add3A_62] : memref<320000xi32, #tpu.memory_space<hbm>> -> memref<40xi32, #tpu.memory_space<hbm>>
        %dma_wait3A_134 = tpu.memref_slice %arg5[%add3A_62] : memref<320000xi32, #tpu.memory_space<hbm>> -> memref<40xi32, #tpu.memory_space<hbm>>
        tpu.wait_dma2 semaphore(%run_scoped3A : memref<!tpu.dma_semaphore, #tpu.memory_space<semaphore_mem>>) src(%dma_wait3A_134 : memref<40xi32, #tpu.memory_space<hbm>>) dst(%arg14 : memref<40xi32, #tpu.memory_space<vmem>>)
        tpu.yield
      }) : () -> ()
      "tpu.region"() ({
        %run_scoped3A = tpu.sem_alloc : memref<!tpu.dma_semaphore, #tpu.memory_space<semaphore_mem>>
        %dma_start3A_131 = tpu.memref_slice %arg6[%add3A_62] : memref<320000xi32, #tpu.memory_space<hbm>> -> memref<40xi32, #tpu.memory_space<hbm>>
        %dma_start3A_132 = tpu.memref_slice %arg6[%add3A_62] : memref<320000xi32, #tpu.memory_space<hbm>> -> memref<40xi32, #tpu.memory_space<hbm>>
        tpu.enqueue_dma source(%dma_start3A_132 : memref<40xi32, #tpu.memory_space<hbm>>) target(%arg15 : memref<40xi32, #tpu.memory_space<vmem>>) target_semaphore(%run_scoped3A : memref<!tpu.dma_semaphore, #tpu.memory_space<semaphore_mem>>)
        %dma_wait3A_133 = tpu.memref_slice %arg6[%add3A_62] : memref<320000xi32, #tpu.memory_space<hbm>> -> memref<40xi32, #tpu.memory_space<hbm>>
        %dma_wait3A_134 = tpu.memref_slice %arg6[%add3A_62] : memref<320000xi32, #tpu.memory_space<hbm>> -> memref<40xi32, #tpu.memory_space<hbm>>
        tpu.wait_dma2 semaphore(%run_scoped3A : memref<!tpu.dma_semaphore, #tpu.memory_space<semaphore_mem>>) src(%dma_wait3A_134 : memref<40xi32, #tpu.memory_space<hbm>>) dst(%arg15 : memref<40xi32, #tpu.memory_space<vmem>>)
        tpu.yield
      }) : () -> ()
      %dma_start3A_63 = arith.constant 0 : i32
      %dma_start3A_64 = arith.constant 0 : i32
      %dma_start3A_65 = tpu.memref_slice %arg2[%dma_start3A_63, %dma_start3A_64] : memref<10000x128xf32, #tpu.memory_space<hbm>> -> memref<10000x128xf32, #tpu.memory_space<hbm>>
      tpu.enqueue_indirect_dma source(%dma_start3A_65 : memref<10000x128xf32, #tpu.memory_space<hbm>>) target(%arg16 : memref<40x128xf32, #tpu.memory_space<vmem>>) offsets(%arg14 : memref<40xi32, #tpu.memory_space<vmem>>) semaphore(%arg23 : memref<!tpu.dma_semaphore, #tpu.memory_space<semaphore_mem>>)
      %dma_start3A_66 = arith.constant 0 : i32
      %dma_start3A_67 = tpu.memref_slice %arg3[%add3A_59, %dma_start3A_66] : memref<160000x128xf32, #tpu.memory_space<hbm>> -> memref<40x128xf32, #tpu.memory_space<hbm>>
      %dma_start3A_68 = arith.constant 0 : i32
      %dma_start3A_69 = tpu.memref_slice %arg3[%add3A_59, %dma_start3A_68] : memref<160000x128xf32, #tpu.memory_space<hbm>> -> memref<40x128xf32, #tpu.memory_space<hbm>>
      tpu.enqueue_dma source(%dma_start3A_69 : memref<40x128xf32, #tpu.memory_space<hbm>>) target(%arg17 : memref<40x128xf32, #tpu.memory_space<vmem>>) target_semaphore(%arg24 : memref<!tpu.dma_semaphore, #tpu.memory_space<semaphore_mem>>)
      %dma_start3A_70 = arith.constant 0 : i32
      %dma_start3A_71 = tpu.memref_slice %arg4[%add3A_59, %dma_start3A_70] : memref<160000x128xf32, #tpu.memory_space<hbm>> -> memref<40x128xf32, #tpu.memory_space<hbm>>
      %dma_start3A_72 = arith.constant 0 : i32
      %dma_start3A_73 = tpu.memref_slice %arg4[%add3A_59, %dma_start3A_72] : memref<160000x128xf32, #tpu.memory_space<hbm>> -> memref<40x128xf32, #tpu.memory_space<hbm>>
      tpu.enqueue_dma source(%dma_start3A_73 : memref<40x128xf32, #tpu.memory_space<hbm>>) target(%arg18 : memref<40x128xf32, #tpu.memory_space<vmem>>) target_semaphore(%arg25 : memref<!tpu.dma_semaphore, #tpu.memory_space<semaphore_mem>>)
      %dma_wait3A_74 = arith.constant 0 : i32
      %dma_wait3A_75 = arith.constant 0 : i32
      %dma_wait3A_76 = tpu.memref_slice %arg2[%dma_wait3A_74, %dma_wait3A_75] : memref<10000x128xf32, #tpu.memory_space<hbm>> -> memref<10000x128xf32, #tpu.memory_space<hbm>>
      tpu.wait_indirect_dma semaphore(%arg20 : memref<!tpu.dma_semaphore, #tpu.memory_space<semaphore_mem>>) src(%dma_wait3A_76 : memref<10000x128xf32, #tpu.memory_space<hbm>>) dst(%arg11 : memref<40x128xf32, #tpu.memory_space<vmem>>)
      %dma_wait3A_77 = arith.constant 0 : i32
      %dma_wait3A_78 = arith.constant 0 : i32
      %dma_wait3A_79 = tpu.memref_slice %arg3[%dma_wait3A_77, %dma_wait3A_78] : memref<160000x128xf32, #tpu.memory_space<hbm>> -> memref<40x128xf32, #tpu.memory_space<hbm>>
      %dma_wait3A_80 = arith.constant 0 : i32
      %dma_wait3A_81 = arith.constant 0 : i32
      %dma_wait3A_82 = tpu.memref_slice %arg3[%dma_wait3A_80, %dma_wait3A_81] : memref<160000x128xf32, #tpu.memory_space<hbm>> -> memref<40x128xf32, #tpu.memory_space<hbm>>
      tpu.wait_dma2 semaphore(%arg21 : memref<!tpu.dma_semaphore, #tpu.memory_space<semaphore_mem>>) src(%dma_wait3A_82 : memref<40x128xf32, #tpu.memory_space<hbm>>) dst(%arg12 : memref<40x128xf32, #tpu.memory_space<vmem>>)
      %dma_wait3A_83 = arith.constant 0 : i32
      %dma_wait3A_84 = arith.constant 0 : i32
      %dma_wait3A_85 = tpu.memref_slice %arg4[%dma_wait3A_83, %dma_wait3A_84] : memref<160000x128xf32, #tpu.memory_space<hbm>> -> memref<40x128xf32, #tpu.memory_space<hbm>>
      %dma_wait3A_86 = arith.constant 0 : i32
      %dma_wait3A_87 = arith.constant 0 : i32
      %dma_wait3A_88 = tpu.memref_slice %arg4[%dma_wait3A_86, %dma_wait3A_87] : memref<160000x128xf32, #tpu.memory_space<hbm>> -> memref<40x128xf32, #tpu.memory_space<hbm>>
      tpu.wait_dma2 semaphore(%arg22 : memref<!tpu.dma_semaphore, #tpu.memory_space<semaphore_mem>>) src(%dma_wait3A_88 : memref<40x128xf32, #tpu.memory_space<hbm>>) dst(%arg13 : memref<40x128xf32, #tpu.memory_space<vmem>>)
      %parallel_loop3A_89 = arith.constant 0 : i32
      %parallel_loop3A_90 = arith.constant 40 : i32
      %parallel_loop3A_91 = arith.constant 1 : i32
      scf.for %parallel_loop3A_131 = %parallel_loop3A_89 to %parallel_loop3A_90 step %parallel_loop3A_91  : i32 {
        %parallel_loop3A_132 = arith.index_cast %parallel_loop3A_131 : i32 to index
        %parallel_loop3A_133 = arith.constant 0 : index
        %parallel_loop3A_134 = tpu.vector_load %arg11[%parallel_loop3A_132, %parallel_loop3A_133] {strides = array<i32>} : memref<40x128xf32, #tpu.memory_space<vmem>>, vector<1x16xf32>,
        %parallel_loop3A_135 = vector.shape_cast %parallel_loop3A_134 : vector<1x16xf32> to vector<1x16xf32>
        %parallel_loop3A_136 = arith.index_cast %parallel_loop3A_131 : i32 to index
        %parallel_loop3A_137 = arith.constant 0 : index
        %parallel_loop3A_138 = tpu.vector_load %arg12[%parallel_loop3A_136, %parallel_loop3A_137] {strides = array<i32>} : memref<40x128xf32, #tpu.memory_space<vmem>>, vector<1x16xf32>,
        %parallel_loop3A_139 = vector.shape_cast %parallel_loop3A_138 : vector<1x16xf32> to vector<1x16xf32>
        %parallel_loop3A_140 = arith.index_cast %parallel_loop3A_131 : i32 to index
        %parallel_loop3A_141 = arith.constant 0 : index
        %parallel_loop3A_142 = tpu.vector_load %arg13[%parallel_loop3A_140, %parallel_loop3A_141] {strides = array<i32>} : memref<40x128xf32, #tpu.memory_space<vmem>>, vector<1x16xf32>,
        %parallel_loop3A_143 = vector.shape_cast %parallel_loop3A_142 : vector<1x16xf32> to vector<1x16xf32>
        %parallel_loop3A_144 = arith.mulf %parallel_loop3A_139, %parallel_loop3A_135 : vector<1x16xf32>
        %parallel_loop3A_145 = arith.addf %parallel_loop3A_144, %parallel_loop3A_143 : vector<1x16xf32>
        %parallel_loop3A_146 = arith.constant 9.99999974E-6 : f32
        %parallel_loop3A_147 = vector.broadcast %parallel_loop3A_146 : f32 to vector<1x16xf32>
        %parallel_loop3A_148 = arith.maximumf %parallel_loop3A_145, %parallel_loop3A_147 : vector<1x16xf32>
        %parallel_loop3A_149 = arith.mulf %parallel_loop3A_148, %parallel_loop3A_148 : vector<1x16xf32>
        %parallel_loop3A_150 = arith.index_cast %parallel_loop3A_131 : i32 to index
        %parallel_loop3A_151 = arith.constant 0 : index
        %parallel_loop3A_152 = tpu.vector_load %arg11[%parallel_loop3A_150, %parallel_loop3A_151] {strides = array<i32>} : memref<40x128xf32, #tpu.memory_space<vmem>>, vector<1x16xf32>,
        %parallel_loop3A_153 = vector.shape_cast %parallel_loop3A_152 : vector<1x16xf32> to vector<1x16xf32>
        %parallel_loop3A_154 = vector.shape_cast %parallel_loop3A_149 : vector<1x16xf32> to vector<1x16xf32>
        tpu.vector_store %arg11[%parallel_loop3A_150, %parallel_loop3A_151], %parallel_loop3A_154 {strides = array<i32>} : memref<40x128xf32, #tpu.memory_space<vmem>>, vector<1x16xf32>,
        %parallel_loop3A_155 = arith.index_cast %parallel_loop3A_131 : i32 to index
        %parallel_loop3A_156 = arith.constant 16 : index
        %parallel_loop3A_157 = tpu.vector_load %arg11[%parallel_loop3A_155, %parallel_loop3A_156] {strides = array<i32>} : memref<40x128xf32, #tpu.memory_space<vmem>>, vector<1x16xf32>,
        %parallel_loop3A_158 = vector.shape_cast %parallel_loop3A_157 : vector<1x16xf32> to vector<1x16xf32>
        %parallel_loop3A_159 = arith.index_cast %parallel_loop3A_131 : i32 to index
        %parallel_loop3A_160 = arith.constant 16 : index
        %parallel_loop3A_161 = tpu.vector_load %arg12[%parallel_loop3A_159, %parallel_loop3A_160] {strides = array<i32>} : memref<40x128xf32, #tpu.memory_space<vmem>>, vector<1x16xf32>,
        %parallel_loop3A_162 = vector.shape_cast %parallel_loop3A_161 : vector<1x16xf32> to vector<1x16xf32>
        %parallel_loop3A_163 = arith.index_cast %parallel_loop3A_131 : i32 to index
        %parallel_loop3A_164 = arith.constant 16 : index
        %parallel_loop3A_165 = tpu.vector_load %arg13[%parallel_loop3A_163, %parallel_loop3A_164] {strides = array<i32>} : memref<40x128xf32, #tpu.memory_space<vmem>>, vector<1x16xf32>,
        %parallel_loop3A_166 = vector.shape_cast %parallel_loop3A_165 : vector<1x16xf32> to vector<1x16xf32>
        %parallel_loop3A_167 = arith.mulf %parallel_loop3A_162, %parallel_loop3A_158 : vector<1x16xf32>
        %parallel_loop3A_168 = arith.addf %parallel_loop3A_167, %parallel_loop3A_166 : vector<1x16xf32>
        %parallel_loop3A_169 = arith.constant 9.99999974E-6 : f32
        %parallel_loop3A_170 = vector.broadcast %parallel_loop3A_169 : f32 to vector<1x16xf32>
        %parallel_loop3A_171 = arith.maximumf %parallel_loop3A_168, %parallel_loop3A_170 : vector<1x16xf32>
        %parallel_loop3A_172 = arith.mulf %parallel_loop3A_171, %parallel_loop3A_171 : vector<1x16xf32>
        %parallel_loop3A_173 = arith.index_cast %parallel_loop3A_131 : i32 to index
        %parallel_loop3A_174 = arith.constant 16 : index
        %parallel_loop3A_175 = tpu.vector_load %arg11[%parallel_loop3A_173, %parallel_loop3A_174] {strides = array<i32>} : memref<40x128xf32, #tpu.memory_space<vmem>>, vector<1x16xf32>,
        %parallel_loop3A_176 = vector.shape_cast %parallel_loop3A_175 : vector<1x16xf32> to vector<1x16xf32>
        %parallel_loop3A_177 = vector.shape_cast %parallel_loop3A_172 : vector<1x16xf32> to vector<1x16xf32>
        tpu.vector_store %arg11[%parallel_loop3A_173, %parallel_loop3A_174], %parallel_loop3A_177 {strides = array<i32>} : memref<40x128xf32, #tpu.memory_space<vmem>>, vector<1x16xf32>,
        %parallel_loop3A_178 = arith.index_cast %parallel_loop3A_131 : i32 to index
        %parallel_loop3A_179 = arith.constant 32 : index
        %parallel_loop3A_180 = tpu.vector_load %arg11[%parallel_loop3A_178, %parallel_loop3A_179] {strides = array<i32>} : memref<40x128xf32, #tpu.memory_space<vmem>>, vector<1x16xf32>,
        %parallel_loop3A_181 = vector.shape_cast %parallel_loop3A_180 : vector<1x16xf32> to vector<1x16xf32>
        %parallel_loop3A_182 = arith.index_cast %parallel_loop3A_131 : i32 to index
        %parallel_loop3A_183 = arith.constant 32 : index
        %parallel_loop3A_184 = tpu.vector_load %arg12[%parallel_loop3A_182, %parallel_loop3A_183] {strides = array<i32>} : memref<40x128xf32, #tpu.memory_space<vmem>>, vector<1x16xf32>,
        %parallel_loop3A_185 = vector.shape_cast %parallel_loop3A_184 : vector<1x16xf32> to vector<1x16xf32>
        %parallel_loop3A_186 = arith.index_cast %parallel_loop3A_131 : i32 to index
        %parallel_loop3A_187 = arith.constant 32 : index
        %parallel_loop3A_188 = tpu.vector_load %arg13[%parallel_loop3A_186, %parallel_loop3A_187] {strides = array<i32>} : memref<40x128xf32, #tpu.memory_space<vmem>>, vector<1x16xf32>,
        %parallel_loop3A_189 = vector.shape_cast %parallel_loop3A_188 : vector<1x16xf32> to vector<1x16xf32>
        %parallel_loop3A_190 = arith.mulf %parallel_loop3A_185, %parallel_loop3A_181 : vector<1x16xf32>
        %parallel_loop3A_191 = arith.addf %parallel_loop3A_190, %parallel_loop3A_189 : vector<1x16xf32>
        %parallel_loop3A_192 = arith.constant 9.99999974E-6 : f32
        %parallel_loop3A_193 = vector.broadcast %parallel_loop3A_192 : f32 to vector<1x16xf32>
        %parallel_loop3A_194 = arith.maximumf %parallel_loop3A_191, %parallel_loop3A_193 : vector<1x16xf32>
        %parallel_loop3A_195 = arith.mulf %parallel_loop3A_194, %parallel_loop3A_194 : vector<1x16xf32>
        %parallel_loop3A_196 = arith.index_cast %parallel_loop3A_131 : i32 to index
        %parallel_loop3A_197 = arith.constant 32 : index
        %parallel_loop3A_198 = tpu.vector_load %arg11[%parallel_loop3A_196, %parallel_loop3A_197] {strides = array<i32>} : memref<40x128xf32, #tpu.memory_space<vmem>>, vector<1x16xf32>,
        %parallel_loop3A_199 = vector.shape_cast %parallel_loop3A_198 : vector<1x16xf32> to vector<1x16xf32>
        %parallel_loop3A_200 = vector.shape_cast %parallel_loop3A_195 : vector<1x16xf32> to vector<1x16xf32>
        tpu.vector_store %arg11[%parallel_loop3A_196, %parallel_loop3A_197], %parallel_loop3A_200 {strides = array<i32>} : memref<40x128xf32, #tpu.memory_space<vmem>>, vector<1x16xf32>,
        %parallel_loop3A_201 = arith.index_cast %parallel_loop3A_131 : i32 to index
        %parallel_loop3A_202 = arith.constant 48 : index
        %parallel_loop3A_203 = tpu.vector_load %arg11[%parallel_loop3A_201, %parallel_loop3A_202] {strides = array<i32>} : memref<40x128xf32, #tpu.memory_space<vmem>>, vector<1x16xf32>,
        %parallel_loop3A_204 = vector.shape_cast %parallel_loop3A_203 : vector<1x16xf32> to vector<1x16xf32>
        %parallel_loop3A_205 = arith.index_cast %parallel_loop3A_131 : i32 to index
        %parallel_loop3A_206 = arith.constant 48 : index
        %parallel_loop3A_207 = tpu.vector_load %arg12[%parallel_loop3A_205, %parallel_loop3A_206] {strides = array<i32>} : memref<40x128xf32, #tpu.memory_space<vmem>>, vector<1x16xf32>,
        %parallel_loop3A_208 = vector.shape_cast %parallel_loop3A_207 : vector<1x16xf32> to vector<1x16xf32>
        %parallel_loop3A_209 = arith.index_cast %parallel_loop3A_131 : i32 to index
        %parallel_loop3A_210 = arith.constant 48 : index
        %parallel_loop3A_211 = tpu.vector_load %arg13[%parallel_loop3A_209, %parallel_loop3A_210] {strides = array<i32>} : memref<40x128xf32, #tpu.memory_space<vmem>>, vector<1x16xf32>,
        %parallel_loop3A_212 = vector.shape_cast %parallel_loop3A_211 : vector<1x16xf32> to vector<1x16xf32>
        %parallel_loop3A_213 = arith.mulf %parallel_loop3A_208, %parallel_loop3A_204 : vector<1x16xf32>
        %parallel_loop3A_214 = arith.addf %parallel_loop3A_213, %parallel_loop3A_212 : vector<1x16xf32>
        %parallel_loop3A_215 = arith.constant 9.99999974E-6 : f32
        %parallel_loop3A_216 = vector.broadcast %parallel_loop3A_215 : f32 to vector<1x16xf32>
        %parallel_loop3A_217 = arith.maximumf %parallel_loop3A_214, %parallel_loop3A_216 : vector<1x16xf32>
        %parallel_loop3A_218 = arith.mulf %parallel_loop3A_217, %parallel_loop3A_217 : vector<1x16xf32>
        %parallel_loop3A_219 = arith.index_cast %parallel_loop3A_131 : i32 to index
        %parallel_loop3A_220 = arith.constant 48 : index
        %parallel_loop3A_221 = tpu.vector_load %arg11[%parallel_loop3A_219, %parallel_loop3A_220] {strides = array<i32>} : memref<40x128xf32, #tpu.memory_space<vmem>>, vector<1x16xf32>,
        %parallel_loop3A_222 = vector.shape_cast %parallel_loop3A_221 : vector<1x16xf32> to vector<1x16xf32>
        %parallel_loop3A_223 = vector.shape_cast %parallel_loop3A_218 : vector<1x16xf32> to vector<1x16xf32>
        tpu.vector_store %arg11[%parallel_loop3A_219, %parallel_loop3A_220], %parallel_loop3A_223 {strides = array<i32>} : memref<40x128xf32, #tpu.memory_space<vmem>>, vector<1x16xf32>,
        %parallel_loop3A_224 = arith.index_cast %parallel_loop3A_131 : i32 to index
        %parallel_loop3A_225 = arith.constant 64 : index
        %parallel_loop3A_226 = tpu.vector_load %arg11[%parallel_loop3A_224, %parallel_loop3A_225] {strides = array<i32>} : memref<40x128xf32, #tpu.memory_space<vmem>>, vector<1x16xf32>,
        %parallel_loop3A_227 = vector.shape_cast %parallel_loop3A_226 : vector<1x16xf32> to vector<1x16xf32>
        %parallel_loop3A_228 = arith.index_cast %parallel_loop3A_131 : i32 to index
        %parallel_loop3A_229 = arith.constant 64 : index
        %parallel_loop3A_230 = tpu.vector_load %arg12[%parallel_loop3A_228, %parallel_loop3A_229] {strides = array<i32>} : memref<40x128xf32, #tpu.memory_space<vmem>>, vector<1x16xf32>,
        %parallel_loop3A_231 = vector.shape_cast %parallel_loop3A_230 : vector<1x16xf32> to vector<1x16xf32>
        %parallel_loop3A_232 = arith.index_cast %parallel_loop3A_131 : i32 to index
        %parallel_loop3A_233 = arith.constant 64 : index
        %parallel_loop3A_234 = tpu.vector_load %arg13[%parallel_loop3A_232, %parallel_loop3A_233] {strides = array<i32>} : memref<40x128xf32, #tpu.memory_space<vmem>>, vector<1x16xf32>,
        %parallel_loop3A_235 = vector.shape_cast %parallel_loop3A_234 : vector<1x16xf32> to vector<1x16xf32>
        %parallel_loop3A_236 = arith.mulf %parallel_loop3A_231, %parallel_loop3A_227 : vector<1x16xf32>
        %parallel_loop3A_237 = arith.addf %parallel_loop3A_236, %parallel_loop3A_235 : vector<1x16xf32>
        %parallel_loop3A_238 = arith.constant 9.99999974E-6 : f32
        %parallel_loop3A_239 = vector.broadcast %parallel_loop3A_238 : f32 to vector<1x16xf32>
        %parallel_loop3A_240 = arith.maximumf %parallel_loop3A_237, %parallel_loop3A_239 : vector<1x16xf32>
        %parallel_loop3A_241 = arith.mulf %parallel_loop3A_240, %parallel_loop3A_240 : vector<1x16xf32>
        %parallel_loop3A_242 = arith.index_cast %parallel_loop3A_131 : i32 to index
        %parallel_loop3A_243 = arith.constant 64 : index
        %parallel_loop3A_244 = tpu.vector_load %arg11[%parallel_loop3A_242, %parallel_loop3A_243] {strides = array<i32>} : memref<40x128xf32, #tpu.memory_space<vmem>>, vector<1x16xf32>,
        %parallel_loop3A_245 = vector.shape_cast %parallel_loop3A_244 : vector<1x16xf32> to vector<1x16xf32>
        %parallel_loop3A_246 = vector.shape_cast %parallel_loop3A_241 : vector<1x16xf32> to vector<1x16xf32>
        tpu.vector_store %arg11[%parallel_loop3A_242, %parallel_loop3A_243], %parallel_loop3A_246 {strides = array<i32>} : memref<40x128xf32, #tpu.memory_space<vmem>>, vector<1x16xf32>,
        %parallel_loop3A_247 = arith.index_cast %parallel_loop3A_131 : i32 to index
        %parallel_loop3A_248 = arith.constant 80 : index
        %parallel_loop3A_249 = tpu.vector_load %arg11[%parallel_loop3A_247, %parallel_loop3A_248] {strides = array<i32>} : memref<40x128xf32, #tpu.memory_space<vmem>>, vector<1x16xf32>,
        %parallel_loop3A_250 = vector.shape_cast %parallel_loop3A_249 : vector<1x16xf32> to vector<1x16xf32>
        %parallel_loop3A_251 = arith.index_cast %parallel_loop3A_131 : i32 to index
        %parallel_loop3A_252 = arith.constant 80 : index
        %parallel_loop3A_253 = tpu.vector_load %arg12[%parallel_loop3A_251, %parallel_loop3A_252] {strides = array<i32>} : memref<40x128xf32, #tpu.memory_space<vmem>>, vector<1x16xf32>,
        %parallel_loop3A_254 = vector.shape_cast %parallel_loop3A_253 : vector<1x16xf32> to vector<1x16xf32>
        %parallel_loop3A_255 = arith.index_cast %parallel_loop3A_131 : i32 to index
        %parallel_loop3A_256 = arith.constant 80 : index
        %parallel_loop3A_257 = tpu.vector_load %arg13[%parallel_loop3A_255, %parallel_loop3A_256] {strides = array<i32>} : memref<40x128xf32, #tpu.memory_space<vmem>>, vector<1x16xf32>,
        %parallel_loop3A_258 = vector.shape_cast %parallel_loop3A_257 : vector<1x16xf32> to vector<1x16xf32>
        %parallel_loop3A_259 = arith.mulf %parallel_loop3A_254, %parallel_loop3A_250 : vector<1x16xf32>
        %parallel_loop3A_260 = arith.addf %parallel_loop3A_259, %parallel_loop3A_258 : vector<1x16xf32>
        %parallel_loop3A_261 = arith.constant 9.99999974E-6 : f32
        %parallel_loop3A_262 = vector.broadcast %parallel_loop3A_261 : f32 to vector<1x16xf32>
        %parallel_loop3A_263 = arith.maximumf %parallel_loop3A_260, %parallel_loop3A_262 : vector<1x16xf32>
        %parallel_loop3A_264 = arith.mulf %parallel_loop3A_263, %parallel_loop3A_263 : vector<1x16xf32>
        %parallel_loop3A_265 = arith.index_cast %parallel_loop3A_131 : i32 to index
        %parallel_loop3A_266 = arith.constant 80 : index
        %parallel_loop3A_267 = tpu.vector_load %arg11[%parallel_loop3A_265, %parallel_loop3A_266] {strides = array<i32>} : memref<40x128xf32, #tpu.memory_space<vmem>>, vector<1x16xf32>,
        %parallel_loop3A_268 = vector.shape_cast %parallel_loop3A_267 : vector<1x16xf32> to vector<1x16xf32>
        %parallel_loop3A_269 = vector.shape_cast %parallel_loop3A_264 : vector<1x16xf32> to vector<1x16xf32>
        tpu.vector_store %arg11[%parallel_loop3A_265, %parallel_loop3A_266], %parallel_loop3A_269 {strides = array<i32>} : memref<40x128xf32, #tpu.memory_space<vmem>>, vector<1x16xf32>,
        %parallel_loop3A_270 = arith.index_cast %parallel_loop3A_131 : i32 to index
        %parallel_loop3A_271 = arith.constant 96 : index
        %parallel_loop3A_272 = tpu.vector_load %arg11[%parallel_loop3A_270, %parallel_loop3A_271] {strides = array<i32>} : memref<40x128xf32, #tpu.memory_space<vmem>>, vector<1x16xf32>,
        %parallel_loop3A_273 = vector.shape_cast %parallel_loop3A_272 : vector<1x16xf32> to vector<1x16xf32>
        %parallel_loop3A_274 = arith.index_cast %parallel_loop3A_131 : i32 to index
        %parallel_loop3A_275 = arith.constant 96 : index
        %parallel_loop3A_276 = tpu.vector_load %arg12[%parallel_loop3A_274, %parallel_loop3A_275] {strides = array<i32>} : memref<40x128xf32, #tpu.memory_space<vmem>>, vector<1x16xf32>,
        %parallel_loop3A_277 = vector.shape_cast %parallel_loop3A_276 : vector<1x16xf32> to vector<1x16xf32>
        %parallel_loop3A_278 = arith.index_cast %parallel_loop3A_131 : i32 to index
        %parallel_loop3A_279 = arith.constant 96 : index
        %parallel_loop3A_280 = tpu.vector_load %arg13[%parallel_loop3A_278, %parallel_loop3A_279] {strides = array<i32>} : memref<40x128xf32, #tpu.memory_space<vmem>>, vector<1x16xf32>,
        %parallel_loop3A_281 = vector.shape_cast %parallel_loop3A_280 : vector<1x16xf32> to vector<1x16xf32>
        %parallel_loop3A_282 = arith.mulf %parallel_loop3A_277, %parallel_loop3A_273 : vector<1x16xf32>
        %parallel_loop3A_283 = arith.addf %parallel_loop3A_282, %parallel_loop3A_281 : vector<1x16xf32>
        %parallel_loop3A_284 = arith.constant 9.99999974E-6 : f32
        %parallel_loop3A_285 = vector.broadcast %parallel_loop3A_284 : f32 to vector<1x16xf32>
        %parallel_loop3A_286 = arith.maximumf %parallel_loop3A_283, %parallel_loop3A_285 : vector<1x16xf32>
        %parallel_loop3A_287 = arith.mulf %parallel_loop3A_286, %parallel_loop3A_286 : vector<1x16xf32>
        %parallel_loop3A_288 = arith.index_cast %parallel_loop3A_131 : i32 to index
        %parallel_loop3A_289 = arith.constant 96 : index
        %parallel_loop3A_290 = tpu.vector_load %arg11[%parallel_loop3A_288, %parallel_loop3A_289] {strides = array<i32>} : memref<40x128xf32, #tpu.memory_space<vmem>>, vector<1x16xf32>,
        %parallel_loop3A_291 = vector.shape_cast %parallel_loop3A_290 : vector<1x16xf32> to vector<1x16xf32>
        %parallel_loop3A_292 = vector.shape_cast %parallel_loop3A_287 : vector<1x16xf32> to vector<1x16xf32>
        tpu.vector_store %arg11[%parallel_loop3A_288, %parallel_loop3A_289], %parallel_loop3A_292 {strides = array<i32>} : memref<40x128xf32, #tpu.memory_space<vmem>>, vector<1x16xf32>,
        %parallel_loop3A_293 = arith.index_cast %parallel_loop3A_131 : i32 to index
        %parallel_loop3A_294 = arith.constant 112 : index
        %parallel_loop3A_295 = tpu.vector_load %arg11[%parallel_loop3A_293, %parallel_loop3A_294] {strides = array<i32>} : memref<40x128xf32, #tpu.memory_space<vmem>>, vector<1x16xf32>,
        %parallel_loop3A_296 = vector.shape_cast %parallel_loop3A_295 : vector<1x16xf32> to vector<1x16xf32>
        %parallel_loop3A_297 = arith.index_cast %parallel_loop3A_131 : i32 to index
        %parallel_loop3A_298 = arith.constant 112 : index
        %parallel_loop3A_299 = tpu.vector_load %arg12[%parallel_loop3A_297, %parallel_loop3A_298] {strides = array<i32>} : memref<40x128xf32, #tpu.memory_space<vmem>>, vector<1x16xf32>,
        %parallel_loop3A_300 = vector.shape_cast %parallel_loop3A_299 : vector<1x16xf32> to vector<1x16xf32>
        %parallel_loop3A_301 = arith.index_cast %parallel_loop3A_131 : i32 to index
        %parallel_loop3A_302 = arith.constant 112 : index
        %parallel_loop3A_303 = tpu.vector_load %arg13[%parallel_loop3A_301, %parallel_loop3A_302] {strides = array<i32>} : memref<40x128xf32, #tpu.memory_space<vmem>>, vector<1x16xf32>,
        %parallel_loop3A_304 = vector.shape_cast %parallel_loop3A_303 : vector<1x16xf32> to vector<1x16xf32>
        %parallel_loop3A_305 = arith.mulf %parallel_loop3A_300, %parallel_loop3A_296 : vector<1x16xf32>
        %parallel_loop3A_306 = arith.addf %parallel_loop3A_305, %parallel_loop3A_304 : vector<1x16xf32>
        %parallel_loop3A_307 = arith.constant 9.99999974E-6 : f32
        %parallel_loop3A_308 = vector.broadcast %parallel_loop3A_307 : f32 to vector<1x16xf32>
        %parallel_loop3A_309 = arith.maximumf %parallel_loop3A_306, %parallel_loop3A_308 : vector<1x16xf32>
        %parallel_loop3A_310 = arith.mulf %parallel_loop3A_309, %parallel_loop3A_309 : vector<1x16xf32>
        %parallel_loop3A_311 = arith.index_cast %parallel_loop3A_131 : i32 to index
        %parallel_loop3A_312 = arith.constant 112 : index
        %parallel_loop3A_313 = tpu.vector_load %arg11[%parallel_loop3A_311, %parallel_loop3A_312] {strides = array<i32>} : memref<40x128xf32, #tpu.memory_space<vmem>>, vector<1x16xf32>,
        %parallel_loop3A_314 = vector.shape_cast %parallel_loop3A_313 : vector<1x16xf32> to vector<1x16xf32>
        %parallel_loop3A_315 = vector.shape_cast %parallel_loop3A_310 : vector<1x16xf32> to vector<1x16xf32>
        tpu.vector_store %arg11[%parallel_loop3A_311, %parallel_loop3A_312], %parallel_loop3A_315 {strides = array<i32>} : memref<40x128xf32, #tpu.memory_space<vmem>>, vector<1x16xf32>,
      } {sc.loop_unroll_factor = 4 : i64, sc.parallel_access}
      "tpu.region"() ({
        %run_scoped3A = tpu.sem_alloc : memref<!tpu.dma_semaphore, #tpu.memory_space<semaphore_mem>>
        %dma_start3A_131 = arith.constant 0 : i32
        %dma_start3A_132 = arith.constant 0 : i32
        %dma_start3A_133 = tpu.memref_slice %arg19[%dma_start3A_131, %dma_start3A_132] : memref<10240x128xf32, #tpu.memory_space<vmem_shared>> -> memref<10240x128xf32, #tpu.memory_space<vmem_shared>>
        tpu.enqueue_indirect_dma source(%arg11 : memref<40x128xf32, #tpu.memory_space<vmem>>) target(%dma_start3A_133 : memref<10240x128xf32, #tpu.memory_space<vmem_shared>>) offsets(%arg10 : memref<40xi32, #tpu.memory_space<vmem>>) semaphore(%run_scoped3A : memref<!tpu.dma_semaphore, #tpu.memory_space<semaphore_mem>>) {add = true}
        %dma_wait3A_134 = arith.constant 0 : i32
        %dma_wait3A_135 = arith.constant 0 : i32
        %dma_wait3A_136 = tpu.memref_slice %arg19[%dma_wait3A_134, %dma_wait3A_135] : memref<10240x128xf32, #tpu.memory_space<vmem_shared>> -> memref<10240x128xf32, #tpu.memory_space<vmem_shared>>
        tpu.wait_indirect_dma semaphore(%run_scoped3A : memref<!tpu.dma_semaphore, #tpu.memory_space<semaphore_mem>>) src(%arg11 : memref<40x128xf32, #tpu.memory_space<vmem>>) dst(%dma_wait3A_136 : memref<10240x128xf32, #tpu.memory_space<vmem_shared>>)
        tpu.yield
      }) : () -> ()
      %mul3A_92 = arith.constant 2 : i32
      %mul3A_93 = arith.muli %mul3A_92, %add3A_52 : i32
      %add3A_94 = arith.constant 2 : i32
      %add3A_95 = arith.addi %mul3A_93, %add3A_94 : i32
      %mul3A_96 = arith.constant 40 : i32
      %mul3A_97 = arith.muli %add3A_95, %mul3A_96 : i32
      %add3A_98 = arith.addi %mul3A_7, %mul3A_97 : i32
      %mul3A_99 = arith.constant 40 : i32
      %mul3A_100 = arith.muli %add3A_95, %mul3A_99 : i32
      %add3A_101 = arith.addi %add3A_9, %mul3A_100 : i32
      "tpu.region"() ({
        %run_scoped3A = tpu.sem_alloc : memref<!tpu.dma_semaphore, #tpu.memory_space<semaphore_mem>>
        %dma_start3A_131 = tpu.memref_slice %arg5[%add3A_101] : memref<320000xi32, #tpu.memory_space<hbm>> -> memref<40xi32, #tpu.memory_space<hbm>>
        %dma_start3A_132 = tpu.memref_slice %arg5[%add3A_101] : memref<320000xi32, #tpu.memory_space<hbm>> -> memref<40xi32, #tpu.memory_space<hbm>>
        tpu.enqueue_dma source(%dma_start3A_132 : memref<40xi32, #tpu.memory_space<hbm>>) target(%arg9 : memref<40xi32, #tpu.memory_space<vmem>>) target_semaphore(%run_scoped3A : memref<!tpu.dma_semaphore, #tpu.memory_space<semaphore_mem>>)
        %dma_wait3A_133 = tpu.memref_slice %arg5[%add3A_101] : memref<320000xi32, #tpu.memory_space<hbm>> -> memref<40xi32, #tpu.memory_space<hbm>>
        %dma_wait3A_134 = tpu.memref_slice %arg5[%add3A_101] : memref<320000xi32, #tpu.memory_space<hbm>> -> memref<40xi32, #tpu.memory_space<hbm>>
        tpu.wait_dma2 semaphore(%run_scoped3A : memref<!tpu.dma_semaphore, #tpu.memory_space<semaphore_mem>>) src(%dma_wait3A_134 : memref<40xi32, #tpu.memory_space<hbm>>) dst(%arg9 : memref<40xi32, #tpu.memory_space<vmem>>)
        tpu.yield
      }) : () -> ()
      "tpu.region"() ({
        %run_scoped3A = tpu.sem_alloc : memref<!tpu.dma_semaphore, #tpu.memory_space<semaphore_mem>>
        %dma_start3A_131 = tpu.memref_slice %arg6[%add3A_101] : memref<320000xi32, #tpu.memory_space<hbm>> -> memref<40xi32, #tpu.memory_space<hbm>>
        %dma_start3A_132 = tpu.memref_slice %arg6[%add3A_101] : memref<320000xi32, #tpu.memory_space<hbm>> -> memref<40xi32, #tpu.memory_space<hbm>>
        tpu.enqueue_dma source(%dma_start3A_132 : memref<40xi32, #tpu.memory_space<hbm>>) target(%arg10 : memref<40xi32, #tpu.memory_space<vmem>>) target_semaphore(%run_scoped3A : memref<!tpu.dma_semaphore, #tpu.memory_space<semaphore_mem>>)
        %dma_wait3A_133 = tpu.memref_slice %arg6[%add3A_101] : memref<320000xi32, #tpu.memory_space<hbm>> -> memref<40xi32, #tpu.memory_space<hbm>>
        %dma_wait3A_134 = tpu.memref_slice %arg6[%add3A_101] : memref<320000xi32, #tpu.memory_space<hbm>> -> memref<40xi32, #tpu.memory_space<hbm>>
        tpu.wait_dma2 semaphore(%run_scoped3A : memref<!tpu.dma_semaphore, #tpu.memory_space<semaphore_mem>>) src(%dma_wait3A_134 : memref<40xi32, #tpu.memory_space<hbm>>) dst(%arg10 : memref<40xi32, #tpu.memory_space<vmem>>)
        tpu.yield
      }) : () -> ()
      %dma_start3A_102 = arith.constant 0 : i32
      %dma_start3A_103 = arith.constant 0 : i32
      %dma_start3A_104 = tpu.memref_slice %arg2[%dma_start3A_102, %dma_start3A_103] : memref<10000x128xf32, #tpu.memory_space<hbm>> -> memref<10000x128xf32, #tpu.memory_space<hbm>>
      tpu.enqueue_indirect_dma source(%dma_start3A_104 : memref<10000x128xf32, #tpu.memory_space<hbm>>) target(%arg11 : memref<40x128xf32, #tpu.memory_space<vmem>>) offsets(%arg9 : memref<40xi32, #tpu.memory_space<vmem>>) semaphore(%arg20 : memref<!tpu.dma_semaphore, #tpu.memory_space<semaphore_mem>>)
      %dma_start3A_105 = arith.constant 0 : i32
      %dma_start3A_106 = tpu.memref_slice %arg3[%add3A_98, %dma_start3A_105] : memref<160000x128xf32, #tpu.memory_space<hbm>> -> memref<40x128xf32, #tpu.memory_space<hbm>>
      %dma_start3A_107 = arith.constant 0 : i32
      %dma_start3A_108 = tpu.memref_slice %arg3[%add3A_98, %dma_start3A_107] : memref<160000x128xf32, #tpu.memory_space<hbm>> -> memref<40x128xf32, #tpu.memory_space<hbm>>
      tpu.enqueue_dma source(%dma_start3A_108 : memref<40x128xf32, #tpu.memory_space<hbm>>) target(%arg12 : memref<40x128xf32, #tpu.memory_space<vmem>>) target_semaphore(%arg21 : memref<!tpu.dma_semaphore, #tpu.memory_space<semaphore_mem>>)
      %dma_start3A_109 = arith.constant 0 : i32
      %dma_start3A_110 = tpu.memref_slice %arg4[%add3A_98, %dma_start3A_109] : memref<160000x128xf32, #tpu.memory_space<hbm>> -> memref<40x128xf32, #tpu.memory_space<hbm>>
      %dma_start3A_111 = arith.constant 0 : i32
      %dma_start3A_112 = tpu.memref_slice %arg4[%add3A_98, %dma_start3A_111] : memref<160000x128xf32, #tpu.memory_space<hbm>> -> memref<40x128xf32, #tpu.memory_space<hbm>>
      tpu.enqueue_dma source(%dma_start3A_112 : memref<40x128xf32, #tpu.memory_space<hbm>>) target(%arg13 : memref<40x128xf32, #tpu.memory_space<vmem>>) target_semaphore(%arg22 : memref<!tpu.dma_semaphore, #tpu.memory_space<semaphore_mem>>)
      %dma_wait3A_113 = arith.constant 0 : i32
      %dma_wait3A_114 = arith.constant 0 : i32
      %dma_wait3A_115 = tpu.memref_slice %arg2[%dma_wait3A_113, %dma_wait3A_114] : memref<10000x128xf32, #tpu.memory_space<hbm>> -> memref<10000x128xf32, #tpu.memory_space<hbm>>
      tpu.wait_indirect_dma semaphore(%arg23 : memref<!tpu.dma_semaphore, #tpu.memory_space<semaphore_mem>>) src(%dma_wait3A_115 : memref<10000x128xf32, #tpu.memory_space<hbm>>) dst(%arg16 : memref<40x128xf32, #tpu.memory_space<vmem>>)
      %dma_wait3A_116 = arith.constant 0 : i32
      %dma_wait3A_117 = arith.constant 0 : i32
      %dma_wait3A_118 = tpu.memref_slice %arg3[%dma_wait3A_116, %dma_wait3A_117] : memref<160000x128xf32, #tpu.memory_space<hbm>> -> memref<40x128xf32, #tpu.memory_space<hbm>>
      %dma_wait3A_119 = arith.constant 0 : i32
      %dma_wait3A_120 = arith.constant 0 : i32
      %dma_wait3A_121 = tpu.memref_slice %arg3[%dma_wait3A_119, %dma_wait3A_120] : memref<160000x128xf32, #tpu.memory_space<hbm>> -> memref<40x128xf32, #tpu.memory_space<hbm>>
      tpu.wait_dma2 semaphore(%arg24 : memref<!tpu.dma_semaphore, #tpu.memory_space<semaphore_mem>>) src(%dma_wait3A_121 : memref<40x128xf32, #tpu.memory_space<hbm>>) dst(%arg17 : memref<40x128xf32, #tpu.memory_space<vmem>>)
      %dma_wait3A_122 = arith.constant 0 : i32
      %dma_wait3A_123 = arith.constant 0 : i32
      %dma_wait3A_124 = tpu.memref_slice %arg4[%dma_wait3A_122, %dma_wait3A_123] : memref<160000x128xf32, #tpu.memory_space<hbm>> -> memref<40x128xf32, #tpu.memory_space<hbm>>
      %dma_wait3A_125 = arith.constant 0 : i32
      %dma_wait3A_126 = arith.constant 0 : i32
      %dma_wait3A_127 = tpu.memref_slice %arg4[%dma_wait3A_125, %dma_wait3A_126] : memref<160000x128xf32, #tpu.memory_space<hbm>> -> memref<40x128xf32, #tpu.memory_space<hbm>>
      tpu.wait_dma2 semaphore(%arg25 : memref<!tpu.dma_semaphore, #tpu.memory_space<semaphore_mem>>) src(%dma_wait3A_127 : memref<40x128xf32, #tpu.memory_space<hbm>>) dst(%arg18 : memref<40x128xf32, #tpu.memory_space<vmem>>)
      %parallel_loop3A_128 = arith.constant 0 : i32
      %parallel_loop3A_129 = arith.constant 40 : i32
      %parallel_loop3A_130 = arith.constant 1 : i32
      scf.for %parallel_loop3A_131 = %parallel_loop3A_128 to %parallel_loop3A_129 step %parallel_loop3A_130  : i32 {
        %parallel_loop3A_132 = arith.index_cast %parallel_loop3A_131 : i32 to index
        %parallel_loop3A_133 = arith.constant 0 : index
        %parallel_loop3A_134 = tpu.vector_load %arg16[%parallel_loop3A_132, %parallel_loop3A_133] {strides = array<i32>} : memref<40x128xf32, #tpu.memory_space<vmem>>, vector<1x16xf32>,
        %parallel_loop3A_135 = vector.shape_cast %parallel_loop3A_134 : vector<1x16xf32> to vector<1x16xf32>
        %parallel_loop3A_136 = arith.index_cast %parallel_loop3A_131 : i32 to index
        %parallel_loop3A_137 = arith.constant 0 : index
        %parallel_loop3A_138 = tpu.vector_load %arg17[%parallel_loop3A_136, %parallel_loop3A_137] {strides = array<i32>} : memref<40x128xf32, #tpu.memory_space<vmem>>, vector<1x16xf32>,
        %parallel_loop3A_139 = vector.shape_cast %parallel_loop3A_138 : vector<1x16xf32> to vector<1x16xf32>
        %parallel_loop3A_140 = arith.index_cast %parallel_loop3A_131 : i32 to index
        %parallel_loop3A_141 = arith.constant 0 : index
        %parallel_loop3A_142 = tpu.vector_load %arg18[%parallel_loop3A_140, %parallel_loop3A_141] {strides = array<i32>} : memref<40x128xf32, #tpu.memory_space<vmem>>, vector<1x16xf32>,
        %parallel_loop3A_143 = vector.shape_cast %parallel_loop3A_142 : vector<1x16xf32> to vector<1x16xf32>
        %parallel_loop3A_144 = arith.mulf %parallel_loop3A_139, %parallel_loop3A_135 : vector<1x16xf32>
        %parallel_loop3A_145 = arith.addf %parallel_loop3A_144, %parallel_loop3A_143 : vector<1x16xf32>
        %parallel_loop3A_146 = arith.constant 9.99999974E-6 : f32
        %parallel_loop3A_147 = vector.broadcast %parallel_loop3A_146 : f32 to vector<1x16xf32>
        %parallel_loop3A_148 = arith.maximumf %parallel_loop3A_145, %parallel_loop3A_147 : vector<1x16xf32>
        %parallel_loop3A_149 = arith.mulf %parallel_loop3A_148, %parallel_loop3A_148 : vector<1x16xf32>
        %parallel_loop3A_150 = arith.index_cast %parallel_loop3A_131 : i32 to index
        %parallel_loop3A_151 = arith.constant 0 : index
        %parallel_loop3A_152 = tpu.vector_load %arg16[%parallel_loop3A_150, %parallel_loop3A_151] {strides = array<i32>} : memref<40x128xf32, #tpu.memory_space<vmem>>, vector<1x16xf32>,
        %parallel_loop3A_153 = vector.shape_cast %parallel_loop3A_152 : vector<1x16xf32> to vector<1x16xf32>
        %parallel_loop3A_154 = vector.shape_cast %parallel_loop3A_149 : vector<1x16xf32> to vector<1x16xf32>
        tpu.vector_store %arg16[%parallel_loop3A_150, %parallel_loop3A_151], %parallel_loop3A_154 {strides = array<i32>} : memref<40x128xf32, #tpu.memory_space<vmem>>, vector<1x16xf32>,
        %parallel_loop3A_155 = arith.index_cast %parallel_loop3A_131 : i32 to index
        %parallel_loop3A_156 = arith.constant 16 : index
        %parallel_loop3A_157 = tpu.vector_load %arg16[%parallel_loop3A_155, %parallel_loop3A_156] {strides = array<i32>} : memref<40x128xf32, #tpu.memory_space<vmem>>, vector<1x16xf32>,
        %parallel_loop3A_158 = vector.shape_cast %parallel_loop3A_157 : vector<1x16xf32> to vector<1x16xf32>
        %parallel_loop3A_159 = arith.index_cast %parallel_loop3A_131 : i32 to index
        %parallel_loop3A_160 = arith.constant 16 : index
        %parallel_loop3A_161 = tpu.vector_load %arg17[%parallel_loop3A_159, %parallel_loop3A_160] {strides = array<i32>} : memref<40x128xf32, #tpu.memory_space<vmem>>, vector<1x16xf32>,
        %parallel_loop3A_162 = vector.shape_cast %parallel_loop3A_161 : vector<1x16xf32> to vector<1x16xf32>
        %parallel_loop3A_163 = arith.index_cast %parallel_loop3A_131 : i32 to index
        %parallel_loop3A_164 = arith.constant 16 : index
        %parallel_loop3A_165 = tpu.vector_load %arg18[%parallel_loop3A_163, %parallel_loop3A_164] {strides = array<i32>} : memref<40x128xf32, #tpu.memory_space<vmem>>, vector<1x16xf32>,
        %parallel_loop3A_166 = vector.shape_cast %parallel_loop3A_165 : vector<1x16xf32> to vector<1x16xf32>
        %parallel_loop3A_167 = arith.mulf %parallel_loop3A_162, %parallel_loop3A_158 : vector<1x16xf32>
        %parallel_loop3A_168 = arith.addf %parallel_loop3A_167, %parallel_loop3A_166 : vector<1x16xf32>
        %parallel_loop3A_169 = arith.constant 9.99999974E-6 : f32
        %parallel_loop3A_170 = vector.broadcast %parallel_loop3A_169 : f32 to vector<1x16xf32>
        %parallel_loop3A_171 = arith.maximumf %parallel_loop3A_168, %parallel_loop3A_170 : vector<1x16xf32>
        %parallel_loop3A_172 = arith.mulf %parallel_loop3A_171, %parallel_loop3A_171 : vector<1x16xf32>
        %parallel_loop3A_173 = arith.index_cast %parallel_loop3A_131 : i32 to index
        %parallel_loop3A_174 = arith.constant 16 : index
        %parallel_loop3A_175 = tpu.vector_load %arg16[%parallel_loop3A_173, %parallel_loop3A_174] {strides = array<i32>} : memref<40x128xf32, #tpu.memory_space<vmem>>, vector<1x16xf32>,
        %parallel_loop3A_176 = vector.shape_cast %parallel_loop3A_175 : vector<1x16xf32> to vector<1x16xf32>
        %parallel_loop3A_177 = vector.shape_cast %parallel_loop3A_172 : vector<1x16xf32> to vector<1x16xf32>
        tpu.vector_store %arg16[%parallel_loop3A_173, %parallel_loop3A_174], %parallel_loop3A_177 {strides = array<i32>} : memref<40x128xf32, #tpu.memory_space<vmem>>, vector<1x16xf32>,
        %parallel_loop3A_178 = arith.index_cast %parallel_loop3A_131 : i32 to index
        %parallel_loop3A_179 = arith.constant 32 : index
        %parallel_loop3A_180 = tpu.vector_load %arg16[%parallel_loop3A_178, %parallel_loop3A_179] {strides = array<i32>} : memref<40x128xf32, #tpu.memory_space<vmem>>, vector<1x16xf32>,
        %parallel_loop3A_181 = vector.shape_cast %parallel_loop3A_180 : vector<1x16xf32> to vector<1x16xf32>
        %parallel_loop3A_182 = arith.index_cast %parallel_loop3A_131 : i32 to index
        %parallel_loop3A_183 = arith.constant 32 : index
        %parallel_loop3A_184 = tpu.vector_load %arg17[%parallel_loop3A_182, %parallel_loop3A_183] {strides = array<i32>} : memref<40x128xf32, #tpu.memory_space<vmem>>, vector<1x16xf32>,
        %parallel_loop3A_185 = vector.shape_cast %parallel_loop3A_184 : vector<1x16xf32> to vector<1x16xf32>
        %parallel_loop3A_186 = arith.index_cast %parallel_loop3A_131 : i32 to index
        %parallel_loop3A_187 = arith.constant 32 : index
        %parallel_loop3A_188 = tpu.vector_load %arg18[%parallel_loop3A_186, %parallel_loop3A_187] {strides = array<i32>} : memref<40x128xf32, #tpu.memory_space<vmem>>, vector<1x16xf32>,
        %parallel_loop3A_189 = vector.shape_cast %parallel_loop3A_188 : vector<1x16xf32> to vector<1x16xf32>
        %parallel_loop3A_190 = arith.mulf %parallel_loop3A_185, %parallel_loop3A_181 : vector<1x16xf32>
        %parallel_loop3A_191 = arith.addf %parallel_loop3A_190, %parallel_loop3A_189 : vector<1x16xf32>
        %parallel_loop3A_192 = arith.constant 9.99999974E-6 : f32
        %parallel_loop3A_193 = vector.broadcast %parallel_loop3A_192 : f32 to vector<1x16xf32>
        %parallel_loop3A_194 = arith.maximumf %parallel_loop3A_191, %parallel_loop3A_193 : vector<1x16xf32>
        %parallel_loop3A_195 = arith.mulf %parallel_loop3A_194, %parallel_loop3A_194 : vector<1x16xf32>
        %parallel_loop3A_196 = arith.index_cast %parallel_loop3A_131 : i32 to index
        %parallel_loop3A_197 = arith.constant 32 : index
        %parallel_loop3A_198 = tpu.vector_load %arg16[%parallel_loop3A_196, %parallel_loop3A_197] {strides = array<i32>} : memref<40x128xf32, #tpu.memory_space<vmem>>, vector<1x16xf32>,
        %parallel_loop3A_199 = vector.shape_cast %parallel_loop3A_198 : vector<1x16xf32> to vector<1x16xf32>
        %parallel_loop3A_200 = vector.shape_cast %parallel_loop3A_195 : vector<1x16xf32> to vector<1x16xf32>
        tpu.vector_store %arg16[%parallel_loop3A_196, %parallel_loop3A_197], %parallel_loop3A_200 {strides = array<i32>} : memref<40x128xf32, #tpu.memory_space<vmem>>, vector<1x16xf32>,
        %parallel_loop3A_201 = arith.index_cast %parallel_loop3A_131 : i32 to index
        %parallel_loop3A_202 = arith.constant 48 : index
        %parallel_loop3A_203 = tpu.vector_load %arg16[%parallel_loop3A_201, %parallel_loop3A_202] {strides = array<i32>} : memref<40x128xf32, #tpu.memory_space<vmem>>, vector<1x16xf32>,
        %parallel_loop3A_204 = vector.shape_cast %parallel_loop3A_203 : vector<1x16xf32> to vector<1x16xf32>
        %parallel_loop3A_205 = arith.index_cast %parallel_loop3A_131 : i32 to index
        %parallel_loop3A_206 = arith.constant 48 : index
        %parallel_loop3A_207 = tpu.vector_load %arg17[%parallel_loop3A_205, %parallel_loop3A_206] {strides = array<i32>} : memref<40x128xf32, #tpu.memory_space<vmem>>, vector<1x16xf32>,
        %parallel_loop3A_208 = vector.shape_cast %parallel_loop3A_207 : vector<1x16xf32> to vector<1x16xf32>
        %parallel_loop3A_209 = arith.index_cast %parallel_loop3A_131 : i32 to index
        %parallel_loop3A_210 = arith.constant 48 : index
        %parallel_loop3A_211 = tpu.vector_load %arg18[%parallel_loop3A_209, %parallel_loop3A_210] {strides = array<i32>} : memref<40x128xf32, #tpu.memory_space<vmem>>, vector<1x16xf32>,
        %parallel_loop3A_212 = vector.shape_cast %parallel_loop3A_211 : vector<1x16xf32> to vector<1x16xf32>
        %parallel_loop3A_213 = arith.mulf %parallel_loop3A_208, %parallel_loop3A_204 : vector<1x16xf32>
        %parallel_loop3A_214 = arith.addf %parallel_loop3A_213, %parallel_loop3A_212 : vector<1x16xf32>
        %parallel_loop3A_215 = arith.constant 9.99999974E-6 : f32
        %parallel_loop3A_216 = vector.broadcast %parallel_loop3A_215 : f32 to vector<1x16xf32>
        %parallel_loop3A_217 = arith.maximumf %parallel_loop3A_214, %parallel_loop3A_216 : vector<1x16xf32>
        %parallel_loop3A_218 = arith.mulf %parallel_loop3A_217, %parallel_loop3A_217 : vector<1x16xf32>
        %parallel_loop3A_219 = arith.index_cast %parallel_loop3A_131 : i32 to index
        %parallel_loop3A_220 = arith.constant 48 : index
        %parallel_loop3A_221 = tpu.vector_load %arg16[%parallel_loop3A_219, %parallel_loop3A_220] {strides = array<i32>} : memref<40x128xf32, #tpu.memory_space<vmem>>, vector<1x16xf32>,
        %parallel_loop3A_222 = vector.shape_cast %parallel_loop3A_221 : vector<1x16xf32> to vector<1x16xf32>
        %parallel_loop3A_223 = vector.shape_cast %parallel_loop3A_218 : vector<1x16xf32> to vector<1x16xf32>
        tpu.vector_store %arg16[%parallel_loop3A_219, %parallel_loop3A_220], %parallel_loop3A_223 {strides = array<i32>} : memref<40x128xf32, #tpu.memory_space<vmem>>, vector<1x16xf32>,
        %parallel_loop3A_224 = arith.index_cast %parallel_loop3A_131 : i32 to index
        %parallel_loop3A_225 = arith.constant 64 : index
        %parallel_loop3A_226 = tpu.vector_load %arg16[%parallel_loop3A_224, %parallel_loop3A_225] {strides = array<i32>} : memref<40x128xf32, #tpu.memory_space<vmem>>, vector<1x16xf32>,
        %parallel_loop3A_227 = vector.shape_cast %parallel_loop3A_226 : vector<1x16xf32> to vector<1x16xf32>
        %parallel_loop3A_228 = arith.index_cast %parallel_loop3A_131 : i32 to index
        %parallel_loop3A_229 = arith.constant 64 : index
        %parallel_loop3A_230 = tpu.vector_load %arg17[%parallel_loop3A_228, %parallel_loop3A_229] {strides = array<i32>} : memref<40x128xf32, #tpu.memory_space<vmem>>, vector<1x16xf32>,
        %parallel_loop3A_231 = vector.shape_cast %parallel_loop3A_230 : vector<1x16xf32> to vector<1x16xf32>
        %parallel_loop3A_232 = arith.index_cast %parallel_loop3A_131 : i32 to index
        %parallel_loop3A_233 = arith.constant 64 : index
        %parallel_loop3A_234 = tpu.vector_load %arg18[%parallel_loop3A_232, %parallel_loop3A_233] {strides = array<i32>} : memref<40x128xf32, #tpu.memory_space<vmem>>, vector<1x16xf32>,
        %parallel_loop3A_235 = vector.shape_cast %parallel_loop3A_234 : vector<1x16xf32> to vector<1x16xf32>
        %parallel_loop3A_236 = arith.mulf %parallel_loop3A_231, %parallel_loop3A_227 : vector<1x16xf32>
        %parallel_loop3A_237 = arith.addf %parallel_loop3A_236, %parallel_loop3A_235 : vector<1x16xf32>
        %parallel_loop3A_238 = arith.constant 9.99999974E-6 : f32
        %parallel_loop3A_239 = vector.broadcast %parallel_loop3A_238 : f32 to vector<1x16xf32>
        %parallel_loop3A_240 = arith.maximumf %parallel_loop3A_237, %parallel_loop3A_239 : vector<1x16xf32>
        %parallel_loop3A_241 = arith.mulf %parallel_loop3A_240, %parallel_loop3A_240 : vector<1x16xf32>
        %parallel_loop3A_242 = arith.index_cast %parallel_loop3A_131 : i32 to index
        %parallel_loop3A_243 = arith.constant 64 : index
        %parallel_loop3A_244 = tpu.vector_load %arg16[%parallel_loop3A_242, %parallel_loop3A_243] {strides = array<i32>} : memref<40x128xf32, #tpu.memory_space<vmem>>, vector<1x16xf32>,
        %parallel_loop3A_245 = vector.shape_cast %parallel_loop3A_244 : vector<1x16xf32> to vector<1x16xf32>
        %parallel_loop3A_246 = vector.shape_cast %parallel_loop3A_241 : vector<1x16xf32> to vector<1x16xf32>
        tpu.vector_store %arg16[%parallel_loop3A_242, %parallel_loop3A_243], %parallel_loop3A_246 {strides = array<i32>} : memref<40x128xf32, #tpu.memory_space<vmem>>, vector<1x16xf32>,
        %parallel_loop3A_247 = arith.index_cast %parallel_loop3A_131 : i32 to index
        %parallel_loop3A_248 = arith.constant 80 : index
        %parallel_loop3A_249 = tpu.vector_load %arg16[%parallel_loop3A_247, %parallel_loop3A_248] {strides = array<i32>} : memref<40x128xf32, #tpu.memory_space<vmem>>, vector<1x16xf32>,
        %parallel_loop3A_250 = vector.shape_cast %parallel_loop3A_249 : vector<1x16xf32> to vector<1x16xf32>
        %parallel_loop3A_251 = arith.index_cast %parallel_loop3A_131 : i32 to index
        %parallel_loop3A_252 = arith.constant 80 : index
        %parallel_loop3A_253 = tpu.vector_load %arg17[%parallel_loop3A_251, %parallel_loop3A_252] {strides = array<i32>} : memref<40x128xf32, #tpu.memory_space<vmem>>, vector<1x16xf32>,
        %parallel_loop3A_254 = vector.shape_cast %parallel_loop3A_253 : vector<1x16xf32> to vector<1x16xf32>
        %parallel_loop3A_255 = arith.index_cast %parallel_loop3A_131 : i32 to index
        %parallel_loop3A_256 = arith.constant 80 : index
        %parallel_loop3A_257 = tpu.vector_load %arg18[%parallel_loop3A_255, %parallel_loop3A_256] {strides = array<i32>} : memref<40x128xf32, #tpu.memory_space<vmem>>, vector<1x16xf32>,
        %parallel_loop3A_258 = vector.shape_cast %parallel_loop3A_257 : vector<1x16xf32> to vector<1x16xf32>
        %parallel_loop3A_259 = arith.mulf %parallel_loop3A_254, %parallel_loop3A_250 : vector<1x16xf32>
        %parallel_loop3A_260 = arith.addf %parallel_loop3A_259, %parallel_loop3A_258 : vector<1x16xf32>
        %parallel_loop3A_261 = arith.constant 9.99999974E-6 : f32
        %parallel_loop3A_262 = vector.broadcast %parallel_loop3A_261 : f32 to vector<1x16xf32>
        %parallel_loop3A_263 = arith.maximumf %parallel_loop3A_260, %parallel_loop3A_262 : vector<1x16xf32>
        %parallel_loop3A_264 = arith.mulf %parallel_loop3A_263, %parallel_loop3A_263 : vector<1x16xf32>
        %parallel_loop3A_265 = arith.index_cast %parallel_loop3A_131 : i32 to index
        %parallel_loop3A_266 = arith.constant 80 : index
        %parallel_loop3A_267 = tpu.vector_load %arg16[%parallel_loop3A_265, %parallel_loop3A_266] {strides = array<i32>} : memref<40x128xf32, #tpu.memory_space<vmem>>, vector<1x16xf32>,
        %parallel_loop3A_268 = vector.shape_cast %parallel_loop3A_267 : vector<1x16xf32> to vector<1x16xf32>
        %parallel_loop3A_269 = vector.shape_cast %parallel_loop3A_264 : vector<1x16xf32> to vector<1x16xf32>
        tpu.vector_store %arg16[%parallel_loop3A_265, %parallel_loop3A_266], %parallel_loop3A_269 {strides = array<i32>} : memref<40x128xf32, #tpu.memory_space<vmem>>, vector<1x16xf32>,
        %parallel_loop3A_270 = arith.index_cast %parallel_loop3A_131 : i32 to index
        %parallel_loop3A_271 = arith.constant 96 : index
        %parallel_loop3A_272 = tpu.vector_load %arg16[%parallel_loop3A_270, %parallel_loop3A_271] {strides = array<i32>} : memref<40x128xf32, #tpu.memory_space<vmem>>, vector<1x16xf32>,
        %parallel_loop3A_273 = vector.shape_cast %parallel_loop3A_272 : vector<1x16xf32> to vector<1x16xf32>
        %parallel_loop3A_274 = arith.index_cast %parallel_loop3A_131 : i32 to index
        %parallel_loop3A_275 = arith.constant 96 : index
        %parallel_loop3A_276 = tpu.vector_load %arg17[%parallel_loop3A_274, %parallel_loop3A_275] {strides = array<i32>} : memref<40x128xf32, #tpu.memory_space<vmem>>, vector<1x16xf32>,
        %parallel_loop3A_277 = vector.shape_cast %parallel_loop3A_276 : vector<1x16xf32> to vector<1x16xf32>
        %parallel_loop3A_278 = arith.index_cast %parallel_loop3A_131 : i32 to index
        %parallel_loop3A_279 = arith.constant 96 : index
        %parallel_loop3A_280 = tpu.vector_load %arg18[%parallel_loop3A_278, %parallel_loop3A_279] {strides = array<i32>} : memref<40x128xf32, #tpu.memory_space<vmem>>, vector<1x16xf32>,
        %parallel_loop3A_281 = vector.shape_cast %parallel_loop3A_280 : vector<1x16xf32> to vector<1x16xf32>
        %parallel_loop3A_282 = arith.mulf %parallel_loop3A_277, %parallel_loop3A_273 : vector<1x16xf32>
        %parallel_loop3A_283 = arith.addf %parallel_loop3A_282, %parallel_loop3A_281 : vector<1x16xf32>
        %parallel_loop3A_284 = arith.constant 9.99999974E-6 : f32
        %parallel_loop3A_285 = vector.broadcast %parallel_loop3A_284 : f32 to vector<1x16xf32>
        %parallel_loop3A_286 = arith.maximumf %parallel_loop3A_283, %parallel_loop3A_285 : vector<1x16xf32>
        %parallel_loop3A_287 = arith.mulf %parallel_loop3A_286, %parallel_loop3A_286 : vector<1x16xf32>
        %parallel_loop3A_288 = arith.index_cast %parallel_loop3A_131 : i32 to index
        %parallel_loop3A_289 = arith.constant 96 : index
        %parallel_loop3A_290 = tpu.vector_load %arg16[%parallel_loop3A_288, %parallel_loop3A_289] {strides = array<i32>} : memref<40x128xf32, #tpu.memory_space<vmem>>, vector<1x16xf32>,
        %parallel_loop3A_291 = vector.shape_cast %parallel_loop3A_290 : vector<1x16xf32> to vector<1x16xf32>
        %parallel_loop3A_292 = vector.shape_cast %parallel_loop3A_287 : vector<1x16xf32> to vector<1x16xf32>
        tpu.vector_store %arg16[%parallel_loop3A_288, %parallel_loop3A_289], %parallel_loop3A_292 {strides = array<i32>} : memref<40x128xf32, #tpu.memory_space<vmem>>, vector<1x16xf32>,
        %parallel_loop3A_293 = arith.index_cast %parallel_loop3A_131 : i32 to index
        %parallel_loop3A_294 = arith.constant 112 : index
        %parallel_loop3A_295 = tpu.vector_load %arg16[%parallel_loop3A_293, %parallel_loop3A_294] {strides = array<i32>} : memref<40x128xf32, #tpu.memory_space<vmem>>, vector<1x16xf32>,
        %parallel_loop3A_296 = vector.shape_cast %parallel_loop3A_295 : vector<1x16xf32> to vector<1x16xf32>
        %parallel_loop3A_297 = arith.index_cast %parallel_loop3A_131 : i32 to index
        %parallel_loop3A_298 = arith.constant 112 : index
        %parallel_loop3A_299 = tpu.vector_load %arg17[%parallel_loop3A_297, %parallel_loop3A_298] {strides = array<i32>} : memref<40x128xf32, #tpu.memory_space<vmem>>, vector<1x16xf32>,
        %parallel_loop3A_300 = vector.shape_cast %parallel_loop3A_299 : vector<1x16xf32> to vector<1x16xf32>
        %parallel_loop3A_301 = arith.index_cast %parallel_loop3A_131 : i32 to index
        %parallel_loop3A_302 = arith.constant 112 : index
        %parallel_loop3A_303 = tpu.vector_load %arg18[%parallel_loop3A_301, %parallel_loop3A_302] {strides = array<i32>} : memref<40x128xf32, #tpu.memory_space<vmem>>, vector<1x16xf32>,
        %parallel_loop3A_304 = vector.shape_cast %parallel_loop3A_303 : vector<1x16xf32> to vector<1x16xf32>
        %parallel_loop3A_305 = arith.mulf %parallel_loop3A_300, %parallel_loop3A_296 : vector<1x16xf32>
        %parallel_loop3A_306 = arith.addf %parallel_loop3A_305, %parallel_loop3A_304 : vector<1x16xf32>
        %parallel_loop3A_307 = arith.constant 9.99999974E-6 : f32
        %parallel_loop3A_308 = vector.broadcast %parallel_loop3A_307 : f32 to vector<1x16xf32>
        %parallel_loop3A_309 = arith.maximumf %parallel_loop3A_306, %parallel_loop3A_308 : vector<1x16xf32>
        %parallel_loop3A_310 = arith.mulf %parallel_loop3A_309, %parallel_loop3A_309 : vector<1x16xf32>
        %parallel_loop3A_311 = arith.index_cast %parallel_loop3A_131 : i32 to index
        %parallel_loop3A_312 = arith.constant 112 : index
        %parallel_loop3A_313 = tpu.vector_load %arg16[%parallel_loop3A_311, %parallel_loop3A_312] {strides = array<i32>} : memref<40x128xf32, #tpu.memory_space<vmem>>, vector<1x16xf32>,
        %parallel_loop3A_314 = vector.shape_cast %parallel_loop3A_313 : vector<1x16xf32> to vector<1x16xf32>
        %parallel_loop3A_315 = vector.shape_cast %parallel_loop3A_310 : vector<1x16xf32> to vector<1x16xf32>
        tpu.vector_store %arg16[%parallel_loop3A_311, %parallel_loop3A_312], %parallel_loop3A_315 {strides = array<i32>} : memref<40x128xf32, #tpu.memory_space<vmem>>, vector<1x16xf32>,
      } {sc.loop_unroll_factor = 4 : i64, sc.parallel_access}
      "tpu.region"() ({
        %run_scoped3A = tpu.sem_alloc : memref<!tpu.dma_semaphore, #tpu.memory_space<semaphore_mem>>
        %dma_start3A_131 = arith.constant 0 : i32
        %dma_start3A_132 = arith.constant 0 : i32
        %dma_start3A_133 = tpu.memref_slice %arg19[%dma_start3A_131, %dma_start3A_132] : memref<10240x128xf32, #tpu.memory_space<vmem_shared>> -> memref<10240x128xf32, #tpu.memory_space<vmem_shared>>
        tpu.enqueue_indirect_dma source(%arg16 : memref<40x128xf32, #tpu.memory_space<vmem>>) target(%dma_start3A_133 : memref<10240x128xf32, #tpu.memory_space<vmem_shared>>) offsets(%arg15 : memref<40xi32, #tpu.memory_space<vmem>>) semaphore(%run_scoped3A : memref<!tpu.dma_semaphore, #tpu.memory_space<semaphore_mem>>) {add = true}
        %dma_wait3A_134 = arith.constant 0 : i32
        %dma_wait3A_135 = arith.constant 0 : i32
        %dma_wait3A_136 = tpu.memref_slice %arg19[%dma_wait3A_134, %dma_wait3A_135] : memref<10240x128xf32, #tpu.memory_space<vmem_shared>> -> memref<10240x128xf32, #tpu.memory_space<vmem_shared>>
        tpu.wait_indirect_dma semaphore(%run_scoped3A : memref<!tpu.dma_semaphore, #tpu.memory_space<semaphore_mem>>) src(%arg16 : memref<40x128xf32, #tpu.memory_space<vmem>>) dst(%dma_wait3A_136 : memref<10240x128xf32, #tpu.memory_space<vmem_shared>>)
        tpu.yield
      }) : () -> ()
    }
    %scan3A_27 = arith.constant 62 : i32
    %dma_wait3A = arith.constant 0 : i32
    %dma_wait3A_28 = arith.constant 0 : i32
    %dma_wait3A_29 = tpu.memref_slice %arg2[%dma_wait3A, %dma_wait3A_28] : memref<10000x128xf32, #tpu.memory_space<hbm>> -> memref<10000x128xf32, #tpu.memory_space<hbm>>
    tpu.wait_indirect_dma semaphore(%arg20 : memref<!tpu.dma_semaphore, #tpu.memory_space<semaphore_mem>>) src(%dma_wait3A_29 : memref<10000x128xf32, #tpu.memory_space<hbm>>) dst(%arg11 : memref<40x128xf32, #tpu.memory_space<vmem>>)
    %dma_wait3A_30 = arith.constant 0 : i32
    %dma_wait3A_31 = arith.constant 0 : i32
    %dma_wait3A_32 = tpu.memref_slice %arg3[%dma_wait3A_30, %dma_wait3A_31] : memref<160000x128xf32, #tpu.memory_space<hbm>> -> memref<40x128xf32, #tpu.memory_space<hbm>>
    %dma_wait3A_33 = arith.constant 0 : i32
    %dma_wait3A_34 = arith.constant 0 : i32
    %dma_wait3A_35 = tpu.memref_slice %arg3[%dma_wait3A_33, %dma_wait3A_34] : memref<160000x128xf32, #tpu.memory_space<hbm>> -> memref<40x128xf32, #tpu.memory_space<hbm>>
    tpu.wait_dma2 semaphore(%arg21 : memref<!tpu.dma_semaphore, #tpu.memory_space<semaphore_mem>>) src(%dma_wait3A_35 : memref<40x128xf32, #tpu.memory_space<hbm>>) dst(%arg12 : memref<40x128xf32, #tpu.memory_space<vmem>>)
    %dma_wait3A_36 = arith.constant 0 : i32
    %dma_wait3A_37 = arith.constant 0 : i32
    %dma_wait3A_38 = tpu.memref_slice %arg4[%dma_wait3A_36, %dma_wait3A_37] : memref<160000x128xf32, #tpu.memory_space<hbm>> -> memref<40x128xf32, #tpu.memory_space<hbm>>
    %dma_wait3A_39 = arith.constant 0 : i32
    %dma_wait3A_40 = arith.constant 0 : i32
    %dma_wait3A_41 = tpu.memref_slice %arg4[%dma_wait3A_39, %dma_wait3A_40] : memref<160000x128xf32, #tpu.memory_space<hbm>> -> memref<40x128xf32, #tpu.memory_space<hbm>>
    tpu.wait_dma2 semaphore(%arg22 : memref<!tpu.dma_semaphore, #tpu.memory_space<semaphore_mem>>) src(%dma_wait3A_41 : memref<40x128xf32, #tpu.memory_space<hbm>>) dst(%arg13 : memref<40x128xf32, #tpu.memory_space<vmem>>)
    %parallel_loop3A = arith.constant 0 : i32
    %parallel_loop3A_42 = arith.constant 40 : i32
    %parallel_loop3A_43 = arith.constant 1 : i32
    scf.for %parallel_loop3A_48 = %parallel_loop3A to %parallel_loop3A_42 step %parallel_loop3A_43  : i32 {
      %parallel_loop3A_49 = arith.index_cast %parallel_loop3A_48 : i32 to index
      %parallel_loop3A_50 = arith.constant 0 : index
      %parallel_loop3A_51 = tpu.vector_load %arg11[%parallel_loop3A_49, %parallel_loop3A_50] {strides = array<i32>} : memref<40x128xf32, #tpu.memory_space<vmem>>, vector<1x16xf32>,
      %parallel_loop3A_52 = vector.shape_cast %parallel_loop3A_51 : vector<1x16xf32> to vector<1x16xf32>
      %parallel_loop3A_53 = arith.index_cast %parallel_loop3A_48 : i32 to index
      %parallel_loop3A_54 = arith.constant 0 : index
      %parallel_loop3A_55 = tpu.vector_load %arg12[%parallel_loop3A_53, %parallel_loop3A_54] {strides = array<i32>} : memref<40x128xf32, #tpu.memory_space<vmem>>, vector<1x16xf32>,
      %parallel_loop3A_56 = vector.shape_cast %parallel_loop3A_55 : vector<1x16xf32> to vector<1x16xf32>
      %parallel_loop3A_57 = arith.index_cast %parallel_loop3A_48 : i32 to index
      %parallel_loop3A_58 = arith.constant 0 : index
      %parallel_loop3A_59 = tpu.vector_load %arg13[%parallel_loop3A_57, %parallel_loop3A_58] {strides = array<i32>} : memref<40x128xf32, #tpu.memory_space<vmem>>, vector<1x16xf32>,
      %parallel_loop3A_60 = vector.shape_cast %parallel_loop3A_59 : vector<1x16xf32> to vector<1x16xf32>
      %parallel_loop3A_61 = arith.mulf %parallel_loop3A_56, %parallel_loop3A_52 : vector<1x16xf32>
      %parallel_loop3A_62 = arith.addf %parallel_loop3A_61, %parallel_loop3A_60 : vector<1x16xf32>
      %parallel_loop3A_63 = arith.constant 9.99999974E-6 : f32
      %parallel_loop3A_64 = vector.broadcast %parallel_loop3A_63 : f32 to vector<1x16xf32>
      %parallel_loop3A_65 = arith.maximumf %parallel_loop3A_62, %parallel_loop3A_64 : vector<1x16xf32>
      %parallel_loop3A_66 = arith.mulf %parallel_loop3A_65, %parallel_loop3A_65 : vector<1x16xf32>
      %parallel_loop3A_67 = arith.index_cast %parallel_loop3A_48 : i32 to index
      %parallel_loop3A_68 = arith.constant 0 : index
      %parallel_loop3A_69 = tpu.vector_load %arg11[%parallel_loop3A_67, %parallel_loop3A_68] {strides = array<i32>} : memref<40x128xf32, #tpu.memory_space<vmem>>, vector<1x16xf32>,
      %parallel_loop3A_70 = vector.shape_cast %parallel_loop3A_69 : vector<1x16xf32> to vector<1x16xf32>
      %parallel_loop3A_71 = vector.shape_cast %parallel_loop3A_66 : vector<1x16xf32> to vector<1x16xf32>
      tpu.vector_store %arg11[%parallel_loop3A_67, %parallel_loop3A_68], %parallel_loop3A_71 {strides = array<i32>} : memref<40x128xf32, #tpu.memory_space<vmem>>, vector<1x16xf32>,
      %parallel_loop3A_72 = arith.index_cast %parallel_loop3A_48 : i32 to index
      %parallel_loop3A_73 = arith.constant 16 : index
      %parallel_loop3A_74 = tpu.vector_load %arg11[%parallel_loop3A_72, %parallel_loop3A_73] {strides = array<i32>} : memref<40x128xf32, #tpu.memory_space<vmem>>, vector<1x16xf32>,
      %parallel_loop3A_75 = vector.shape_cast %parallel_loop3A_74 : vector<1x16xf32> to vector<1x16xf32>
      %parallel_loop3A_76 = arith.index_cast %parallel_loop3A_48 : i32 to index
      %parallel_loop3A_77 = arith.constant 16 : index
      %parallel_loop3A_78 = tpu.vector_load %arg12[%parallel_loop3A_76, %parallel_loop3A_77] {strides = array<i32>} : memref<40x128xf32, #tpu.memory_space<vmem>>, vector<1x16xf32>,
      %parallel_loop3A_79 = vector.shape_cast %parallel_loop3A_78 : vector<1x16xf32> to vector<1x16xf32>
      %parallel_loop3A_80 = arith.index_cast %parallel_loop3A_48 : i32 to index
      %parallel_loop3A_81 = arith.constant 16 : index
      %parallel_loop3A_82 = tpu.vector_load %arg13[%parallel_loop3A_80, %parallel_loop3A_81] {strides = array<i32>} : memref<40x128xf32, #tpu.memory_space<vmem>>, vector<1x16xf32>,
      %parallel_loop3A_83 = vector.shape_cast %parallel_loop3A_82 : vector<1x16xf32> to vector<1x16xf32>
      %parallel_loop3A_84 = arith.mulf %parallel_loop3A_79, %parallel_loop3A_75 : vector<1x16xf32>
      %parallel_loop3A_85 = arith.addf %parallel_loop3A_84, %parallel_loop3A_83 : vector<1x16xf32>
      %parallel_loop3A_86 = arith.constant 9.99999974E-6 : f32
      %parallel_loop3A_87 = vector.broadcast %parallel_loop3A_86 : f32 to vector<1x16xf32>
      %parallel_loop3A_88 = arith.maximumf %parallel_loop3A_85, %parallel_loop3A_87 : vector<1x16xf32>
      %parallel_loop3A_89 = arith.mulf %parallel_loop3A_88, %parallel_loop3A_88 : vector<1x16xf32>
      %parallel_loop3A_90 = arith.index_cast %parallel_loop3A_48 : i32 to index
      %parallel_loop3A_91 = arith.constant 16 : index
      %parallel_loop3A_92 = tpu.vector_load %arg11[%parallel_loop3A_90, %parallel_loop3A_91] {strides = array<i32>} : memref<40x128xf32, #tpu.memory_space<vmem>>, vector<1x16xf32>,
      %parallel_loop3A_93 = vector.shape_cast %parallel_loop3A_92 : vector<1x16xf32> to vector<1x16xf32>
      %parallel_loop3A_94 = vector.shape_cast %parallel_loop3A_89 : vector<1x16xf32> to vector<1x16xf32>
      tpu.vector_store %arg11[%parallel_loop3A_90, %parallel_loop3A_91], %parallel_loop3A_94 {strides = array<i32>} : memref<40x128xf32, #tpu.memory_space<vmem>>, vector<1x16xf32>,
      %parallel_loop3A_95 = arith.index_cast %parallel_loop3A_48 : i32 to index
      %parallel_loop3A_96 = arith.constant 32 : index
      %parallel_loop3A_97 = tpu.vector_load %arg11[%parallel_loop3A_95, %parallel_loop3A_96] {strides = array<i32>} : memref<40x128xf32, #tpu.memory_space<vmem>>, vector<1x16xf32>,
      %parallel_loop3A_98 = vector.shape_cast %parallel_loop3A_97 : vector<1x16xf32> to vector<1x16xf32>
      %parallel_loop3A_99 = arith.index_cast %parallel_loop3A_48 : i32 to index
      %parallel_loop3A_100 = arith.constant 32 : index
      %parallel_loop3A_101 = tpu.vector_load %arg12[%parallel_loop3A_99, %parallel_loop3A_100] {strides = array<i32>} : memref<40x128xf32, #tpu.memory_space<vmem>>, vector<1x16xf32>,
      %parallel_loop3A_102 = vector.shape_cast %parallel_loop3A_101 : vector<1x16xf32> to vector<1x16xf32>
      %parallel_loop3A_103 = arith.index_cast %parallel_loop3A_48 : i32 to index
      %parallel_loop3A_104 = arith.constant 32 : index
      %parallel_loop3A_105 = tpu.vector_load %arg13[%parallel_loop3A_103, %parallel_loop3A_104] {strides = array<i32>} : memref<40x128xf32, #tpu.memory_space<vmem>>, vector<1x16xf32>,
      %parallel_loop3A_106 = vector.shape_cast %parallel_loop3A_105 : vector<1x16xf32> to vector<1x16xf32>
      %parallel_loop3A_107 = arith.mulf %parallel_loop3A_102, %parallel_loop3A_98 : vector<1x16xf32>
      %parallel_loop3A_108 = arith.addf %parallel_loop3A_107, %parallel_loop3A_106 : vector<1x16xf32>
      %parallel_loop3A_109 = arith.constant 9.99999974E-6 : f32
      %parallel_loop3A_110 = vector.broadcast %parallel_loop3A_109 : f32 to vector<1x16xf32>
      %parallel_loop3A_111 = arith.maximumf %parallel_loop3A_108, %parallel_loop3A_110 : vector<1x16xf32>
      %parallel_loop3A_112 = arith.mulf %parallel_loop3A_111, %parallel_loop3A_111 : vector<1x16xf32>
      %parallel_loop3A_113 = arith.index_cast %parallel_loop3A_48 : i32 to index
      %parallel_loop3A_114 = arith.constant 32 : index
      %parallel_loop3A_115 = tpu.vector_load %arg11[%parallel_loop3A_113, %parallel_loop3A_114] {strides = array<i32>} : memref<40x128xf32, #tpu.memory_space<vmem>>, vector<1x16xf32>,
      %parallel_loop3A_116 = vector.shape_cast %parallel_loop3A_115 : vector<1x16xf32> to vector<1x16xf32>
      %parallel_loop3A_117 = vector.shape_cast %parallel_loop3A_112 : vector<1x16xf32> to vector<1x16xf32>
      tpu.vector_store %arg11[%parallel_loop3A_113, %parallel_loop3A_114], %parallel_loop3A_117 {strides = array<i32>} : memref<40x128xf32, #tpu.memory_space<vmem>>, vector<1x16xf32>,
      %parallel_loop3A_118 = arith.index_cast %parallel_loop3A_48 : i32 to index
      %parallel_loop3A_119 = arith.constant 48 : index
      %parallel_loop3A_120 = tpu.vector_load %arg11[%parallel_loop3A_118, %parallel_loop3A_119] {strides = array<i32>} : memref<40x128xf32, #tpu.memory_space<vmem>>, vector<1x16xf32>,
      %parallel_loop3A_121 = vector.shape_cast %parallel_loop3A_120 : vector<1x16xf32> to vector<1x16xf32>
      %parallel_loop3A_122 = arith.index_cast %parallel_loop3A_48 : i32 to index
      %parallel_loop3A_123 = arith.constant 48 : index
      %parallel_loop3A_124 = tpu.vector_load %arg12[%parallel_loop3A_122, %parallel_loop3A_123] {strides = array<i32>} : memref<40x128xf32, #tpu.memory_space<vmem>>, vector<1x16xf32>,
      %parallel_loop3A_125 = vector.shape_cast %parallel_loop3A_124 : vector<1x16xf32> to vector<1x16xf32>
      %parallel_loop3A_126 = arith.index_cast %parallel_loop3A_48 : i32 to index
      %parallel_loop3A_127 = arith.constant 48 : index
      %parallel_loop3A_128 = tpu.vector_load %arg13[%parallel_loop3A_126, %parallel_loop3A_127] {strides = array<i32>} : memref<40x128xf32, #tpu.memory_space<vmem>>, vector<1x16xf32>,
      %parallel_loop3A_129 = vector.shape_cast %parallel_loop3A_128 : vector<1x16xf32> to vector<1x16xf32>
      %parallel_loop3A_130 = arith.mulf %parallel_loop3A_125, %parallel_loop3A_121 : vector<1x16xf32>
      %parallel_loop3A_131 = arith.addf %parallel_loop3A_130, %parallel_loop3A_129 : vector<1x16xf32>
      %parallel_loop3A_132 = arith.constant 9.99999974E-6 : f32
      %parallel_loop3A_133 = vector.broadcast %parallel_loop3A_132 : f32 to vector<1x16xf32>
      %parallel_loop3A_134 = arith.maximumf %parallel_loop3A_131, %parallel_loop3A_133 : vector<1x16xf32>
      %parallel_loop3A_135 = arith.mulf %parallel_loop3A_134, %parallel_loop3A_134 : vector<1x16xf32>
      %parallel_loop3A_136 = arith.index_cast %parallel_loop3A_48 : i32 to index
      %parallel_loop3A_137 = arith.constant 48 : index
      %parallel_loop3A_138 = tpu.vector_load %arg11[%parallel_loop3A_136, %parallel_loop3A_137] {strides = array<i32>} : memref<40x128xf32, #tpu.memory_space<vmem>>, vector<1x16xf32>,
      %parallel_loop3A_139 = vector.shape_cast %parallel_loop3A_138 : vector<1x16xf32> to vector<1x16xf32>
      %parallel_loop3A_140 = vector.shape_cast %parallel_loop3A_135 : vector<1x16xf32> to vector<1x16xf32>
      tpu.vector_store %arg11[%parallel_loop3A_136, %parallel_loop3A_137], %parallel_loop3A_140 {strides = array<i32>} : memref<40x128xf32, #tpu.memory_space<vmem>>, vector<1x16xf32>,
      %parallel_loop3A_141 = arith.index_cast %parallel_loop3A_48 : i32 to index
      %parallel_loop3A_142 = arith.constant 64 : index
      %parallel_loop3A_143 = tpu.vector_load %arg11[%parallel_loop3A_141, %parallel_loop3A_142] {strides = array<i32>} : memref<40x128xf32, #tpu.memory_space<vmem>>, vector<1x16xf32>,
      %parallel_loop3A_144 = vector.shape_cast %parallel_loop3A_143 : vector<1x16xf32> to vector<1x16xf32>
      %parallel_loop3A_145 = arith.index_cast %parallel_loop3A_48 : i32 to index
      %parallel_loop3A_146 = arith.constant 64 : index
      %parallel_loop3A_147 = tpu.vector_load %arg12[%parallel_loop3A_145, %parallel_loop3A_146] {strides = array<i32>} : memref<40x128xf32, #tpu.memory_space<vmem>>, vector<1x16xf32>,
      %parallel_loop3A_148 = vector.shape_cast %parallel_loop3A_147 : vector<1x16xf32> to vector<1x16xf32>
      %parallel_loop3A_149 = arith.index_cast %parallel_loop3A_48 : i32 to index
      %parallel_loop3A_150 = arith.constant 64 : index
      %parallel_loop3A_151 = tpu.vector_load %arg13[%parallel_loop3A_149, %parallel_loop3A_150] {strides = array<i32>} : memref<40x128xf32, #tpu.memory_space<vmem>>, vector<1x16xf32>,
      %parallel_loop3A_152 = vector.shape_cast %parallel_loop3A_151 : vector<1x16xf32> to vector<1x16xf32>
      %parallel_loop3A_153 = arith.mulf %parallel_loop3A_148, %parallel_loop3A_144 : vector<1x16xf32>
      %parallel_loop3A_154 = arith.addf %parallel_loop3A_153, %parallel_loop3A_152 : vector<1x16xf32>
      %parallel_loop3A_155 = arith.constant 9.99999974E-6 : f32
      %parallel_loop3A_156 = vector.broadcast %parallel_loop3A_155 : f32 to vector<1x16xf32>
      %parallel_loop3A_157 = arith.maximumf %parallel_loop3A_154, %parallel_loop3A_156 : vector<1x16xf32>
      %parallel_loop3A_158 = arith.mulf %parallel_loop3A_157, %parallel_loop3A_157 : vector<1x16xf32>
      %parallel_loop3A_159 = arith.index_cast %parallel_loop3A_48 : i32 to index
      %parallel_loop3A_160 = arith.constant 64 : index
      %parallel_loop3A_161 = tpu.vector_load %arg11[%parallel_loop3A_159, %parallel_loop3A_160] {strides = array<i32>} : memref<40x128xf32, #tpu.memory_space<vmem>>, vector<1x16xf32>,
      %parallel_loop3A_162 = vector.shape_cast %parallel_loop3A_161 : vector<1x16xf32> to vector<1x16xf32>
      %parallel_loop3A_163 = vector.shape_cast %parallel_loop3A_158 : vector<1x16xf32> to vector<1x16xf32>
      tpu.vector_store %arg11[%parallel_loop3A_159, %parallel_loop3A_160], %parallel_loop3A_163 {strides = array<i32>} : memref<40x128xf32, #tpu.memory_space<vmem>>, vector<1x16xf32>,
      %parallel_loop3A_164 = arith.index_cast %parallel_loop3A_48 : i32 to index
      %parallel_loop3A_165 = arith.constant 80 : index
      %parallel_loop3A_166 = tpu.vector_load %arg11[%parallel_loop3A_164, %parallel_loop3A_165] {strides = array<i32>} : memref<40x128xf32, #tpu.memory_space<vmem>>, vector<1x16xf32>,
      %parallel_loop3A_167 = vector.shape_cast %parallel_loop3A_166 : vector<1x16xf32> to vector<1x16xf32>
      %parallel_loop3A_168 = arith.index_cast %parallel_loop3A_48 : i32 to index
      %parallel_loop3A_169 = arith.constant 80 : index
      %parallel_loop3A_170 = tpu.vector_load %arg12[%parallel_loop3A_168, %parallel_loop3A_169] {strides = array<i32>} : memref<40x128xf32, #tpu.memory_space<vmem>>, vector<1x16xf32>,
      %parallel_loop3A_171 = vector.shape_cast %parallel_loop3A_170 : vector<1x16xf32> to vector<1x16xf32>
      %parallel_loop3A_172 = arith.index_cast %parallel_loop3A_48 : i32 to index
      %parallel_loop3A_173 = arith.constant 80 : index
      %parallel_loop3A_174 = tpu.vector_load %arg13[%parallel_loop3A_172, %parallel_loop3A_173] {strides = array<i32>} : memref<40x128xf32, #tpu.memory_space<vmem>>, vector<1x16xf32>,
      %parallel_loop3A_175 = vector.shape_cast %parallel_loop3A_174 : vector<1x16xf32> to vector<1x16xf32>
      %parallel_loop3A_176 = arith.mulf %parallel_loop3A_171, %parallel_loop3A_167 : vector<1x16xf32>
      %parallel_loop3A_177 = arith.addf %parallel_loop3A_176, %parallel_loop3A_175 : vector<1x16xf32>
      %parallel_loop3A_178 = arith.constant 9.99999974E-6 : f32
      %parallel_loop3A_179 = vector.broadcast %parallel_loop3A_178 : f32 to vector<1x16xf32>
      %parallel_loop3A_180 = arith.maximumf %parallel_loop3A_177, %parallel_loop3A_179 : vector<1x16xf32>
      %parallel_loop3A_181 = arith.mulf %parallel_loop3A_180, %parallel_loop3A_180 : vector<1x16xf32>
      %parallel_loop3A_182 = arith.index_cast %parallel_loop3A_48 : i32 to index
      %parallel_loop3A_183 = arith.constant 80 : index
      %parallel_loop3A_184 = tpu.vector_load %arg11[%parallel_loop3A_182, %parallel_loop3A_183] {strides = array<i32>} : memref<40x128xf32, #tpu.memory_space<vmem>>, vector<1x16xf32>,
      %parallel_loop3A_185 = vector.shape_cast %parallel_loop3A_184 : vector<1x16xf32> to vector<1x16xf32>
      %parallel_loop3A_186 = vector.shape_cast %parallel_loop3A_181 : vector<1x16xf32> to vector<1x16xf32>
      tpu.vector_store %arg11[%parallel_loop3A_182, %parallel_loop3A_183], %parallel_loop3A_186 {strides = array<i32>} : memref<40x128xf32, #tpu.memory_space<vmem>>, vector<1x16xf32>,
      %parallel_loop3A_187 = arith.index_cast %parallel_loop3A_48 : i32 to index
      %parallel_loop3A_188 = arith.constant 96 : index
      %parallel_loop3A_189 = tpu.vector_load %arg11[%parallel_loop3A_187, %parallel_loop3A_188] {strides = array<i32>} : memref<40x128xf32, #tpu.memory_space<vmem>>, vector<1x16xf32>,
      %parallel_loop3A_190 = vector.shape_cast %parallel_loop3A_189 : vector<1x16xf32> to vector<1x16xf32>
      %parallel_loop3A_191 = arith.index_cast %parallel_loop3A_48 : i32 to index
      %parallel_loop3A_192 = arith.constant 96 : index
      %parallel_loop3A_193 = tpu.vector_load %arg12[%parallel_loop3A_191, %parallel_loop3A_192] {strides = array<i32>} : memref<40x128xf32, #tpu.memory_space<vmem>>, vector<1x16xf32>,
      %parallel_loop3A_194 = vector.shape_cast %parallel_loop3A_193 : vector<1x16xf32> to vector<1x16xf32>
      %parallel_loop3A_195 = arith.index_cast %parallel_loop3A_48 : i32 to index
      %parallel_loop3A_196 = arith.constant 96 : index
      %parallel_loop3A_197 = tpu.vector_load %arg13[%parallel_loop3A_195, %parallel_loop3A_196] {strides = array<i32>} : memref<40x128xf32, #tpu.memory_space<vmem>>, vector<1x16xf32>,
      %parallel_loop3A_198 = vector.shape_cast %parallel_loop3A_197 : vector<1x16xf32> to vector<1x16xf32>
      %parallel_loop3A_199 = arith.mulf %parallel_loop3A_194, %parallel_loop3A_190 : vector<1x16xf32>
      %parallel_loop3A_200 = arith.addf %parallel_loop3A_199, %parallel_loop3A_198 : vector<1x16xf32>
      %parallel_loop3A_201 = arith.constant 9.99999974E-6 : f32
      %parallel_loop3A_202 = vector.broadcast %parallel_loop3A_201 : f32 to vector<1x16xf32>
      %parallel_loop3A_203 = arith.maximumf %parallel_loop3A_200, %parallel_loop3A_202 : vector<1x16xf32>
      %parallel_loop3A_204 = arith.mulf %parallel_loop3A_203, %parallel_loop3A_203 : vector<1x16xf32>
      %parallel_loop3A_205 = arith.index_cast %parallel_loop3A_48 : i32 to index
      %parallel_loop3A_206 = arith.constant 96 : index
      %parallel_loop3A_207 = tpu.vector_load %arg11[%parallel_loop3A_205, %parallel_loop3A_206] {strides = array<i32>} : memref<40x128xf32, #tpu.memory_space<vmem>>, vector<1x16xf32>,
      %parallel_loop3A_208 = vector.shape_cast %parallel_loop3A_207 : vector<1x16xf32> to vector<1x16xf32>
      %parallel_loop3A_209 = vector.shape_cast %parallel_loop3A_204 : vector<1x16xf32> to vector<1x16xf32>
      tpu.vector_store %arg11[%parallel_loop3A_205, %parallel_loop3A_206], %parallel_loop3A_209 {strides = array<i32>} : memref<40x128xf32, #tpu.memory_space<vmem>>, vector<1x16xf32>,
      %parallel_loop3A_210 = arith.index_cast %parallel_loop3A_48 : i32 to index
      %parallel_loop3A_211 = arith.constant 112 : index
      %parallel_loop3A_212 = tpu.vector_load %arg11[%parallel_loop3A_210, %parallel_loop3A_211] {strides = array<i32>} : memref<40x128xf32, #tpu.memory_space<vmem>>, vector<1x16xf32>,
      %parallel_loop3A_213 = vector.shape_cast %parallel_loop3A_212 : vector<1x16xf32> to vector<1x16xf32>
      %parallel_loop3A_214 = arith.index_cast %parallel_loop3A_48 : i32 to index
      %parallel_loop3A_215 = arith.constant 112 : index
      %parallel_loop3A_216 = tpu.vector_load %arg12[%parallel_loop3A_214, %parallel_loop3A_215] {strides = array<i32>} : memref<40x128xf32, #tpu.memory_space<vmem>>, vector<1x16xf32>,
      %parallel_loop3A_217 = vector.shape_cast %parallel_loop3A_216 : vector<1x16xf32> to vector<1x16xf32>
      %parallel_loop3A_218 = arith.index_cast %parallel_loop3A_48 : i32 to index
      %parallel_loop3A_219 = arith.constant 112 : index
      %parallel_loop3A_220 = tpu.vector_load %arg13[%parallel_loop3A_218, %parallel_loop3A_219] {strides = array<i32>} : memref<40x128xf32, #tpu.memory_space<vmem>>, vector<1x16xf32>,
      %parallel_loop3A_221 = vector.shape_cast %parallel_loop3A_220 : vector<1x16xf32> to vector<1x16xf32>
      %parallel_loop3A_222 = arith.mulf %parallel_loop3A_217, %parallel_loop3A_213 : vector<1x16xf32>
      %parallel_loop3A_223 = arith.addf %parallel_loop3A_222, %parallel_loop3A_221 : vector<1x16xf32>
      %parallel_loop3A_224 = arith.constant 9.99999974E-6 : f32
      %parallel_loop3A_225 = vector.broadcast %parallel_loop3A_224 : f32 to vector<1x16xf32>
      %parallel_loop3A_226 = arith.maximumf %parallel_loop3A_223, %parallel_loop3A_225 : vector<1x16xf32>
      %parallel_loop3A_227 = arith.mulf %parallel_loop3A_226, %parallel_loop3A_226 : vector<1x16xf32>
      %parallel_loop3A_228 = arith.index_cast %parallel_loop3A_48 : i32 to index
      %parallel_loop3A_229 = arith.constant 112 : index
      %parallel_loop3A_230 = tpu.vector_load %arg11[%parallel_loop3A_228, %parallel_loop3A_229] {strides = array<i32>} : memref<40x128xf32, #tpu.memory_space<vmem>>, vector<1x16xf32>,
      %parallel_loop3A_231 = vector.shape_cast %parallel_loop3A_230 : vector<1x16xf32> to vector<1x16xf32>
      %parallel_loop3A_232 = vector.shape_cast %parallel_loop3A_227 : vector<1x16xf32> to vector<1x16xf32>
      tpu.vector_store %arg11[%parallel_loop3A_228, %parallel_loop3A_229], %parallel_loop3A_232 {strides = array<i32>} : memref<40x128xf32, #tpu.memory_space<vmem>>, vector<1x16xf32>,
    } {sc.loop_unroll_factor = 4 : i64, sc.parallel_access}
    "tpu.region"() ({
      %run_scoped3A = tpu.sem_alloc : memref<!tpu.dma_semaphore, #tpu.memory_space<semaphore_mem>>
      %dma_start3A_48 = arith.constant 0 : i32
      %dma_start3A_49 = arith.constant 0 : i32
      %dma_start3A_50 = tpu.memref_slice %arg19[%dma_start3A_48, %dma_start3A_49] : memref<10240x128xf32, #tpu.memory_space<vmem_shared>> -> memref<10240x128xf32, #tpu.memory_space<vmem_shared>>
      tpu.enqueue_indirect_dma source(%arg11 : memref<40x128xf32, #tpu.memory_space<vmem>>) target(%dma_start3A_50 : memref<10240x128xf32, #tpu.memory_space<vmem_shared>>) offsets(%arg10 : memref<40xi32, #tpu.memory_space<vmem>>) semaphore(%run_scoped3A : memref<!tpu.dma_semaphore, #tpu.memory_space<semaphore_mem>>) {add = true}
      %dma_wait3A_51 = arith.constant 0 : i32
      %dma_wait3A_52 = arith.constant 0 : i32
      %dma_wait3A_53 = tpu.memref_slice %arg19[%dma_wait3A_51, %dma_wait3A_52] : memref<10240x128xf32, #tpu.memory_space<vmem_shared>> -> memref<10240x128xf32, #tpu.memory_space<vmem_shared>>
      tpu.wait_indirect_dma semaphore(%run_scoped3A : memref<!tpu.dma_semaphore, #tpu.memory_space<semaphore_mem>>) src(%arg11 : memref<40x128xf32, #tpu.memory_space<vmem>>) dst(%dma_wait3A_53 : memref<10240x128xf32, #tpu.memory_space<vmem_shared>>)
      tpu.yield
    }) : () -> ()
    %barrier3A_44 = arith.constant 0 : index
    tpu.barrier barrier_id(%barrier3A_44)
    %mul3A_45 = arith.constant 10240 : i32
    %mul3A_46 = arith.muli %arg0, %mul3A_45 : i32
    %add3A_47 = arith.addi %mul3A_46, %mul3A_2 : i32
    "tpu.region"() ({
      %run_scoped3A = tpu.sem_alloc : memref<!tpu.dma_semaphore, #tpu.memory_space<semaphore_mem>>
      %dma_start3A_48 = arith.constant 0 : i32
      %dma_start3A_49 = tpu.memref_slice %arg8[%add3A_47, %dma_start3A_48] : memref<20480x128xf32, #tpu.memory_space<hbm>> -> memref<640x128xf32, #tpu.memory_space<hbm>>
      %dma_start3A_50 = arith.constant 0 : i32
      %dma_start3A_51 = tpu.memref_slice %arg19[%mul3A_2, %dma_start3A_50] : memref<10240x128xf32, #tpu.memory_space<vmem_shared>> -> memref<640x128xf32, #tpu.memory_space<vmem_shared>>
      tpu.enqueue_dma source(%dma_start3A_51 : memref<640x128xf32, #tpu.memory_space<vmem_shared>>) target(%dma_start3A_49 : memref<640x128xf32, #tpu.memory_space<hbm>>) target_semaphore(%run_scoped3A : memref<!tpu.dma_semaphore, #tpu.memory_space<semaphore_mem>>)
      %dma_wait3A_52 = arith.constant 0 : i32
      %dma_wait3A_53 = tpu.memref_slice %arg8[%add3A_47, %dma_wait3A_52] : memref<20480x128xf32, #tpu.memory_space<hbm>> -> memref<640x128xf32, #tpu.memory_space<hbm>>
      %dma_wait3A_54 = arith.constant 0 : i32
      %dma_wait3A_55 = tpu.memref_slice %arg19[%mul3A_2, %dma_wait3A_54] : memref<10240x128xf32, #tpu.memory_space<vmem_shared>> -> memref<640x128xf32, #tpu.memory_space<vmem_shared>>
      tpu.wait_dma2 semaphore(%run_scoped3A : memref<!tpu.dma_semaphore, #tpu.memory_space<semaphore_mem>>) src(%dma_wait3A_55 : memref<640x128xf32, #tpu.memory_space<vmem_shared>>) dst(%dma_wait3A_53 : memref<640x128xf32, #tpu.memory_space<hbm>>)
      tpu.yield
    }) : () -> ()
    return
  }
}

module attributes {stable_mosaic.version = 14 : i64} {
  func.func @_pool_body(%arg0: i32, %arg1: memref<2000x128xf32, #tpu.memory_space<vmem>>, %arg2: memref<128x128xf32, #tpu.memory_space<vmem>>, %arg3: memref<1x128xf32, #tpu.memory_space<vmem>>, %arg4: memref<128x128xf32, #tpu.memory_space<vmem>>, %arg5: memref<1x128xf32, #tpu.memory_space<vmem>>, %arg6: memref<2000x128xf32, #tpu.memory_space<vmem>>) attributes {dimension_semantics = [#tpu.dimension_semantics<arbitrary>], iteration_bounds = array<i64: 5>, scalar_prefetch = 0 : i64, scratch_operands = 0 : i64, tpu.core_type = #tpu.core_type<tc>, window_params = [{transform_indices = @transform_0, window_bounds = array<i64: 2000, 128>}, {pipeline_mode = #tpu.pipeline_mode<synchronous>, transform_indices = @transform_1, window_bounds = array<i64: 128, 128>}, {pipeline_mode = #tpu.pipeline_mode<synchronous>, transform_indices = @transform_2, window_bounds = array<i64: 1, 128>}, {pipeline_mode = #tpu.pipeline_mode<synchronous>, transform_indices = @transform_3, window_bounds = array<i64: 128, 128>}, {pipeline_mode = #tpu.pipeline_mode<synchronous>, transform_indices = @transform_4, window_bounds = array<i64: 1, 128>}, {transform_indices = @transform_5, window_bounds = array<i64: 2000, 128>}]} {
    %get3A = arith.constant 0 : index
    %get3A_0 = arith.constant 0 : index
    %get3A_1 = vector.load %arg1[%get3A, %get3A_0] : memref<2000x128xf32, #tpu.memory_space<vmem>>, vector<2000x128xf32>
    %ge3A = arith.constant 0.000000e+00 : f32
    %ge3A_2 = vector.broadcast %ge3A : f32 to vector<2000x128xf32>
    %ge3A_3 = arith.cmpf oge, %get3A_1, %ge3A_2 : vector<2000x128xf32>
    %mul3A = arith.constant 2.000000e-01 : f32
    %mul3A_4 = vector.broadcast %mul3A : f32 to vector<2000x128xf32>
    %mul3A_5 = arith.mulf %mul3A_4, %get3A_1 : vector<2000x128xf32>
    %select_n3A = arith.select %ge3A_3, %get3A_1, %mul3A_5 : vector<2000x128xi1>, vector<2000x128xf32>
    %get3A_6 = arith.constant 0 : index
    %get3A_7 = arith.constant 0 : index
    %get3A_8 = vector.load %arg2[%get3A_6, %get3A_7] : memref<128x128xf32, #tpu.memory_space<vmem>>, vector<128x128xf32>
    %dot_general3A = arith.constant dense<0.000000e+00> : vector<2000x128xf32>
    %dot_general3A_9 = tpu.matmul %select_n3A, %get3A_8, %dot_general3A {dimension_numbers = #tpu.dot_dimension_numbers<[1], [0], [0], [1], [0, 0, 1, 1], [], []>, transpose_lhs_hint = false} : vector<2000x128xf32>, vector<128x128xf32>, vector<2000x128xf32> -> vector<2000x128xf32>
    %get3A_10 = arith.constant 0 : index
    %get3A_11 = arith.constant 0 : index
    %get3A_12 = vector.load %arg3[%get3A_10, %get3A_11] : memref<1x128xf32, #tpu.memory_space<vmem>>, vector<1x128xf32>
    %add3A = vector.broadcast %get3A_12 : vector<1x128xf32> to vector<2000x128xf32>
    %add3A_13 = arith.addf %dot_general3A_9, %add3A : vector<2000x128xf32>
    %ge3A_14 = arith.constant 0.000000e+00 : f32
    %ge3A_15 = vector.broadcast %ge3A_14 : f32 to vector<2000x128xf32>
    %ge3A_16 = arith.cmpf oge, %add3A_13, %ge3A_15 : vector<2000x128xf32>
    %mul3A_17 = arith.constant 2.000000e-01 : f32
    %mul3A_18 = vector.broadcast %mul3A_17 : f32 to vector<2000x128xf32>
    %mul3A_19 = arith.mulf %mul3A_18, %add3A_13 : vector<2000x128xf32>
    %select_n3A_20 = arith.select %ge3A_16, %add3A_13, %mul3A_19 : vector<2000x128xi1>, vector<2000x128xf32>
    %get3A_21 = arith.constant 0 : index
    %get3A_22 = arith.constant 0 : index
    %get3A_23 = vector.load %arg4[%get3A_21, %get3A_22] : memref<128x128xf32, #tpu.memory_space<vmem>>, vector<128x128xf32>
    %dot_general3A_24 = arith.constant dense<0.000000e+00> : vector<2000x128xf32>
    %dot_general3A_25 = tpu.matmul %select_n3A_20, %get3A_23, %dot_general3A_24 {dimension_numbers = #tpu.dot_dimension_numbers<[1], [0], [0], [1], [0, 0, 1, 1], [], []>, transpose_lhs_hint = false} : vector<2000x128xf32>, vector<128x128xf32>, vector<2000x128xf32> -> vector<2000x128xf32>
    %get3A_26 = arith.constant 0 : index
    %get3A_27 = arith.constant 0 : index
    %get3A_28 = vector.load %arg5[%get3A_26, %get3A_27] : memref<1x128xf32, #tpu.memory_space<vmem>>, vector<1x128xf32>
    %add3A_29 = vector.broadcast %get3A_28 : vector<1x128xf32> to vector<2000x128xf32>
    %add3A_30 = arith.addf %dot_general3A_25, %add3A_29 : vector<2000x128xf32>
    %swap3A = arith.constant 0 : index
    %swap3A_31 = arith.constant 0 : index
    %swap3A_32 = vector.load %arg6[%swap3A, %swap3A_31] : memref<2000x128xf32, #tpu.memory_space<vmem>>, vector<2000x128xf32>
    tpu.vector_store %arg6[%swap3A, %swap3A_31], %add3A_30 {strides = array<i32>} : memref<2000x128xf32, #tpu.memory_space<vmem>>, vector<2000x128xf32>,
    return
  }
  func.func @transform_0(%arg0: i32) -> (i32, i32) {
    %c0_i32 = arith.constant 0 : i32
    %c0_i32_0 = arith.constant 0 : i32
    return %arg0, %c0_i32 : i32, i32
  }
  func.func @transform_1(%arg0: i32) -> (i32, i32) {
    %c0_i32 = arith.constant 0 : i32
    %c0_i32_0 = arith.constant 0 : i32
    %c0_i32_1 = arith.constant 0 : i32
    return %c0_i32, %c0_i32_0 : i32, i32
  }
  func.func @transform_2(%arg0: i32) -> (i32, i32) {
    %c0_i32 = arith.constant 0 : i32
    %c0_i32_0 = arith.constant 0 : i32
    %c0_i32_1 = arith.constant 0 : i32
    return %c0_i32, %c0_i32_0 : i32, i32
  }
  func.func @transform_3(%arg0: i32) -> (i32, i32) {
    %c0_i32 = arith.constant 0 : i32
    %c0_i32_0 = arith.constant 0 : i32
    %c0_i32_1 = arith.constant 0 : i32
    return %c0_i32, %c0_i32_0 : i32, i32
  }
  func.func @transform_4(%arg0: i32) -> (i32, i32) {
    %c0_i32 = arith.constant 0 : i32
    %c0_i32_0 = arith.constant 0 : i32
    %c0_i32_1 = arith.constant 0 : i32
    return %c0_i32, %c0_i32_0 : i32, i32
  }
  func.func @transform_5(%arg0: i32) -> (i32, i32) {
    %c0_i32 = arith.constant 0 : i32
    %c0_i32_0 = arith.constant 0 : i32
    return %arg0, %c0_i32 : i32, i32
  }
}

module attributes {stable_mosaic.version = 14 : i64} {
  func.func @_msg_body(%arg0: i32, %arg1: memref<8000x16xf32, #tpu.memory_space<vmem>>, %arg2: memref<16x16xf32, #tpu.memory_space<vmem>>, %arg3: memref<1x16xf32, #tpu.memory_space<vmem>>, %arg4: memref<16x16xf32, #tpu.memory_space<vmem>>, %arg5: memref<1x16xf32, #tpu.memory_space<vmem>>, %arg6: memref<16x128xf32, #tpu.memory_space<vmem>>, %arg7: memref<1x128xf32, #tpu.memory_space<vmem>>, %arg8: memref<16x128xf32, #tpu.memory_space<vmem>>, %arg9: memref<1x128xf32, #tpu.memory_space<vmem>>, %arg10: memref<8000x128xf32, #tpu.memory_space<vmem>>, %arg11: memref<8000x128xf32, #tpu.memory_space<vmem>>) attributes {dimension_semantics = [#tpu.dimension_semantics<arbitrary>], iteration_bounds = array<i64: 20>, scalar_prefetch = 0 : i64, scratch_operands = 0 : i64, tpu.core_type = #tpu.core_type<tc>, window_params = [{transform_indices = @transform_0, window_bounds = array<i64: 8000, 16>}, {pipeline_mode = #tpu.pipeline_mode<synchronous>, transform_indices = @transform_1, window_bounds = array<i64: 16, 16>}, {pipeline_mode = #tpu.pipeline_mode<synchronous>, transform_indices = @transform_2, window_bounds = array<i64: 1, 16>}, {pipeline_mode = #tpu.pipeline_mode<synchronous>, transform_indices = @transform_3, window_bounds = array<i64: 16, 16>}, {pipeline_mode = #tpu.pipeline_mode<synchronous>, transform_indices = @transform_4, window_bounds = array<i64: 1, 16>}, {pipeline_mode = #tpu.pipeline_mode<synchronous>, transform_indices = @transform_5, window_bounds = array<i64: 16, 128>}, {pipeline_mode = #tpu.pipeline_mode<synchronous>, transform_indices = @transform_6, window_bounds = array<i64: 1, 128>}, {pipeline_mode = #tpu.pipeline_mode<synchronous>, transform_indices = @transform_7, window_bounds = array<i64: 16, 128>}, {pipeline_mode = #tpu.pipeline_mode<synchronous>, transform_indices = @transform_8, window_bounds = array<i64: 1, 128>}, {transform_indices = @transform_9, window_bounds = array<i64: 8000, 128>}, {transform_indices = @transform_10, window_bounds = array<i64: 8000, 128>}]} {
    %get3A = arith.constant 0 : index
    %get3A_0 = arith.constant 0 : index
    %get3A_1 = vector.load %arg1[%get3A, %get3A_0] : memref<8000x16xf32, #tpu.memory_space<vmem>>, vector<8000x16xf32>
    %get3A_2 = arith.constant 0 : index
    %get3A_3 = arith.constant 0 : index
    %get3A_4 = vector.load %arg2[%get3A_2, %get3A_3] : memref<16x16xf32, #tpu.memory_space<vmem>>, vector<16x16xf32>
    %dot_general3A = arith.constant dense<0.000000e+00> : vector<8000x16xf32>
    %dot_general3A_5 = tpu.matmul %get3A_1, %get3A_4, %dot_general3A {dimension_numbers = #tpu.dot_dimension_numbers<[1], [0], [0], [1], [0, 0, 1, 1], [], []>, transpose_lhs_hint = false} : vector<8000x16xf32>, vector<16x16xf32>, vector<8000x16xf32> -> vector<8000x16xf32>
    %get3A_6 = arith.constant 0 : index
    %get3A_7 = arith.constant 0 : index
    %get3A_8 = vector.load %arg3[%get3A_6, %get3A_7] : memref<1x16xf32, #tpu.memory_space<vmem>>, vector<1x16xf32>
    %add3A = vector.broadcast %get3A_8 : vector<1x16xf32> to vector<8000x16xf32>
    %add3A_9 = arith.addf %dot_general3A_5, %add3A : vector<8000x16xf32>
    %max3A = arith.constant 0.000000e+00 : f32
    %max3A_10 = vector.broadcast %max3A : f32 to vector<8000x16xf32>
    %max3A_11 = arith.maximumf %add3A_9, %max3A_10 : vector<8000x16xf32>
    %get3A_12 = arith.constant 0 : index
    %get3A_13 = arith.constant 0 : index
    %get3A_14 = vector.load %arg4[%get3A_12, %get3A_13] : memref<16x16xf32, #tpu.memory_space<vmem>>, vector<16x16xf32>
    %dot_general3A_15 = arith.constant dense<0.000000e+00> : vector<8000x16xf32>
    %dot_general3A_16 = tpu.matmul %max3A_11, %get3A_14, %dot_general3A_15 {dimension_numbers = #tpu.dot_dimension_numbers<[1], [0], [0], [1], [0, 0, 1, 1], [], []>, transpose_lhs_hint = false} : vector<8000x16xf32>, vector<16x16xf32>, vector<8000x16xf32> -> vector<8000x16xf32>
    %get3A_17 = arith.constant 0 : index
    %get3A_18 = arith.constant 0 : index
    %get3A_19 = vector.load %arg5[%get3A_17, %get3A_18] : memref<1x16xf32, #tpu.memory_space<vmem>>, vector<1x16xf32>
    %add3A_20 = vector.broadcast %get3A_19 : vector<1x16xf32> to vector<8000x16xf32>
    %add3A_21 = arith.addf %dot_general3A_16, %add3A_20 : vector<8000x16xf32>
    %get3A_22 = arith.constant 0 : index
    %get3A_23 = arith.constant 0 : index
    %get3A_24 = vector.load %arg6[%get3A_22, %get3A_23] : memref<16x128xf32, #tpu.memory_space<vmem>>, vector<16x128xf32>
    %dot_general3A_25 = arith.constant dense<0.000000e+00> : vector<8000x128xf32>
    %dot_general3A_26 = tpu.matmul %add3A_21, %get3A_24, %dot_general3A_25 {dimension_numbers = #tpu.dot_dimension_numbers<[1], [0], [0], [1], [0, 0, 1, 1], [], []>, transpose_lhs_hint = false} : vector<8000x16xf32>, vector<16x128xf32>, vector<8000x128xf32> -> vector<8000x128xf32>
    %get3A_27 = arith.constant 0 : index
    %get3A_28 = arith.constant 0 : index
    %get3A_29 = vector.load %arg7[%get3A_27, %get3A_28] : memref<1x128xf32, #tpu.memory_space<vmem>>, vector<1x128xf32>
    %add3A_30 = vector.broadcast %get3A_29 : vector<1x128xf32> to vector<8000x128xf32>
    %add3A_31 = arith.addf %dot_general3A_26, %add3A_30 : vector<8000x128xf32>
    %logistic3A = arith.negf %add3A_31 : vector<8000x128xf32>
    %logistic3A_32 = math.exp %logistic3A : vector<8000x128xf32>
    %logistic3A_33 = arith.constant 1.000000e+00 : f32
    %logistic3A_34 = vector.broadcast %logistic3A_33 : f32 to vector<8000x128xf32>
    %logistic3A_35 = arith.addf %logistic3A_34, %logistic3A_32 : vector<8000x128xf32>
    %logistic3A_36 = arith.divf %logistic3A_34, %logistic3A_35 : vector<8000x128xf32>
    %swap3A = arith.constant 0 : index
    %swap3A_37 = arith.constant 0 : index
    %swap3A_38 = vector.load %arg10[%swap3A, %swap3A_37] : memref<8000x128xf32, #tpu.memory_space<vmem>>, vector<8000x128xf32>
    tpu.vector_store %arg10[%swap3A, %swap3A_37], %logistic3A_36 {strides = array<i32>} : memref<8000x128xf32, #tpu.memory_space<vmem>>, vector<8000x128xf32>,
    %get3A_39 = arith.constant 0 : index
    %get3A_40 = arith.constant 0 : index
    %get3A_41 = vector.load %arg8[%get3A_39, %get3A_40] : memref<16x128xf32, #tpu.memory_space<vmem>>, vector<16x128xf32>
    %dot_general3A_42 = arith.constant dense<0.000000e+00> : vector<8000x128xf32>
    %dot_general3A_43 = tpu.matmul %add3A_21, %get3A_41, %dot_general3A_42 {dimension_numbers = #tpu.dot_dimension_numbers<[1], [0], [0], [1], [0, 0, 1, 1], [], []>, transpose_lhs_hint = false} : vector<8000x16xf32>, vector<16x128xf32>, vector<8000x128xf32> -> vector<8000x128xf32>
    %get3A_44 = arith.constant 0 : index
    %get3A_45 = arith.constant 0 : index
    %get3A_46 = vector.load %arg9[%get3A_44, %get3A_45] : memref<1x128xf32, #tpu.memory_space<vmem>>, vector<1x128xf32>
    %add3A_47 = vector.broadcast %get3A_46 : vector<1x128xf32> to vector<8000x128xf32>
    %add3A_48 = arith.addf %dot_general3A_43, %add3A_47 : vector<8000x128xf32>
    %swap3A_49 = arith.constant 0 : index
    %swap3A_50 = arith.constant 0 : index
    %swap3A_51 = vector.load %arg11[%swap3A_49, %swap3A_50] : memref<8000x128xf32, #tpu.memory_space<vmem>>, vector<8000x128xf32>
    tpu.vector_store %arg11[%swap3A_49, %swap3A_50], %add3A_48 {strides = array<i32>} : memref<8000x128xf32, #tpu.memory_space<vmem>>, vector<8000x128xf32>,
    return
  }
  func.func @transform_0(%arg0: i32) -> (i32, i32) {
    %c0_i32 = arith.constant 0 : i32
    %c0_i32_0 = arith.constant 0 : i32
    return %arg0, %c0_i32 : i32, i32
  }
  func.func @transform_1(%arg0: i32) -> (i32, i32) {
    %c0_i32 = arith.constant 0 : i32
    %c0_i32_0 = arith.constant 0 : i32
    %c0_i32_1 = arith.constant 0 : i32
    return %c0_i32, %c0_i32_0 : i32, i32
  }
  func.func @transform_2(%arg0: i32) -> (i32, i32) {
    %c0_i32 = arith.constant 0 : i32
    %c0_i32_0 = arith.constant 0 : i32
    %c0_i32_1 = arith.constant 0 : i32
    return %c0_i32, %c0_i32_0 : i32, i32
  }
  func.func @transform_3(%arg0: i32) -> (i32, i32) {
    %c0_i32 = arith.constant 0 : i32
    %c0_i32_0 = arith.constant 0 : i32
    %c0_i32_1 = arith.constant 0 : i32
    return %c0_i32, %c0_i32_0 : i32, i32
  }
  func.func @transform_4(%arg0: i32) -> (i32, i32) {
    %c0_i32 = arith.constant 0 : i32
    %c0_i32_0 = arith.constant 0 : i32
    %c0_i32_1 = arith.constant 0 : i32
    return %c0_i32, %c0_i32_0 : i32, i32
  }
  func.func @transform_5(%arg0: i32) -> (i32, i32) {
    %c0_i32 = arith.constant 0 : i32
    %c0_i32_0 = arith.constant 0 : i32
    %c0_i32_1 = arith.constant 0 : i32
    return %c0_i32, %c0_i32_0 : i32, i32
  }
  func.func @transform_6(%arg0: i32) -> (i32, i32) {
    %c0_i32 = arith.constant 0 : i32
    %c0_i32_0 = arith.constant 0 : i32
    %c0_i32_1 = arith.constant 0 : i32
    return %c0_i32, %c0_i32_0 : i32, i32
  }
  func.func @transform_7(%arg0: i32) -> (i32, i32) {
    %c0_i32 = arith.constant 0 : i32
    %c0_i32_0 = arith.constant 0 : i32
    %c0_i32_1 = arith.constant 0 : i32
    return %c0_i32, %c0_i32_0 : i32, i32
  }
  func.func @transform_8(%arg0: i32) -> (i32, i32) {
    %c0_i32 = arith.constant 0 : i32
    %c0_i32_0 = arith.constant 0 : i32
    %c0_i32_1 = arith.constant 0 : i32
    return %c0_i32, %c0_i32_0 : i32, i32
  }
  func.func @transform_9(%arg0: i32) -> (i32, i32) {
    %c0_i32 = arith.constant 0 : i32
    %c0_i32_0 = arith.constant 0 : i32
    return %arg0, %c0_i32 : i32, i32
  }
  func.func @transform_10(%arg0: i32) -> (i32, i32) {
    %c0_i32 = arith.constant 0 : i32
    %c0_i32_0 = arith.constant 0 : i32
    return %arg0, %c0_i32 : i32, i32
  }
}

module attributes {stable_mosaic.version = 14 : i64} {
  func.func @_fin_body(%arg0: i32, %arg1: memref<2048x128xf32, #tpu.memory_space<vmem>>, %arg2: memref<2048x128xf32, #tpu.memory_space<vmem>>, %arg3: memref<2048x128xf32, #tpu.memory_space<vmem>>, %arg4: memref<2048x128xf32, #tpu.memory_space<vmem>>, %arg5: memref<2048x128xf32, #tpu.memory_space<vmem>>) attributes {dimension_semantics = [#tpu.dimension_semantics<arbitrary>], iteration_bounds = array<i64: 5>, scalar_prefetch = 0 : i64, scratch_operands = 0 : i64, tpu.core_type = #tpu.core_type<tc>, window_params = [{transform_indices = @transform_0, window_bounds = array<i64: 2048, 128>}, {transform_indices = @transform_1, window_bounds = array<i64: 2048, 128>}, {transform_indices = @transform_2, window_bounds = array<i64: 2048, 128>}, {transform_indices = @transform_3, window_bounds = array<i64: 2048, 128>}, {transform_indices = @transform_4, window_bounds = array<i64: 2048, 128>}]} {
    %get3A = arith.constant 0 : index
    %get3A_0 = arith.constant 0 : index
    %get3A_1 = vector.load %arg1[%get3A, %get3A_0] : memref<2048x128xf32, #tpu.memory_space<vmem>>, vector<2048x128xf32>
    %get3A_2 = arith.constant 0 : index
    %get3A_3 = arith.constant 0 : index
    %get3A_4 = vector.load %arg2[%get3A_2, %get3A_3] : memref<2048x128xf32, #tpu.memory_space<vmem>>, vector<2048x128xf32>
    %add3A = arith.addf %get3A_1, %get3A_4 : vector<2048x128xf32>
    %get3A_5 = arith.constant 0 : index
    %get3A_6 = arith.constant 0 : index
    %get3A_7 = vector.load %arg3[%get3A_5, %get3A_6] : memref<2048x128xf32, #tpu.memory_space<vmem>>, vector<2048x128xf32>
    %slice3A = vector.extract_strided_slice %get3A_7 {offsets = [0, 0], sizes = [2048, 1], strides = [1, 1]} : vector<2048x128xf32> to vector<2048x1xf32>
    %get3A_8 = arith.constant 0 : index
    %get3A_9 = arith.constant 0 : index
    %get3A_10 = vector.load %arg4[%get3A_8, %get3A_9] : memref<2048x128xf32, #tpu.memory_space<vmem>>, vector<2048x128xf32>
    %slice3A_11 = vector.extract_strided_slice %get3A_10 {offsets = [0, 0], sizes = [2048, 1], strides = [1, 1]} : vector<2048x128xf32> to vector<2048x1xf32>
    %add3A_12 = arith.addf %slice3A, %slice3A_11 : vector<2048x1xf32>
    %max3A = arith.constant 1.000000e+00 : f32
    %max3A_13 = vector.broadcast %max3A : f32 to vector<2048x1xf32>
    %max3A_14 = arith.maximumf %add3A_12, %max3A_13 : vector<2048x1xf32>
    %div3A = vector.broadcast %max3A_14 : vector<2048x1xf32> to vector<2048x128xf32>
    %div3A_15 = arith.divf %add3A, %div3A : vector<2048x128xf32>
    %max3A_16 = arith.constant 9.99999996E-13 : f32
    %max3A_17 = vector.broadcast %max3A_16 : f32 to vector<2048x128xf32>
    %max3A_18 = arith.maximumf %div3A_15, %max3A_17 : vector<2048x128xf32>
    %sqrt3A = math.sqrt %max3A_18 : vector<2048x128xf32>
    %swap3A = arith.constant 0 : index
    %swap3A_19 = arith.constant 0 : index
    %swap3A_20 = vector.load %arg5[%swap3A, %swap3A_19] : memref<2048x128xf32, #tpu.memory_space<vmem>>, vector<2048x128xf32>
    tpu.vector_store %arg5[%swap3A, %swap3A_19], %sqrt3A {strides = array<i32>} : memref<2048x128xf32, #tpu.memory_space<vmem>>, vector<2048x128xf32>,
    return
  }
  func.func @transform_0(%arg0: i32) -> (i32, i32) {
    %c0_i32 = arith.constant 0 : i32
    %c0_i32_0 = arith.constant 0 : i32
    return %arg0, %c0_i32 : i32, i32
  }
  func.func @transform_1(%arg0: i32) -> (i32, i32) {
    %add3A = arith.constant 5 : i32
    %add3A_0 = arith.addi %arg0, %add3A : i32
    %c0_i32 = arith.constant 0 : i32
    %c0_i32_1 = arith.constant 0 : i32
    return %add3A_0, %c0_i32 : i32, i32
  }
  func.func @transform_2(%arg0: i32) -> (i32, i32) {
    %c0_i32 = arith.constant 0 : i32
    %c0_i32_0 = arith.constant 0 : i32
    return %arg0, %c0_i32 : i32, i32
  }
  func.func @transform_3(%arg0: i32) -> (i32, i32) {
    %add3A = arith.constant 5 : i32
    %add3A_0 = arith.addi %arg0, %add3A : i32
    %c0_i32 = arith.constant 0 : i32
    %c0_i32_1 = arith.constant 0 : i32
    return %add3A_0, %c0_i32 : i32, i32
  }
  func.func @transform_4(%arg0: i32) -> (i32, i32) {
    %c0_i32 = arith.constant 0 : i32
    %c0_i32_0 = arith.constant 0 : i32
    return %arg0, %c0_i32 : i32, i32
  }
}

</mosaic_0001>

<sc_bundles>
// kernel: kernel.12.cloned.1.call-start
scs
__scs_entry_jumppad:
0x0: {  	(pc) =	sbr.rel $0x88, $3  }
0x1: {  	(tag) =	ssettag $0x0;
	lr =	simm.s32 $0x1  }
0x2: {  	[smem:$0x3F92] =	sst lr;
	_ =	strace $0xD0000000  }
0x3: {  	_ = 	snop  }
0x4: {  	_ = 	snop  }
0x5: {  	_ = 	snop  }
0x6: {  	_ = 	snop  }
0x7: {  	_ = 	snop  }
__scs_overlays_trampoline_lowered:
0x8: {  	[smem:$0x3FA1] =	sst s0  }
0x9: {  	[smem:$0x3FA2] =	sst s1  }
0xa: {  	[smem:$0x3FA3] =	sst s2  }
0xb: {  	[smem:$0x3FA4] =	sst s3  }
0xc: {  	[smem:$0x3FA5] =	sst s4  }
0xd: {  	[smem:$0x3FA6] =	sst s5  }
0xe: {  	[smem:$0x3FA7] =	sst s6  }
0xf: {  	[smem:$0x3FA8] =	sst s7  }
0x10: {  	[smem:$0x3FA9] =	sst s8  }
0x11: {  	[smem:$0x3FAA] =	sst s9;
	s0 =	simm.s32 @!p0 $0x0  }
0x12: {  	s1 =	sld [smem:$0x3F90];
	s0 =	simm.s32 @p0 $0x1  }
0x13: {  	[smem:$0x3FAB] =	sst s0;
	s0 =	simm.s32 @!p1 $0x0  }
0x14: {  	s2 =	sld [smem:$0x3F8F];
	s0 =	simm.s32 @p1 $0x1  }
0x15: {  	[smem:$0x3FAC] =	sst s0;
	s0 =	simm.s32 @!p2 $0x0  }
0x16: {  	s3 =	sld [smem:$0x3FDB];
	s0 =	simm.s32 @p2 $0x1  }
0x17: {  	s4 =	simm.s32 $0x1BF5;
	[smem:$0x3FAE] =	sst s0  }
0x18: {  	s0 =	sld [smem:$0x3F91];
	_ =	swait.ge [sflag:s4], $0x0  }
0x19: {  	s7 =	sld [smem:$0x3F92]  }
0x1a: {  	s8 =	sadd.s32 $0xFFFFE003, lr  }
0x1b: {  	s9 =	sadd.s32 $0xFFFFFEF7, lr;
	s5 =	simm.s32 $0xFFFFFFFF;
	p2 =	slt.u32 s8, $0xFFFFF086  }
0x1c: {  	p1 =	slt.u32 s9, $0xF7A;
	s5 =	simm.s32 @!p2 $0x0  }
0x1d: {  	s5 =	simm.s32 @p1 $0x1;
	p0 =	seq.s32 s7, s2  }
0x1e: {  	s7 =	smul.u32 @!p0 $0xF7A, s2;
	p2 =	seq.s32 @!p0 s5, $0x0  }
0x1f: {  	s9 =	smul.u32 $0xF7A, s1;
	s8 =	simm.s32 @!p0 $0x1BF5;
	p2 =	por !p2, p0  }
0x20: {  	[sflag:s8] =	ssyncset.s32 @!p0 $0xFFFFF086;
	s6 =	sadd.s32 @!p0 s3, s7;
	s7 =	simm.s32 @!p0 $0x108  }
0x21: {  	s3 =	sadd.s32 s3, s9;
	s6 =	sadd.s32 @!p0 $0x88, s6;
	s7 =	simm.s32 @p2 $0x1082  }
0x22: {  	[simem:s7], [sflag:s8] =	dma.local @!p0 [hbm:s6], $0xF7A  }
0x23: {  	s9 =	sor.u32 $0xD0000000, s2;
	s6 =	simm.s32 $0x108;
	_ =	swait.ge @!p0 [sflag:s8], $0x0  }
0x24: {  	s3 =	sadd.s32 $0x88, s3;
	s6 =	simm.s32 @!p1 $0x1082;
	[sflag:s4] =	ssyncset.s32 $0xFFFFF086  }
0x25: {  	[simem:s6], [sflag:s4] =	dma.local [hbm:s3], $0xF7A  }
0x26: {  	[smem:$0x3F92] =	sst s1;
	(tag) =	ssettag s2;
	_ =	strace s9  }
0x27: {  	s1 =	sld [smem:$0x3FA2]  }
0x28: {  	s2 =	sld [smem:$0x3FA3]  }
0x29: {  	s4 =	sld [smem:$0x3FA5]  }
0x2a: {  	p0 =	seq.s32 s5, $0x0;
	s5 =	sld [smem:$0x3FA6]  }
0x2b: {  	s6 =	sld [smem:$0x3FA7]  }
0x2c: {  	s7 =	sld [smem:$0x3FA8]  }
0x2d: {  	s3 =	simm.s32 $0x108;
	s8 =	sld [smem:$0x3FA9]  }
0x2e: {  	s3 =	simm.s32 @!p0 $0x1082;
	s9 =	sld [smem:$0x3FAA]  }
0x2f: {  	lr =	sadd.s32 s0, s3;
	s0 =	sld [smem:$0x3FA1]  }
0x30: {  	s3 =	sld [smem:$0x3FA4]  }
0x31: {  	[smem:$0x3FAD] =	sst s10  }
0x32: {  	s10 =	sld [smem:$0x3FAB];
	_ =	sdelay $0x3  }
0x33: {  	p0 =	seq.s32 s10, $0x1;
	s10 =	sld [smem:$0x3FAD];
	_ =	sdelay $0x3  }
0x34: {  	[smem:$0x3FAD] =	sst s10  }
0x35: {  	s10 =	sld [smem:$0x3FAC];
	_ =	sdelay $0x3  }
0x36: {  	p1 =	seq.s32 s10, $0x1;
	s10 =	sld [smem:$0x3FAD];
	_ =	sdelay $0x3  }
0x37: {  	[smem:$0x3FAD] =	sst s10  }
0x38: {  	s10 =	sld [smem:$0x3FAE]  }
0x39: {  	_ = 	snop;
	(pc) =	sbr.ind lr, $3  }
0x3a: {  	_ = 	snop  }
0x3b: {  	_ = 	snop  }
0x3c: {  	p2 =	seq.s32 s10, $0x1;
	s10 =	sld [smem:$0x3FAD]  }
0x3d: {  	_ =	shalt  }
0x3e: {  	_ =	shalt  }
0x3f: {  	_ =	shalt  }
0x40: {  	_ =	shalt  }
0x41: {  	_ =	shalt  }
0x42: {  	_ =	shalt  }
0x43: {  	_ =	shalt  }
0x44: {  	_ =	shalt  }
0x45: {  	_ =	shalt  }
0x46: {  	_ =	shalt  }
0x47: {  	_ =	shalt  }
0x48: {  	_ =	shalt  }
0x49: {  	_ =	shalt  }
0x4a: {  	_ =	shalt  }
0x4b: {  	_ =	shalt  }
0x4c: {  	_ =	shalt  }
0x4d: {  	_ =	shalt  }
0x4e: {  	_ =	shalt  }
0x4f: {  	_ =	shalt  }
0x50: {  	_ =	shalt  }
0x51: {  	_ =	shalt  }
0x52: {  	_ =	shalt  }
0x53: {  	_ =	shalt  }
0x54: {  	_ =	shalt  }
0x55: {  	_ =	shalt  }
0x56: {  	_ =	shalt  }
0x57: {  	_ =	shalt  }
0x58: {  	_ =	shalt  }
0x59: {  	_ =	shalt  }
0x5a: {  	_ =	shalt  }
0x5b: {  	_ =	shalt  }
0x5c: {  	_ =	shalt  }
0x5d: {  	_ =	shalt  }
0x5e: {  	_ =	shalt  }
0x5f: {  	_ =	shalt  }
0x60: {  	_ =	shalt  }
0x61: {  	_ =	shalt  }
0x62: {  	_ =	shalt  }
0x63: {  	_ =	shalt  }
0x64: {  	_ =	shalt  }
0x65: {  	_ =	shalt  }
0x66: {  	_ =	shalt  }
0x67: {  	_ =	shalt  }
0x68: {  	_ =	shalt  }
0x69: {  	_ =	shalt  }
0x6a: {  	_ =	shalt  }
0x6b: {  	_ =	shalt  }
0x6c: {  	_ =	shalt  }
0x6d: {  	_ =	shalt  }
0x6e: {  	_ =	shalt  }
0x6f: {  	_ =	shalt  }
0x70: {  	_ =	shalt  }
0x71: {  	_ =	shalt  }
0x72: {  	_ =	shalt  }
0x73: {  	_ =	shalt  }
0x74: {  	_ =	shalt  }
0x75: {  	_ =	shalt  }
0x76: {  	_ =	shalt  }
0x77: {  	_ =	shalt  }
0x78: {  	_ =	shalt  }
0x79: {  	_ =	shalt  }
0x7a: {  	_ =	shalt  }
0x7b: {  	_ =	shalt  }
0x7c: {  	_ =	shalt  }
0x7d: {  	_ =	shalt  }
0x7e: {  	_ =	shalt  }
0x7f: {  	_ =	shalt  }
0x80: {  	_ =	shalt  }
0x81: {  	_ =	shalt  }
0x82: {  	_ =	shalt  }
0x83: {  	_ =	shalt  }
0x84: {  	_ =	shalt  }
0x85: {  	_ =	shalt  }
0x86: {  	_ =	shalt  }
0x87: {  	_ =	shalt  }
.Lfunc_end0:
.L_simem_size_0:
called_computation.1_lowered:
.L_overlay_start_0:
0x88: {  	s2 =	sld [smem:$0x3FD9]  }
0x89: {  	s3 =	sld [smem:$0x3FFE];
	_ =	sdelay $0x1  }
0x8a: {  	s1 =	srdreg.scid  }
0x8b: {  	s0 =	sand.u32 $0x1, s1  }
0x8c: {  	s17 =	sshll.u32 s0, $0xA;
	s2 =	sadd.s32 s3, s2  }
0x8d: {  	s2 =	sadd.s32 s2, s17  }
0x8e: {  	[smem:$0x3FB9] =	sst s2  }
0x8f: {  	_ = 	snop  }
0x90: {  	s2 =	sld [smem:$0x3FD0];
	(tm) =	ssettm $0x1  }
0x91: {  	s18 =	sld [smem:$0x3FFB];
	_ =	sdelay $0x3  }
0x92: {  	_ =	strace s18  }
0x93: {  	s3 =	sld [smem:$0x3FFC];
	_ =	sdelay $0x3  }
0x94: {  	_ =	strace s3  }
0x95: {  	s3 =	sld [smem:$0x3FFD];
	_ =	sdelay $0x3  }
0x96: {  	_ =	strace s3  }
0x97: {  	_ =	strace $0x8FFFFFFF  }
0x98: {  	s19 =	sld [smem:$0x3FDB];
	_ =	sdelay $0x1  }
0x99: {  	s4 =	simm.s32 $_scs_section_size  }
0x9a: {  	s5 =	simm.s32 $_size__tile_overlayer_lowered;
	s6 =	simm.s32 $_tile_overlayer_lowered  }
0x9b: {  	s22 =	simm.s32 $0x1BFF;
	s21 =	sshll.u32 s6, $0x1;
	s3 =	sadd.s32 s4, s19  }
0x9c: {  	s7 =	simm.s32 $0x0;
	s20 =	sshll.u32 s5, $0x1;
	s5 =	sadd.s32 s21, s3  }
0x9d: {  	[timem:s7], [sflag:s22] =	dma.local [hbm:s5], s20  }
0x9e: {  	_ =	swait.ge [sflag:s22], s20  }
0x9f: {  	s4 =	ssub.s32 $0x0, s20;
	[sflag:s22] =	ssyncset.done $0x0  }
0xa0: {  	[sflag:s22] =	ssyncadd.s32 s4;
	_ =	sdelay $0x1  }
0xa1: {  	s23 =	simm.s32 $0x1B8B  }
0xa2: {  	_ =	swait.ge [sflag:s23], $0x1  }
0xa3: {  	[sflag:s23] =	ssyncset.done $0x0  }
0xa4: {  	s25 =	simm.s32 $0x1B8E;
	s24 =	sld [smem:$0x3FFE];
	[sflag:s23] =	ssyncadd.s32 $0xFFFFFFFF  }
0xa5: {  	s26 =	simm.s32 $execute0_lowered;
	[smem:$0x3FD2] =	sst s25  }
0xa6: {  	s5 =	sshll.u32 s26, $0x1;
	_ =	strace $0x80000046;
	[dreg:$0x1] =	wrdreg $0xFFFFFFFF  }
0xa7: {  	s28 =	simm.s32 $_size_execute0_lowered;
	s3 =	sadd.s32 s3, s5;
	[dreg:$0x0] =	wrdreg $0x0  }
0xa8: {  	s5 =	sshll.u32 s28, $0x1;
	[dreg:$0x2] =	wrdreg s3  }
0xa9: {  	[dreg:$0x3] =	wrdreg s5  }
0xaa: {  	[dreg:$0x4] =	wrdreg $0xC0  }
0xab: {  	_ =	task [dreg:s7], $0x5FFFF  }
0xac: {  	[dreg:$0x1] =	wrdreg $0xFFFFFFFF  }
0xad: {  	[dreg:$0x0] =	wrdreg $0x60  }
0xae: {  	[dreg:$0x2] =	wrdreg s2  }
0xaf: {  	[dreg:$0x3] =	wrdreg s24  }
0xb0: {  	[dreg:$0x4] =	wrdreg $0x7A000  }
0xb1: {  	[dreg:$0x5] =	wrdreg $0xA  }
0xb2: {  	_ =	task.clear_ibuf [dreg:s7], $0x6FFFF;
	_ =	strace $0x90000046  }
0xb3: {  	s29 =	simm.s32 $0xA;
	_ =	strace $0x80000048  }
0xb4: {  	_ =	swait.ge [sflag:s29], $0x1  }
0xb5: {  	[sflag:s29] =	ssyncadd.s32 $0xFFFFFFFF  }
0xb6: {  	_ =	strace $0x90000048  }
0xb7: {  	_ =	sfence  }
0xb8: {  	s30 =	sld [smem:$0x0];
	_ =	sdelay $0x2  }
0xb9: {  	s31 =	sshll.u32 s1, $0xD;
	s1 =	sshrl.u32 s1, $0x2  }
0xba: {  	s3 =	sand.u32 $0x4000, s31;
	s1 =	sadd.s32 s1, s30  }
0xbb: {  	s0 =	sor.u32 s3, s0;
	s1 =	sshll.u32 s1, $0x11  }
0xbc: {  	s0 =	sor.u32 s1, s0  }
0xbd: {  	s0 =	sadd.s32 $0x8F2B, s0  }
0xbe: {  	[sflag:s0] =	ssyncadd.remote.s32 $0x1  }
0xbf: {  	_ =	sfence.sel $0xFFFF  }
0xc0: {  	[dreg:$0x0] =	wrdreg $0xFFFFFFFF;
	(pc) =	sbr.abs _section_cstart, $3  }
0xc1: {  	[dreg:$0x1] =	wrdreg $0xFFFFFFFF  }
0xc2: {  	_ =	task.clear_ibuf [dreg:s7], $0x2FFFF;
	_ =	strace $0x9FFFFFFF  }
0xc3: {  	(tm) =	ssettm $0x7FFFFFFF  }
tec
execute0_lowered:
.L_overlay_start_1:
0x0: {  	(tag) =	ssettag $0x1  }
0x1: {  	s1 =	rddreg [dreg:$0x0]  }
0x2: {  	s0 =	rddreg [dreg:$0x1]  }
0x3: {  	s2 =	rddreg [dreg:$0x2];
	s3 =	srdreg.scid;
	s4 =	simm.s32 $0x0  }
0x4: {  	s12 =	stileid.u32;
	s20 =	simm.s32 $0x7;
	s28 =	simm.s32 $0x3D80  }
0x5: {  	s29 =	simm.s32 $0x3E00;
	s17 =	simm.s32 $0x0;
	s8 =	smul.u32 $0x280, s12  }
0x6: {  	s3 =	sand.u32 $0x1, s3;
	s5 =	sadd.s32 $0x2D7A00, s0;
	s11 =	smul.u32 $0x50000, s12  }
0x7: {  	[smem:$0x7FF] =	sst s4;
	s6 =	sadd.s32 $0x548A00, s0;
	s7 =	smul.u32 $0x2800, s3  }
0x8: {  	_ =	strace $0x80000047;
	s10 =	ssub.s32 $0x2, s3;
	s3 =	sshll.u32 s3, $0x4  }
0x9: {  	s21 =	sshrl.u32 s10, $0x1;
	s3 =	sor.u32 s12, s3;
	s22 =	sshrl.u32 s11, $0x2  }
0xa: {  	s12 =	sshll.u32 s12, $0x6;
	s9 =	sadd.s32 s8, s7;
	s7 =	sadd.s32 $0x2CDC00, s0  }
0xb: {  	s11 =	simm.s32 $0x4;
	s8 =	sadd.s32 $0x2C3E00, s0;
	s23 =	smul.u32 $0x1388, s3  }
0xc: {  	s3 =	smul.u32 $0x13880, s3;
	s14 =	sor.u32 $0x1C07, s12;
	s9 =	sshll.u32 s9, $0x4  }
0xd: {  	[dreg:$0x5] =	wrdreg s14;
	s0 =	sadd.s32 s9, s0;
	s9 =	ssub.s32 s10, s21  }
0xe: {  	s10 =	sadd.s32 s22, s2;
	s24 =	sshrl.u32 s23, $0x3;
	s26 =	sadd.s32 s5, s3  }
0xf: {  	s3 =	sadd.s32 s6, s3;
	s30 =	sadd.s32 $0x28, s23;
	[dreg:$0x8] =	wrdreg s26  }
0x10: {  	s16 =	sadd.s32 $0x50, s23;
	s21 =	simm.s32 $0x80;
	[dreg:$0x9] =	wrdreg s3  }
0x11: {  	s22 =	simm.s32 $0x28;
	s13 =	sadd.s32 $0x52E00, s0;
	[dreg:$0xa] =	wrdreg s30  }
0x12: {  	s23 =	simm.s32 $0x100;
	s25 =	sadd.s32 s7, s24;
	[dreg:$0x4] =	wrdreg s13  }
0x13: {  	s12 =	sadd.s32 s8, s24;
	s0 =	sadd.s32 $0xA2E00, s0;
	[dreg:$0x6] =	wrdreg s25  }
0x14: {  	s31 =	smax.u32 s9, $0x1;
	s15 =	sshrl.u32 s10, $0x3;
	[dreg:$0x7] =	wrdreg s12  }
0x15: {  	s26 =	simm.s32 $0x3D00;
	s3 =	simm.s32 $0x2;
	[dreg:$0xb] =	wrdreg s0  }
0x16: {  	s9 =	simm.s32 $0x3;
	[dreg:$0xc] =	wrdreg s31;
	s0 =	simm.s32 $0x1  }
0x17: {  	s12 =	simm.s32 $0x5;
	s13 =	simm.s32 $0x6;
	[dreg:$0xd] =	wrdreg s15  }
.LBB2_1:
0x18: {  	[dreg:$0xe] =	wrdreg s17  }
0x19: {  	s10 =	rddreg [dreg:$0x4]  }
0x1a: {  	[spmem:s15], [sflag:s14] =	dma.local [hbm:s10], $0x2800  }
0x1b: {  	_ =	swait.ge [sflag:s20], $0x2800  }
0x1c: {  	[sflag:s20] =	ssyncset.done $0x0  }
0x1d: {  	[sflag:s20] =	ssyncadd.s32 $0xFFFFD800  }
0x1e: {  	[bflag:$0x0] =	sbarrier.arrive $0xFFFF  }
0x1f: {  	s18 =	rddreg [dreg:$0x6]  }
0x20: {  	[tilespmem:s4], [sflag:$0x7] =	stream.linear.gather [hbm4b:s18+s4], $0x28, $0x38;
	[tilespmem:$0x1BA00] =	vst v63  }
0x21: {  	_ =	swait.ge [sflag:s20], $0x28  }
0x22: {  	[sflag:s20] =	ssyncset.done $0x0  }
0x23: {  	s19 =	rddreg [dreg:$0x7];
	[sflag:s20] =	ssyncadd.s32 $0xFFFFFFD8  }
0x24: {  	[tilespmem:s21], [sflag:$0x7] =	stream.linear.gather [hbm4b:s19+s4], $0x28, $0x38;
	[tilespmem:$0x1BA00] =	vst v63  }
0x25: {  	_ =	swait.ge [sflag:s20], $0x28  }
0x26: {  	[sflag:s20] =	ssyncset.done $0x0  }
0x27: {  	[sflag:s20] =	ssyncadd.s32 $0xFFFFFFD8  }
0x28: {  	[tilespmem:s23], [sflag:$0x1] =	stream.indirect.gather [hbm4b:s1+s22], $0x80, s4, s22, $0xb8;
	[tilespmem:$0x1BA00] =	vst v63  }
0x29: {  	s25 =	simm.s32 $0x1500;
	s24 =	rddreg [dreg:$0x8]  }
0x2a: {  	[tilespmem:s25], [sflag:$0x2] =	stream.linear.gather [hbm4b:s24+s4], $0x1400, $0x38;
	[tilespmem:$0x1BA00] =	vst v63  }
0x2b: {  	s31 =	simm.s32 $0x2900;
	s17 =	simm.s32 $0x0;
	s30 =	rddreg [dreg:$0x9]  }
0x2c: {  	[tilespmem:s31], [sflag:$0x3] =	stream.linear.gather [hbm4b:s30+s4], $0x1400, $0x38;
	[tilespmem:$0x1BA00] =	vst v63  }
.LBB2_2:
0x2d: {  	s18 =	smul.u32 $0x50, s17  }
0x2e: {  	s10 =	rddreg [dreg:$0xa]  }
0x2f: {  	s10 =	sadd.s32 s18, s10  }
0x30: {  	s14 =	sshrl.u32 s10, $0x3  }
0x31: {  	s15 =	sadd.s32 s7, s14  }
0x32: {  	[tilespmem:s26], [sflag:$0x7] =	stream.linear.gather [hbm4b:s15+s4], $0x28, $0x38;
	[tilespmem:$0x1BA00] =	vst v63  }
0x33: {  	_ =	swait.ge [sflag:s20], $0x28  }
0x34: {  	[sflag:s20] =	ssyncset.done $0x0  }
0x35: {  	s14 =	sadd.s32 s8, s14;
	[sflag:s20] =	ssyncadd.s32 $0xFFFFFFD8  }
0x36: {  	[tilespmem:s28], [sflag:$0x7] =	stream.linear.gather [hbm4b:s14+s4], $0x28, $0x38;
	[tilespmem:$0x1BA00] =	vst v63  }
0x37: {  	_ =	swait.ge [sflag:s20], $0x28  }
0x38: {  	[sflag:s20] =	ssyncset.done $0x0  }
0x39: {  	s10 =	sshll.u32 s10, $0x4;
	[sflag:s20] =	ssyncadd.s32 $0xFFFFFFD8  }
0x3a: {  	[tilespmem:s29], [sflag:$0x4] =	stream.indirect.gather [hbm4b:s1+s22], $0x80, s26, s22, $0xb8;
	[tilespmem:$0x1BA00] =	vst v63  }
0x3b: {  	s24 =	simm.s32 $0x5200;
	s19 =	sadd.s32 s5, s10  }
0x3c: {  	[tilespmem:s24], [sflag:$0x5] =	stream.linear.gather [hbm4b:s19+s4], $0x1400, $0x38;
	[tilespmem:$0x1BA00] =	vst v63  }
0x3d: {  	s25 =	simm.s32 $0x6600;
	s10 =	sadd.s32 s6, s10  }
0x3e: {  	[tilespmem:s25], [sflag:$0x6] =	stream.linear.gather [hbm4b:s10+s4], $0x1400, $0x38;
	[tilespmem:$0x1BA00] =	vst v63  }
0x3f: {  	_ =	swait.ge [sflag:s0], $0x1400  }
0x40: {  	[sflag:s0] =	ssyncset.done $0x0  }
0x41: {  	[sflag:s0] =	ssyncadd.s32 $0xFFFFEC00  }
0x42: {  	_ =	swait.ge [sflag:s3], $0x1400  }
0x43: {  	[sflag:s3] =	ssyncset.done $0x0  }
0x44: {  	[sflag:s3] =	ssyncadd.s32 $0xFFFFEC00  }
0x45: {  	_ =	swait.ge [sflag:s9], $0x1400  }
0x46: {  	[sflag:s9] =	ssyncset.done $0x0  }
0x47: {  	s10 =	simm.s32 $0x200;
	[sflag:s9] =	ssyncadd.s32 $0xFFFFEC00  }
0x48: {  	s24 =	simm.s32 $0x1600;
	v0 =	vld [tilespmem:s10+$0x80]  }
0x49: {  	s31 =	simm.s32 $0x2A00;
	v1 =	vld [tilespmem:s24+$0x80]  }
0x4a: {  	v2 =	vld [tilespmem:s31+$0x80]  }
0x4b: {  	v3 =	vld [tilespmem:s10+$0xFFFFFF80]  }
0x4c: {  	v4 =	vld [tilespmem:s10+$0x0]  }
0x4d: {  	v5 =	vld [tilespmem:s10+$0xFFFFFF00]  }
0x4e: {  	v6 =	vld [tilespmem:s31+$0xFFFFFF00]  }
0x4f: {  	v7 =	vld [tilespmem:s31+$0xFFFFFF80]  }
0x50: {  	v9 =	vld [tilespmem:s24+$0x0]  }
0x51: {  	v10 =	vld [tilespmem:s10+$0xFFFFFF20]  }
0x52: {  	v12 =	vld [tilespmem:s10+$0x20]  }
0x53: {  	s19 =	simm.s32 $0x400;
	v14 =	vld [tilespmem:s10+$0x30]  }
0x54: {  	s14 =	simm.s32 $0x1800;
	v29 =	vld [tilespmem:s19+$0x80]  }
0x55: {  	s30 =	simm.s32 $0x2C00;
	v15 =	vld [tilespmem:s14+$0x80]  }
0x56: {  	v16 =	vld [tilespmem:s30+$0x80]  }
0x57: {  	v30 =	vld [tilespmem:s19+$0xFFFFFF80]  }
0x58: {  	v31 =	vld [tilespmem:s19+$0x0]  }
0x59: {  	v32 =	vld [tilespmem:s19+$0x90]  }
0x5a: {  	v34 =	vld [tilespmem:s19+$0xFFFFFF10]  }
0x5b: {  	v35 =	vld [tilespmem:s19+$0xFFFFFF90]  }
0x5c: {  	v36 =	vld [tilespmem:s19+$0x10]  }
0x5d: {  	v37 =	vld [tilespmem:s19+$0xFFFFFF20]  }
0x5e: {  	v38 =	vld [tilespmem:s19+$0xFFFFFFA0]  }
0x5f: {  	v39 =	vld [tilespmem:s19+$0x20]  }
0x60: {  	v42 =	vld [tilespmem:s19+$0xA0]  }
0x61: {  	v46 =	vld [tilespmem:s19+$0xFFFFFF30]  }
0x62: {  	v47 =	vld [tilespmem:s19+$0xFFFFFFB0];
	v0 =	vmul.f32 v1, v0  }
0x63: {  	v49 =	vld [tilespmem:s19+$0x30]  }
0x64: {  	v50 =	vld [tilespmem:s19+$0xFFFFFF40];
	v0 =	vadd.f32 v2, v0  }
0x65: {  	v1 =	vld [tilespmem:s24+$0xFFFFFF00]  }
0x66: {  	v51 =	vld [tilespmem:s19+$0xFFFFFFC0];
	v0 =	vmax.f32 v0, $9.999999740e-06  }
0x67: {  	v2 =	vld [tilespmem:s24+$0xFFFFFF80];
	v0 =	vmul.f32 v0, v0  }
0x68: {  	v60 =	vld [tilespmem:s19+$0x40]  }
0x69: {  	[tilespmem:s10+$0x80] =	vst v0;
	v0 =	vld [tilespmem:s10+$0x90]  }
0x6a: {  	v1 =	vmul.f32 v1, v5;
	v8 =	vld [tilespmem:s24+$0x90]  }
0x6b: {  	v61 =	vld [tilespmem:s19+$0xFFFFFF50]  }
0x6c: {  	v2 =	vmul.f32 v2, v3;
	v1 =	vadd.f32 v6, v1;
	v3 =	vld [tilespmem:s31+$0x90]  }
0x6d: {  	v62 =	vld [tilespmem:s19+$0xFFFFFFD0]  }
0x6e: {  	v5 =	vld [tilespmem:s31+$0x0];
	v2 =	vadd.f32 v7, v2;
	v1 =	vmax.f32 v1, $9.999999740e-06  }
0x6f: {  	v63 =	vld [tilespmem:s19+$0x50];
	v1 =	vmul.f32 v1, v1;
	v0 =	vmul.f32 v8, v0  }
0x70: {  	v6 =	vld [tilespmem:s10+$0xFFFFFF10];
	v2 =	vmax.f32 v2, $9.999999740e-06  }
0x71: {  	v7 =	vld [tilespmem:s10+$0xFFFFFF90];
	v2 =	vmul.f32 v2, v2;
	[tilespmem:s10+$0xFFFFFF00] =	vst v1;
	v1 =	vmul.f32 v9, v4;
	v0 =	vadd.f32 v3, v0  }
0x72: {  	v4 =	vld [tilespmem:s24+$0xFFFFFF10]  }
0x73: {  	[tilespmem:s10+$0xFFFFFF80] =	vst v2;
	v1 =	vadd.f32 v5, v1;
	v5 =	vld [tilespmem:s31+$0xFFFFFF10];
	v0 =	vmax.f32 v0, $9.999999740e-06  }
0x74: {  	v2 =	vld [tilespmem:s24+$0xFFFFFF90];
	v0 =	vmul.f32 v0, v0  }
0x75: {  	v9 =	vld [tilespmem:s31+$0xFFFFFF90]  }
0x76: {  	[tilespmem:s10+$0x90] =	vst v0;
	v0 =	vmax.f32 v1, $9.999999740e-06;
	v1 =	vld [tilespmem:s10+$0xA0]  }
0x77: {  	v0 =	vmul.f32 v0, v0;
	v11 =	vld [tilespmem:s24+$0xA0]  }
0x78: {  	v8 =	vld [tilespmem:s10+$0x10];
	v4 =	vmul.f32 v4, v6  }
0x79: {  	[tilespmem:s10+$0x0] =	vst v0;
	v0 =	vmul.f32 v2, v7;
	v2 =	vld [tilespmem:s31+$0xA0]  }
0x7a: {  	v3 =	vld [tilespmem:s10+$0xFFFFFFA0];
	v4 =	vadd.f32 v5, v4  }
0x7b: {  	v6 =	vld [tilespmem:s24+$0x10];
	v0 =	vadd.f32 v9, v0  }
0x7c: {  	v4 =	vmax.f32 v4, $9.999999740e-06;
	v7 =	vld [tilespmem:s10+$0xFFFFFF30];
	v1 =	vmul.f32 v11, v1  }
0x7d: {  	v4 =	vmul.f32 v4, v4;
	v5 =	vld [tilespmem:s31+$0x10];
	v0 =	vmax.f32 v0, $9.999999740e-06  }
0x7e: {  	v9 =	vld [tilespmem:s10+$0xFFFFFFB0];
	v0 =	vmul.f32 v0, v0;
	v1 =	vadd.f32 v2, v1  }
0x7f: {  	[tilespmem:s10+$0xFFFFFF10] =	vst v4;
	v11 =	vld [tilespmem:s10+$0xFFFFFF40]  }
0x80: {  	v4 =	vld [tilespmem:s24+$0xFFFFFF20];
	[tilespmem:s10+$0xFFFFFF90] =	vst v0;
	v0 =	vmax.f32 v1, $9.999999740e-06;
	v1 =	vmul.f32 v6, v8  }
0x81: {  	v8 =	vld [tilespmem:s31+$0xFFFFFF20]  }
0x82: {  	v6 =	vld [tilespmem:s24+$0xFFFFFFA0];
	v0 =	vmul.f32 v0, v0;
	v1 =	vadd.f32 v5, v1  }
0x83: {  	v5 =	vld [tilespmem:s31+$0xFFFFFFA0]  }
0x84: {  	[tilespmem:s10+$0xA0] =	vst v0;
	v0 =	vld [tilespmem:s10+$0xB0];
	v1 =	vmax.f32 v1, $9.999999740e-06  }
0x85: {  	v4 =	vmul.f32 v4, v10;
	v13 =	vld [tilespmem:s24+$0xB0];
	v1 =	vmul.f32 v1, v1  }
0x86: {  	v2 =	vld [tilespmem:s10+$0xFFFFFFC0]  }
0x87: {  	v3 =	vmul.f32 v6, v3;
	v6 =	vld [tilespmem:s31+$0xB0];
	[tilespmem:s10+$0x10] =	vst v1;
	v1 =	vadd.f32 v8, v4  }
0x88: {  	v10 =	vld [tilespmem:s10+$0xFFFFFF50]  }
0x89: {  	v4 =	vld [tilespmem:s24+$0x20];
	v3 =	vadd.f32 v5, v3;
	v1 =	vmax.f32 v1, $9.999999740e-06  }
0x8a: {  	v8 =	vld [tilespmem:s10+$0x40];
	v0 =	vmul.f32 v13, v0;
	v1 =	vmul.f32 v1, v1  }
0x8b: {  	v5 =	vld [tilespmem:s31+$0x20];
	v3 =	vmax.f32 v3, $9.999999740e-06  }
0x8c: {  	v3 =	vmul.f32 v3, v3;
	v0 =	vadd.f32 v6, v0;
	v6 =	vld [tilespmem:s10+$0xFFFFFFD0];
	[tilespmem:s10+$0xFFFFFF20] =	vst v1  }
0x8d: {  	v1 =	vld [tilespmem:s24+$0xFFFFFF30]  }
0x8e: {  	[tilespmem:s10+$0xFFFFFFA0] =	vst v3;
	v0 =	vmax.f32 v0, $9.999999740e-06;
	v3 =	vmul.f32 v4, v12;
	v17 =	vld [tilespmem:s31+$0xFFFFFF30]  }
0x8f: {  	v4 =	vld [tilespmem:s24+$0xFFFFFFB0];
	v0 =	vmul.f32 v0, v0  }
0x90: {  	v3 =	vadd.f32 v5, v3;
	v5 =	vld [tilespmem:s31+$0xFFFFFFB0]  }
0x91: {  	v12 =	vmul.f32 v15, v29;
	[tilespmem:s10+$0xB0] =	vst v0;
	v0 =	vld [tilespmem:s10+$0xC0]  }
0x92: {  	v18 =	vmax.f32 v3, $9.999999740e-06;
	v3 =	vld [tilespmem:s10+$0x50]  }
0x93: {  	v12 =	vadd.f32 v16, v12;
	v1 =	vmul.f32 v1, v7;
	v7 =	vld [tilespmem:s24+$0xC0]  }
0x94: {  	v13 =	vmul.f32 v18, v18;
	v18 =	vld [tilespmem:s14+$0xFFFFFF80]  }
0x95: {  	v12 =	vmax.f32 v12, $9.999999740e-06;
	v4 =	vmul.f32 v4, v9;
	v9 =	vld [tilespmem:s31+$0xC0]  }
0x96: {  	v12 =	vmul.f32 v12, v12;
	v1 =	vadd.f32 v17, v1;
	[tilespmem:s10+$0x20] =	vst v13;
	v17 =	vld [tilespmem:s14+$0xFFFFFF00]  }
0x97: {  	v4 =	vadd.f32 v5, v4;
	v5 =	vld [tilespmem:s24+$0x30]  }
0x98: {  	[tilespmem:s19+$0x80] =	vst v12;
	v19 =	vld [tilespmem:s31+$0x30]  }
0x99: {  	v33 =	vld [tilespmem:s30+$0x90];
	v1 =	vmax.f32 v1, $9.999999740e-06  }
0x9a: {  	v20 =	vmul.f32 v1, v1;
	v1 =	vld [tilespmem:s10+$0xFFFFFF60]  }
0x9b: {  	v4 =	vmax.f32 v4, $9.999999740e-06;
	v7 =	vmul.f32 v7, v0;
	v0 =	vld [tilespmem:s10+$0xFFFFFFE0]  }
0x9c: {  	v4 =	vmul.f32 v4, v4;
	[tilespmem:s10+$0xFFFFFF30] =	vst v20;
	v20 =	vld [tilespmem:s19+$0xFFFFFF00]  }
0x9d: {  	v7 =	vadd.f32 v9, v7;
	v9 =	vld [tilespmem:s24+$0xFFFFFF40]  }
0x9e: {  	[tilespmem:s10+$0xFFFFFFB0] =	vst v4;
	v4 =	vmul.f32 v5, v14;
	v13 =	vld [tilespmem:s31+$0xFFFFFF40]  }
0x9f: {  	v5 =	vld [tilespmem:s24+$0xFFFFFFC0];
	v7 =	vmax.f32 v7, $9.999999740e-06  }
0xa0: {  	v21 =	vld [tilespmem:s31+$0xFFFFFFC0];
	v7 =	vmul.f32 v7, v7;
	v4 =	vadd.f32 v19, v4  }
0xa1: {  	v19 =	vld [tilespmem:s14+$0x0]  }
0xa2: {  	[tilespmem:s10+$0xC0] =	vst v7;
	v4 =	vmax.f32 v4, $9.999999740e-06;
	v7 =	vld [tilespmem:s10+$0xD0]  }
0xa3: {  	v9 =	vmul.f32 v9, v11;
	v4 =	vmul.f32 v4, v4;
	v11 =	vld [tilespmem:s24+$0xD0]  }
0xa4: {  	v22 =	vld [tilespmem:s31+$0xD0]  }
0xa5: {  	v5 =	vmul.f32 v5, v2;
	v2 =	vld [tilespmem:s10+$0x60];
	[tilespmem:s10+$0x30] =	vst v4  }
0xa6: {  	v9 =	vadd.f32 v13, v9;
	v23 =	vld [tilespmem:s24+$0x40]  }
0xa7: {  	v4 =	vadd.f32 v21, v5;
	v21 =	vld [tilespmem:s30+$0xFFFFFF00]  }
0xa8: {  	v5 =	vmax.f32 v9, $9.999999740e-06;
	v9 =	vld [tilespmem:s31+$0x40]  }
0xa9: {  	v24 =	vmul.f32 v5, v5;
	v4 =	vmax.f32 v4, $9.999999740e-06;
	v7 =	vmul.f32 v11, v7;
	v5 =	vld [tilespmem:s10+$0xFFFFFF70]  }
0xaa: {  	v11 =	vmul.f32 v4, v4;
	v4 =	vld [tilespmem:s10+$0xFFFFFFF0]  }
0xab: {  	v7 =	vadd.f32 v22, v7;
	v22 =	vld [tilespmem:s30+$0xFFFFFF80]  }
0xac: {  	[tilespmem:s10+$0xFFFFFF40] =	vst v24;
	v24 =	vld [tilespmem:s30+$0x0]  }
0xad: {  	v17 =	vmul.f32 v17, v20;
	v25 =	vld [tilespmem:s24+$0xFFFFFF50]  }
0xae: {  	[tilespmem:s10+$0xFFFFFFC0] =	vst v11;
	v8 =	vmul.f32 v23, v8;
	v23 =	vld [tilespmem:s14+$0x90]  }
0xaf: {  	v17 =	vadd.f32 v21, v17;
	v11 =	vld [tilespmem:s24+$0xFFFFFFD0];
	v7 =	vmax.f32 v7, $9.999999740e-06  }
0xb0: {  	v15 =	vmul.f32 v18, v30;
	v26 =	vld [tilespmem:s31+$0xFFFFFF50];
	v7 =	vmul.f32 v7, v7;
	v8 =	vadd.f32 v9, v8  }
0xb1: {  	v16 =	vmul.f32 v19, v31;
	v27 =	vld [tilespmem:s31+$0xFFFFFFD0];
	v17 =	vmax.f32 v17, $9.999999740e-06  }
0xb2: {  	v9 =	vld [tilespmem:s10+$0xE0];
	v17 =	vmul.f32 v17, v17;
	[tilespmem:s10+$0xD0] =	vst v7;
	v8 =	vmax.f32 v8, $9.999999740e-06;
	v15 =	vadd.f32 v22, v15  }
0xb3: {  	v7 =	vmul.f32 v25, v10;
	v8 =	vmul.f32 v8, v8;
	v10 =	vld [tilespmem:s24+$0xE0]  }
0xb4: {  	v12 =	vmul.f32 v23, v32;
	[tilespmem:s19+$0xFFFFFF00] =	vst v17;
	v6 =	vmul.f32 v11, v6;
	v11 =	vld [tilespmem:s31+$0xE0];
	v15 =	vmax.f32 v15, $9.999999740e-06  }
0xb5: {  	v16 =	vadd.f32 v24, v16;
	v40 =	vld [tilespmem:s14+$0xFFFFFF10];
	v15 =	vmul.f32 v15, v15  }
0xb6: {  	v41 =	vld [tilespmem:s30+$0xFFFFFF10];
	[tilespmem:s10+$0x40] =	vst v8;
	v12 =	vadd.f32 v33, v12  }
0xb7: {  	v16 =	vmax.f32 v16, $9.999999740e-06;
	v14 =	vld [tilespmem:s24+$0x50];
	[tilespmem:s19+$0xFFFFFF80] =	vst v15  }
0xb8: {  	v16 =	vmul.f32 v16, v16;
	v12 =	vmax.f32 v12, $9.999999740e-06;
	v15 =	vld [tilespmem:s14+$0xFFFFFF90]  }
0xb9: {  	v13 =	vld [tilespmem:s31+$0x50];
	v12 =	vmul.f32 v12, v12  }
0xba: {  	v7 =	vadd.f32 v26, v7;
	[tilespmem:s19+$0x0] =	vst v16;
	v25 =	vld [tilespmem:s30+$0xFFFFFF90]  }
0xbb: {  	v26 =	vld [tilespmem:s14+$0x10];
	[tilespmem:s19+$0x90] =	vst v12  }
0xbc: {  	v6 =	vadd.f32 v27, v6;
	v7 =	vmax.f32 v7, $9.999999740e-06;
	v18 =	vmul.f32 v40, v34;
	v43 =	vld [tilespmem:s14+$0xA0]  }
0xbd: {  	v7 =	vmul.f32 v7, v7;
	v45 =	vld [tilespmem:s30+$0x10];
	v15 =	vmul.f32 v15, v35  }
0xbe: {  	v6 =	vmax.f32 v6, $9.999999740e-06;
	v44 =	vld [tilespmem:s30+$0xA0];
	v18 =	vadd.f32 v41, v18  }
0xbf: {  	v28 =	vmul.f32 v6, v6;
	v6 =	vld [tilespmem:s10+$0x70];
	[tilespmem:s10+$0xFFFFFF50] =	vst v7;
	v15 =	vadd.f32 v25, v15  }
0xc0: {  	v9 =	vmul.f32 v10, v9;
	v8 =	vld [tilespmem:s24+$0xFFFFFF60];
	v18 =	vmax.f32 v18, $9.999999740e-06  }
0xc1: {  	v10 =	vld [tilespmem:s31+$0xFFFFFF60];
	v48 =	vmul.f32 v18, v18;
	v12 =	vmul.f32 v43, v42;
	v15 =	vmax.f32 v15, $9.999999740e-06  }
0xc2: {  	[tilespmem:s10+$0xFFFFFFD0] =	vst v28;
	v28 =	vld [tilespmem:s19+$0xB0];
	v22 =	vmul.f32 v26, v36;
	v15 =	vmul.f32 v15, v15  }
0xc3: {  	v7 =	vadd.f32 v11, v9;
	v9 =	vld [tilespmem:s24+$0xFFFFFFE0];
	[tilespmem:s19+$0xFFFFFF10] =	vst v48;
	v12 =	vadd.f32 v44, v12  }
0xc4: {  	v52 =	vadd.f32 v45, v22;
	v53 =	vld [tilespmem:s14+$0xFFFFFF20];
	[tilespmem:s19+$0xFFFFFF90] =	vst v15  }
0xc5: {  	v12 =	vmax.f32 v12, $9.999999740e-06;
	v15 =	vld [tilespmem:s14+$0xFFFFFFA0]  }
0xc6: {  	v20 =	vmax.f32 v52, $9.999999740e-06;
	v54 =	vld [tilespmem:s30+$0xFFFFFF20];
	v12 =	vmul.f32 v12, v12  }
0xc7: {  	v20 =	vmul.f32 v20, v20;
	v27 =	vld [tilespmem:s30+$0xFFFFFFA0]  }
0xc8: {  	v11 =	vld [tilespmem:s31+$0xFFFFFFE0];
	[tilespmem:s19+$0xA0] =	vst v12  }
0xc9: {  	[tilespmem:s19+$0x10] =	vst v20;
	v21 =	vmul.f32 v53, v37;
	v55 =	vld [tilespmem:s14+$0xB0]  }
0xca: {  	v56 =	vld [tilespmem:s14+$0x20];
	v15 =	vmul.f32 v15, v38  }
0xcb: {  	v7 =	vmax.f32 v7, $9.999999740e-06;
	v57 =	vld [tilespmem:s30+$0xB0];
	v21 =	vadd.f32 v54, v21  }
0xcc: {  	v7 =	vmul.f32 v7, v7;
	v59 =	vld [tilespmem:s30+$0x20];
	v15 =	vadd.f32 v27, v15  }
0xcd: {  	v35 =	vld [tilespmem:s19+$0xC0];
	v21 =	vmax.f32 v21, $9.999999740e-06  }
0xce: {  	[tilespmem:s10+$0xE0] =	vst v7;
	v7 =	vld [tilespmem:s10+$0xF0];
	v21 =	vmul.f32 v21, v21;
	v20 =	vmul.f32 v55, v28;
	v15 =	vmax.f32 v15, $9.999999740e-06  }
0xcf: {  	v58 =	vld [tilespmem:s24+$0xF0];
	v17 =	vmul.f32 v56, v39;
	v15 =	vmul.f32 v15, v15  }
0xd0: {  	v3 =	vmul.f32 v14, v3;
	v41 =	vld [tilespmem:s31+$0xF0];
	[tilespmem:s19+$0xFFFFFF20] =	vst v21;
	v19 =	vadd.f32 v57, v20  }
0xd1: {  	v30 =	vadd.f32 v59, v17;
	v29 =	vld [tilespmem:s14+$0xFFFFFF30];
	[tilespmem:s19+$0xFFFFFFA0] =	vst v15  }
0xd2: {  	v3 =	vadd.f32 v13, v3;
	v31 =	vmax.f32 v19, $9.999999740e-06;
	v32 =	vld [tilespmem:s14+$0xFFFFFFB0]  }
0xd3: {  	v33 =	vld [tilespmem:s30+$0xFFFFFF30];
	v15 =	vmax.f32 v30, $9.999999740e-06;
	v17 =	vmul.f32 v31, v31  }
0xd4: {  	v3 =	vmax.f32 v3, $9.999999740e-06;
	v34 =	vld [tilespmem:s30+$0xFFFFFFB0];
	v15 =	vmul.f32 v15, v15  }
0xd5: {  	v3 =	vmul.f32 v3, v3;
	v42 =	vld [tilespmem:s19+$0xFFFFFF60];
	[tilespmem:s19+$0xB0] =	vst v17  }
0xd6: {  	v14 =	vmul.f32 v29, v46;
	[tilespmem:s19+$0x20] =	vst v15;
	v36 =	vld [tilespmem:s14+$0xC0]  }
0xd7: {  	[tilespmem:s10+$0x50] =	vst v3;
	v37 =	vld [tilespmem:s14+$0x30];
	v3 =	vmul.f32 v32, v47  }
0xd8: {  	v38 =	vld [tilespmem:s30+$0xC0];
	v13 =	vadd.f32 v33, v14  }
0xd9: {  	v40 =	vld [tilespmem:s30+$0x30];
	v3 =	vadd.f32 v34, v3  }
0xda: {  	v1 =	vmul.f32 v8, v1;
	v39 =	vld [tilespmem:s24+$0x60];
	v13 =	vmax.f32 v13, $9.999999740e-06  }
0xdb: {  	v43 =	vld [tilespmem:s19+$0xFFFFFFE0];
	v13 =	vmul.f32 v13, v13;
	v15 =	vmul.f32 v36, v35;
	v3 =	vmax.f32 v3, $9.999999740e-06  }
0xdc: {  	v1 =	vadd.f32 v10, v1;
	v48 =	vld [tilespmem:s31+$0x60];
	v18 =	vmul.f32 v37, v49;
	v44 =	vmul.f32 v3, v3  }
0xdd: {  	v10 =	vld [tilespmem:s19+$0xD0];
	[tilespmem:s19+$0xFFFFFF30] =	vst v13;
	v15 =	vadd.f32 v38, v15  }
0xde: {  	v1 =	vmax.f32 v1, $9.999999740e-06;
	v13 =	vld [tilespmem:s14+$0xFFFFFF40];
	v14 =	vadd.f32 v40, v18;
	[tilespmem:s19+$0xFFFFFFB0] =	vst v44  }
0xdf: {  	v1 =	vmul.f32 v1, v1;
	v2 =	vmul.f32 v39, v2;
	v15 =	vmax.f32 v15, $9.999999740e-06;
	v45 =	vld [tilespmem:s14+$0xFFFFFFC0]  }
0xe0: {  	v0 =	vmul.f32 v9, v0;
	v8 =	vld [tilespmem:s30+$0xFFFFFF40];
	v14 =	vmax.f32 v14, $9.999999740e-06;
	v15 =	vmul.f32 v15, v15  }
0xe1: {  	[tilespmem:s10+$0xFFFFFF60] =	vst v1;
	v2 =	vadd.f32 v48, v2;
	v9 =	vld [tilespmem:s30+$0xFFFFFFC0];
	v14 =	vmul.f32 v14, v14  }
0xe2: {  	v0 =	vadd.f32 v11, v0;
	v57 =	vld [tilespmem:s31+$0xFFFFFF70];
	[tilespmem:s19+$0xC0] =	vst v15  }
0xe3: {  	v2 =	vmax.f32 v2, $9.999999740e-06;
	v13 =	vmul.f32 v13, v50;
	[tilespmem:s19+$0x30] =	vst v14;
	v11 =	vld [tilespmem:s14+$0xD0]  }
0xe4: {  	v0 =	vmax.f32 v0, $9.999999740e-06;
	v2 =	vmul.f32 v2, v2;
	v14 =	vld [tilespmem:s14+$0x40];
	v46 =	vmul.f32 v45, v51  }
0xe5: {  	v0 =	vmul.f32 v0, v0;
	v47 =	vld [tilespmem:s30+$0xD0];
	v8 =	vadd.f32 v8, v13  }
0xe6: {  	[tilespmem:s10+$0x60] =	vst v2;
	v1 =	vadd.f32 v9, v46;
	v9 =	vld [tilespmem:s30+$0x40]  }
0xe7: {  	[tilespmem:s10+$0xFFFFFFE0] =	vst v0;
	v54 =	vld [tilespmem:s24+$0x70];
	v0 =	vmax.f32 v8, $9.999999740e-06  }
0xe8: {  	v49 =	vld [tilespmem:s24+$0xFFFFFF70];
	v0 =	vmul.f32 v0, v0;
	v8 =	vmul.f32 v11, v10  }
0xe9: {  	v3 =	vld [tilespmem:s19+$0x60];
	v14 =	vmul.f32 v14, v60;
	v11 =	vmax.f32 v1, $9.999999740e-06  }
0xea: {  	v10 =	vld [tilespmem:s24+$0xFFFFFFF0];
	[tilespmem:s19+$0xFFFFFF40] =	vst v0;
	v8 =	vadd.f32 v47, v8;
	v11 =	vmul.f32 v11, v11  }
0xeb: {  	v50 =	vld [tilespmem:s14+$0xFFFFFF50];
	v9 =	vadd.f32 v9, v14  }
0xec: {  	v51 =	vld [tilespmem:s30+$0xFFFFFF50];
	[tilespmem:s19+$0xFFFFFFC0] =	vst v11;
	v8 =	vmax.f32 v8, $9.999999740e-06  }
0xed: {  	v11 =	vld [tilespmem:s14+$0xFFFFFFD0];
	v8 =	vmul.f32 v8, v8;
	v9 =	vmax.f32 v9, $9.999999740e-06  }
0xee: {  	v52 =	vld [tilespmem:s30+$0xFFFFFFD0];
	v9 =	vmul.f32 v9, v9  }
0xef: {  	[tilespmem:s19+$0xD0] =	vst v8;
	v8 =	vld [tilespmem:s19+$0xE0]  }
0xf0: {  	[tilespmem:s19+$0x40] =	vst v9;
	v9 =	vld [tilespmem:s14+$0xE0]  }
0xf1: {  	v16 =	vmul.f32 v50, v61;
	v53 =	vld [tilespmem:s14+$0x50]  }
0xf2: {  	v2 =	vmul.f32 v11, v62;
	v11 =	vld [tilespmem:s30+$0xE0]  }
0xf3: {  	v0 =	vld [tilespmem:s19+$0xFFFFFFF0];
	v13 =	vadd.f32 v51, v16  }
0xf4: {  	v55 =	vld [tilespmem:s30+$0x50];
	v14 =	vadd.f32 v52, v2  }
0xf5: {  	v1 =	vld [tilespmem:s19+$0xFFFFFF70];
	v13 =	vmax.f32 v13, $9.999999740e-06;
	v8 =	vmul.f32 v9, v8  }
0xf6: {  	v7 =	vmul.f32 v58, v7;
	v2 =	vld [tilespmem:s19+$0x70];
	v9 =	vmul.f32 v13, v13;
	v56 =	vmax.f32 v14, $9.999999740e-06  }
0xf7: {  	v18 =	vmul.f32 v53, v63;
	v13 =	vmul.f32 v56, v56;
	v8 =	vadd.f32 v11, v8;
	v11 =	vld [tilespmem:s31+$0xFFFFFFF0]  }
0xf8: {  	[tilespmem:s19+$0xFFFFFF50] =	vst v9;
	v9 =	vld [tilespmem:s31+$0x70]  }
0xf9: {  	v7 =	vadd.f32 v41, v7;
	v5 =	vmul.f32 v49, v5;
	[tilespmem:s19+$0xFFFFFFD0] =	vst v13;
	v58 =	vadd.f32 v55, v18;
	v59 =	vld [tilespmem:s14+$0xFFFFFF60]  }
0xfa: {  	v6 =	vmul.f32 v54, v6;
	v4 =	vmul.f32 v10, v4;
	v8 =	vmax.f32 v8, $9.999999740e-06;
	v10 =	vld [tilespmem:s14+$0xFFFFFFE0]  }
0xfb: {  	v5 =	vadd.f32 v57, v5;
	v60 =	vld [tilespmem:s30+$0xFFFFFF60];
	v8 =	vmul.f32 v8, v8;
	v12 =	vmax.f32 v58, $9.999999740e-06  }
0xfc: {  	v7 =	vmax.f32 v7, $9.999999740e-06;
	v61 =	vld [tilespmem:s30+$0xFFFFFFE0];
	v12 =	vmul.f32 v12, v12;
	v11 =	vadd.f32 v11, v4  }
0xfd: {  	v7 =	vmul.f32 v7, v7;
	v5 =	vmax.f32 v5, $9.999999740e-06;
	[tilespmem:s19+$0xE0] =	vst v8;
	v4 =	vld [tilespmem:s19+$0xF0];
	v9 =	vadd.f32 v9, v6  }
0xfe: {  	v62 =	vmul.f32 v5, v5;
	v13 =	vmul.f32 v59, v42;
	[tilespmem:s19+$0x50] =	vst v12;
	v6 =	vld [tilespmem:s14+$0xF0];
	v5 =	vmax.f32 v11, $9.999999740e-06  }
0xff: {  	[tilespmem:s10+$0xF0] =	vst v7;
	v10 =	vmul.f32 v10, v43;
	v8 =	vld [tilespmem:s14+$0x60];
	v7 =	vmax.f32 v9, $9.999999740e-06;
	v63 =	vmul.f32 v5, v5  }
0x100: {  	s15 =	simm.s32 $0x600;
	[tilespmem:s10+$0xFFFFFF70] =	vst v62;
	v5 =	vld [tilespmem:s30+$0xF0];
	v11 =	vadd.f32 v60, v13;
	v7 =	vmul.f32 v7, v7  }
0x101: {  	s25 =	simm.s32 $0x4;
	s24 =	simm.s32 $0x2C00;
	s31 =	simm.s32 $0x1800;
	v9 =	vld [tilespmem:s30+$0x60];
	v10 =	vadd.f32 v61, v10;
	[tilespmem:s10+$0xFFFFFFF0] =	vst v63  }
.LBB2_3:
0x102: {  	v12 =	vld [tilespmem:s15+$0x80];
	v11 =	vmax.f32 v11, $9.999999740e-06;
	s14 =	sadd.s32 $0x200, s14;
	[tilespmem:s10+$0x70] =	vst v7;
	s10 =	smov.u32 s19;
	s19 =	smov.u32 s15  }
0x103: {  	s25 =	sadd.s32 $0x4, s25;
	v7 =	vld [tilespmem:s14+$0x80];
	v11 =	vmul.f32 v11, v11;
	v10 =	vmax.f32 v10, $9.999999740e-06;
	v4 =	vmul.f32 v6, v4  }
0x104: {  	s30 =	sadd.s32 $0x200, s30;
	p0 =	slt.u32 s25, $0x24;
	v6 =	vld [tilespmem:s14+$0xFFFFFF00];
	v10 =	vmul.f32 v10, v10;
	v3 =	vmul.f32 v8, v3  }
0x105: {  	v8 =	vld [tilespmem:s30+$0x80];
	[tilespmem:s10+$0xFFFFFF60] =	vst v11;
	v4 =	vadd.f32 v5, v4  }
0x106: {  	v5 =	vld [tilespmem:s15+$0xFFFFFF80];
	[tilespmem:s10+$0xFFFFFFE0] =	vst v10;
	v3 =	vadd.f32 v9, v3  }
0x107: {  	v9 =	vld [tilespmem:s14+$0xFFFFFF80];
	v4 =	vmax.f32 v4, $9.999999740e-06  }
0x108: {  	v10 =	vld [tilespmem:s15+$0x0];
	v7 =	vmul.f32 v7, v12;
	v3 =	vmax.f32 v3, $9.999999740e-06;
	v4 =	vmul.f32 v4, v4  }
0x109: {  	v11 =	vld [tilespmem:s14+$0x0];
	v3 =	vmul.f32 v3, v3  }
0x10a: {  	v12 =	vld [tilespmem:s15+$0xFFFFFF00];
	v7 =	vadd.f32 v8, v7;
	[tilespmem:s10+$0xF0] =	vst v4  }
0x10b: {  	v4 =	vld [tilespmem:s30+$0xFFFFFF00];
	[tilespmem:s10+$0x60] =	vst v3  }
0x10c: {  	v3 =	vld [tilespmem:s30+$0xFFFFFF80];
	v5 =	vmul.f32 v9, v5;
	v7 =	vmax.f32 v7, $9.999999740e-06  }
0x10d: {  	v8 =	vld [tilespmem:s30+$0x0];
	v7 =	vmul.f32 v7, v7  }
0x10e: {  	v9 =	vld [tilespmem:s15+$0xFFFFFF10];
	v10 =	vmul.f32 v11, v10  }
0x10f: {  	v6 =	vmul.f32 v6, v12;
	[tilespmem:s15+$0x80] =	vst v7;
	v7 =	vld [tilespmem:s15+$0x90]  }
0x110: {  	v11 =	vld [tilespmem:s14+$0x90]  }
0x111: {  	v4 =	vadd.f32 v4, v6;
	v3 =	vadd.f32 v3, v5;
	v5 =	vld [tilespmem:s15+$0xFFFFFF90]  }
0x112: {  	v6 =	vadd.f32 v8, v10;
	v8 =	vld [tilespmem:s30+$0x90]  }
0x113: {  	v4 =	vmax.f32 v4, $9.999999740e-06;
	v3 =	vmax.f32 v3, $9.999999740e-06;
	v10 =	vld [tilespmem:s15+$0x10]  }
0x114: {  	v4 =	vmul.f32 v4, v4;
	v12 =	vld [tilespmem:s15+$0xFFFFFF20];
	v3 =	vmul.f32 v3, v3;
	v6 =	vmax.f32 v6, $9.999999740e-06  }
0x115: {  	v13 =	vld [tilespmem:s15+$0xFFFFFFA0];
	v6 =	vmul.f32 v6, v6;
	v7 =	vmul.f32 v11, v7  }
0x116: {  	[tilespmem:s15+$0xFFFFFF00] =	vst v4;
	v4 =	vld [tilespmem:s15+$0x20]  }
0x117: {  	v11 =	vld [tilespmem:s14+$0xFFFFFF10];
	[tilespmem:s15+$0xFFFFFF80] =	vst v3;
	v3 =	vadd.f32 v8, v7  }
0x118: {  	v7 =	vld [tilespmem:s14+$0xFFFFFF90];
	[tilespmem:s15+$0x0] =	vst v6  }
0x119: {  	v6 =	vld [tilespmem:s14+$0x10];
	v3 =	vmax.f32 v3, $9.999999740e-06  }
0x11a: {  	v8 =	vld [tilespmem:s30+$0xFFFFFF10];
	v3 =	vmul.f32 v3, v3  }
0x11b: {  	v14 =	vld [tilespmem:s30+$0xFFFFFF90]  }
0x11c: {  	v9 =	vmul.f32 v11, v9;
	[tilespmem:s15+$0x90] =	vst v3;
	v3 =	vld [tilespmem:s15+$0xA0]  }
0x11d: {  	v5 =	vmul.f32 v7, v5;
	v7 =	vld [tilespmem:s14+$0xA0]  }
0x11e: {  	v11 =	vld [tilespmem:s30+$0x10];
	v6 =	vmul.f32 v6, v10  }
0x11f: {  	v8 =	vadd.f32 v8, v9;
	v9 =	vld [tilespmem:s30+$0xA0]  }
0x120: {  	v10 =	vld [tilespmem:s15+$0xFFFFFF30];
	v5 =	vadd.f32 v14, v5  }
0x121: {  	v8 =	vmax.f32 v8, $9.999999740e-06;
	v14 =	vld [tilespmem:s15+$0xFFFFFFB0]  }
0x122: {  	v8 =	vmul.f32 v8, v8;
	v5 =	vmax.f32 v5, $9.999999740e-06;
	v15 =	vld [tilespmem:s15+$0x30];
	v3 =	vmul.f32 v7, v3  }
0x123: {  	v7 =	vld [tilespmem:s15+$0xFFFFFF40];
	v5 =	vmul.f32 v5, v5;
	v6 =	vadd.f32 v11, v6  }
0x124: {  	[tilespmem:s15+$0xFFFFFF10] =	vst v8;
	v8 =	vld [tilespmem:s15+$0xFFFFFFC0];
	v3 =	vadd.f32 v9, v3  }
0x125: {  	v9 =	vld [tilespmem:s14+$0xFFFFFF20];
	[tilespmem:s15+$0xFFFFFF90] =	vst v5;
	v5 =	vmax.f32 v6, $9.999999740e-06  }
0x126: {  	v6 =	vld [tilespmem:s14+$0xFFFFFFA0];
	v5 =	vmul.f32 v5, v5;
	v3 =	vmax.f32 v3, $9.999999740e-06  }
0x127: {  	v11 =	vld [tilespmem:s30+$0xFFFFFF20];
	v3 =	vmul.f32 v3, v3  }
0x128: {  	v16 =	vld [tilespmem:s30+$0xFFFFFFA0];
	[tilespmem:s15+$0x10] =	vst v5  }
0x129: {  	[tilespmem:s15+$0xA0] =	vst v3;
	v3 =	vld [tilespmem:s15+$0xB0]  }
0x12a: {  	v5 =	vmul.f32 v9, v12;
	v9 =	vld [tilespmem:s14+$0xB0]  }
0x12b: {  	v6 =	vmul.f32 v6, v13;
	v12 =	vld [tilespmem:s14+$0x20]  }
0x12c: {  	v5 =	vadd.f32 v11, v5;
	v11 =	vld [tilespmem:s30+$0xB0]  }
0x12d: {  	v6 =	vadd.f32 v16, v6;
	v13 =	vld [tilespmem:s30+$0x20]  }
0x12e: {  	v5 =	vmax.f32 v5, $9.999999740e-06;
	v16 =	vld [tilespmem:s15+$0x40]  }
0x12f: {  	v5 =	vmul.f32 v5, v5;
	v17 =	vld [tilespmem:s15+$0xFFFFFF50];
	v6 =	vmax.f32 v6, $9.999999740e-06;
	v3 =	vmul.f32 v9, v3  }
0x130: {  	v6 =	vmul.f32 v6, v6;
	v9 =	vld [tilespmem:s15+$0xFFFFFFD0];
	v12 =	vmul.f32 v12, v4  }
0x131: {  	[tilespmem:s15+$0xFFFFFF20] =	vst v5;
	v4 =	vld [tilespmem:s15+$0x50];
	v3 =	vadd.f32 v11, v3  }
0x132: {  	v5 =	vld [tilespmem:s14+$0xFFFFFF30];
	[tilespmem:s15+$0xFFFFFFA0] =	vst v6;
	v6 =	vadd.f32 v13, v12  }
0x133: {  	v11 =	vld [tilespmem:s14+$0xFFFFFFB0];
	v3 =	vmax.f32 v3, $9.999999740e-06  }
0x134: {  	v12 =	vld [tilespmem:s30+$0xFFFFFF30];
	v6 =	vmax.f32 v6, $9.999999740e-06;
	v3 =	vmul.f32 v3, v3  }
0x135: {  	v13 =	vld [tilespmem:s30+$0xFFFFFFB0];
	v6 =	vmul.f32 v6, v6  }
0x136: {  	[tilespmem:s15+$0xB0] =	vst v3;
	v3 =	vld [tilespmem:s15+$0xC0]  }
0x137: {  	v5 =	vmul.f32 v5, v10;
	[tilespmem:s15+$0x20] =	vst v6;
	v10 =	vld [tilespmem:s14+$0xC0]  }
0x138: {  	v6 =	vmul.f32 v11, v14;
	v11 =	vld [tilespmem:s14+$0x30]  }
0x139: {  	v5 =	vadd.f32 v12, v5;
	v12 =	vld [tilespmem:s30+$0xC0]  }
0x13a: {  	v13 =	vadd.f32 v13, v6;
	v14 =	vld [tilespmem:s30+$0x30]  }
0x13b: {  	v5 =	vmax.f32 v5, $9.999999740e-06;
	v6 =	vld [tilespmem:s15+$0xFFFFFF60]  }
0x13c: {  	v18 =	vmul.f32 v5, v5;
	v13 =	vmax.f32 v13, $9.999999740e-06;
	v5 =	vld [tilespmem:s15+$0xFFFFFFE0];
	v10 =	vmul.f32 v10, v3  }
0x13d: {  	v13 =	vmul.f32 v13, v13;
	v11 =	vmul.f32 v11, v15;
	v3 =	vld [tilespmem:s15+$0x60]  }
0x13e: {  	[tilespmem:s15+$0xFFFFFF30] =	vst v18;
	v10 =	vadd.f32 v12, v10;
	v12 =	vld [tilespmem:s31+$0xFFFFFF70]  }
0x13f: {  	v15 =	vld [tilespmem:s14+$0xFFFFFF40];
	[tilespmem:s15+$0xFFFFFFB0] =	vst v13;
	v11 =	vadd.f32 v14, v11  }
0x140: {  	v13 =	vld [tilespmem:s14+$0xFFFFFFC0];
	v10 =	vmax.f32 v10, $9.999999740e-06  }
0x141: {  	v14 =	vld [tilespmem:s30+$0xFFFFFF40];
	v11 =	vmax.f32 v11, $9.999999740e-06;
	v10 =	vmul.f32 v10, v10  }
0x142: {  	v18 =	vld [tilespmem:s30+$0xFFFFFFC0];
	v11 =	vmul.f32 v11, v11  }
0x143: {  	[tilespmem:s15+$0xC0] =	vst v10;
	v10 =	vld [tilespmem:s15+$0xD0];
	v12 =	vmul.f32 v12, v1  }
0x144: {  	v1 =	vmul.f32 v15, v7;
	[tilespmem:s15+$0x30] =	vst v11;
	v7 =	vld [tilespmem:s14+$0xD0]  }
0x145: {  	v8 =	vmul.f32 v13, v8;
	v11 =	vld [tilespmem:s14+$0x40]  }
0x146: {  	v1 =	vadd.f32 v14, v1;
	v13 =	vld [tilespmem:s30+$0xD0]  }
0x147: {  	v8 =	vadd.f32 v18, v8;
	v14 =	vld [tilespmem:s30+$0x40]  }
0x148: {  	v1 =	vmax.f32 v1, $9.999999740e-06;
	v15 =	vld [tilespmem:s31+$0xFFFFFFF0]  }
0x149: {  	v18 =	vmul.f32 v1, v1;
	v8 =	vmax.f32 v8, $9.999999740e-06;
	v7 =	vmul.f32 v7, v10;
	v10 =	vld [tilespmem:s31+$0x70];
	s31 =	smov.u32 s14  }
0x14a: {  	v1 =	vld [tilespmem:s15+$0xFFFFFF70];
	v8 =	vmul.f32 v8, v8;
	v11 =	vmul.f32 v11, v16  }
0x14b: {  	[tilespmem:s15+$0xFFFFFF40] =	vst v18;
	v16 =	vld [tilespmem:s15+$0xFFFFFFF0];
	v7 =	vadd.f32 v13, v7  }
0x14c: {  	v13 =	vld [tilespmem:s14+$0xFFFFFF50];
	[tilespmem:s15+$0xFFFFFFC0] =	vst v8;
	v8 =	vadd.f32 v14, v11  }
0x14d: {  	v11 =	vld [tilespmem:s14+$0xFFFFFFD0];
	v7 =	vmax.f32 v7, $9.999999740e-06;
	v14 =	vmul.f32 v15, v0  }
0x14e: {  	v15 =	vld [tilespmem:s30+$0xFFFFFF50];
	v18 =	vmax.f32 v8, $9.999999740e-06;
	v7 =	vmul.f32 v7, v7;
	v8 =	vmul.f32 v10, v2  }
0x14f: {  	v2 =	vld [tilespmem:s30+$0xFFFFFFD0];
	v10 =	vmul.f32 v18, v18  }
0x150: {  	[tilespmem:s15+$0xD0] =	vst v7;
	v7 =	vld [tilespmem:s15+$0xE0];
	v0 =	vmov v16  }
0x151: {  	v13 =	vmul.f32 v13, v17;
	[tilespmem:s15+$0x40] =	vst v10;
	v10 =	vld [tilespmem:s14+$0xE0]  }
0x152: {  	v9 =	vmul.f32 v11, v9;
	v11 =	vld [tilespmem:s14+$0x50]  }
0x153: {  	v13 =	vadd.f32 v15, v13;
	v15 =	vld [tilespmem:s30+$0xE0]  }
0x154: {  	v9 =	vadd.f32 v2, v9;
	v16 =	vld [tilespmem:s30+$0x50]  }
0x155: {  	v13 =	vmax.f32 v13, $9.999999740e-06;
	v2 =	vld [tilespmem:s15+$0x70]  }
0x156: {  	v13 =	vmul.f32 v13, v13;
	v9 =	vmax.f32 v9, $9.999999740e-06;
	v7 =	vmul.f32 v10, v7;
	v10 =	vld [tilespmem:s24+$0xFFFFFF70]  }
0x157: {  	v9 =	vmul.f32 v9, v9;
	v4 =	vmul.f32 v11, v4;
	v11 =	vld [tilespmem:s24+$0xFFFFFFF0]  }
0x158: {  	[tilespmem:s15+$0xFFFFFF50] =	vst v13;
	v7 =	vadd.f32 v15, v7;
	v13 =	vld [tilespmem:s24+$0x70];
	s24 =	smov.u32 s30  }
0x159: {  	v15 =	vld [tilespmem:s14+$0xFFFFFF60];
	[tilespmem:s15+$0xFFFFFFD0] =	vst v9;
	v4 =	vadd.f32 v16, v4  }
0x15a: {  	v9 =	vld [tilespmem:s14+$0xFFFFFFE0];
	v7 =	vmax.f32 v7, $9.999999740e-06  }
0x15b: {  	v16 =	vld [tilespmem:s30+$0xFFFFFF60];
	v4 =	vmax.f32 v4, $9.999999740e-06;
	v7 =	vmul.f32 v7, v7;
	v10 =	vadd.f32 v10, v12  }
0x15c: {  	v12 =	vld [tilespmem:s30+$0xFFFFFFE0];
	v17 =	vmul.f32 v4, v4;
	v11 =	vadd.f32 v11, v14  }
.Ltmp0:
0x15d: {  	[tilespmem:s15+$0xE0] =	vst v7;
	v4 =	vld [tilespmem:s15+$0xF0];
	v7 =	vmax.f32 v10, $9.999999740e-06;
	v10 =	vadd.f32 v13, v8;
	(pc) =	sbr.rel @p0 .LBB2_3-.Ltmp0, $4  }
0x15e: {  	v13 =	vmul.f32 v15, v6;
	[tilespmem:s15+$0x50] =	vst v17;
	v6 =	vld [tilespmem:s14+$0xF0];
	v7 =	vmul.f32 v7, v7;
	v11 =	vmax.f32 v11, $9.999999740e-06  }
0x15f: {  	v9 =	vmul.f32 v9, v5;
	v8 =	vld [tilespmem:s14+$0x60];
	v14 =	vmul.f32 v11, v11;
	v10 =	vmax.f32 v10, $9.999999740e-06  }
0x160: {  	v11 =	vadd.f32 v16, v13;
	v5 =	vld [tilespmem:s30+$0xF0];
	[tilespmem:s10+$0xFFFFFF70] =	vst v7;
	v7 =	vmul.f32 v10, v10  }
0x161: {  	s15 =	sadd.s32 $0x200, s15;
	v10 =	vadd.f32 v12, v9;
	v9 =	vld [tilespmem:s30+$0x60];
	[tilespmem:s10+$0xFFFFFFF0] =	vst v14  }
0x162: {  	_ =	sdelay $0x1  }
0x163: {  	v3 =	vmul.f32 v8, v3  }
0x164: {  	v8 =	vmax.f32 v11, $9.999999740e-06  }
0x165: {  	v8 =	vmul.f32 v8, v8;
	v3 =	vadd.f32 v9, v3  }
0x166: {  	v9 =	vmax.f32 v10, $9.999999740e-06  }
0x167: {  	v9 =	vmul.f32 v9, v9;
	[tilespmem:s19+$0xFFFFFF60] =	vst v8;
	v3 =	vmax.f32 v3, $9.999999740e-06  }
0x168: {  	v8 =	vld [tilespmem:s31+$0xFFFFFF70];
	v3 =	vmul.f32 v3, v3  }
0x169: {  	v10 =	vld [tilespmem:s24+$0xFFFFFF70];
	[tilespmem:s19+$0xFFFFFFE0] =	vst v9  }
0x16a: {  	[tilespmem:s19+$0x60] =	vst v3;
	v3 =	vld [tilespmem:s31+$0xFFFFFFF0]  }
0x16b: {  	v9 =	vld [tilespmem:s31+$0x70]  }
0x16c: {  	v11 =	vld [tilespmem:s24+$0xFFFFFFF0]  }
0x16d: {  	v4 =	vmul.f32 v6, v4;
	v6 =	vld [tilespmem:s24+$0x70]  }
0x16e: {  	v1 =	vmul.f32 v8, v1  }
0x16f: {  	v4 =	vadd.f32 v5, v4;
	v0 =	vmul.f32 v3, v0  }
0x170: {  	v1 =	vadd.f32 v10, v1;
	v2 =	vmul.f32 v9, v2  }
0x171: {  	v3 =	vmax.f32 v4, $9.999999740e-06;
	v0 =	vadd.f32 v11, v0  }
0x172: {  	v3 =	vmul.f32 v3, v3;
	v1 =	vmax.f32 v1, $9.999999740e-06;
	v2 =	vadd.f32 v6, v2  }
0x173: {  	[tilespmem:s10+$0x70] =	vst v7;
	v1 =	vmul.f32 v1, v1;
	v0 =	vmax.f32 v0, $9.999999740e-06  }
0x174: {  	[tilespmem:s19+$0xF0] =	vst v3;
	v0 =	vmul.f32 v0, v0;
	v2 =	vmax.f32 v2, $9.999999740e-06  }
0x175: {  	[tilespmem:s19+$0xFFFFFF70] =	vst v1;
	v1 =	vmul.f32 v2, v2  }
0x176: {  	[tilespmem:s19+$0xFFFFFFF0] =	vst v0  }
0x177: {  	[tilespmem:s19+$0x70] =	vst v1  }
0x178: {  	[spmem:s2] =	stream.indirect.scatter.add.f32 [tilespmem:s23], [sflag:$0x7], $0x80, s21, s22, $0xb8;
	[tilespmem:$0x1BA00] =	vst v63  }
0x179: {  	s18 =	sadd.s32 s18, s16;
	_ =	swait.ge [sflag:s20], $0x1400  }
0x17a: {  	s14 =	sshrl.u32 s18, $0x3;
	[sflag:s20] =	ssyncset.done $0x0  }
0x17b: {  	s15 =	sadd.s32 s7, s14;
	[sflag:s20] =	ssyncadd.s32 $0xFFFFEC00  }
0x17c: {  	[tilespmem:s4], [sflag:$0x7] =	stream.linear.gather [hbm4b:s15+s4], $0x28, $0x38;
	[tilespmem:$0x1BA00] =	vst v63  }
0x17d: {  	_ =	swait.ge [sflag:s20], $0x28  }
0x17e: {  	[sflag:s20] =	ssyncset.done $0x0  }
0x17f: {  	s14 =	sadd.s32 s8, s14;
	[sflag:s20] =	ssyncadd.s32 $0xFFFFFFD8  }
0x180: {  	[tilespmem:s21], [sflag:$0x7] =	stream.linear.gather [hbm4b:s14+s4], $0x28, $0x38;
	[tilespmem:$0x1BA00] =	vst v63  }
0x181: {  	_ =	swait.ge [sflag:s20], $0x28  }
0x182: {  	[sflag:s20] =	ssyncset.done $0x0  }
0x183: {  	s10 =	sshll.u32 s18, $0x4;
	[sflag:s20] =	ssyncadd.s32 $0xFFFFFFD8  }
0x184: {  	[tilespmem:s23], [sflag:$0x1] =	stream.indirect.gather [hbm4b:s1+s22], $0x80, s4, s22, $0xb8;
	[tilespmem:$0x1BA00] =	vst v63  }
0x185: {  	s24 =	simm.s32 $0x1500;
	s19 =	sadd.s32 s5, s10  }
0x186: {  	[tilespmem:s24], [sflag:$0x2] =	stream.linear.gather [hbm4b:s19+s4], $0x1400, $0x38;
	[tilespmem:$0x1BA00] =	vst v63  }
0x187: {  	s25 =	simm.s32 $0x2900;
	s10 =	sadd.s32 s6, s10  }
0x188: {  	[tilespmem:s25], [sflag:$0x3] =	stream.linear.gather [hbm4b:s10+s4], $0x1400, $0x38;
	[tilespmem:$0x1BA00] =	vst v63  }
0x189: {  	_ =	swait.ge [sflag:s11], $0x1400  }
0x18a: {  	[sflag:s11] =	ssyncset.done $0x0  }
0x18b: {  	[sflag:s11] =	ssyncadd.s32 $0xFFFFEC00  }
0x18c: {  	_ =	swait.ge [sflag:s12], $0x1400  }
0x18d: {  	[sflag:s12] =	ssyncset.done $0x0  }
0x18e: {  	[sflag:s12] =	ssyncadd.s32 $0xFFFFEC00  }
0x18f: {  	_ =	swait.ge [sflag:s13], $0x1400  }
0x190: {  	[sflag:s13] =	ssyncset.done $0x0  }
0x191: {  	s10 =	simm.s32 $0x3F00;
	[sflag:s13] =	ssyncadd.s32 $0xFFFFEC00  }
0x192: {  	s31 =	simm.s32 $0x5300;
	v0 =	vld [tilespmem:s10+$0x80]  }
0x193: {  	s30 =	simm.s32 $0x6700;
	v1 =	vld [tilespmem:s31+$0x80]  }
0x194: {  	v2 =	vld [tilespmem:s30+$0x80]  }
0x195: {  	v3 =	vld [tilespmem:s10+$0xFFFFFF80]  }
0x196: {  	v4 =	vld [tilespmem:s10+$0x0]  }
0x197: {  	v5 =	vld [tilespmem:s10+$0xFFFFFF00]  }
0x198: {  	v6 =	vld [tilespmem:s30+$0xFFFFFF00]  }
0x199: {  	v7 =	vld [tilespmem:s30+$0xFFFFFF80]  }
0x19a: {  	v9 =	vld [tilespmem:s31+$0x0]  }
0x19b: {  	v10 =	vld [tilespmem:s10+$0xFFFFFF20]  }
0x19c: {  	v12 =	vld [tilespmem:s10+$0x20]  }
0x19d: {  	s18 =	simm.s32 $0x4100;
	v14 =	vld [tilespmem:s10+$0x30]  }
0x19e: {  	s14 =	simm.s32 $0x5500;
	v29 =	vld [tilespmem:s18+$0x80]  }
0x19f: {  	s19 =	simm.s32 $0x6900;
	v15 =	vld [tilespmem:s14+$0x80]  }
0x1a0: {  	v16 =	vld [tilespmem:s19+$0x80]  }
0x1a1: {  	v30 =	vld [tilespmem:s18+$0xFFFFFF80]  }
0x1a2: {  	v31 =	vld [tilespmem:s18+$0x0]  }
0x1a3: {  	v32 =	vld [tilespmem:s18+$0x90]  }
0x1a4: {  	v34 =	vld [tilespmem:s18+$0xFFFFFF10]  }
0x1a5: {  	v35 =	vld [tilespmem:s18+$0xFFFFFF90]  }
0x1a6: {  	v36 =	vld [tilespmem:s18+$0x10]  }
0x1a7: {  	v37 =	vld [tilespmem:s18+$0xFFFFFF20]  }
0x1a8: {  	v38 =	vld [tilespmem:s18+$0xFFFFFFA0]  }
0x1a9: {  	v39 =	vld [tilespmem:s18+$0x20]  }
0x1aa: {  	v42 =	vld [tilespmem:s18+$0xA0]  }
0x1ab: {  	v46 =	vld [tilespmem:s18+$0xFFFFFF30]  }
0x1ac: {  	v47 =	vld [tilespmem:s18+$0xFFFFFFB0];
	v0 =	vmul.f32 v1, v0  }
0x1ad: {  	v49 =	vld [tilespmem:s18+$0x30]  }
0x1ae: {  	v50 =	vld [tilespmem:s18+$0xFFFFFF40];
	v0 =	vadd.f32 v2, v0  }
0x1af: {  	v1 =	vld [tilespmem:s31+$0xFFFFFF00]  }
0x1b0: {  	v51 =	vld [tilespmem:s18+$0xFFFFFFC0];
	v0 =	vmax.f32 v0, $9.999999740e-06  }
0x1b1: {  	v2 =	vld [tilespmem:s31+$0xFFFFFF80];
	v0 =	vmul.f32 v0, v0  }
0x1b2: {  	v60 =	vld [tilespmem:s18+$0x40]  }
0x1b3: {  	[tilespmem:s10+$0x80] =	vst v0;
	v0 =	vld [tilespmem:s10+$0x90]  }
0x1b4: {  	v1 =	vmul.f32 v1, v5;
	v8 =	vld [tilespmem:s31+$0x90]  }
0x1b5: {  	v61 =	vld [tilespmem:s18+$0xFFFFFF50]  }
0x1b6: {  	v2 =	vmul.f32 v2, v3;
	v1 =	vadd.f32 v6, v1;
	v3 =	vld [tilespmem:s30+$0x90]  }
0x1b7: {  	v62 =	vld [tilespmem:s18+$0xFFFFFFD0]  }
0x1b8: {  	v5 =	vld [tilespmem:s30+$0x0];
	v2 =	vadd.f32 v7, v2;
	v1 =	vmax.f32 v1, $9.999999740e-06  }
0x1b9: {  	v63 =	vld [tilespmem:s18+$0x50];
	v1 =	vmul.f32 v1, v1;
	v0 =	vmul.f32 v8, v0  }
0x1ba: {  	v6 =	vld [tilespmem:s10+$0xFFFFFF10];
	v2 =	vmax.f32 v2, $9.999999740e-06  }
0x1bb: {  	v7 =	vld [tilespmem:s10+$0xFFFFFF90];
	v2 =	vmul.f32 v2, v2;
	[tilespmem:s10+$0xFFFFFF00] =	vst v1;
	v1 =	vmul.f32 v9, v4;
	v0 =	vadd.f32 v3, v0  }
0x1bc: {  	v4 =	vld [tilespmem:s31+$0xFFFFFF10]  }
0x1bd: {  	[tilespmem:s10+$0xFFFFFF80] =	vst v2;
	v1 =	vadd.f32 v5, v1;
	v5 =	vld [tilespmem:s30+$0xFFFFFF10];
	v0 =	vmax.f32 v0, $9.999999740e-06  }
0x1be: {  	v2 =	vld [tilespmem:s31+$0xFFFFFF90];
	v0 =	vmul.f32 v0, v0  }
0x1bf: {  	v9 =	vld [tilespmem:s30+$0xFFFFFF90]  }
0x1c0: {  	[tilespmem:s10+$0x90] =	vst v0;
	v0 =	vmax.f32 v1, $9.999999740e-06;
	v1 =	vld [tilespmem:s10+$0xA0]  }
0x1c1: {  	v0 =	vmul.f32 v0, v0;
	v11 =	vld [tilespmem:s31+$0xA0]  }
0x1c2: {  	v8 =	vld [tilespmem:s10+$0x10];
	v4 =	vmul.f32 v4, v6  }
0x1c3: {  	[tilespmem:s10+$0x0] =	vst v0;
	v0 =	vmul.f32 v2, v7;
	v2 =	vld [tilespmem:s30+$0xA0]  }
0x1c4: {  	v3 =	vld [tilespmem:s10+$0xFFFFFFA0];
	v4 =	vadd.f32 v5, v4  }
0x1c5: {  	v6 =	vld [tilespmem:s31+$0x10];
	v0 =	vadd.f32 v9, v0  }
0x1c6: {  	v4 =	vmax.f32 v4, $9.999999740e-06;
	v7 =	vld [tilespmem:s10+$0xFFFFFF30];
	v1 =	vmul.f32 v11, v1  }
0x1c7: {  	v4 =	vmul.f32 v4, v4;
	v5 =	vld [tilespmem:s30+$0x10];
	v0 =	vmax.f32 v0, $9.999999740e-06  }
0x1c8: {  	v9 =	vld [tilespmem:s10+$0xFFFFFFB0];
	v0 =	vmul.f32 v0, v0;
	v1 =	vadd.f32 v2, v1  }
0x1c9: {  	[tilespmem:s10+$0xFFFFFF10] =	vst v4;
	v11 =	vld [tilespmem:s10+$0xFFFFFF40]  }
0x1ca: {  	v4 =	vld [tilespmem:s31+$0xFFFFFF20];
	[tilespmem:s10+$0xFFFFFF90] =	vst v0;
	v0 =	vmax.f32 v1, $9.999999740e-06;
	v1 =	vmul.f32 v6, v8  }
0x1cb: {  	v8 =	vld [tilespmem:s30+$0xFFFFFF20]  }
0x1cc: {  	v6 =	vld [tilespmem:s31+$0xFFFFFFA0];
	v0 =	vmul.f32 v0, v0;
	v1 =	vadd.f32 v5, v1  }
0x1cd: {  	v5 =	vld [tilespmem:s30+$0xFFFFFFA0]  }
0x1ce: {  	[tilespmem:s10+$0xA0] =	vst v0;
	v0 =	vld [tilespmem:s10+$0xB0];
	v1 =	vmax.f32 v1, $9.999999740e-06  }
0x1cf: {  	v4 =	vmul.f32 v4, v10;
	v13 =	vld [tilespmem:s31+$0xB0];
	v1 =	vmul.f32 v1, v1  }
0x1d0: {  	v2 =	vld [tilespmem:s10+$0xFFFFFFC0]  }
0x1d1: {  	v3 =	vmul.f32 v6, v3;
	v6 =	vld [tilespmem:s30+$0xB0];
	[tilespmem:s10+$0x10] =	vst v1;
	v1 =	vadd.f32 v8, v4  }
0x1d2: {  	v10 =	vld [tilespmem:s10+$0xFFFFFF50]  }
0x1d3: {  	v4 =	vld [tilespmem:s31+$0x20];
	v3 =	vadd.f32 v5, v3;
	v1 =	vmax.f32 v1, $9.999999740e-06  }
0x1d4: {  	v8 =	vld [tilespmem:s10+$0x40];
	v0 =	vmul.f32 v13, v0;
	v1 =	vmul.f32 v1, v1  }
0x1d5: {  	v5 =	vld [tilespmem:s30+$0x20];
	v3 =	vmax.f32 v3, $9.999999740e-06  }
0x1d6: {  	v3 =	vmul.f32 v3, v3;
	v0 =	vadd.f32 v6, v0;
	v6 =	vld [tilespmem:s10+$0xFFFFFFD0];
	[tilespmem:s10+$0xFFFFFF20] =	vst v1  }
0x1d7: {  	v1 =	vld [tilespmem:s31+$0xFFFFFF30]  }
0x1d8: {  	[tilespmem:s10+$0xFFFFFFA0] =	vst v3;
	v0 =	vmax.f32 v0, $9.999999740e-06;
	v3 =	vmul.f32 v4, v12;
	v17 =	vld [tilespmem:s30+$0xFFFFFF30]  }
0x1d9: {  	v4 =	vld [tilespmem:s31+$0xFFFFFFB0];
	v0 =	vmul.f32 v0, v0  }
0x1da: {  	v3 =	vadd.f32 v5, v3;
	v5 =	vld [tilespmem:s30+$0xFFFFFFB0]  }
0x1db: {  	v12 =	vmul.f32 v15, v29;
	[tilespmem:s10+$0xB0] =	vst v0;
	v0 =	vld [tilespmem:s10+$0xC0]  }
0x1dc: {  	v18 =	vmax.f32 v3, $9.999999740e-06;
	v3 =	vld [tilespmem:s10+$0x50]  }
0x1dd: {  	v12 =	vadd.f32 v16, v12;
	v1 =	vmul.f32 v1, v7;
	v7 =	vld [tilespmem:s31+$0xC0]  }
0x1de: {  	v13 =	vmul.f32 v18, v18;
	v18 =	vld [tilespmem:s14+$0xFFFFFF80]  }
0x1df: {  	v12 =	vmax.f32 v12, $9.999999740e-06;
	v4 =	vmul.f32 v4, v9;
	v9 =	vld [tilespmem:s30+$0xC0]  }
0x1e0: {  	v12 =	vmul.f32 v12, v12;
	v1 =	vadd.f32 v17, v1;
	[tilespmem:s10+$0x20] =	vst v13;
	v17 =	vld [tilespmem:s14+$0xFFFFFF00]  }
0x1e1: {  	v4 =	vadd.f32 v5, v4;
	v5 =	vld [tilespmem:s31+$0x30]  }
0x1e2: {  	[tilespmem:s18+$0x80] =	vst v12;
	v19 =	vld [tilespmem:s30+$0x30]  }
0x1e3: {  	v33 =	vld [tilespmem:s19+$0x90];
	v1 =	vmax.f32 v1, $9.999999740e-06  }
0x1e4: {  	v20 =	vmul.f32 v1, v1;
	v1 =	vld [tilespmem:s10+$0xFFFFFF60]  }
0x1e5: {  	v4 =	vmax.f32 v4, $9.999999740e-06;
	v7 =	vmul.f32 v7, v0;
	v0 =	vld [tilespmem:s10+$0xFFFFFFE0]  }
0x1e6: {  	v4 =	vmul.f32 v4, v4;
	[tilespmem:s10+$0xFFFFFF30] =	vst v20;
	v20 =	vld [tilespmem:s18+$0xFFFFFF00]  }
0x1e7: {  	v7 =	vadd.f32 v9, v7;
	v9 =	vld [tilespmem:s31+$0xFFFFFF40]  }
0x1e8: {  	[tilespmem:s10+$0xFFFFFFB0] =	vst v4;
	v4 =	vmul.f32 v5, v14;
	v13 =	vld [tilespmem:s30+$0xFFFFFF40]  }
0x1e9: {  	v5 =	vld [tilespmem:s31+$0xFFFFFFC0];
	v7 =	vmax.f32 v7, $9.999999740e-06  }
0x1ea: {  	v21 =	vld [tilespmem:s30+$0xFFFFFFC0];
	v7 =	vmul.f32 v7, v7;
	v4 =	vadd.f32 v19, v4  }
0x1eb: {  	v19 =	vld [tilespmem:s14+$0x0]  }
0x1ec: {  	[tilespmem:s10+$0xC0] =	vst v7;
	v4 =	vmax.f32 v4, $9.999999740e-06;
	v7 =	vld [tilespmem:s10+$0xD0]  }
0x1ed: {  	v9 =	vmul.f32 v9, v11;
	v4 =	vmul.f32 v4, v4;
	v11 =	vld [tilespmem:s31+$0xD0]  }
0x1ee: {  	v22 =	vld [tilespmem:s30+$0xD0]  }
0x1ef: {  	v5 =	vmul.f32 v5, v2;
	v2 =	vld [tilespmem:s10+$0x60];
	[tilespmem:s10+$0x30] =	vst v4  }
0x1f0: {  	v9 =	vadd.f32 v13, v9;
	v23 =	vld [tilespmem:s31+$0x40]  }
0x1f1: {  	v4 =	vadd.f32 v21, v5;
	v21 =	vld [tilespmem:s19+$0xFFFFFF00]  }
0x1f2: {  	v5 =	vmax.f32 v9, $9.999999740e-06;
	v9 =	vld [tilespmem:s30+$0x40]  }
0x1f3: {  	v24 =	vmul.f32 v5, v5;
	v4 =	vmax.f32 v4, $9.999999740e-06;
	v7 =	vmul.f32 v11, v7;
	v5 =	vld [tilespmem:s10+$0xFFFFFF70]  }
0x1f4: {  	v11 =	vmul.f32 v4, v4;
	v4 =	vld [tilespmem:s10+$0xFFFFFFF0]  }
0x1f5: {  	v7 =	vadd.f32 v22, v7;
	v22 =	vld [tilespmem:s19+$0xFFFFFF80]  }
0x1f6: {  	[tilespmem:s10+$0xFFFFFF40] =	vst v24;
	v24 =	vld [tilespmem:s19+$0x0]  }
0x1f7: {  	v17 =	vmul.f32 v17, v20;
	v25 =	vld [tilespmem:s31+$0xFFFFFF50]  }
0x1f8: {  	[tilespmem:s10+$0xFFFFFFC0] =	vst v11;
	v8 =	vmul.f32 v23, v8;
	v23 =	vld [tilespmem:s14+$0x90]  }
0x1f9: {  	v17 =	vadd.f32 v21, v17;
	v11 =	vld [tilespmem:s31+$0xFFFFFFD0];
	v7 =	vmax.f32 v7, $9.999999740e-06  }
0x1fa: {  	v15 =	vmul.f32 v18, v30;
	v26 =	vld [tilespmem:s30+$0xFFFFFF50];
	v7 =	vmul.f32 v7, v7;
	v8 =	vadd.f32 v9, v8  }
0x1fb: {  	v16 =	vmul.f32 v19, v31;
	v27 =	vld [tilespmem:s30+$0xFFFFFFD0];
	v17 =	vmax.f32 v17, $9.999999740e-06  }
0x1fc: {  	v9 =	vld [tilespmem:s10+$0xE0];
	v17 =	vmul.f32 v17, v17;
	[tilespmem:s10+$0xD0] =	vst v7;
	v8 =	vmax.f32 v8, $9.999999740e-06;
	v15 =	vadd.f32 v22, v15  }
0x1fd: {  	v7 =	vmul.f32 v25, v10;
	v8 =	vmul.f32 v8, v8;
	v10 =	vld [tilespmem:s31+$0xE0]  }
0x1fe: {  	v12 =	vmul.f32 v23, v32;
	[tilespmem:s18+$0xFFFFFF00] =	vst v17;
	v6 =	vmul.f32 v11, v6;
	v11 =	vld [tilespmem:s30+$0xE0];
	v15 =	vmax.f32 v15, $9.999999740e-06  }
0x1ff: {  	v16 =	vadd.f32 v24, v16;
	v40 =	vld [tilespmem:s14+$0xFFFFFF10];
	v15 =	vmul.f32 v15, v15  }
0x200: {  	v41 =	vld [tilespmem:s19+$0xFFFFFF10];
	[tilespmem:s10+$0x40] =	vst v8;
	v12 =	vadd.f32 v33, v12  }
0x201: {  	v16 =	vmax.f32 v16, $9.999999740e-06;
	v14 =	vld [tilespmem:s31+$0x50];
	[tilespmem:s18+$0xFFFFFF80] =	vst v15  }
0x202: {  	v16 =	vmul.f32 v16, v16;
	v12 =	vmax.f32 v12, $9.999999740e-06;
	v15 =	vld [tilespmem:s14+$0xFFFFFF90]  }
0x203: {  	v13 =	vld [tilespmem:s30+$0x50];
	v12 =	vmul.f32 v12, v12  }
0x204: {  	v7 =	vadd.f32 v26, v7;
	[tilespmem:s18+$0x0] =	vst v16;
	v25 =	vld [tilespmem:s19+$0xFFFFFF90]  }
0x205: {  	v26 =	vld [tilespmem:s14+$0x10];
	[tilespmem:s18+$0x90] =	vst v12  }
0x206: {  	v6 =	vadd.f32 v27, v6;
	v7 =	vmax.f32 v7, $9.999999740e-06;
	v18 =	vmul.f32 v40, v34;
	v43 =	vld [tilespmem:s14+$0xA0]  }
0x207: {  	v7 =	vmul.f32 v7, v7;
	v45 =	vld [tilespmem:s19+$0x10];
	v15 =	vmul.f32 v15, v35  }
0x208: {  	v6 =	vmax.f32 v6, $9.999999740e-06;
	v44 =	vld [tilespmem:s19+$0xA0];
	v18 =	vadd.f32 v41, v18  }
0x209: {  	v28 =	vmul.f32 v6, v6;
	v6 =	vld [tilespmem:s10+$0x70];
	[tilespmem:s10+$0xFFFFFF50] =	vst v7;
	v15 =	vadd.f32 v25, v15  }
0x20a: {  	v9 =	vmul.f32 v10, v9;
	v8 =	vld [tilespmem:s31+$0xFFFFFF60];
	v18 =	vmax.f32 v18, $9.999999740e-06  }
0x20b: {  	v10 =	vld [tilespmem:s30+$0xFFFFFF60];
	v48 =	vmul.f32 v18, v18;
	v12 =	vmul.f32 v43, v42;
	v15 =	vmax.f32 v15, $9.999999740e-06  }
0x20c: {  	[tilespmem:s10+$0xFFFFFFD0] =	vst v28;
	v28 =	vld [tilespmem:s18+$0xB0];
	v22 =	vmul.f32 v26, v36;
	v15 =	vmul.f32 v15, v15  }
0x20d: {  	v7 =	vadd.f32 v11, v9;
	v9 =	vld [tilespmem:s31+$0xFFFFFFE0];
	[tilespmem:s18+$0xFFFFFF10] =	vst v48;
	v12 =	vadd.f32 v44, v12  }
0x20e: {  	v52 =	vadd.f32 v45, v22;
	v53 =	vld [tilespmem:s14+$0xFFFFFF20];
	[tilespmem:s18+$0xFFFFFF90] =	vst v15  }
0x20f: {  	v12 =	vmax.f32 v12, $9.999999740e-06;
	v15 =	vld [tilespmem:s14+$0xFFFFFFA0]  }
0x210: {  	v20 =	vmax.f32 v52, $9.999999740e-06;
	v54 =	vld [tilespmem:s19+$0xFFFFFF20];
	v12 =	vmul.f32 v12, v12  }
0x211: {  	v20 =	vmul.f32 v20, v20;
	v27 =	vld [tilespmem:s19+$0xFFFFFFA0]  }
0x212: {  	v11 =	vld [tilespmem:s30+$0xFFFFFFE0];
	[tilespmem:s18+$0xA0] =	vst v12  }
0x213: {  	[tilespmem:s18+$0x10] =	vst v20;
	v21 =	vmul.f32 v53, v37;
	v55 =	vld [tilespmem:s14+$0xB0]  }
0x214: {  	v56 =	vld [tilespmem:s14+$0x20];
	v15 =	vmul.f32 v15, v38  }
0x215: {  	v7 =	vmax.f32 v7, $9.999999740e-06;
	v57 =	vld [tilespmem:s19+$0xB0];
	v21 =	vadd.f32 v54, v21  }
0x216: {  	v7 =	vmul.f32 v7, v7;
	v59 =	vld [tilespmem:s19+$0x20];
	v15 =	vadd.f32 v27, v15  }
0x217: {  	v35 =	vld [tilespmem:s18+$0xC0];
	v21 =	vmax.f32 v21, $9.999999740e-06  }
0x218: {  	[tilespmem:s10+$0xE0] =	vst v7;
	v7 =	vld [tilespmem:s10+$0xF0];
	v21 =	vmul.f32 v21, v21;
	v20 =	vmul.f32 v55, v28;
	v15 =	vmax.f32 v15, $9.999999740e-06  }
0x219: {  	v58 =	vld [tilespmem:s31+$0xF0];
	v17 =	vmul.f32 v56, v39;
	v15 =	vmul.f32 v15, v15  }
0x21a: {  	v3 =	vmul.f32 v14, v3;
	v41 =	vld [tilespmem:s30+$0xF0];
	[tilespmem:s18+$0xFFFFFF20] =	vst v21;
	v19 =	vadd.f32 v57, v20  }
0x21b: {  	v30 =	vadd.f32 v59, v17;
	v29 =	vld [tilespmem:s14+$0xFFFFFF30];
	[tilespmem:s18+$0xFFFFFFA0] =	vst v15  }
0x21c: {  	v3 =	vadd.f32 v13, v3;
	v31 =	vmax.f32 v19, $9.999999740e-06;
	v32 =	vld [tilespmem:s14+$0xFFFFFFB0]  }
0x21d: {  	v33 =	vld [tilespmem:s19+$0xFFFFFF30];
	v15 =	vmax.f32 v30, $9.999999740e-06;
	v17 =	vmul.f32 v31, v31  }
0x21e: {  	v3 =	vmax.f32 v3, $9.999999740e-06;
	v34 =	vld [tilespmem:s19+$0xFFFFFFB0];
	v15 =	vmul.f32 v15, v15  }
0x21f: {  	v3 =	vmul.f32 v3, v3;
	v42 =	vld [tilespmem:s18+$0xFFFFFF60];
	[tilespmem:s18+$0xB0] =	vst v17  }
0x220: {  	v14 =	vmul.f32 v29, v46;
	[tilespmem:s18+$0x20] =	vst v15;
	v36 =	vld [tilespmem:s14+$0xC0]  }
0x221: {  	[tilespmem:s10+$0x50] =	vst v3;
	v37 =	vld [tilespmem:s14+$0x30];
	v3 =	vmul.f32 v32, v47  }
0x222: {  	v38 =	vld [tilespmem:s19+$0xC0];
	v13 =	vadd.f32 v33, v14  }
0x223: {  	v40 =	vld [tilespmem:s19+$0x30];
	v3 =	vadd.f32 v34, v3  }
0x224: {  	v1 =	vmul.f32 v8, v1;
	v39 =	vld [tilespmem:s31+$0x60];
	v13 =	vmax.f32 v13, $9.999999740e-06  }
0x225: {  	v43 =	vld [tilespmem:s18+$0xFFFFFFE0];
	v13 =	vmul.f32 v13, v13;
	v15 =	vmul.f32 v36, v35;
	v3 =	vmax.f32 v3, $9.999999740e-06  }
0x226: {  	v1 =	vadd.f32 v10, v1;
	v48 =	vld [tilespmem:s30+$0x60];
	v18 =	vmul.f32 v37, v49;
	v44 =	vmul.f32 v3, v3  }
0x227: {  	v10 =	vld [tilespmem:s18+$0xD0];
	[tilespmem:s18+$0xFFFFFF30] =	vst v13;
	v15 =	vadd.f32 v38, v15  }
0x228: {  	v1 =	vmax.f32 v1, $9.999999740e-06;
	v13 =	vld [tilespmem:s14+$0xFFFFFF40];
	v14 =	vadd.f32 v40, v18;
	[tilespmem:s18+$0xFFFFFFB0] =	vst v44  }
0x229: {  	v1 =	vmul.f32 v1, v1;
	v2 =	vmul.f32 v39, v2;
	v15 =	vmax.f32 v15, $9.999999740e-06;
	v45 =	vld [tilespmem:s14+$0xFFFFFFC0]  }
0x22a: {  	v0 =	vmul.f32 v9, v0;
	v8 =	vld [tilespmem:s19+$0xFFFFFF40];
	v14 =	vmax.f32 v14, $9.999999740e-06;
	v15 =	vmul.f32 v15, v15  }
0x22b: {  	[tilespmem:s10+$0xFFFFFF60] =	vst v1;
	v2 =	vadd.f32 v48, v2;
	v9 =	vld [tilespmem:s19+$0xFFFFFFC0];
	v14 =	vmul.f32 v14, v14  }
0x22c: {  	v0 =	vadd.f32 v11, v0;
	v57 =	vld [tilespmem:s30+$0xFFFFFF70];
	[tilespmem:s18+$0xC0] =	vst v15  }
0x22d: {  	v2 =	vmax.f32 v2, $9.999999740e-06;
	v13 =	vmul.f32 v13, v50;
	[tilespmem:s18+$0x30] =	vst v14;
	v11 =	vld [tilespmem:s14+$0xD0]  }
0x22e: {  	v0 =	vmax.f32 v0, $9.999999740e-06;
	v2 =	vmul.f32 v2, v2;
	v14 =	vld [tilespmem:s14+$0x40];
	v46 =	vmul.f32 v45, v51  }
0x22f: {  	v0 =	vmul.f32 v0, v0;
	v47 =	vld [tilespmem:s19+$0xD0];
	v8 =	vadd.f32 v8, v13  }
0x230: {  	[tilespmem:s10+$0x60] =	vst v2;
	v1 =	vadd.f32 v9, v46;
	v9 =	vld [tilespmem:s19+$0x40]  }
0x231: {  	[tilespmem:s10+$0xFFFFFFE0] =	vst v0;
	v54 =	vld [tilespmem:s31+$0x70];
	v0 =	vmax.f32 v8, $9.999999740e-06  }
0x232: {  	v49 =	vld [tilespmem:s31+$0xFFFFFF70];
	v0 =	vmul.f32 v0, v0;
	v8 =	vmul.f32 v11, v10  }
0x233: {  	v3 =	vld [tilespmem:s18+$0x60];
	v14 =	vmul.f32 v14, v60;
	v11 =	vmax.f32 v1, $9.999999740e-06  }
0x234: {  	v10 =	vld [tilespmem:s31+$0xFFFFFFF0];
	[tilespmem:s18+$0xFFFFFF40] =	vst v0;
	v8 =	vadd.f32 v47, v8;
	v11 =	vmul.f32 v11, v11  }
0x235: {  	v50 =	vld [tilespmem:s14+$0xFFFFFF50];
	v9 =	vadd.f32 v9, v14  }
0x236: {  	v51 =	vld [tilespmem:s19+$0xFFFFFF50];
	[tilespmem:s18+$0xFFFFFFC0] =	vst v11;
	v8 =	vmax.f32 v8, $9.999999740e-06  }
0x237: {  	v11 =	vld [tilespmem:s14+$0xFFFFFFD0];
	v8 =	vmul.f32 v8, v8;
	v9 =	vmax.f32 v9, $9.999999740e-06  }
0x238: {  	v52 =	vld [tilespmem:s19+$0xFFFFFFD0];
	v9 =	vmul.f32 v9, v9  }
0x239: {  	[tilespmem:s18+$0xD0] =	vst v8;
	v8 =	vld [tilespmem:s18+$0xE0]  }
0x23a: {  	[tilespmem:s18+$0x40] =	vst v9;
	v9 =	vld [tilespmem:s14+$0xE0]  }
0x23b: {  	v16 =	vmul.f32 v50, v61;
	v53 =	vld [tilespmem:s14+$0x50]  }
0x23c: {  	v2 =	vmul.f32 v11, v62;
	v11 =	vld [tilespmem:s19+$0xE0]  }
0x23d: {  	v0 =	vld [tilespmem:s18+$0xFFFFFFF0];
	v13 =	vadd.f32 v51, v16  }
0x23e: {  	v55 =	vld [tilespmem:s19+$0x50];
	v14 =	vadd.f32 v52, v2  }
0x23f: {  	v1 =	vld [tilespmem:s18+$0xFFFFFF70];
	v13 =	vmax.f32 v13, $9.999999740e-06;
	v8 =	vmul.f32 v9, v8  }
0x240: {  	v7 =	vmul.f32 v58, v7;
	v2 =	vld [tilespmem:s18+$0x70];
	v9 =	vmul.f32 v13, v13;
	v56 =	vmax.f32 v14, $9.999999740e-06  }
0x241: {  	v18 =	vmul.f32 v53, v63;
	v13 =	vmul.f32 v56, v56;
	v8 =	vadd.f32 v11, v8;
	v11 =	vld [tilespmem:s30+$0xFFFFFFF0]  }
0x242: {  	[tilespmem:s18+$0xFFFFFF50] =	vst v9;
	v9 =	vld [tilespmem:s30+$0x70]  }
0x243: {  	v7 =	vadd.f32 v41, v7;
	v5 =	vmul.f32 v49, v5;
	[tilespmem:s18+$0xFFFFFFD0] =	vst v13;
	v58 =	vadd.f32 v55, v18;
	v59 =	vld [tilespmem:s14+$0xFFFFFF60]  }
0x244: {  	v6 =	vmul.f32 v54, v6;
	v4 =	vmul.f32 v10, v4;
	v8 =	vmax.f32 v8, $9.999999740e-06;
	v10 =	vld [tilespmem:s14+$0xFFFFFFE0]  }
0x245: {  	v5 =	vadd.f32 v57, v5;
	v60 =	vld [tilespmem:s19+$0xFFFFFF60];
	v8 =	vmul.f32 v8, v8;
	v12 =	vmax.f32 v58, $9.999999740e-06  }
0x246: {  	v7 =	vmax.f32 v7, $9.999999740e-06;
	v61 =	vld [tilespmem:s19+$0xFFFFFFE0];
	v12 =	vmul.f32 v12, v12;
	v11 =	vadd.f32 v11, v4  }
0x247: {  	v7 =	vmul.f32 v7, v7;
	v5 =	vmax.f32 v5, $9.999999740e-06;
	[tilespmem:s18+$0xE0] =	vst v8;
	v4 =	vld [tilespmem:s18+$0xF0];
	v9 =	vadd.f32 v9, v6  }
0x248: {  	v62 =	vmul.f32 v5, v5;
	v13 =	vmul.f32 v59, v42;
	[tilespmem:s18+$0x50] =	vst v12;
	v6 =	vld [tilespmem:s14+$0xF0];
	v5 =	vmax.f32 v11, $9.999999740e-06  }
0x249: {  	[tilespmem:s10+$0xF0] =	vst v7;
	v10 =	vmul.f32 v10, v43;
	v8 =	vld [tilespmem:s14+$0x60];
	v7 =	vmax.f32 v9, $9.999999740e-06;
	v63 =	vmul.f32 v5, v5  }
0x24a: {  	s15 =	simm.s32 $0x4300;
	[tilespmem:s10+$0xFFFFFF70] =	vst v62;
	v5 =	vld [tilespmem:s19+$0xF0];
	v11 =	vadd.f32 v60, v13;
	v7 =	vmul.f32 v7, v7  }
0x24b: {  	s24 =	simm.s32 $0x6900;
	s25 =	simm.s32 $0x4;
	s30 =	simm.s32 $0x5500;
	v9 =	vld [tilespmem:s19+$0x60];
	v10 =	vadd.f32 v61, v10;
	[tilespmem:s10+$0xFFFFFFF0] =	vst v63  }
.LBB2_5:
0x24c: {  	v12 =	vld [tilespmem:s15+$0x80];
	v11 =	vmax.f32 v11, $9.999999740e-06;
	s14 =	sadd.s32 $0x200, s14;
	[tilespmem:s10+$0x70] =	vst v7;
	s10 =	smov.u32 s18;
	s18 =	smov.u32 s15  }
0x24d: {  	s25 =	sadd.s32 $0x4, s25;
	v7 =	vld [tilespmem:s14+$0x80];
	v11 =	vmul.f32 v11, v11;
	v10 =	vmax.f32 v10, $9.999999740e-06;
	v4 =	vmul.f32 v6, v4  }
0x24e: {  	s19 =	sadd.s32 $0x200, s19;
	p0 =	slt.u32 s25, $0x24;
	v6 =	vld [tilespmem:s14+$0xFFFFFF00];
	v10 =	vmul.f32 v10, v10;
	v3 =	vmul.f32 v8, v3  }
0x24f: {  	v8 =	vld [tilespmem:s19+$0x80];
	[tilespmem:s10+$0xFFFFFF60] =	vst v11;
	v4 =	vadd.f32 v5, v4  }
0x250: {  	v5 =	vld [tilespmem:s15+$0xFFFFFF80];
	[tilespmem:s10+$0xFFFFFFE0] =	vst v10;
	v3 =	vadd.f32 v9, v3  }
0x251: {  	v9 =	vld [tilespmem:s14+$0xFFFFFF80];
	v4 =	vmax.f32 v4, $9.999999740e-06  }
0x252: {  	v10 =	vld [tilespmem:s15+$0x0];
	v7 =	vmul.f32 v7, v12;
	v3 =	vmax.f32 v3, $9.999999740e-06;
	v4 =	vmul.f32 v4, v4  }
0x253: {  	v11 =	vld [tilespmem:s14+$0x0];
	v3 =	vmul.f32 v3, v3  }
0x254: {  	v12 =	vld [tilespmem:s15+$0xFFFFFF00];
	v7 =	vadd.f32 v8, v7;
	[tilespmem:s10+$0xF0] =	vst v4  }
0x255: {  	v4 =	vld [tilespmem:s19+$0xFFFFFF00];
	[tilespmem:s10+$0x60] =	vst v3  }
0x256: {  	v3 =	vld [tilespmem:s19+$0xFFFFFF80];
	v5 =	vmul.f32 v9, v5;
	v7 =	vmax.f32 v7, $9.999999740e-06  }
0x257: {  	v8 =	vld [tilespmem:s19+$0x0];
	v7 =	vmul.f32 v7, v7  }
0x258: {  	v9 =	vld [tilespmem:s15+$0xFFFFFF10];
	v10 =	vmul.f32 v11, v10  }
0x259: {  	v6 =	vmul.f32 v6, v12;
	[tilespmem:s15+$0x80] =	vst v7;
	v7 =	vld [tilespmem:s15+$0x90]  }
0x25a: {  	v11 =	vld [tilespmem:s14+$0x90]  }
0x25b: {  	v4 =	vadd.f32 v4, v6;
	v3 =	vadd.f32 v3, v5;
	v5 =	vld [tilespmem:s15+$0xFFFFFF90]  }
0x25c: {  	v6 =	vadd.f32 v8, v10;
	v8 =	vld [tilespmem:s19+$0x90]  }
0x25d: {  	v4 =	vmax.f32 v4, $9.999999740e-06;
	v3 =	vmax.f32 v3, $9.999999740e-06;
	v10 =	vld [tilespmem:s15+$0x10]  }
0x25e: {  	v4 =	vmul.f32 v4, v4;
	v12 =	vld [tilespmem:s15+$0xFFFFFF20];
	v3 =	vmul.f32 v3, v3;
	v6 =	vmax.f32 v6, $9.999999740e-06  }
0x25f: {  	v13 =	vld [tilespmem:s15+$0xFFFFFFA0];
	v6 =	vmul.f32 v6, v6;
	v7 =	vmul.f32 v11, v7  }
0x260: {  	[tilespmem:s15+$0xFFFFFF00] =	vst v4;
	v4 =	vld [tilespmem:s15+$0x20]  }
0x261: {  	v11 =	vld [tilespmem:s14+$0xFFFFFF10];
	[tilespmem:s15+$0xFFFFFF80] =	vst v3;
	v3 =	vadd.f32 v8, v7  }
0x262: {  	v7 =	vld [tilespmem:s14+$0xFFFFFF90];
	[tilespmem:s15+$0x0] =	vst v6  }
0x263: {  	v6 =	vld [tilespmem:s14+$0x10];
	v3 =	vmax.f32 v3, $9.999999740e-06  }
0x264: {  	v8 =	vld [tilespmem:s19+$0xFFFFFF10];
	v3 =	vmul.f32 v3, v3  }
0x265: {  	v14 =	vld [tilespmem:s19+$0xFFFFFF90]  }
0x266: {  	v9 =	vmul.f32 v11, v9;
	[tilespmem:s15+$0x90] =	vst v3;
	v3 =	vld [tilespmem:s15+$0xA0]  }
0x267: {  	v5 =	vmul.f32 v7, v5;
	v7 =	vld [tilespmem:s14+$0xA0]  }
0x268: {  	v11 =	vld [tilespmem:s19+$0x10];
	v6 =	vmul.f32 v6, v10  }
0x269: {  	v8 =	vadd.f32 v8, v9;
	v9 =	vld [tilespmem:s19+$0xA0]  }
0x26a: {  	v10 =	vld [tilespmem:s15+$0xFFFFFF30];
	v5 =	vadd.f32 v14, v5  }
0x26b: {  	v8 =	vmax.f32 v8, $9.999999740e-06;
	v14 =	vld [tilespmem:s15+$0xFFFFFFB0]  }
0x26c: {  	v8 =	vmul.f32 v8, v8;
	v5 =	vmax.f32 v5, $9.999999740e-06;
	v15 =	vld [tilespmem:s15+$0x30];
	v3 =	vmul.f32 v7, v3  }
0x26d: {  	v7 =	vld [tilespmem:s15+$0xFFFFFF40];
	v5 =	vmul.f32 v5, v5;
	v6 =	vadd.f32 v11, v6  }
0x26e: {  	[tilespmem:s15+$0xFFFFFF10] =	vst v8;
	v8 =	vld [tilespmem:s15+$0xFFFFFFC0];
	v3 =	vadd.f32 v9, v3  }
0x26f: {  	v9 =	vld [tilespmem:s14+$0xFFFFFF20];
	[tilespmem:s15+$0xFFFFFF90] =	vst v5;
	v5 =	vmax.f32 v6, $9.999999740e-06  }
0x270: {  	v6 =	vld [tilespmem:s14+$0xFFFFFFA0];
	v5 =	vmul.f32 v5, v5;
	v3 =	vmax.f32 v3, $9.999999740e-06  }
0x271: {  	v11 =	vld [tilespmem:s19+$0xFFFFFF20];
	v3 =	vmul.f32 v3, v3  }
0x272: {  	v16 =	vld [tilespmem:s19+$0xFFFFFFA0];
	[tilespmem:s15+$0x10] =	vst v5  }
0x273: {  	[tilespmem:s15+$0xA0] =	vst v3;
	v3 =	vld [tilespmem:s15+$0xB0]  }
0x274: {  	v5 =	vmul.f32 v9, v12;
	v9 =	vld [tilespmem:s14+$0xB0]  }
0x275: {  	v6 =	vmul.f32 v6, v13;
	v12 =	vld [tilespmem:s14+$0x20]  }
0x276: {  	v5 =	vadd.f32 v11, v5;
	v11 =	vld [tilespmem:s19+$0xB0]  }
0x277: {  	v6 =	vadd.f32 v16, v6;
	v13 =	vld [tilespmem:s19+$0x20]  }
0x278: {  	v5 =	vmax.f32 v5, $9.999999740e-06;
	v16 =	vld [tilespmem:s15+$0x40]  }
0x279: {  	v5 =	vmul.f32 v5, v5;
	v17 =	vld [tilespmem:s15+$0xFFFFFF50];
	v6 =	vmax.f32 v6, $9.999999740e-06;
	v3 =	vmul.f32 v9, v3  }
0x27a: {  	v6 =	vmul.f32 v6, v6;
	v9 =	vld [tilespmem:s15+$0xFFFFFFD0];
	v12 =	vmul.f32 v12, v4  }
0x27b: {  	[tilespmem:s15+$0xFFFFFF20] =	vst v5;
	v4 =	vld [tilespmem:s15+$0x50];
	v3 =	vadd.f32 v11, v3  }
0x27c: {  	v5 =	vld [tilespmem:s14+$0xFFFFFF30];
	[tilespmem:s15+$0xFFFFFFA0] =	vst v6;
	v6 =	vadd.f32 v13, v12  }
0x27d: {  	v11 =	vld [tilespmem:s14+$0xFFFFFFB0];
	v3 =	vmax.f32 v3, $9.999999740e-06  }
0x27e: {  	v12 =	vld [tilespmem:s19+$0xFFFFFF30];
	v6 =	vmax.f32 v6, $9.999999740e-06;
	v3 =	vmul.f32 v3, v3  }
0x27f: {  	v13 =	vld [tilespmem:s19+$0xFFFFFFB0];
	v6 =	vmul.f32 v6, v6  }
0x280: {  	[tilespmem:s15+$0xB0] =	vst v3;
	v3 =	vld [tilespmem:s15+$0xC0]  }
0x281: {  	v5 =	vmul.f32 v5, v10;
	[tilespmem:s15+$0x20] =	vst v6;
	v10 =	vld [tilespmem:s14+$0xC0]  }
0x282: {  	v6 =	vmul.f32 v11, v14;
	v11 =	vld [tilespmem:s14+$0x30]  }
0x283: {  	v5 =	vadd.f32 v12, v5;
	v12 =	vld [tilespmem:s19+$0xC0]  }
0x284: {  	v13 =	vadd.f32 v13, v6;
	v14 =	vld [tilespmem:s19+$0x30]  }
0x285: {  	v5 =	vmax.f32 v5, $9.999999740e-06;
	v6 =	vld [tilespmem:s15+$0xFFFFFF60]  }
0x286: {  	v18 =	vmul.f32 v5, v5;
	v13 =	vmax.f32 v13, $9.999999740e-06;
	v5 =	vld [tilespmem:s15+$0xFFFFFFE0];
	v10 =	vmul.f32 v10, v3  }
0x287: {  	v13 =	vmul.f32 v13, v13;
	v11 =	vmul.f32 v11, v15;
	v3 =	vld [tilespmem:s15+$0x60]  }
0x288: {  	[tilespmem:s15+$0xFFFFFF30] =	vst v18;
	v10 =	vadd.f32 v12, v10;
	v12 =	vld [tilespmem:s30+$0xFFFFFF70]  }
0x289: {  	v15 =	vld [tilespmem:s14+$0xFFFFFF40];
	[tilespmem:s15+$0xFFFFFFB0] =	vst v13;
	v11 =	vadd.f32 v14, v11  }
0x28a: {  	v13 =	vld [tilespmem:s14+$0xFFFFFFC0];
	v10 =	vmax.f32 v10, $9.999999740e-06  }
0x28b: {  	v14 =	vld [tilespmem:s19+$0xFFFFFF40];
	v11 =	vmax.f32 v11, $9.999999740e-06;
	v10 =	vmul.f32 v10, v10  }
0x28c: {  	v18 =	vld [tilespmem:s19+$0xFFFFFFC0];
	v11 =	vmul.f32 v11, v11  }
0x28d: {  	[tilespmem:s15+$0xC0] =	vst v10;
	v10 =	vld [tilespmem:s15+$0xD0];
	v12 =	vmul.f32 v12, v1  }
0x28e: {  	v1 =	vmul.f32 v15, v7;
	[tilespmem:s15+$0x30] =	vst v11;
	v7 =	vld [tilespmem:s14+$0xD0]  }
0x28f: {  	v8 =	vmul.f32 v13, v8;
	v11 =	vld [tilespmem:s14+$0x40]  }
0x290: {  	v1 =	vadd.f32 v14, v1;
	v13 =	vld [tilespmem:s19+$0xD0]  }
0x291: {  	v8 =	vadd.f32 v18, v8;
	v14 =	vld [tilespmem:s19+$0x40]  }
0x292: {  	v1 =	vmax.f32 v1, $9.999999740e-06;
	v15 =	vld [tilespmem:s30+$0xFFFFFFF0]  }
0x293: {  	v18 =	vmul.f32 v1, v1;
	v8 =	vmax.f32 v8, $9.999999740e-06;
	v7 =	vmul.f32 v7, v10;
	v10 =	vld [tilespmem:s30+$0x70];
	s30 =	smov.u32 s14  }
0x294: {  	v1 =	vld [tilespmem:s15+$0xFFFFFF70];
	v8 =	vmul.f32 v8, v8;
	v11 =	vmul.f32 v11, v16  }
0x295: {  	[tilespmem:s15+$0xFFFFFF40] =	vst v18;
	v16 =	vld [tilespmem:s15+$0xFFFFFFF0];
	v7 =	vadd.f32 v13, v7  }
0x296: {  	v13 =	vld [tilespmem:s14+$0xFFFFFF50];
	[tilespmem:s15+$0xFFFFFFC0] =	vst v8;
	v8 =	vadd.f32 v14, v11  }
0x297: {  	v11 =	vld [tilespmem:s14+$0xFFFFFFD0];
	v7 =	vmax.f32 v7, $9.999999740e-06;
	v14 =	vmul.f32 v15, v0  }
0x298: {  	v15 =	vld [tilespmem:s19+$0xFFFFFF50];
	v18 =	vmax.f32 v8, $9.999999740e-06;
	v7 =	vmul.f32 v7, v7;
	v8 =	vmul.f32 v10, v2  }
0x299: {  	v2 =	vld [tilespmem:s19+$0xFFFFFFD0];
	v10 =	vmul.f32 v18, v18  }
0x29a: {  	[tilespmem:s15+$0xD0] =	vst v7;
	v7 =	vld [tilespmem:s15+$0xE0];
	v0 =	vmov v16  }
0x29b: {  	v13 =	vmul.f32 v13, v17;
	[tilespmem:s15+$0x40] =	vst v10;
	v10 =	vld [tilespmem:s14+$0xE0]  }
0x29c: {  	v9 =	vmul.f32 v11, v9;
	v11 =	vld [tilespmem:s14+$0x50]  }
0x29d: {  	v13 =	vadd.f32 v15, v13;
	v15 =	vld [tilespmem:s19+$0xE0]  }
0x29e: {  	v9 =	vadd.f32 v2, v9;
	v16 =	vld [tilespmem:s19+$0x50]  }
0x29f: {  	v13 =	vmax.f32 v13, $9.999999740e-06;
	v2 =	vld [tilespmem:s15+$0x70]  }
0x2a0: {  	v13 =	vmul.f32 v13, v13;
	v9 =	vmax.f32 v9, $9.999999740e-06;
	v7 =	vmul.f32 v10, v7;
	v10 =	vld [tilespmem:s24+$0xFFFFFF70]  }
0x2a1: {  	v9 =	vmul.f32 v9, v9;
	v4 =	vmul.f32 v11, v4;
	v11 =	vld [tilespmem:s24+$0xFFFFFFF0]  }
0x2a2: {  	[tilespmem:s15+$0xFFFFFF50] =	vst v13;
	v7 =	vadd.f32 v15, v7;
	v13 =	vld [tilespmem:s24+$0x70];
	s24 =	smov.u32 s19  }
0x2a3: {  	v15 =	vld [tilespmem:s14+$0xFFFFFF60];
	[tilespmem:s15+$0xFFFFFFD0] =	vst v9;
	v4 =	vadd.f32 v16, v4  }
0x2a4: {  	v9 =	vld [tilespmem:s14+$0xFFFFFFE0];
	v7 =	vmax.f32 v7, $9.999999740e-06  }
0x2a5: {  	v16 =	vld [tilespmem:s19+$0xFFFFFF60];
	v4 =	vmax.f32 v4, $9.999999740e-06;
	v7 =	vmul.f32 v7, v7;
	v10 =	vadd.f32 v10, v12  }
0x2a6: {  	v12 =	vld [tilespmem:s19+$0xFFFFFFE0];
	v17 =	vmul.f32 v4, v4;
	v11 =	vadd.f32 v11, v14  }
.Ltmp1:
0x2a7: {  	[tilespmem:s15+$0xE0] =	vst v7;
	v4 =	vld [tilespmem:s15+$0xF0];
	v7 =	vmax.f32 v10, $9.999999740e-06;
	v10 =	vadd.f32 v13, v8;
	(pc) =	sbr.rel @p0 .LBB2_5-.Ltmp1, $4  }
0x2a8: {  	v13 =	vmul.f32 v15, v6;
	[tilespmem:s15+$0x50] =	vst v17;
	v6 =	vld [tilespmem:s14+$0xF0];
	v7 =	vmul.f32 v7, v7;
	v11 =	vmax.f32 v11, $9.999999740e-06  }
0x2a9: {  	v9 =	vmul.f32 v9, v5;
	v8 =	vld [tilespmem:s14+$0x60];
	v14 =	vmul.f32 v11, v11;
	v10 =	vmax.f32 v10, $9.999999740e-06  }
0x2aa: {  	v11 =	vadd.f32 v16, v13;
	v5 =	vld [tilespmem:s19+$0xF0];
	[tilespmem:s10+$0xFFFFFF70] =	vst v7;
	v7 =	vmul.f32 v10, v10  }
0x2ab: {  	s15 =	sadd.s32 $0x200, s15;
	v10 =	vadd.f32 v12, v9;
	v9 =	vld [tilespmem:s19+$0x60];
	[tilespmem:s10+$0xFFFFFFF0] =	vst v14  }
0x2ac: {  	_ =	sdelay $0x1  }
0x2ad: {  	v3 =	vmul.f32 v8, v3  }
0x2ae: {  	v55 =	vmax.f32 v11, $9.999999740e-06  }
0x2af: {  	v8 =	vmul.f32 v55, v55;
	v3 =	vadd.f32 v9, v3  }
0x2b0: {  	v56 =	vmax.f32 v10, $9.999999740e-06  }
0x2b1: {  	v9 =	vmul.f32 v56, v56;
	[tilespmem:s18+$0xFFFFFF60] =	vst v8;
	v3 =	vmax.f32 v3, $9.999999740e-06  }
0x2b2: {  	v8 =	vld [tilespmem:s30+$0xFFFFFF70];
	v3 =	vmul.f32 v3, v3  }
0x2b3: {  	v59 =	vld [tilespmem:s24+$0xFFFFFF70];
	[tilespmem:s18+$0xFFFFFFE0] =	vst v9  }
0x2b4: {  	v57 =	vld [tilespmem:s30+$0xFFFFFFF0];
	[tilespmem:s18+$0x60] =	vst v3  }
0x2b5: {  	v58 =	vld [tilespmem:s30+$0x70]  }
0x2b6: {  	v60 =	vld [tilespmem:s24+$0xFFFFFFF0]  }
0x2b7: {  	v4 =	vmul.f32 v6, v4;
	v61 =	vld [tilespmem:s24+$0x70]  }
0x2b8: {  	v1 =	vmul.f32 v8, v1  }
0x2b9: {  	v4 =	vadd.f32 v5, v4;
	v0 =	vmul.f32 v57, v0  }
0x2ba: {  	v1 =	vadd.f32 v59, v1;
	v2 =	vmul.f32 v58, v2  }
0x2bb: {  	v62 =	vmax.f32 v4, $9.999999740e-06;
	v0 =	vadd.f32 v60, v0  }
0x2bc: {  	v3 =	vmul.f32 v62, v62;
	v1 =	vmax.f32 v1, $9.999999740e-06;
	v2 =	vadd.f32 v61, v2  }
0x2bd: {  	[tilespmem:s10+$0x70] =	vst v7;
	v1 =	vmul.f32 v1, v1;
	v0 =	vmax.f32 v0, $9.999999740e-06  }
0x2be: {  	[tilespmem:s18+$0xF0] =	vst v3;
	v0 =	vmul.f32 v0, v0;
	v2 =	vmax.f32 v2, $9.999999740e-06  }
0x2bf: {  	s17 =	sadd.s32 $0x1, s17;
	[tilespmem:s18+$0xFFFFFF70] =	vst v1;
	v63 =	vmul.f32 v2, v2  }
0x2c0: {  	p0 =	sne.s32 s17, $0x3E;
	[tilespmem:s18+$0xFFFFFFF0] =	vst v0  }
.Ltmp2:
0x2c1: {  	[tilespmem:s18+$0x70] =	vst v63;
	(pc) =	sbr.rel @p0 .LBB2_2-.Ltmp2, $4  }
0x2c2: {  	[spmem:s2] =	stream.indirect.scatter.add.f32 [tilespmem:s29], [sflag:$0x7], $0x80, s28, s22, $0xb8;
	[tilespmem:$0x1BA00] =	vst v63  }
0x2c3: {  	_ =	swait.ge [sflag:s20], $0x1400  }
0x2c4: {  	[sflag:s20] =	ssyncset.done $0x0  }
0x2c5: {  	[sflag:s20] =	ssyncadd.s32 $0xFFFFEC00  }
0x2c6: {  	_ =	swait.ge [sflag:s0], $0x1400  }
0x2c7: {  	[sflag:s0] =	ssyncset.done $0x0  }
0x2c8: {  	[sflag:s0] =	ssyncadd.s32 $0xFFFFEC00  }
0x2c9: {  	_ =	swait.ge [sflag:s3], $0x1400  }
0x2ca: {  	[sflag:s3] =	ssyncset.done $0x0  }
0x2cb: {  	[sflag:s3] =	ssyncadd.s32 $0xFFFFEC00  }
0x2cc: {  	_ =	swait.ge [sflag:s9], $0x1400  }
0x2cd: {  	[sflag:s9] =	ssyncset.done $0x0  }
0x2ce: {  	s10 =	simm.s32 $0x200;
	[sflag:s9] =	ssyncadd.s32 $0xFFFFEC00  }
0x2cf: {  	s24 =	simm.s32 $0x1600;
	v0 =	vld [tilespmem:s10+$0x80]  }
0x2d0: {  	s19 =	simm.s32 $0x2A00;
	v1 =	vld [tilespmem:s24+$0x80]  }
0x2d1: {  	v2 =	vld [tilespmem:s19+$0x80]  }
0x2d2: {  	v3 =	vld [tilespmem:s10+$0xFFFFFF80]  }
0x2d3: {  	v4 =	vld [tilespmem:s10+$0x0]  }
0x2d4: {  	v5 =	vld [tilespmem:s10+$0xFFFFFF00]  }
0x2d5: {  	v6 =	vld [tilespmem:s19+$0xFFFFFF00]  }
0x2d6: {  	v7 =	vld [tilespmem:s19+$0xFFFFFF80]  }
0x2d7: {  	v9 =	vld [tilespmem:s24+$0x0]  }
0x2d8: {  	v10 =	vld [tilespmem:s10+$0xFFFFFF20]  }
0x2d9: {  	v12 =	vld [tilespmem:s10+$0x20]  }
0x2da: {  	s17 =	simm.s32 $0x400;
	v14 =	vld [tilespmem:s10+$0x30]  }
0x2db: {  	s14 =	simm.s32 $0x1800;
	v29 =	vld [tilespmem:s17+$0x80]  }
0x2dc: {  	s18 =	simm.s32 $0x2C00;
	v15 =	vld [tilespmem:s14+$0x80]  }
0x2dd: {  	v16 =	vld [tilespmem:s18+$0x80]  }
0x2de: {  	v30 =	vld [tilespmem:s17+$0xFFFFFF80]  }
0x2df: {  	v31 =	vld [tilespmem:s17+$0x0]  }
0x2e0: {  	v32 =	vld [tilespmem:s17+$0x90]  }
0x2e1: {  	v34 =	vld [tilespmem:s17+$0xFFFFFF10]  }
0x2e2: {  	v35 =	vld [tilespmem:s17+$0xFFFFFF90]  }
0x2e3: {  	v36 =	vld [tilespmem:s17+$0x10]  }
0x2e4: {  	v37 =	vld [tilespmem:s17+$0xFFFFFF20]  }
0x2e5: {  	v38 =	vld [tilespmem:s17+$0xFFFFFFA0]  }
0x2e6: {  	v39 =	vld [tilespmem:s17+$0x20]  }
0x2e7: {  	v42 =	vld [tilespmem:s17+$0xA0]  }
0x2e8: {  	v46 =	vld [tilespmem:s17+$0xFFFFFF30]  }
0x2e9: {  	v47 =	vld [tilespmem:s17+$0xFFFFFFB0];
	v0 =	vmul.f32 v1, v0  }
0x2ea: {  	v49 =	vld [tilespmem:s17+$0x30]  }
0x2eb: {  	v50 =	vld [tilespmem:s17+$0xFFFFFF40];
	v0 =	vadd.f32 v2, v0  }
0x2ec: {  	v1 =	vld [tilespmem:s24+$0xFFFFFF00]  }
0x2ed: {  	v51 =	vld [tilespmem:s17+$0xFFFFFFC0];
	v0 =	vmax.f32 v0, $9.999999740e-06  }
0x2ee: {  	v2 =	vld [tilespmem:s24+$0xFFFFFF80];
	v0 =	vmul.f32 v0, v0  }
0x2ef: {  	v60 =	vld [tilespmem:s17+$0x40]  }
0x2f0: {  	[tilespmem:s10+$0x80] =	vst v0;
	v0 =	vld [tilespmem:s10+$0x90]  }
0x2f1: {  	v1 =	vmul.f32 v1, v5;
	v8 =	vld [tilespmem:s24+$0x90]  }
0x2f2: {  	v61 =	vld [tilespmem:s17+$0xFFFFFF50]  }
0x2f3: {  	v2 =	vmul.f32 v2, v3;
	v1 =	vadd.f32 v6, v1;
	v3 =	vld [tilespmem:s19+$0x90]  }
0x2f4: {  	v62 =	vld [tilespmem:s17+$0xFFFFFFD0]  }
0x2f5: {  	v5 =	vld [tilespmem:s19+$0x0];
	v2 =	vadd.f32 v7, v2;
	v1 =	vmax.f32 v1, $9.999999740e-06  }
0x2f6: {  	v63 =	vld [tilespmem:s17+$0x50];
	v1 =	vmul.f32 v1, v1;
	v0 =	vmul.f32 v8, v0  }
0x2f7: {  	v6 =	vld [tilespmem:s10+$0xFFFFFF10];
	v2 =	vmax.f32 v2, $9.999999740e-06  }
0x2f8: {  	v7 =	vld [tilespmem:s10+$0xFFFFFF90];
	v2 =	vmul.f32 v2, v2;
	[tilespmem:s10+$0xFFFFFF00] =	vst v1;
	v1 =	vmul.f32 v9, v4;
	v0 =	vadd.f32 v3, v0  }
0x2f9: {  	v4 =	vld [tilespmem:s24+$0xFFFFFF10]  }
0x2fa: {  	[tilespmem:s10+$0xFFFFFF80] =	vst v2;
	v1 =	vadd.f32 v5, v1;
	v5 =	vld [tilespmem:s19+$0xFFFFFF10];
	v0 =	vmax.f32 v0, $9.999999740e-06  }
0x2fb: {  	v2 =	vld [tilespmem:s24+$0xFFFFFF90];
	v0 =	vmul.f32 v0, v0  }
0x2fc: {  	v9 =	vld [tilespmem:s19+$0xFFFFFF90]  }
0x2fd: {  	[tilespmem:s10+$0x90] =	vst v0;
	v0 =	vmax.f32 v1, $9.999999740e-06;
	v1 =	vld [tilespmem:s10+$0xA0]  }
0x2fe: {  	v0 =	vmul.f32 v0, v0;
	v11 =	vld [tilespmem:s24+$0xA0]  }
0x2ff: {  	v8 =	vld [tilespmem:s10+$0x10];
	v4 =	vmul.f32 v4, v6  }
0x300: {  	[tilespmem:s10+$0x0] =	vst v0;
	v0 =	vmul.f32 v2, v7;
	v2 =	vld [tilespmem:s19+$0xA0]  }
0x301: {  	v3 =	vld [tilespmem:s10+$0xFFFFFFA0];
	v4 =	vadd.f32 v5, v4  }
0x302: {  	v6 =	vld [tilespmem:s24+$0x10];
	v0 =	vadd.f32 v9, v0  }
0x303: {  	v4 =	vmax.f32 v4, $9.999999740e-06;
	v7 =	vld [tilespmem:s10+$0xFFFFFF30];
	v1 =	vmul.f32 v11, v1  }
0x304: {  	v4 =	vmul.f32 v4, v4;
	v5 =	vld [tilespmem:s19+$0x10];
	v0 =	vmax.f32 v0, $9.999999740e-06  }
0x305: {  	v9 =	vld [tilespmem:s10+$0xFFFFFFB0];
	v0 =	vmul.f32 v0, v0;
	v1 =	vadd.f32 v2, v1  }
0x306: {  	[tilespmem:s10+$0xFFFFFF10] =	vst v4;
	v11 =	vld [tilespmem:s10+$0xFFFFFF40]  }
0x307: {  	v4 =	vld [tilespmem:s24+$0xFFFFFF20];
	[tilespmem:s10+$0xFFFFFF90] =	vst v0;
	v0 =	vmax.f32 v1, $9.999999740e-06;
	v1 =	vmul.f32 v6, v8  }
0x308: {  	v8 =	vld [tilespmem:s19+$0xFFFFFF20]  }
0x309: {  	v6 =	vld [tilespmem:s24+$0xFFFFFFA0];
	v0 =	vmul.f32 v0, v0;
	v1 =	vadd.f32 v5, v1  }
0x30a: {  	v5 =	vld [tilespmem:s19+$0xFFFFFFA0]  }
0x30b: {  	[tilespmem:s10+$0xA0] =	vst v0;
	v0 =	vld [tilespmem:s10+$0xB0];
	v1 =	vmax.f32 v1, $9.999999740e-06  }
0x30c: {  	v4 =	vmul.f32 v4, v10;
	v13 =	vld [tilespmem:s24+$0xB0];
	v1 =	vmul.f32 v1, v1  }
0x30d: {  	v2 =	vld [tilespmem:s10+$0xFFFFFFC0]  }
0x30e: {  	v3 =	vmul.f32 v6, v3;
	v6 =	vld [tilespmem:s19+$0xB0];
	[tilespmem:s10+$0x10] =	vst v1;
	v1 =	vadd.f32 v8, v4  }
0x30f: {  	v10 =	vld [tilespmem:s10+$0xFFFFFF50]  }
0x310: {  	v4 =	vld [tilespmem:s24+$0x20];
	v3 =	vadd.f32 v5, v3;
	v1 =	vmax.f32 v1, $9.999999740e-06  }
0x311: {  	v8 =	vld [tilespmem:s10+$0x40];
	v0 =	vmul.f32 v13, v0;
	v1 =	vmul.f32 v1, v1  }
0x312: {  	v5 =	vld [tilespmem:s19+$0x20];
	v3 =	vmax.f32 v3, $9.999999740e-06  }
0x313: {  	v3 =	vmul.f32 v3, v3;
	v0 =	vadd.f32 v6, v0;
	v6 =	vld [tilespmem:s10+$0xFFFFFFD0];
	[tilespmem:s10+$0xFFFFFF20] =	vst v1  }
0x314: {  	v1 =	vld [tilespmem:s24+$0xFFFFFF30]  }
0x315: {  	[tilespmem:s10+$0xFFFFFFA0] =	vst v3;
	v0 =	vmax.f32 v0, $9.999999740e-06;
	v3 =	vmul.f32 v4, v12;
	v17 =	vld [tilespmem:s19+$0xFFFFFF30]  }
0x316: {  	v4 =	vld [tilespmem:s24+$0xFFFFFFB0];
	v0 =	vmul.f32 v0, v0  }
0x317: {  	v3 =	vadd.f32 v5, v3;
	v5 =	vld [tilespmem:s19+$0xFFFFFFB0]  }
0x318: {  	v12 =	vmul.f32 v15, v29;
	[tilespmem:s10+$0xB0] =	vst v0;
	v0 =	vld [tilespmem:s10+$0xC0]  }
0x319: {  	v18 =	vmax.f32 v3, $9.999999740e-06;
	v3 =	vld [tilespmem:s10+$0x50]  }
0x31a: {  	v12 =	vadd.f32 v16, v12;
	v1 =	vmul.f32 v1, v7;
	v7 =	vld [tilespmem:s24+$0xC0]  }
0x31b: {  	v13 =	vmul.f32 v18, v18;
	v18 =	vld [tilespmem:s14+$0xFFFFFF80]  }
0x31c: {  	v12 =	vmax.f32 v12, $9.999999740e-06;
	v4 =	vmul.f32 v4, v9;
	v9 =	vld [tilespmem:s19+$0xC0]  }
0x31d: {  	v12 =	vmul.f32 v12, v12;
	v1 =	vadd.f32 v17, v1;
	[tilespmem:s10+$0x20] =	vst v13;
	v17 =	vld [tilespmem:s14+$0xFFFFFF00]  }
0x31e: {  	v4 =	vadd.f32 v5, v4;
	v5 =	vld [tilespmem:s24+$0x30]  }
0x31f: {  	[tilespmem:s17+$0x80] =	vst v12;
	v19 =	vld [tilespmem:s19+$0x30]  }
0x320: {  	v33 =	vld [tilespmem:s18+$0x90];
	v1 =	vmax.f32 v1, $9.999999740e-06  }
0x321: {  	v20 =	vmul.f32 v1, v1;
	v1 =	vld [tilespmem:s10+$0xFFFFFF60]  }
0x322: {  	v4 =	vmax.f32 v4, $9.999999740e-06;
	v7 =	vmul.f32 v7, v0;
	v0 =	vld [tilespmem:s10+$0xFFFFFFE0]  }
0x323: {  	v4 =	vmul.f32 v4, v4;
	[tilespmem:s10+$0xFFFFFF30] =	vst v20;
	v20 =	vld [tilespmem:s17+$0xFFFFFF00]  }
0x324: {  	v7 =	vadd.f32 v9, v7;
	v9 =	vld [tilespmem:s24+$0xFFFFFF40]  }
0x325: {  	[tilespmem:s10+$0xFFFFFFB0] =	vst v4;
	v4 =	vmul.f32 v5, v14;
	v13 =	vld [tilespmem:s19+$0xFFFFFF40]  }
0x326: {  	v5 =	vld [tilespmem:s24+$0xFFFFFFC0];
	v7 =	vmax.f32 v7, $9.999999740e-06  }
0x327: {  	v21 =	vld [tilespmem:s19+$0xFFFFFFC0];
	v7 =	vmul.f32 v7, v7;
	v4 =	vadd.f32 v19, v4  }
0x328: {  	v19 =	vld [tilespmem:s14+$0x0]  }
0x329: {  	[tilespmem:s10+$0xC0] =	vst v7;
	v4 =	vmax.f32 v4, $9.999999740e-06;
	v7 =	vld [tilespmem:s10+$0xD0]  }
0x32a: {  	v9 =	vmul.f32 v9, v11;
	v4 =	vmul.f32 v4, v4;
	v11 =	vld [tilespmem:s24+$0xD0]  }
0x32b: {  	v22 =	vld [tilespmem:s19+$0xD0]  }
0x32c: {  	v5 =	vmul.f32 v5, v2;
	v2 =	vld [tilespmem:s10+$0x60];
	[tilespmem:s10+$0x30] =	vst v4  }
0x32d: {  	v9 =	vadd.f32 v13, v9;
	v23 =	vld [tilespmem:s24+$0x40]  }
0x32e: {  	v4 =	vadd.f32 v21, v5;
	v21 =	vld [tilespmem:s18+$0xFFFFFF00]  }
0x32f: {  	v5 =	vmax.f32 v9, $9.999999740e-06;
	v9 =	vld [tilespmem:s19+$0x40]  }
0x330: {  	v24 =	vmul.f32 v5, v5;
	v4 =	vmax.f32 v4, $9.999999740e-06;
	v7 =	vmul.f32 v11, v7;
	v5 =	vld [tilespmem:s10+$0xFFFFFF70]  }
0x331: {  	v11 =	vmul.f32 v4, v4;
	v4 =	vld [tilespmem:s10+$0xFFFFFFF0]  }
0x332: {  	v7 =	vadd.f32 v22, v7;
	v22 =	vld [tilespmem:s18+$0xFFFFFF80]  }
0x333: {  	[tilespmem:s10+$0xFFFFFF40] =	vst v24;
	v24 =	vld [tilespmem:s18+$0x0]  }
0x334: {  	v17 =	vmul.f32 v17, v20;
	v25 =	vld [tilespmem:s24+$0xFFFFFF50]  }
0x335: {  	[tilespmem:s10+$0xFFFFFFC0] =	vst v11;
	v8 =	vmul.f32 v23, v8;
	v23 =	vld [tilespmem:s14+$0x90]  }
0x336: {  	v17 =	vadd.f32 v21, v17;
	v11 =	vld [tilespmem:s24+$0xFFFFFFD0];
	v7 =	vmax.f32 v7, $9.999999740e-06  }
0x337: {  	v15 =	vmul.f32 v18, v30;
	v26 =	vld [tilespmem:s19+$0xFFFFFF50];
	v7 =	vmul.f32 v7, v7;
	v8 =	vadd.f32 v9, v8  }
0x338: {  	v16 =	vmul.f32 v19, v31;
	v27 =	vld [tilespmem:s19+$0xFFFFFFD0];
	v17 =	vmax.f32 v17, $9.999999740e-06  }
0x339: {  	v9 =	vld [tilespmem:s10+$0xE0];
	v17 =	vmul.f32 v17, v17;
	[tilespmem:s10+$0xD0] =	vst v7;
	v8 =	vmax.f32 v8, $9.999999740e-06;
	v15 =	vadd.f32 v22, v15  }
0x33a: {  	v7 =	vmul.f32 v25, v10;
	v8 =	vmul.f32 v8, v8;
	v10 =	vld [tilespmem:s24+$0xE0]  }
0x33b: {  	v12 =	vmul.f32 v23, v32;
	[tilespmem:s17+$0xFFFFFF00] =	vst v17;
	v6 =	vmul.f32 v11, v6;
	v11 =	vld [tilespmem:s19+$0xE0];
	v15 =	vmax.f32 v15, $9.999999740e-06  }
0x33c: {  	v16 =	vadd.f32 v24, v16;
	v40 =	vld [tilespmem:s14+$0xFFFFFF10];
	v15 =	vmul.f32 v15, v15  }
0x33d: {  	v41 =	vld [tilespmem:s18+$0xFFFFFF10];
	[tilespmem:s10+$0x40] =	vst v8;
	v12 =	vadd.f32 v33, v12  }
0x33e: {  	v16 =	vmax.f32 v16, $9.999999740e-06;
	v14 =	vld [tilespmem:s24+$0x50];
	[tilespmem:s17+$0xFFFFFF80] =	vst v15  }
0x33f: {  	v16 =	vmul.f32 v16, v16;
	v12 =	vmax.f32 v12, $9.999999740e-06;
	v15 =	vld [tilespmem:s14+$0xFFFFFF90]  }
0x340: {  	v13 =	vld [tilespmem:s19+$0x50];
	v12 =	vmul.f32 v12, v12  }
0x341: {  	v7 =	vadd.f32 v26, v7;
	[tilespmem:s17+$0x0] =	vst v16;
	v25 =	vld [tilespmem:s18+$0xFFFFFF90]  }
0x342: {  	v26 =	vld [tilespmem:s14+$0x10];
	[tilespmem:s17+$0x90] =	vst v12  }
0x343: {  	v6 =	vadd.f32 v27, v6;
	v7 =	vmax.f32 v7, $9.999999740e-06;
	v18 =	vmul.f32 v40, v34;
	v43 =	vld [tilespmem:s14+$0xA0]  }
0x344: {  	v7 =	vmul.f32 v7, v7;
	v45 =	vld [tilespmem:s18+$0x10];
	v15 =	vmul.f32 v15, v35  }
0x345: {  	v6 =	vmax.f32 v6, $9.999999740e-06;
	v44 =	vld [tilespmem:s18+$0xA0];
	v18 =	vadd.f32 v41, v18  }
0x346: {  	v28 =	vmul.f32 v6, v6;
	v6 =	vld [tilespmem:s10+$0x70];
	[tilespmem:s10+$0xFFFFFF50] =	vst v7;
	v15 =	vadd.f32 v25, v15  }
0x347: {  	v9 =	vmul.f32 v10, v9;
	v8 =	vld [tilespmem:s24+$0xFFFFFF60];
	v18 =	vmax.f32 v18, $9.999999740e-06  }
0x348: {  	v10 =	vld [tilespmem:s19+$0xFFFFFF60];
	v48 =	vmul.f32 v18, v18;
	v12 =	vmul.f32 v43, v42;
	v15 =	vmax.f32 v15, $9.999999740e-06  }
0x349: {  	[tilespmem:s10+$0xFFFFFFD0] =	vst v28;
	v28 =	vld [tilespmem:s17+$0xB0];
	v22 =	vmul.f32 v26, v36;
	v15 =	vmul.f32 v15, v15  }
0x34a: {  	v7 =	vadd.f32 v11, v9;
	v9 =	vld [tilespmem:s24+$0xFFFFFFE0];
	[tilespmem:s17+$0xFFFFFF10] =	vst v48;
	v12 =	vadd.f32 v44, v12  }
0x34b: {  	v52 =	vadd.f32 v45, v22;
	v53 =	vld [tilespmem:s14+$0xFFFFFF20];
	[tilespmem:s17+$0xFFFFFF90] =	vst v15  }
0x34c: {  	v12 =	vmax.f32 v12, $9.999999740e-06;
	v15 =	vld [tilespmem:s14+$0xFFFFFFA0]  }
0x34d: {  	v20 =	vmax.f32 v52, $9.999999740e-06;
	v54 =	vld [tilespmem:s18+$0xFFFFFF20];
	v12 =	vmul.f32 v12, v12  }
0x34e: {  	v20 =	vmul.f32 v20, v20;
	v27 =	vld [tilespmem:s18+$0xFFFFFFA0]  }
0x34f: {  	v11 =	vld [tilespmem:s19+$0xFFFFFFE0];
	[tilespmem:s17+$0xA0] =	vst v12  }
0x350: {  	[tilespmem:s17+$0x10] =	vst v20;
	v21 =	vmul.f32 v53, v37;
	v55 =	vld [tilespmem:s14+$0xB0]  }
0x351: {  	v56 =	vld [tilespmem:s14+$0x20];
	v15 =	vmul.f32 v15, v38  }
0x352: {  	v7 =	vmax.f32 v7, $9.999999740e-06;
	v57 =	vld [tilespmem:s18+$0xB0];
	v21 =	vadd.f32 v54, v21  }
0x353: {  	v7 =	vmul.f32 v7, v7;
	v59 =	vld [tilespmem:s18+$0x20];
	v15 =	vadd.f32 v27, v15  }
0x354: {  	v35 =	vld [tilespmem:s17+$0xC0];
	v21 =	vmax.f32 v21, $9.999999740e-06  }
0x355: {  	[tilespmem:s10+$0xE0] =	vst v7;
	v7 =	vld [tilespmem:s10+$0xF0];
	v21 =	vmul.f32 v21, v21;
	v20 =	vmul.f32 v55, v28;
	v15 =	vmax.f32 v15, $9.999999740e-06  }
0x356: {  	v58 =	vld [tilespmem:s24+$0xF0];
	v17 =	vmul.f32 v56, v39;
	v15 =	vmul.f32 v15, v15  }
0x357: {  	v3 =	vmul.f32 v14, v3;
	v41 =	vld [tilespmem:s19+$0xF0];
	[tilespmem:s17+$0xFFFFFF20] =	vst v21;
	v19 =	vadd.f32 v57, v20  }
0x358: {  	v30 =	vadd.f32 v59, v17;
	v29 =	vld [tilespmem:s14+$0xFFFFFF30];
	[tilespmem:s17+$0xFFFFFFA0] =	vst v15  }
0x359: {  	v3 =	vadd.f32 v13, v3;
	v31 =	vmax.f32 v19, $9.999999740e-06;
	v32 =	vld [tilespmem:s14+$0xFFFFFFB0]  }
0x35a: {  	v33 =	vld [tilespmem:s18+$0xFFFFFF30];
	v15 =	vmax.f32 v30, $9.999999740e-06;
	v17 =	vmul.f32 v31, v31  }
0x35b: {  	v3 =	vmax.f32 v3, $9.999999740e-06;
	v34 =	vld [tilespmem:s18+$0xFFFFFFB0];
	v15 =	vmul.f32 v15, v15  }
0x35c: {  	v3 =	vmul.f32 v3, v3;
	v42 =	vld [tilespmem:s17+$0xFFFFFF60];
	[tilespmem:s17+$0xB0] =	vst v17  }
0x35d: {  	v14 =	vmul.f32 v29, v46;
	[tilespmem:s17+$0x20] =	vst v15;
	v36 =	vld [tilespmem:s14+$0xC0]  }
0x35e: {  	[tilespmem:s10+$0x50] =	vst v3;
	v37 =	vld [tilespmem:s14+$0x30];
	v3 =	vmul.f32 v32, v47  }
0x35f: {  	v38 =	vld [tilespmem:s18+$0xC0];
	v13 =	vadd.f32 v33, v14  }
0x360: {  	v40 =	vld [tilespmem:s18+$0x30];
	v3 =	vadd.f32 v34, v3  }
0x361: {  	v1 =	vmul.f32 v8, v1;
	v39 =	vld [tilespmem:s24+$0x60];
	v13 =	vmax.f32 v13, $9.999999740e-06  }
0x362: {  	v43 =	vld [tilespmem:s17+$0xFFFFFFE0];
	v13 =	vmul.f32 v13, v13;
	v15 =	vmul.f32 v36, v35;
	v3 =	vmax.f32 v3, $9.999999740e-06  }
0x363: {  	v1 =	vadd.f32 v10, v1;
	v48 =	vld [tilespmem:s19+$0x60];
	v18 =	vmul.f32 v37, v49;
	v44 =	vmul.f32 v3, v3  }
0x364: {  	v10 =	vld [tilespmem:s17+$0xD0];
	[tilespmem:s17+$0xFFFFFF30] =	vst v13;
	v15 =	vadd.f32 v38, v15  }
0x365: {  	v1 =	vmax.f32 v1, $9.999999740e-06;
	v13 =	vld [tilespmem:s14+$0xFFFFFF40];
	v14 =	vadd.f32 v40, v18;
	[tilespmem:s17+$0xFFFFFFB0] =	vst v44  }
0x366: {  	v1 =	vmul.f32 v1, v1;
	v2 =	vmul.f32 v39, v2;
	v15 =	vmax.f32 v15, $9.999999740e-06;
	v45 =	vld [tilespmem:s14+$0xFFFFFFC0]  }
0x367: {  	v0 =	vmul.f32 v9, v0;
	v8 =	vld [tilespmem:s18+$0xFFFFFF40];
	v14 =	vmax.f32 v14, $9.999999740e-06;
	v15 =	vmul.f32 v15, v15  }
0x368: {  	[tilespmem:s10+$0xFFFFFF60] =	vst v1;
	v2 =	vadd.f32 v48, v2;
	v9 =	vld [tilespmem:s18+$0xFFFFFFC0];
	v14 =	vmul.f32 v14, v14  }
0x369: {  	v0 =	vadd.f32 v11, v0;
	v57 =	vld [tilespmem:s19+$0xFFFFFF70];
	[tilespmem:s17+$0xC0] =	vst v15  }
0x36a: {  	v2 =	vmax.f32 v2, $9.999999740e-06;
	v13 =	vmul.f32 v13, v50;
	[tilespmem:s17+$0x30] =	vst v14;
	v11 =	vld [tilespmem:s14+$0xD0]  }
0x36b: {  	v0 =	vmax.f32 v0, $9.999999740e-06;
	v2 =	vmul.f32 v2, v2;
	v14 =	vld [tilespmem:s14+$0x40];
	v46 =	vmul.f32 v45, v51  }
0x36c: {  	v0 =	vmul.f32 v0, v0;
	v47 =	vld [tilespmem:s18+$0xD0];
	v8 =	vadd.f32 v8, v13  }
0x36d: {  	[tilespmem:s10+$0x60] =	vst v2;
	v1 =	vadd.f32 v9, v46;
	v9 =	vld [tilespmem:s18+$0x40]  }
0x36e: {  	[tilespmem:s10+$0xFFFFFFE0] =	vst v0;
	v54 =	vld [tilespmem:s24+$0x70];
	v0 =	vmax.f32 v8, $9.999999740e-06  }
0x36f: {  	v49 =	vld [tilespmem:s24+$0xFFFFFF70];
	v0 =	vmul.f32 v0, v0;
	v8 =	vmul.f32 v11, v10  }
0x370: {  	v3 =	vld [tilespmem:s17+$0x60];
	v14 =	vmul.f32 v14, v60;
	v11 =	vmax.f32 v1, $9.999999740e-06  }
0x371: {  	v10 =	vld [tilespmem:s24+$0xFFFFFFF0];
	[tilespmem:s17+$0xFFFFFF40] =	vst v0;
	v8 =	vadd.f32 v47, v8;
	v11 =	vmul.f32 v11, v11  }
0x372: {  	v50 =	vld [tilespmem:s14+$0xFFFFFF50];
	v9 =	vadd.f32 v9, v14  }
0x373: {  	v51 =	vld [tilespmem:s18+$0xFFFFFF50];
	[tilespmem:s17+$0xFFFFFFC0] =	vst v11;
	v8 =	vmax.f32 v8, $9.999999740e-06  }
0x374: {  	v11 =	vld [tilespmem:s14+$0xFFFFFFD0];
	v8 =	vmul.f32 v8, v8;
	v9 =	vmax.f32 v9, $9.999999740e-06  }
0x375: {  	v52 =	vld [tilespmem:s18+$0xFFFFFFD0];
	v9 =	vmul.f32 v9, v9  }
0x376: {  	[tilespmem:s17+$0xD0] =	vst v8;
	v8 =	vld [tilespmem:s17+$0xE0]  }
0x377: {  	[tilespmem:s17+$0x40] =	vst v9;
	v9 =	vld [tilespmem:s14+$0xE0]  }
0x378: {  	v16 =	vmul.f32 v50, v61;
	v53 =	vld [tilespmem:s14+$0x50]  }
0x379: {  	v2 =	vmul.f32 v11, v62;
	v11 =	vld [tilespmem:s18+$0xE0]  }
0x37a: {  	v0 =	vld [tilespmem:s17+$0xFFFFFFF0];
	v13 =	vadd.f32 v51, v16  }
0x37b: {  	v55 =	vld [tilespmem:s18+$0x50];
	v14 =	vadd.f32 v52, v2  }
0x37c: {  	v1 =	vld [tilespmem:s17+$0xFFFFFF70];
	v13 =	vmax.f32 v13, $9.999999740e-06;
	v8 =	vmul.f32 v9, v8  }
0x37d: {  	v7 =	vmul.f32 v58, v7;
	v2 =	vld [tilespmem:s17+$0x70];
	v9 =	vmul.f32 v13, v13;
	v56 =	vmax.f32 v14, $9.999999740e-06  }
0x37e: {  	v18 =	vmul.f32 v53, v63;
	v13 =	vmul.f32 v56, v56;
	v8 =	vadd.f32 v11, v8;
	v11 =	vld [tilespmem:s19+$0xFFFFFFF0]  }
0x37f: {  	[tilespmem:s17+$0xFFFFFF50] =	vst v9;
	v9 =	vld [tilespmem:s19+$0x70]  }
0x380: {  	v7 =	vadd.f32 v41, v7;
	v5 =	vmul.f32 v49, v5;
	[tilespmem:s17+$0xFFFFFFD0] =	vst v13;
	v58 =	vadd.f32 v55, v18;
	v59 =	vld [tilespmem:s14+$0xFFFFFF60]  }
0x381: {  	v6 =	vmul.f32 v54, v6;
	v4 =	vmul.f32 v10, v4;
	v8 =	vmax.f32 v8, $9.999999740e-06;
	v10 =	vld [tilespmem:s14+$0xFFFFFFE0]  }
0x382: {  	v5 =	vadd.f32 v57, v5;
	v60 =	vld [tilespmem:s18+$0xFFFFFF60];
	v8 =	vmul.f32 v8, v8;
	v12 =	vmax.f32 v58, $9.999999740e-06  }
0x383: {  	v7 =	vmax.f32 v7, $9.999999740e-06;
	v61 =	vld [tilespmem:s18+$0xFFFFFFE0];
	v12 =	vmul.f32 v12, v12;
	v11 =	vadd.f32 v11, v4  }
0x384: {  	v7 =	vmul.f32 v7, v7;
	v5 =	vmax.f32 v5, $9.999999740e-06;
	[tilespmem:s17+$0xE0] =	vst v8;
	v4 =	vld [tilespmem:s17+$0xF0];
	v9 =	vadd.f32 v9, v6  }
0x385: {  	v62 =	vmul.f32 v5, v5;
	v13 =	vmul.f32 v59, v42;
	[tilespmem:s17+$0x50] =	vst v12;
	v6 =	vld [tilespmem:s14+$0xF0];
	v5 =	vmax.f32 v11, $9.999999740e-06  }
0x386: {  	[tilespmem:s10+$0xF0] =	vst v7;
	v10 =	vmul.f32 v10, v43;
	v8 =	vld [tilespmem:s14+$0x60];
	v7 =	vmax.f32 v9, $9.999999740e-06;
	v63 =	vmul.f32 v5, v5  }
0x387: {  	s25 =	simm.s32 $0x4;
	[tilespmem:s10+$0xFFFFFF70] =	vst v62;
	v5 =	vld [tilespmem:s18+$0xF0];
	v11 =	vadd.f32 v60, v13;
	v7 =	vmul.f32 v7, v7  }
0x388: {  	s15 =	simm.s32 $0x600;
	s24 =	simm.s32 $0x1800;
	s19 =	simm.s32 $0x2C00;
	v9 =	vld [tilespmem:s18+$0x60];
	v10 =	vadd.f32 v61, v10;
	[tilespmem:s10+$0xFFFFFFF0] =	vst v63  }
.LBB2_8:
0x389: {  	v12 =	vld [tilespmem:s15+$0x80];
	v11 =	vmax.f32 v11, $9.999999740e-06;
	s14 =	sadd.s32 $0x200, s14;
	[tilespmem:s10+$0x70] =	vst v7;
	s10 =	smov.u32 s17;
	s17 =	smov.u32 s15  }
0x38a: {  	s25 =	sadd.s32 $0x4, s25;
	v7 =	vld [tilespmem:s14+$0x80];
	v11 =	vmul.f32 v11, v11;
	v10 =	vmax.f32 v10, $9.999999740e-06;
	v4 =	vmul.f32 v6, v4  }
0x38b: {  	s18 =	sadd.s32 $0x200, s18;
	p0 =	slt.u32 s25, $0x24;
	v6 =	vld [tilespmem:s14+$0xFFFFFF00];
	v10 =	vmul.f32 v10, v10;
	v3 =	vmul.f32 v8, v3  }
0x38c: {  	v8 =	vld [tilespmem:s18+$0x80];
	[tilespmem:s10+$0xFFFFFF60] =	vst v11;
	v4 =	vadd.f32 v5, v4  }
0x38d: {  	v5 =	vld [tilespmem:s15+$0xFFFFFF80];
	[tilespmem:s10+$0xFFFFFFE0] =	vst v10;
	v3 =	vadd.f32 v9, v3  }
0x38e: {  	v9 =	vld [tilespmem:s14+$0xFFFFFF80];
	v4 =	vmax.f32 v4, $9.999999740e-06  }
0x38f: {  	v10 =	vld [tilespmem:s15+$0x0];
	v7 =	vmul.f32 v7, v12;
	v3 =	vmax.f32 v3, $9.999999740e-06;
	v4 =	vmul.f32 v4, v4  }
0x390: {  	v11 =	vld [tilespmem:s14+$0x0];
	v3 =	vmul.f32 v3, v3  }
0x391: {  	v12 =	vld [tilespmem:s15+$0xFFFFFF00];
	v7 =	vadd.f32 v8, v7;
	[tilespmem:s10+$0xF0] =	vst v4  }
0x392: {  	v4 =	vld [tilespmem:s18+$0xFFFFFF00];
	[tilespmem:s10+$0x60] =	vst v3  }
0x393: {  	v3 =	vld [tilespmem:s18+$0xFFFFFF80];
	v5 =	vmul.f32 v9, v5;
	v7 =	vmax.f32 v7, $9.999999740e-06  }
0x394: {  	v8 =	vld [tilespmem:s18+$0x0];
	v7 =	vmul.f32 v7, v7  }
0x395: {  	v9 =	vld [tilespmem:s15+$0xFFFFFF10];
	v10 =	vmul.f32 v11, v10  }
0x396: {  	v6 =	vmul.f32 v6, v12;
	[tilespmem:s15+$0x80] =	vst v7;
	v7 =	vld [tilespmem:s15+$0x90]  }
0x397: {  	v11 =	vld [tilespmem:s14+$0x90]  }
0x398: {  	v4 =	vadd.f32 v4, v6;
	v3 =	vadd.f32 v3, v5;
	v5 =	vld [tilespmem:s15+$0xFFFFFF90]  }
0x399: {  	v6 =	vadd.f32 v8, v10;
	v8 =	vld [tilespmem:s18+$0x90]  }
0x39a: {  	v4 =	vmax.f32 v4, $9.999999740e-06;
	v3 =	vmax.f32 v3, $9.999999740e-06;
	v10 =	vld [tilespmem:s15+$0x10]  }
0x39b: {  	v4 =	vmul.f32 v4, v4;
	v12 =	vld [tilespmem:s15+$0xFFFFFF20];
	v3 =	vmul.f32 v3, v3;
	v6 =	vmax.f32 v6, $9.999999740e-06  }
0x39c: {  	v13 =	vld [tilespmem:s15+$0xFFFFFFA0];
	v6 =	vmul.f32 v6, v6;
	v7 =	vmul.f32 v11, v7  }
0x39d: {  	[tilespmem:s15+$0xFFFFFF00] =	vst v4;
	v4 =	vld [tilespmem:s15+$0x20]  }
0x39e: {  	v11 =	vld [tilespmem:s14+$0xFFFFFF10];
	[tilespmem:s15+$0xFFFFFF80] =	vst v3;
	v3 =	vadd.f32 v8, v7  }
0x39f: {  	v7 =	vld [tilespmem:s14+$0xFFFFFF90];
	[tilespmem:s15+$0x0] =	vst v6  }
0x3a0: {  	v6 =	vld [tilespmem:s14+$0x10];
	v3 =	vmax.f32 v3, $9.999999740e-06  }
0x3a1: {  	v8 =	vld [tilespmem:s18+$0xFFFFFF10];
	v3 =	vmul.f32 v3, v3  }
0x3a2: {  	v14 =	vld [tilespmem:s18+$0xFFFFFF90]  }
0x3a3: {  	v9 =	vmul.f32 v11, v9;
	[tilespmem:s15+$0x90] =	vst v3;
	v3 =	vld [tilespmem:s15+$0xA0]  }
0x3a4: {  	v5 =	vmul.f32 v7, v5;
	v7 =	vld [tilespmem:s14+$0xA0]  }
0x3a5: {  	v11 =	vld [tilespmem:s18+$0x10];
	v6 =	vmul.f32 v6, v10  }
0x3a6: {  	v8 =	vadd.f32 v8, v9;
	v9 =	vld [tilespmem:s18+$0xA0]  }
0x3a7: {  	v10 =	vld [tilespmem:s15+$0xFFFFFF30];
	v5 =	vadd.f32 v14, v5  }
0x3a8: {  	v8 =	vmax.f32 v8, $9.999999740e-06;
	v14 =	vld [tilespmem:s15+$0xFFFFFFB0]  }
0x3a9: {  	v8 =	vmul.f32 v8, v8;
	v5 =	vmax.f32 v5, $9.999999740e-06;
	v15 =	vld [tilespmem:s15+$0x30];
	v3 =	vmul.f32 v7, v3  }
0x3aa: {  	v7 =	vld [tilespmem:s15+$0xFFFFFF40];
	v5 =	vmul.f32 v5, v5;
	v6 =	vadd.f32 v11, v6  }
0x3ab: {  	[tilespmem:s15+$0xFFFFFF10] =	vst v8;
	v8 =	vld [tilespmem:s15+$0xFFFFFFC0];
	v3 =	vadd.f32 v9, v3  }
0x3ac: {  	v9 =	vld [tilespmem:s14+$0xFFFFFF20];
	[tilespmem:s15+$0xFFFFFF90] =	vst v5;
	v5 =	vmax.f32 v6, $9.999999740e-06  }
0x3ad: {  	v6 =	vld [tilespmem:s14+$0xFFFFFFA0];
	v5 =	vmul.f32 v5, v5;
	v3 =	vmax.f32 v3, $9.999999740e-06  }
0x3ae: {  	v11 =	vld [tilespmem:s18+$0xFFFFFF20];
	v3 =	vmul.f32 v3, v3  }
0x3af: {  	v16 =	vld [tilespmem:s18+$0xFFFFFFA0];
	[tilespmem:s15+$0x10] =	vst v5  }
0x3b0: {  	[tilespmem:s15+$0xA0] =	vst v3;
	v3 =	vld [tilespmem:s15+$0xB0]  }
0x3b1: {  	v5 =	vmul.f32 v9, v12;
	v9 =	vld [tilespmem:s14+$0xB0]  }
0x3b2: {  	v6 =	vmul.f32 v6, v13;
	v12 =	vld [tilespmem:s14+$0x20]  }
0x3b3: {  	v5 =	vadd.f32 v11, v5;
	v11 =	vld [tilespmem:s18+$0xB0]  }
0x3b4: {  	v6 =	vadd.f32 v16, v6;
	v13 =	vld [tilespmem:s18+$0x20]  }
0x3b5: {  	v5 =	vmax.f32 v5, $9.999999740e-06;
	v16 =	vld [tilespmem:s15+$0x40]  }
0x3b6: {  	v5 =	vmul.f32 v5, v5;
	v17 =	vld [tilespmem:s15+$0xFFFFFF50];
	v6 =	vmax.f32 v6, $9.999999740e-06;
	v3 =	vmul.f32 v9, v3  }
0x3b7: {  	v6 =	vmul.f32 v6, v6;
	v9 =	vld [tilespmem:s15+$0xFFFFFFD0];
	v12 =	vmul.f32 v12, v4  }
0x3b8: {  	[tilespmem:s15+$0xFFFFFF20] =	vst v5;
	v4 =	vld [tilespmem:s15+$0x50];
	v3 =	vadd.f32 v11, v3  }
0x3b9: {  	v5 =	vld [tilespmem:s14+$0xFFFFFF30];
	[tilespmem:s15+$0xFFFFFFA0] =	vst v6;
	v6 =	vadd.f32 v13, v12  }
0x3ba: {  	v11 =	vld [tilespmem:s14+$0xFFFFFFB0];
	v3 =	vmax.f32 v3, $9.999999740e-06  }
0x3bb: {  	v12 =	vld [tilespmem:s18+$0xFFFFFF30];
	v6 =	vmax.f32 v6, $9.999999740e-06;
	v3 =	vmul.f32 v3, v3  }
0x3bc: {  	v13 =	vld [tilespmem:s18+$0xFFFFFFB0];
	v6 =	vmul.f32 v6, v6  }
0x3bd: {  	[tilespmem:s15+$0xB0] =	vst v3;
	v3 =	vld [tilespmem:s15+$0xC0]  }
0x3be: {  	v5 =	vmul.f32 v5, v10;
	[tilespmem:s15+$0x20] =	vst v6;
	v10 =	vld [tilespmem:s14+$0xC0]  }
0x3bf: {  	v6 =	vmul.f32 v11, v14;
	v11 =	vld [tilespmem:s14+$0x30]  }
0x3c0: {  	v5 =	vadd.f32 v12, v5;
	v12 =	vld [tilespmem:s18+$0xC0]  }
0x3c1: {  	v13 =	vadd.f32 v13, v6;
	v14 =	vld [tilespmem:s18+$0x30]  }
0x3c2: {  	v5 =	vmax.f32 v5, $9.999999740e-06;
	v6 =	vld [tilespmem:s15+$0xFFFFFF60]  }
0x3c3: {  	v18 =	vmul.f32 v5, v5;
	v13 =	vmax.f32 v13, $9.999999740e-06;
	v5 =	vld [tilespmem:s15+$0xFFFFFFE0];
	v10 =	vmul.f32 v10, v3  }
0x3c4: {  	v13 =	vmul.f32 v13, v13;
	v11 =	vmul.f32 v11, v15;
	v3 =	vld [tilespmem:s15+$0x60]  }
0x3c5: {  	[tilespmem:s15+$0xFFFFFF30] =	vst v18;
	v10 =	vadd.f32 v12, v10;
	v12 =	vld [tilespmem:s24+$0xFFFFFF70]  }
0x3c6: {  	v15 =	vld [tilespmem:s14+$0xFFFFFF40];
	[tilespmem:s15+$0xFFFFFFB0] =	vst v13;
	v11 =	vadd.f32 v14, v11  }
0x3c7: {  	v13 =	vld [tilespmem:s14+$0xFFFFFFC0];
	v10 =	vmax.f32 v10, $9.999999740e-06  }
0x3c8: {  	v14 =	vld [tilespmem:s18+$0xFFFFFF40];
	v11 =	vmax.f32 v11, $9.999999740e-06;
	v10 =	vmul.f32 v10, v10  }
0x3c9: {  	v18 =	vld [tilespmem:s18+$0xFFFFFFC0];
	v11 =	vmul.f32 v11, v11  }
0x3ca: {  	[tilespmem:s15+$0xC0] =	vst v10;
	v10 =	vld [tilespmem:s15+$0xD0];
	v12 =	vmul.f32 v12, v1  }
0x3cb: {  	v1 =	vmul.f32 v15, v7;
	[tilespmem:s15+$0x30] =	vst v11;
	v7 =	vld [tilespmem:s14+$0xD0]  }
0x3cc: {  	v8 =	vmul.f32 v13, v8;
	v11 =	vld [tilespmem:s14+$0x40]  }
0x3cd: {  	v1 =	vadd.f32 v14, v1;
	v13 =	vld [tilespmem:s18+$0xD0]  }
0x3ce: {  	v8 =	vadd.f32 v18, v8;
	v14 =	vld [tilespmem:s18+$0x40]  }
0x3cf: {  	v1 =	vmax.f32 v1, $9.999999740e-06;
	v15 =	vld [tilespmem:s24+$0xFFFFFFF0]  }
0x3d0: {  	v18 =	vmul.f32 v1, v1;
	v8 =	vmax.f32 v8, $9.999999740e-06;
	v7 =	vmul.f32 v7, v10;
	v10 =	vld [tilespmem:s24+$0x70];
	s24 =	smov.u32 s14  }
0x3d1: {  	v1 =	vld [tilespmem:s15+$0xFFFFFF70];
	v8 =	vmul.f32 v8, v8;
	v11 =	vmul.f32 v11, v16  }
0x3d2: {  	[tilespmem:s15+$0xFFFFFF40] =	vst v18;
	v16 =	vld [tilespmem:s15+$0xFFFFFFF0];
	v7 =	vadd.f32 v13, v7  }
0x3d3: {  	v13 =	vld [tilespmem:s14+$0xFFFFFF50];
	[tilespmem:s15+$0xFFFFFFC0] =	vst v8;
	v8 =	vadd.f32 v14, v11  }
0x3d4: {  	v11 =	vld [tilespmem:s14+$0xFFFFFFD0];
	v7 =	vmax.f32 v7, $9.999999740e-06;
	v14 =	vmul.f32 v15, v0  }
0x3d5: {  	v15 =	vld [tilespmem:s18+$0xFFFFFF50];
	v18 =	vmax.f32 v8, $9.999999740e-06;
	v7 =	vmul.f32 v7, v7;
	v8 =	vmul.f32 v10, v2  }
0x3d6: {  	v2 =	vld [tilespmem:s18+$0xFFFFFFD0];
	v10 =	vmul.f32 v18, v18  }
0x3d7: {  	[tilespmem:s15+$0xD0] =	vst v7;
	v7 =	vld [tilespmem:s15+$0xE0];
	v0 =	vmov v16  }
0x3d8: {  	v13 =	vmul.f32 v13, v17;
	[tilespmem:s15+$0x40] =	vst v10;
	v10 =	vld [tilespmem:s14+$0xE0]  }
0x3d9: {  	v9 =	vmul.f32 v11, v9;
	v11 =	vld [tilespmem:s14+$0x50]  }
0x3da: {  	v13 =	vadd.f32 v15, v13;
	v15 =	vld [tilespmem:s18+$0xE0]  }
0x3db: {  	v9 =	vadd.f32 v2, v9;
	v16 =	vld [tilespmem:s18+$0x50]  }
0x3dc: {  	v13 =	vmax.f32 v13, $9.999999740e-06;
	v2 =	vld [tilespmem:s15+$0x70]  }
0x3dd: {  	v13 =	vmul.f32 v13, v13;
	v9 =	vmax.f32 v9, $9.999999740e-06;
	v7 =	vmul.f32 v10, v7;
	v10 =	vld [tilespmem:s19+$0xFFFFFF70]  }
0x3de: {  	v9 =	vmul.f32 v9, v9;
	v4 =	vmul.f32 v11, v4;
	v11 =	vld [tilespmem:s19+$0xFFFFFFF0]  }
0x3df: {  	[tilespmem:s15+$0xFFFFFF50] =	vst v13;
	v7 =	vadd.f32 v15, v7;
	v13 =	vld [tilespmem:s19+$0x70];
	s19 =	smov.u32 s18  }
0x3e0: {  	v15 =	vld [tilespmem:s14+$0xFFFFFF60];
	[tilespmem:s15+$0xFFFFFFD0] =	vst v9;
	v4 =	vadd.f32 v16, v4  }
0x3e1: {  	v9 =	vld [tilespmem:s14+$0xFFFFFFE0];
	v7 =	vmax.f32 v7, $9.999999740e-06  }
0x3e2: {  	v16 =	vld [tilespmem:s18+$0xFFFFFF60];
	v4 =	vmax.f32 v4, $9.999999740e-06;
	v7 =	vmul.f32 v7, v7;
	v10 =	vadd.f32 v10, v12  }
0x3e3: {  	v12 =	vld [tilespmem:s18+$0xFFFFFFE0];
	v17 =	vmul.f32 v4, v4;
	v11 =	vadd.f32 v11, v14  }
.Ltmp3:
0x3e4: {  	[tilespmem:s15+$0xE0] =	vst v7;
	v4 =	vld [tilespmem:s15+$0xF0];
	v7 =	vmax.f32 v10, $9.999999740e-06;
	v10 =	vadd.f32 v13, v8;
	(pc) =	sbr.rel @p0 .LBB2_8-.Ltmp3, $4  }
0x3e5: {  	v13 =	vmul.f32 v15, v6;
	[tilespmem:s15+$0x50] =	vst v17;
	v6 =	vld [tilespmem:s14+$0xF0];
	v7 =	vmul.f32 v7, v7;
	v11 =	vmax.f32 v11, $9.999999740e-06  }
0x3e6: {  	v9 =	vmul.f32 v9, v5;
	v8 =	vld [tilespmem:s14+$0x60];
	v14 =	vmul.f32 v11, v11;
	v10 =	vmax.f32 v10, $9.999999740e-06  }
0x3e7: {  	v11 =	vadd.f32 v16, v13;
	v5 =	vld [tilespmem:s18+$0xF0];
	[tilespmem:s10+$0xFFFFFF70] =	vst v7;
	v7 =	vmul.f32 v10, v10  }
0x3e8: {  	s15 =	sadd.s32 $0x200, s15;
	v10 =	vadd.f32 v12, v9;
	v9 =	vld [tilespmem:s18+$0x60];
	[tilespmem:s10+$0xFFFFFFF0] =	vst v14  }
0x3e9: {  	_ =	sdelay $0x1  }
0x3ea: {  	v3 =	vmul.f32 v8, v3  }
0x3eb: {  	v55 =	vmax.f32 v11, $9.999999740e-06  }
0x3ec: {  	v8 =	vmul.f32 v55, v55;
	v3 =	vadd.f32 v9, v3  }
0x3ed: {  	v56 =	vmax.f32 v10, $9.999999740e-06  }
0x3ee: {  	v9 =	vmul.f32 v56, v56;
	[tilespmem:s17+$0xFFFFFF60] =	vst v8;
	v3 =	vmax.f32 v3, $9.999999740e-06  }
0x3ef: {  	v8 =	vld [tilespmem:s24+$0xFFFFFF70];
	v3 =	vmul.f32 v3, v3  }
0x3f0: {  	v59 =	vld [tilespmem:s19+$0xFFFFFF70];
	[tilespmem:s17+$0xFFFFFFE0] =	vst v9  }
0x3f1: {  	v57 =	vld [tilespmem:s24+$0xFFFFFFF0];
	[tilespmem:s17+$0x60] =	vst v3  }
0x3f2: {  	v58 =	vld [tilespmem:s24+$0x70]  }
0x3f3: {  	v60 =	vld [tilespmem:s19+$0xFFFFFFF0]  }
0x3f4: {  	v4 =	vmul.f32 v6, v4;
	v61 =	vld [tilespmem:s19+$0x70]  }
0x3f5: {  	v1 =	vmul.f32 v8, v1  }
0x3f6: {  	v4 =	vadd.f32 v5, v4;
	v0 =	vmul.f32 v57, v0  }
0x3f7: {  	v1 =	vadd.f32 v59, v1;
	v2 =	vmul.f32 v58, v2  }
0x3f8: {  	v62 =	vmax.f32 v4, $9.999999740e-06;
	v0 =	vadd.f32 v60, v0  }
0x3f9: {  	v3 =	vmul.f32 v62, v62;
	v1 =	vmax.f32 v1, $9.999999740e-06;
	v2 =	vadd.f32 v61, v2  }
0x3fa: {  	[tilespmem:s10+$0x70] =	vst v7;
	v1 =	vmul.f32 v1, v1;
	v0 =	vmax.f32 v0, $9.999999740e-06  }
0x3fb: {  	[tilespmem:s17+$0xF0] =	vst v3;
	v0 =	vmul.f32 v0, v0;
	v2 =	vmax.f32 v2, $9.999999740e-06  }
0x3fc: {  	[tilespmem:s17+$0xFFFFFF70] =	vst v1;
	v63 =	vmul.f32 v2, v2  }
0x3fd: {  	[tilespmem:s17+$0xFFFFFFF0] =	vst v0  }
0x3fe: {  	[tilespmem:s17+$0x70] =	vst v63  }
0x3ff: {  	[spmem:s2] =	stream.indirect.scatter.add.f32 [tilespmem:s23], [sflag:$0x7], $0x80, s21, s22, $0xb8;
	[tilespmem:$0x1BA00] =	vst v63  }
0x400: {  	_ =	swait.ge [sflag:s20], $0x1400  }
0x401: {  	[sflag:s20] =	ssyncset.done $0x0  }
0x402: {  	[sflag:s20] =	ssyncadd.s32 $0xFFFFEC00  }
0x403: {  	[bflag:$0x0] =	sbarrier.arrive $0xFFFF  }
0x404: {  	s14 =	rddreg [dreg:$0x5]  }
0x405: {  	s25 =	rddreg [dreg:$0xb]  }
0x406: {  	s15 =	rddreg [dreg:$0xd]  }
0x407: {  	[hbm:s25], [sflag:s14] =	dma.local [spmem:s15], $0x2800  }
0x408: {  	_ =	swait.ge [sflag:s20], $0x2800  }
0x409: {  	s30 =	rddreg [dreg:$0xe]  }
0x40a: {  	s31 =	rddreg [dreg:$0xc];
	s17 =	sadd.s32 $0x1, s30  }
0x40b: {  	p0 =	sne.s32 s17, s31  }
.Ltmp4:
0x40c: {  	_ = 	snop;
	(pc) =	sbr.rel @p0 .LBB2_1-.Ltmp4, $3  }
0x40d: {  	_ =	sdelay $0x1  }
0x40e: {  	[sflag:s20] =	ssyncset.done $0x0  }
0x40f: {  	[sflag:s20] =	ssyncadd.s32 $0xFFFFD800  }
0x410: {  	_ =	sfence.sel $0x180000  }
0x411: {  	[bflag:$0x0] =	sbarrier.arrive $0xFFFF  }
0x412: {  	_ =	strace $0x90000047  }
0x413: {  	s0 =	stileid.u32;
	[bflag:$0x2] =	sbarrier.arrive $0xFFFF  }
0x414: {  	p0 =	sne.s32 s0, $0x0;
	s0 =	rddreg [dreg:$0x3]  }
0x415: {  	s0 =	sadd.s32 @!p0 $0x100000, s0  }
0x416: {  	[sflag:s0] =	ssyncadd.tile.s32 @!p0 $0x1;
	_ =	shalt  }
.Lfunc_end2:
_tile_overlayer_lowered:
.L_overlay_start_2:
0x417: {  	(tag) =	ssettag $0x2  }
0x418: {  	s0 =	rddreg [dreg:$0x0];
	s2 =	stileid.u32  }
0x419: {  	s1 =	rddreg [dreg:$0x1];
	p0 =	sne.s32 s2, $0x0  }
0x41a: {  	s3 =	rddreg [dreg:$0x2];
	[bflag:$0x3] =	sbarrier.arrive $0xFFFF;
	s2 =	simm.s32 @!p0 $0x1C07  }
0x41b: {  	[timem:s3], [sflag:s2] =	dma.local @!p0 [hbm:s0], s1  }
0x41c: {  	s0 =	simm.s32 @!p0 $0x7  }
0x41d: {  	_ =	swait.ge @!p0 [sflag:s0], s1  }
0x41e: {  	s1 =	ssub.s32 @!p0 $0x0, s1;
	[sflag:s0] =	ssyncset.done @!p0 $0x0  }
0x41f: {  	[sflag:s0] =	ssyncadd.s32 @!p0 s1  }
0x420: {  	[bflag:$0x3] =	sbarrier.arrive $0xFFFF  }
0x421: {  	_ =	shalt  }

// kernel: kernel.15.cloned.1.call-start
scs
__scs_entry_jumppad:
0x0: {  	(pc) =	sbr.rel $0x88, $3  }
0x1: {  	(tag) =	ssettag $0x0;
	lr =	simm.s32 $0x1  }
0x2: {  	[smem:$0x3F92] =	sst lr;
	_ =	strace $0xD0000000  }
0x3: {  	_ = 	snop  }
0x4: {  	_ = 	snop  }
0x5: {  	_ = 	snop  }
0x6: {  	_ = 	snop  }
0x7: {  	_ = 	snop  }
__scs_overlays_trampoline_lowered:
0x8: {  	[smem:$0x3FA1] =	sst s0  }
0x9: {  	[smem:$0x3FA2] =	sst s1  }
0xa: {  	[smem:$0x3FA3] =	sst s2  }
0xb: {  	[smem:$0x3FA4] =	sst s3  }
0xc: {  	[smem:$0x3FA5] =	sst s4  }
0xd: {  	[smem:$0x3FA6] =	sst s5  }
0xe: {  	[smem:$0x3FA7] =	sst s6  }
0xf: {  	[smem:$0x3FA8] =	sst s7  }
0x10: {  	[smem:$0x3FA9] =	sst s8  }
0x11: {  	[smem:$0x3FAA] =	sst s9;
	s0 =	simm.s32 @!p0 $0x0  }
0x12: {  	s1 =	sld [smem:$0x3F90];
	s0 =	simm.s32 @p0 $0x1  }
0x13: {  	[smem:$0x3FAB] =	sst s0;
	s0 =	simm.s32 @!p1 $0x0  }
0x14: {  	s2 =	sld [smem:$0x3F8F];
	s0 =	simm.s32 @p1 $0x1  }
0x15: {  	[smem:$0x3FAC] =	sst s0;
	s0 =	simm.s32 @!p2 $0x0  }
0x16: {  	s3 =	sld [smem:$0x3FDB];
	s0 =	simm.s32 @p2 $0x1  }
0x17: {  	s4 =	simm.s32 $0x1BF5;
	[smem:$0x3FAE] =	sst s0  }
0x18: {  	s0 =	sld [smem:$0x3F91];
	_ =	swait.ge [sflag:s4], $0x0  }
0x19: {  	s7 =	sld [smem:$0x3F92]  }
0x1a: {  	s8 =	sadd.s32 $0xFFFFE003, lr  }
0x1b: {  	s9 =	sadd.s32 $0xFFFFFEF7, lr;
	s5 =	simm.s32 $0xFFFFFFFF;
	p2 =	slt.u32 s8, $0xFFFFF086  }
0x1c: {  	p1 =	slt.u32 s9, $0xF7A;
	s5 =	simm.s32 @!p2 $0x0  }
0x1d: {  	s5 =	simm.s32 @p1 $0x1;
	p0 =	seq.s32 s7, s2  }
0x1e: {  	s7 =	smul.u32 @!p0 $0xF7A, s2;
	p2 =	seq.s32 @!p0 s5, $0x0  }
0x1f: {  	s9 =	smul.u32 $0xF7A, s1;
	s8 =	simm.s32 @!p0 $0x1BF5;
	p2 =	por !p2, p0  }
0x20: {  	[sflag:s8] =	ssyncset.s32 @!p0 $0xFFFFF086;
	s6 =	sadd.s32 @!p0 s3, s7;
	s7 =	simm.s32 @!p0 $0x108  }
0x21: {  	s3 =	sadd.s32 s3, s9;
	s6 =	sadd.s32 @!p0 $0x88, s6;
	s7 =	simm.s32 @p2 $0x1082  }
0x22: {  	[simem:s7], [sflag:s8] =	dma.local @!p0 [hbm:s6], $0xF7A  }
0x23: {  	s9 =	sor.u32 $0xD0000000, s2;
	s6 =	simm.s32 $0x108;
	_ =	swait.ge @!p0 [sflag:s8], $0x0  }
0x24: {  	s3 =	sadd.s32 $0x88, s3;
	s6 =	simm.s32 @!p1 $0x1082;
	[sflag:s4] =	ssyncset.s32 $0xFFFFF086  }
0x25: {  	[simem:s6], [sflag:s4] =	dma.local [hbm:s3], $0xF7A  }
0x26: {  	[smem:$0x3F92] =	sst s1;
	(tag) =	ssettag s2;
	_ =	strace s9  }
0x27: {  	s1 =	sld [smem:$0x3FA2]  }
0x28: {  	s2 =	sld [smem:$0x3FA3]  }
0x29: {  	s4 =	sld [smem:$0x3FA5]  }
0x2a: {  	p0 =	seq.s32 s5, $0x0;
	s5 =	sld [smem:$0x3FA6]  }
0x2b: {  	s6 =	sld [smem:$0x3FA7]  }
0x2c: {  	s7 =	sld [smem:$0x3FA8]  }
0x2d: {  	s3 =	simm.s32 $0x108;
	s8 =	sld [smem:$0x3FA9]  }
0x2e: {  	s3 =	simm.s32 @!p0 $0x1082;
	s9 =	sld [smem:$0x3FAA]  }
0x2f: {  	lr =	sadd.s32 s0, s3;
	s0 =	sld [smem:$0x3FA1]  }
0x30: {  	s3 =	sld [smem:$0x3FA4]  }
0x31: {  	[smem:$0x3FAD] =	sst s10  }
0x32: {  	s10 =	sld [smem:$0x3FAB];
	_ =	sdelay $0x3  }
0x33: {  	p0 =	seq.s32 s10, $0x1;
	s10 =	sld [smem:$0x3FAD];
	_ =	sdelay $0x3  }
0x34: {  	[smem:$0x3FAD] =	sst s10  }
0x35: {  	s10 =	sld [smem:$0x3FAC];
	_ =	sdelay $0x3  }
0x36: {  	p1 =	seq.s32 s10, $0x1;
	s10 =	sld [smem:$0x3FAD];
	_ =	sdelay $0x3  }
0x37: {  	[smem:$0x3FAD] =	sst s10  }
0x38: {  	s10 =	sld [smem:$0x3FAE]  }
0x39: {  	_ = 	snop;
	(pc) =	sbr.ind lr, $3  }
0x3a: {  	_ = 	snop  }
0x3b: {  	_ = 	snop  }
0x3c: {  	p2 =	seq.s32 s10, $0x1;
	s10 =	sld [smem:$0x3FAD]  }
0x3d: {  	_ =	shalt  }
0x3e: {  	_ =	shalt  }
0x3f: {  	_ =	shalt  }
0x40: {  	_ =	shalt  }
0x41: {  	_ =	shalt  }
0x42: {  	_ =	shalt  }
0x43: {  	_ =	shalt  }
0x44: {  	_ =	shalt  }
0x45: {  	_ =	shalt  }
0x46: {  	_ =	shalt  }
0x47: {  	_ =	shalt  }
0x48: {  	_ =	shalt  }
0x49: {  	_ =	shalt  }
0x4a: {  	_ =	shalt  }
0x4b: {  	_ =	shalt  }
0x4c: {  	_ =	shalt  }
0x4d: {  	_ =	shalt  }
0x4e: {  	_ =	shalt  }
0x4f: {  	_ =	shalt  }
0x50: {  	_ =	shalt  }
0x51: {  	_ =	shalt  }
0x52: {  	_ =	shalt  }
0x53: {  	_ =	shalt  }
0x54: {  	_ =	shalt  }
0x55: {  	_ =	shalt  }
0x56: {  	_ =	shalt  }
0x57: {  	_ =	shalt  }
0x58: {  	_ =	shalt  }
0x59: {  	_ =	shalt  }
0x5a: {  	_ =	shalt  }
0x5b: {  	_ =	shalt  }
0x5c: {  	_ =	shalt  }
0x5d: {  	_ =	shalt  }
0x5e: {  	_ =	shalt  }
0x5f: {  	_ =	shalt  }
0x60: {  	_ =	shalt  }
0x61: {  	_ =	shalt  }
0x62: {  	_ =	shalt  }
0x63: {  	_ =	shalt  }
0x64: {  	_ =	shalt  }
0x65: {  	_ =	shalt  }
0x66: {  	_ =	shalt  }
0x67: {  	_ =	shalt  }
0x68: {  	_ =	shalt  }
0x69: {  	_ =	shalt  }
0x6a: {  	_ =	shalt  }
0x6b: {  	_ =	shalt  }
0x6c: {  	_ =	shalt  }
0x6d: {  	_ =	shalt  }
0x6e: {  	_ =	shalt  }
0x6f: {  	_ =	shalt  }
0x70: {  	_ =	shalt  }
0x71: {  	_ =	shalt  }
0x72: {  	_ =	shalt  }
0x73: {  	_ =	shalt  }
0x74: {  	_ =	shalt  }
0x75: {  	_ =	shalt  }
0x76: {  	_ =	shalt  }
0x77: {  	_ =	shalt  }
0x78: {  	_ =	shalt  }
0x79: {  	_ =	shalt  }
0x7a: {  	_ =	shalt  }
0x7b: {  	_ =	shalt  }
0x7c: {  	_ =	shalt  }
0x7d: {  	_ =	shalt  }
0x7e: {  	_ =	shalt  }
0x7f: {  	_ =	shalt  }
0x80: {  	_ =	shalt  }
0x81: {  	_ =	shalt  }
0x82: {  	_ =	shalt  }
0x83: {  	_ =	shalt  }
0x84: {  	_ =	shalt  }
0x85: {  	_ =	shalt  }
0x86: {  	_ =	shalt  }
0x87: {  	_ =	shalt  }
.Lfunc_end0:
.L_simem_size_0:
called_computation.2_lowered:
.L_overlay_start_0:
0x88: {  	s2 =	sld [smem:$0x3FD9]  }
0x89: {  	s3 =	sld [smem:$0x3FFE];
	_ =	sdelay $0x1  }
0x8a: {  	s1 =	srdreg.scid  }
0x8b: {  	s0 =	sand.u32 $0x1, s1  }
0x8c: {  	s17 =	sshll.u32 s0, $0xA;
	s2 =	sadd.s32 s3, s2  }
0x8d: {  	s2 =	sadd.s32 s2, s17  }
0x8e: {  	[smem:$0x3FB9] =	sst s2  }
0x8f: {  	_ = 	snop  }
0x90: {  	s18 =	sld [smem:$0x3FD0];
	(tm) =	ssettm $0x1  }
0x91: {  	s19 =	sld [smem:$0x3FFB];
	_ =	sdelay $0x3  }
0x92: {  	_ =	strace s19  }
0x93: {  	s2 =	sld [smem:$0x3FFC];
	_ =	sdelay $0x3  }
0x94: {  	_ =	strace s2  }
0x95: {  	s2 =	sld [smem:$0x3FFD];
	_ =	sdelay $0x3  }
0x96: {  	_ =	strace s2  }
0x97: {  	_ =	strace $0x8FFFFFFF  }
0x98: {  	s20 =	sld [smem:$0x3FDB];
	_ =	sdelay $0x1  }
0x99: {  	s4 =	simm.s32 $_scs_section_size  }
0x9a: {  	s5 =	simm.s32 $_size__tile_overlayer_lowered;
	s6 =	simm.s32 $_tile_overlayer_lowered  }
0x9b: {  	s7 =	simm.s32 $0x1BFF;
	s21 =	sshll.u32 s6, $0x1;
	s4 =	sadd.s32 s4, s20  }
0x9c: {  	s22 =	simm.s32 $0x0;
	s5 =	sshll.u32 s5, $0x1;
	s6 =	sadd.s32 s21, s4  }
0x9d: {  	[timem:s22], [sflag:s7] =	dma.local [hbm:s6], s5  }
0x9e: {  	_ =	swait.ge [sflag:s7], s5  }
0x9f: {  	s5 =	ssub.s32 $0x0, s5;
	[sflag:s7] =	ssyncset.done $0x0  }
0xa0: {  	[sflag:s7] =	ssyncadd.s32 s5;
	_ =	sdelay $0x1  }
0xa1: {  	s23 =	simm.s32 $0x1B8B  }
0xa2: {  	_ =	swait.ge [sflag:s23], $0x1  }
0xa3: {  	[sflag:s23] =	ssyncset.done $0x0  }
0xa4: {  	[sflag:s23] =	ssyncadd.s32 $0xFFFFFFFF  }
0xa5: {  	s5 =	sld [smem:$0x0]  }
0xa6: {  	s6 =	sand.u32 $0xFFFFFFFE, s1  }
0xa7: {  	p0 =	sne.s32 s1, s6  }
0xa8: {  	s6 =	sshll.u32 @p0 s6, $0xE  }
0xa9: {  	s6 =	sadd.s32 @p0 $0x11B8D, s6;
	s7 =	sshll.u32 @p0 s5, $0x11  }
0xaa: {  	s6 =	sor.u32 @p0 s7, s6  }
0xab: {  	[sflag:s6] =	ssyncadd.remote.s32 @p0 $0x1;
	_ =	sdelay $0x1  }
0xac: {  	s6 =	simm.s32 @p0 $0x1B8D  }
0xad: {  	_ =	swait.eq @p0 [sflag:s6], $0x1  }
0xae: {  	[sflag:s6] =	ssyncadd.s32 @p0 $0xFFFFFFFF  }
0xaf: {  	s7 =	sshll.u32 @!p0 s1, $0xE  }
0xb0: {  	s7 =	sor.u32 @!p0 $0x4000, s7;
	s6 =	simm.s32 @!p0 $0x1B8D  }
0xb1: {  	s5 =	sshll.u32 @!p0 s5, $0x11;
	s7 =	sadd.s32 @!p0 $0x11B8D, s7;
	_ =	swait.eq @!p0 [sflag:s6], $0x1  }
0xb2: {  	s5 =	sor.u32 @!p0 s5, s7;
	[sflag:s6] =	ssyncadd.s32 @!p0 $0xFFFFFFFF  }
0xb3: {  	s25 =	simm.s32 $0x1B8E;
	s24 =	sld [smem:$0x3FFE];
	[sflag:s5] =	ssyncadd.remote.s32 @!p0 $0x1  }
0xb4: {  	s26 =	simm.s32 $execute0_lowered;
	[smem:$0x3FD2] =	sst s25  }
0xb5: {  	s6 =	sshll.u32 s26, $0x1;
	_ =	strace $0x8000004C;
	[dreg:$0x1] =	wrdreg $0xFFFFFFFF  }
0xb6: {  	s28 =	simm.s32 $_size_execute0_lowered;
	s4 =	sadd.s32 s4, s6;
	[dreg:$0x0] =	wrdreg $0x0  }
0xb7: {  	s6 =	sshll.u32 s28, $0x1;
	[dreg:$0x2] =	wrdreg s4  }
0xb8: {  	[dreg:$0x3] =	wrdreg s6  }
0xb9: {  	[dreg:$0x4] =	wrdreg $0xC0  }
0xba: {  	_ =	task [dreg:s22], $0x5FFFF  }
0xbb: {  	[dreg:$0x1] =	wrdreg $0xFFFFFFFF  }
0xbc: {  	[dreg:$0x0] =	wrdreg $0x60  }
0xbd: {  	[dreg:$0x2] =	wrdreg s18  }
0xbe: {  	[dreg:$0x3] =	wrdreg s24  }
0xbf: {  	[dreg:$0x4] =	wrdreg $0x7A000  }
0xc0: {  	[dreg:$0x5] =	wrdreg $0xA  }
0xc1: {  	_ =	task.clear_ibuf [dreg:s22], $0x6FFFF;
	_ =	strace $0x9000004C  }
0xc2: {  	s29 =	simm.s32 $0xA;
	_ =	strace $0x8000004E  }
0xc3: {  	_ =	swait.ge [sflag:s29], $0x1  }
0xc4: {  	[sflag:s29] =	ssyncadd.s32 $0xFFFFFFFF  }
0xc5: {  	_ =	strace $0x9000004E  }
0xc6: {  	_ =	sfence  }
0xc7: {  	s30 =	sld [smem:$0x0];
	_ =	sdelay $0x2  }
0xc8: {  	s31 =	sshll.u32 s1, $0xD;
	s1 =	sshrl.u32 s1, $0x2  }
0xc9: {  	s4 =	sand.u32 $0x4000, s31;
	s1 =	sadd.s32 s1, s30  }
0xca: {  	s0 =	sor.u32 s4, s0;
	s1 =	sshll.u32 s1, $0x11  }
0xcb: {  	s0 =	sor.u32 s1, s0  }
0xcc: {  	s0 =	sadd.s32 $0x8F2B, s0  }
0xcd: {  	[sflag:s0] =	ssyncadd.remote.s32 $0x1  }
0xce: {  	_ =	sfence.sel $0xFFFF  }
0xcf: {  	[dreg:$0x0] =	wrdreg $0xFFFFFFFF;
	(pc) =	sbr.abs _section_cstart, $3  }
0xd0: {  	[dreg:$0x1] =	wrdreg $0xFFFFFFFF  }
0xd1: {  	_ =	task.clear_ibuf [dreg:s22], $0x2FFFF;
	_ =	strace $0x9FFFFFFF  }
0xd2: {  	(tm) =	ssettm $0x7FFFFFFF  }
0xd3: {  	_ =	shalt  }
tec
execute0_lowered:
.L_overlay_start_1:
0x0: {  	(tag) =	ssettag $0x1  }
0x1: {  	s31 =	rddreg [dreg:$0x0]  }
0x2: {  	s0 =	rddreg [dreg:$0x1]  }
0x3: {  	s2 =	rddreg [dreg:$0x2];
	s3 =	simm.s32 $0x0;
	s1 =	srdreg.scid  }
0x4: {  	s12 =	stileid.u32;
	s20 =	simm.s32 $0x7;
	s21 =	simm.s32 $0x80  }
0x5: {  	s28 =	simm.s32 $0x3D80;
	s29 =	simm.s32 $0x3E00;
	s15 =	simm.s32 $0x6  }
0x6: {  	s17 =	simm.s32 $0x0;
	s5 =	sadd.s32 $0xA2AA00, s0;
	s6 =	sadd.s32 $0xC9BA00, s0  }
0x7: {  	[smem:$0x7FF] =	sst s3;
	s9 =	smul.u32 $0x280, s12;
	s7 =	sadd.s32 $0x2CDC00, s0  }
0x8: {  	s1 =	sand.u32 $0x1, s1;
	s8 =	sadd.s32 $0x2C3E00, s0;
	s22 =	smul.u32 $0x50000, s12  }
0x9: {  	s4 =	smul.u32 $0x2800, s1;
	s10 =	sshll.u32 s1, $0x4;
	s1 =	ssub.s32 $0x2, s1  }
0xa: {  	_ =	strace $0x8000004D;
	s11 =	sor.u32 s12, s10;
	s23 =	sshrl.u32 s1, $0x1  }
0xb: {  	s10 =	sshrl.u32 s22, $0x2;
	s12 =	sshll.u32 s12, $0x6;
	s22 =	simm.s32 $0x28  }
0xc: {  	s4 =	sadd.s32 s9, s4;
	s9 =	smul.u32 $0x1388, s11;
	s1 =	ssub.s32 s1, s23  }
0xd: {  	s24 =	sadd.s32 s10, s2;
	s11 =	smul.u32 $0x13880, s11;
	s12 =	sor.u32 $0x1C07, s12  }
0xe: {  	s23 =	simm.s32 $0x100;
	s30 =	smax.u32 s1, $0x1;
	[dreg:$0x5] =	wrdreg s12  }
0xf: {  	s4 =	sshll.u32 s4, $0x4;
	s16 =	sshrl.u32 s24, $0x3;
	[dreg:$0xb] =	wrdreg s30  }
0x10: {  	s0 =	sadd.s32 s4, s0;
	s26 =	sadd.s32 s5, s11;
	[dreg:$0xc] =	wrdreg s16  }
0x11: {  	s10 =	sadd.s32 $0x27100, s9;
	s11 =	sadd.s32 s6, s11;
	[dreg:$0x8] =	wrdreg s26  }
0x12: {  	s4 =	simm.s32 $0x2;
	s14 =	sadd.s32 $0xA2E00, s0;
	[dreg:$0x9] =	wrdreg s11  }
0x13: {  	s13 =	sshrl.u32 s10, $0x3;
	s0 =	sadd.s32 $0x4C00, s0;
	[dreg:$0x4] =	wrdreg s14  }
0x14: {  	s11 =	simm.s32 $0x3;
	s25 =	sadd.s32 s7, s13;
	[dreg:$0xa] =	wrdreg s0  }
0x15: {  	s13 =	sadd.s32 s8, s13;
	s0 =	simm.s32 $0x1;
	[dreg:$0x6] =	wrdreg s25  }
0x16: {  	s14 =	simm.s32 $0x5;
	[dreg:$0x7] =	wrdreg s13;
	s13 =	simm.s32 $0x4  }
.LBB2_1:
0x17: {  	[dreg:$0xd] =	wrdreg s17  }
0x18: {  	s1 =	rddreg [dreg:$0x4]  }
0x19: {  	[spmem:s16], [sflag:s12] =	dma.local [hbm:s1], $0x2800  }
0x1a: {  	_ =	swait.ge [sflag:s20], $0x2800  }
0x1b: {  	[sflag:s20] =	ssyncset.done $0x0  }
0x1c: {  	[sflag:s20] =	ssyncadd.s32 $0xFFFFD800  }
0x1d: {  	[bflag:$0x0] =	sbarrier.arrive $0xFFFF  }
0x1e: {  	s18 =	rddreg [dreg:$0x6]  }
0x1f: {  	[tilespmem:s3], [sflag:$0x7] =	stream.linear.gather [hbm4b:s18+s3], $0x28, $0x38;
	[tilespmem:$0x1BA00] =	vst v63  }
0x20: {  	_ =	swait.ge [sflag:s20], $0x28  }
0x21: {  	[sflag:s20] =	ssyncset.done $0x0  }
0x22: {  	s19 =	rddreg [dreg:$0x7];
	[sflag:s20] =	ssyncadd.s32 $0xFFFFFFD8  }
0x23: {  	[tilespmem:s21], [sflag:$0x7] =	stream.linear.gather [hbm4b:s19+s3], $0x28, $0x38;
	[tilespmem:$0x1BA00] =	vst v63  }
0x24: {  	_ =	swait.ge [sflag:s20], $0x28  }
0x25: {  	[sflag:s20] =	ssyncset.done $0x0  }
0x26: {  	[sflag:s20] =	ssyncadd.s32 $0xFFFFFFD8  }
0x27: {  	[tilespmem:s23], [sflag:$0x1] =	stream.indirect.gather [hbm4b:s31+s22], $0x80, s3, s22, $0xb8;
	[tilespmem:$0x1BA00] =	vst v63  }
0x28: {  	s25 =	simm.s32 $0x1500;
	s24 =	rddreg [dreg:$0x8]  }
0x29: {  	[tilespmem:s25], [sflag:$0x2] =	stream.linear.gather [hbm4b:s24+s3], $0x1400, $0x38;
	[tilespmem:$0x1BA00] =	vst v63  }
0x2a: {  	s30 =	simm.s32 $0x2900;
	s17 =	simm.s32 $0x0;
	s26 =	rddreg [dreg:$0x9]  }
0x2b: {  	[tilespmem:s30], [sflag:$0x3] =	stream.linear.gather [hbm4b:s26+s3], $0x1400, $0x38;
	[tilespmem:$0x1BA00] =	vst v63  }
.LBB2_2:
0x2c: {  	s18 =	smul.u32 $0x50, s17;
	_ =	sdelay $0x1  }
0x2d: {  	s1 =	sadd.s32 $0x28, s18  }
0x2e: {  	s12 =	sadd.s32 s10, s1  }
0x2f: {  	s12 =	sshrl.u32 s12, $0x3  }
0x30: {  	s19 =	simm.s32 $0x3D00;
	s16 =	sadd.s32 s7, s12  }
0x31: {  	[tilespmem:s19], [sflag:$0x7] =	stream.linear.gather [hbm4b:s16+s3], $0x28, $0x38;
	[tilespmem:$0x1BA00] =	vst v63  }
0x32: {  	_ =	swait.ge [sflag:s20], $0x28  }
0x33: {  	[sflag:s20] =	ssyncset.done $0x0  }
0x34: {  	s12 =	sadd.s32 s8, s12;
	[sflag:s20] =	ssyncadd.s32 $0xFFFFFFD8  }
0x35: {  	[tilespmem:s28], [sflag:$0x7] =	stream.linear.gather [hbm4b:s12+s3], $0x28, $0x38;
	[tilespmem:$0x1BA00] =	vst v63  }
0x36: {  	_ =	swait.ge [sflag:s20], $0x28  }
0x37: {  	s1 =	sadd.s32 s9, s1;
	[sflag:s20] =	ssyncset.done $0x0  }
0x38: {  	s1 =	sshll.u32 s1, $0x4;
	[sflag:s20] =	ssyncadd.s32 $0xFFFFFFD8  }
0x39: {  	[tilespmem:s29], [sflag:$0x4] =	stream.indirect.gather [hbm4b:s31+s22], $0x80, s19, s22, $0xb8;
	[tilespmem:$0x1BA00] =	vst v63  }
0x3a: {  	s24 =	simm.s32 $0x5200;
	s19 =	sadd.s32 s5, s1  }
0x3b: {  	[tilespmem:s24], [sflag:$0x5] =	stream.linear.gather [hbm4b:s19+s3], $0x1400, $0x38;
	[tilespmem:$0x1BA00] =	vst v63  }
0x3c: {  	s25 =	simm.s32 $0x6600;
	s1 =	sadd.s32 s6, s1  }
0x3d: {  	[tilespmem:s25], [sflag:$0x6] =	stream.linear.gather [hbm4b:s1+s3], $0x1400, $0x38;
	[tilespmem:$0x1BA00] =	vst v63  }
0x3e: {  	_ =	swait.ge [sflag:s0], $0x1400  }
0x3f: {  	[sflag:s0] =	ssyncset.done $0x0  }
0x40: {  	[sflag:s0] =	ssyncadd.s32 $0xFFFFEC00  }
0x41: {  	_ =	swait.ge [sflag:s4], $0x1400  }
0x42: {  	[sflag:s4] =	ssyncset.done $0x0  }
0x43: {  	[sflag:s4] =	ssyncadd.s32 $0xFFFFEC00  }
0x44: {  	_ =	swait.ge [sflag:s11], $0x1400  }
0x45: {  	[sflag:s11] =	ssyncset.done $0x0  }
0x46: {  	s12 =	simm.s32 $0x200;
	[sflag:s11] =	ssyncadd.s32 $0xFFFFEC00  }
0x47: {  	s24 =	simm.s32 $0x1600;
	v0 =	vld [tilespmem:s12+$0x80]  }
0x48: {  	s26 =	smov.u32 s31;
	s31 =	simm.s32 $0x2A00;
	v1 =	vld [tilespmem:s24+$0x80]  }
0x49: {  	v2 =	vld [tilespmem:s31+$0x80]  }
0x4a: {  	v3 =	vld [tilespmem:s12+$0xFFFFFF80]  }
0x4b: {  	v4 =	vld [tilespmem:s12+$0x0]  }
0x4c: {  	v5 =	vld [tilespmem:s12+$0xFFFFFF00]  }
0x4d: {  	v6 =	vld [tilespmem:s31+$0xFFFFFF00]  }
0x4e: {  	v7 =	vld [tilespmem:s31+$0xFFFFFF80]  }
0x4f: {  	v9 =	vld [tilespmem:s24+$0x0]  }
0x50: {  	v10 =	vld [tilespmem:s12+$0xFFFFFF20]  }
0x51: {  	v12 =	vld [tilespmem:s12+$0x20]  }
0x52: {  	s19 =	simm.s32 $0x400;
	v14 =	vld [tilespmem:s12+$0x30]  }
0x53: {  	s16 =	simm.s32 $0x1800;
	v29 =	vld [tilespmem:s19+$0x80]  }
0x54: {  	s30 =	simm.s32 $0x2C00;
	v15 =	vld [tilespmem:s16+$0x80]  }
0x55: {  	v16 =	vld [tilespmem:s30+$0x80]  }
0x56: {  	v30 =	vld [tilespmem:s19+$0xFFFFFF80]  }
0x57: {  	v31 =	vld [tilespmem:s19+$0x0]  }
0x58: {  	v32 =	vld [tilespmem:s19+$0x90]  }
0x59: {  	v34 =	vld [tilespmem:s19+$0xFFFFFF10]  }
0x5a: {  	v35 =	vld [tilespmem:s19+$0xFFFFFF90]  }
0x5b: {  	v36 =	vld [tilespmem:s19+$0x10]  }
0x5c: {  	v37 =	vld [tilespmem:s19+$0xFFFFFF20]  }
0x5d: {  	v38 =	vld [tilespmem:s19+$0xFFFFFFA0]  }
0x5e: {  	v39 =	vld [tilespmem:s19+$0x20]  }
0x5f: {  	v42 =	vld [tilespmem:s19+$0xA0]  }
0x60: {  	v46 =	vld [tilespmem:s19+$0xFFFFFF30]  }
0x61: {  	v47 =	vld [tilespmem:s19+$0xFFFFFFB0];
	v0 =	vmul.f32 v1, v0  }
0x62: {  	v49 =	vld [tilespmem:s19+$0x30]  }
0x63: {  	v50 =	vld [tilespmem:s19+$0xFFFFFF40];
	v0 =	vadd.f32 v2, v0  }
0x64: {  	v1 =	vld [tilespmem:s24+$0xFFFFFF00]  }
0x65: {  	v51 =	vld [tilespmem:s19+$0xFFFFFFC0];
	v0 =	vmax.f32 v0, $9.999999740e-06  }
0x66: {  	v2 =	vld [tilespmem:s24+$0xFFFFFF80];
	v0 =	vmul.f32 v0, v0  }
0x67: {  	v60 =	vld [tilespmem:s19+$0x40]  }
0x68: {  	[tilespmem:s12+$0x80] =	vst v0;
	v0 =	vld [tilespmem:s12+$0x90]  }
0x69: {  	v1 =	vmul.f32 v1, v5;
	v8 =	vld [tilespmem:s24+$0x90]  }
0x6a: {  	v61 =	vld [tilespmem:s19+$0xFFFFFF50]  }
0x6b: {  	v2 =	vmul.f32 v2, v3;
	v1 =	vadd.f32 v6, v1;
	v3 =	vld [tilespmem:s31+$0x90]  }
0x6c: {  	v62 =	vld [tilespmem:s19+$0xFFFFFFD0]  }
0x6d: {  	v5 =	vld [tilespmem:s31+$0x0];
	v2 =	vadd.f32 v7, v2;
	v1 =	vmax.f32 v1, $9.999999740e-06  }
0x6e: {  	v63 =	vld [tilespmem:s19+$0x50];
	v1 =	vmul.f32 v1, v1;
	v0 =	vmul.f32 v8, v0  }
0x6f: {  	v6 =	vld [tilespmem:s12+$0xFFFFFF10];
	v2 =	vmax.f32 v2, $9.999999740e-06  }
0x70: {  	v7 =	vld [tilespmem:s12+$0xFFFFFF90];
	v2 =	vmul.f32 v2, v2;
	[tilespmem:s12+$0xFFFFFF00] =	vst v1;
	v1 =	vmul.f32 v9, v4;
	v0 =	vadd.f32 v3, v0  }
0x71: {  	v4 =	vld [tilespmem:s24+$0xFFFFFF10]  }
0x72: {  	[tilespmem:s12+$0xFFFFFF80] =	vst v2;
	v1 =	vadd.f32 v5, v1;
	v5 =	vld [tilespmem:s31+$0xFFFFFF10];
	v0 =	vmax.f32 v0, $9.999999740e-06  }
0x73: {  	v2 =	vld [tilespmem:s24+$0xFFFFFF90];
	v0 =	vmul.f32 v0, v0  }
0x74: {  	v9 =	vld [tilespmem:s31+$0xFFFFFF90]  }
0x75: {  	[tilespmem:s12+$0x90] =	vst v0;
	v0 =	vmax.f32 v1, $9.999999740e-06;
	v1 =	vld [tilespmem:s12+$0xA0]  }
0x76: {  	v0 =	vmul.f32 v0, v0;
	v11 =	vld [tilespmem:s24+$0xA0]  }
0x77: {  	v8 =	vld [tilespmem:s12+$0x10];
	v4 =	vmul.f32 v4, v6  }
0x78: {  	[tilespmem:s12+$0x0] =	vst v0;
	v0 =	vmul.f32 v2, v7;
	v2 =	vld [tilespmem:s31+$0xA0]  }
0x79: {  	v3 =	vld [tilespmem:s12+$0xFFFFFFA0];
	v4 =	vadd.f32 v5, v4  }
0x7a: {  	v6 =	vld [tilespmem:s24+$0x10];
	v0 =	vadd.f32 v9, v0  }
0x7b: {  	v4 =	vmax.f32 v4, $9.999999740e-06;
	v7 =	vld [tilespmem:s12+$0xFFFFFF30];
	v1 =	vmul.f32 v11, v1  }
0x7c: {  	v4 =	vmul.f32 v4, v4;
	v5 =	vld [tilespmem:s31+$0x10];
	v0 =	vmax.f32 v0, $9.999999740e-06  }
0x7d: {  	v9 =	vld [tilespmem:s12+$0xFFFFFFB0];
	v0 =	vmul.f32 v0, v0;
	v1 =	vadd.f32 v2, v1  }
0x7e: {  	[tilespmem:s12+$0xFFFFFF10] =	vst v4;
	v11 =	vld [tilespmem:s12+$0xFFFFFF40]  }
0x7f: {  	v4 =	vld [tilespmem:s24+$0xFFFFFF20];
	[tilespmem:s12+$0xFFFFFF90] =	vst v0;
	v0 =	vmax.f32 v1, $9.999999740e-06;
	v1 =	vmul.f32 v6, v8  }
0x80: {  	v8 =	vld [tilespmem:s31+$0xFFFFFF20]  }
0x81: {  	v6 =	vld [tilespmem:s24+$0xFFFFFFA0];
	v0 =	vmul.f32 v0, v0;
	v1 =	vadd.f32 v5, v1  }
0x82: {  	v5 =	vld [tilespmem:s31+$0xFFFFFFA0]  }
0x83: {  	[tilespmem:s12+$0xA0] =	vst v0;
	v0 =	vld [tilespmem:s12+$0xB0];
	v1 =	vmax.f32 v1, $9.999999740e-06  }
0x84: {  	v4 =	vmul.f32 v4, v10;
	v13 =	vld [tilespmem:s24+$0xB0];
	v1 =	vmul.f32 v1, v1  }
0x85: {  	v2 =	vld [tilespmem:s12+$0xFFFFFFC0]  }
0x86: {  	v3 =	vmul.f32 v6, v3;
	v6 =	vld [tilespmem:s31+$0xB0];
	[tilespmem:s12+$0x10] =	vst v1;
	v1 =	vadd.f32 v8, v4  }
0x87: {  	v10 =	vld [tilespmem:s12+$0xFFFFFF50]  }
0x88: {  	v4 =	vld [tilespmem:s24+$0x20];
	v3 =	vadd.f32 v5, v3;
	v1 =	vmax.f32 v1, $9.999999740e-06  }
0x89: {  	v8 =	vld [tilespmem:s12+$0x40];
	v0 =	vmul.f32 v13, v0;
	v1 =	vmul.f32 v1, v1  }
0x8a: {  	v5 =	vld [tilespmem:s31+$0x20];
	v3 =	vmax.f32 v3, $9.999999740e-06  }
0x8b: {  	v3 =	vmul.f32 v3, v3;
	v0 =	vadd.f32 v6, v0;
	v6 =	vld [tilespmem:s12+$0xFFFFFFD0];
	[tilespmem:s12+$0xFFFFFF20] =	vst v1  }
0x8c: {  	v1 =	vld [tilespmem:s24+$0xFFFFFF30]  }
0x8d: {  	[tilespmem:s12+$0xFFFFFFA0] =	vst v3;
	v0 =	vmax.f32 v0, $9.999999740e-06;
	v3 =	vmul.f32 v4, v12;
	v17 =	vld [tilespmem:s31+$0xFFFFFF30]  }
0x8e: {  	v4 =	vld [tilespmem:s24+$0xFFFFFFB0];
	v0 =	vmul.f32 v0, v0  }
0x8f: {  	v3 =	vadd.f32 v5, v3;
	v5 =	vld [tilespmem:s31+$0xFFFFFFB0]  }
0x90: {  	v12 =	vmul.f32 v15, v29;
	[tilespmem:s12+$0xB0] =	vst v0;
	v0 =	vld [tilespmem:s12+$0xC0]  }
0x91: {  	v18 =	vmax.f32 v3, $9.999999740e-06;
	v3 =	vld [tilespmem:s12+$0x50]  }
0x92: {  	v12 =	vadd.f32 v16, v12;
	v1 =	vmul.f32 v1, v7;
	v7 =	vld [tilespmem:s24+$0xC0]  }
0x93: {  	v13 =	vmul.f32 v18, v18;
	v18 =	vld [tilespmem:s16+$0xFFFFFF80]  }
0x94: {  	v12 =	vmax.f32 v12, $9.999999740e-06;
	v4 =	vmul.f32 v4, v9;
	v9 =	vld [tilespmem:s31+$0xC0]  }
0x95: {  	v12 =	vmul.f32 v12, v12;
	v1 =	vadd.f32 v17, v1;
	[tilespmem:s12+$0x20] =	vst v13;
	v17 =	vld [tilespmem:s16+$0xFFFFFF00]  }
0x96: {  	v4 =	vadd.f32 v5, v4;
	v5 =	vld [tilespmem:s24+$0x30]  }
0x97: {  	[tilespmem:s19+$0x80] =	vst v12;
	v19 =	vld [tilespmem:s31+$0x30]  }
0x98: {  	v33 =	vld [tilespmem:s30+$0x90];
	v1 =	vmax.f32 v1, $9.999999740e-06  }
0x99: {  	v20 =	vmul.f32 v1, v1;
	v1 =	vld [tilespmem:s12+$0xFFFFFF60]  }
0x9a: {  	v4 =	vmax.f32 v4, $9.999999740e-06;
	v7 =	vmul.f32 v7, v0;
	v0 =	vld [tilespmem:s12+$0xFFFFFFE0]  }
0x9b: {  	v4 =	vmul.f32 v4, v4;
	[tilespmem:s12+$0xFFFFFF30] =	vst v20;
	v20 =	vld [tilespmem:s19+$0xFFFFFF00]  }
0x9c: {  	v7 =	vadd.f32 v9, v7;
	v9 =	vld [tilespmem:s24+$0xFFFFFF40]  }
0x9d: {  	[tilespmem:s12+$0xFFFFFFB0] =	vst v4;
	v4 =	vmul.f32 v5, v14;
	v13 =	vld [tilespmem:s31+$0xFFFFFF40]  }
0x9e: {  	v5 =	vld [tilespmem:s24+$0xFFFFFFC0];
	v7 =	vmax.f32 v7, $9.999999740e-06  }
0x9f: {  	v21 =	vld [tilespmem:s31+$0xFFFFFFC0];
	v7 =	vmul.f32 v7, v7;
	v4 =	vadd.f32 v19, v4  }
0xa0: {  	v19 =	vld [tilespmem:s16+$0x0]  }
0xa1: {  	[tilespmem:s12+$0xC0] =	vst v7;
	v4 =	vmax.f32 v4, $9.999999740e-06;
	v7 =	vld [tilespmem:s12+$0xD0]  }
0xa2: {  	v9 =	vmul.f32 v9, v11;
	v4 =	vmul.f32 v4, v4;
	v11 =	vld [tilespmem:s24+$0xD0]  }
0xa3: {  	v22 =	vld [tilespmem:s31+$0xD0]  }
0xa4: {  	v5 =	vmul.f32 v5, v2;
	v2 =	vld [tilespmem:s12+$0x60];
	[tilespmem:s12+$0x30] =	vst v4  }
0xa5: {  	v9 =	vadd.f32 v13, v9;
	v23 =	vld [tilespmem:s24+$0x40]  }
0xa6: {  	v4 =	vadd.f32 v21, v5;
	v21 =	vld [tilespmem:s30+$0xFFFFFF00]  }
0xa7: {  	v5 =	vmax.f32 v9, $9.999999740e-06;
	v9 =	vld [tilespmem:s31+$0x40]  }
0xa8: {  	v24 =	vmul.f32 v5, v5;
	v4 =	vmax.f32 v4, $9.999999740e-06;
	v7 =	vmul.f32 v11, v7;
	v5 =	vld [tilespmem:s12+$0xFFFFFF70]  }
0xa9: {  	v11 =	vmul.f32 v4, v4;
	v4 =	vld [tilespmem:s12+$0xFFFFFFF0]  }
0xaa: {  	v7 =	vadd.f32 v22, v7;
	v22 =	vld [tilespmem:s30+$0xFFFFFF80]  }
0xab: {  	[tilespmem:s12+$0xFFFFFF40] =	vst v24;
	v24 =	vld [tilespmem:s30+$0x0]  }
0xac: {  	v17 =	vmul.f32 v17, v20;
	v25 =	vld [tilespmem:s24+$0xFFFFFF50]  }
0xad: {  	[tilespmem:s12+$0xFFFFFFC0] =	vst v11;
	v8 =	vmul.f32 v23, v8;
	v23 =	vld [tilespmem:s16+$0x90]  }
0xae: {  	v17 =	vadd.f32 v21, v17;
	v11 =	vld [tilespmem:s24+$0xFFFFFFD0];
	v7 =	vmax.f32 v7, $9.999999740e-06  }
0xaf: {  	v15 =	vmul.f32 v18, v30;
	v26 =	vld [tilespmem:s31+$0xFFFFFF50];
	v7 =	vmul.f32 v7, v7;
	v8 =	vadd.f32 v9, v8  }
0xb0: {  	v16 =	vmul.f32 v19, v31;
	v27 =	vld [tilespmem:s31+$0xFFFFFFD0];
	v17 =	vmax.f32 v17, $9.999999740e-06  }
0xb1: {  	v9 =	vld [tilespmem:s12+$0xE0];
	v17 =	vmul.f32 v17, v17;
	[tilespmem:s12+$0xD0] =	vst v7;
	v8 =	vmax.f32 v8, $9.999999740e-06;
	v15 =	vadd.f32 v22, v15  }
0xb2: {  	v7 =	vmul.f32 v25, v10;
	v8 =	vmul.f32 v8, v8;
	v10 =	vld [tilespmem:s24+$0xE0]  }
0xb3: {  	v12 =	vmul.f32 v23, v32;
	[tilespmem:s19+$0xFFFFFF00] =	vst v17;
	v6 =	vmul.f32 v11, v6;
	v11 =	vld [tilespmem:s31+$0xE0];
	v15 =	vmax.f32 v15, $9.999999740e-06  }
0xb4: {  	v16 =	vadd.f32 v24, v16;
	v40 =	vld [tilespmem:s16+$0xFFFFFF10];
	v15 =	vmul.f32 v15, v15  }
0xb5: {  	v41 =	vld [tilespmem:s30+$0xFFFFFF10];
	[tilespmem:s12+$0x40] =	vst v8;
	v12 =	vadd.f32 v33, v12  }
0xb6: {  	v16 =	vmax.f32 v16, $9.999999740e-06;
	v14 =	vld [tilespmem:s24+$0x50];
	[tilespmem:s19+$0xFFFFFF80] =	vst v15  }
0xb7: {  	v16 =	vmul.f32 v16, v16;
	v12 =	vmax.f32 v12, $9.999999740e-06;
	v15 =	vld [tilespmem:s16+$0xFFFFFF90]  }
0xb8: {  	v13 =	vld [tilespmem:s31+$0x50];
	v12 =	vmul.f32 v12, v12  }
0xb9: {  	v7 =	vadd.f32 v26, v7;
	[tilespmem:s19+$0x0] =	vst v16;
	v25 =	vld [tilespmem:s30+$0xFFFFFF90]  }
0xba: {  	v26 =	vld [tilespmem:s16+$0x10];
	[tilespmem:s19+$0x90] =	vst v12  }
0xbb: {  	v6 =	vadd.f32 v27, v6;
	v7 =	vmax.f32 v7, $9.999999740e-06;
	v18 =	vmul.f32 v40, v34;
	v43 =	vld [tilespmem:s16+$0xA0]  }
0xbc: {  	v7 =	vmul.f32 v7, v7;
	v45 =	vld [tilespmem:s30+$0x10];
	v15 =	vmul.f32 v15, v35  }
0xbd: {  	v6 =	vmax.f32 v6, $9.999999740e-06;
	v44 =	vld [tilespmem:s30+$0xA0];
	v18 =	vadd.f32 v41, v18  }
0xbe: {  	v28 =	vmul.f32 v6, v6;
	v6 =	vld [tilespmem:s12+$0x70];
	[tilespmem:s12+$0xFFFFFF50] =	vst v7;
	v15 =	vadd.f32 v25, v15  }
0xbf: {  	v9 =	vmul.f32 v10, v9;
	v8 =	vld [tilespmem:s24+$0xFFFFFF60];
	v18 =	vmax.f32 v18, $9.999999740e-06  }
0xc0: {  	v10 =	vld [tilespmem:s31+$0xFFFFFF60];
	v48 =	vmul.f32 v18, v18;
	v12 =	vmul.f32 v43, v42;
	v15 =	vmax.f32 v15, $9.999999740e-06  }
0xc1: {  	[tilespmem:s12+$0xFFFFFFD0] =	vst v28;
	v28 =	vld [tilespmem:s19+$0xB0];
	v22 =	vmul.f32 v26, v36;
	v15 =	vmul.f32 v15, v15  }
0xc2: {  	v7 =	vadd.f32 v11, v9;
	v9 =	vld [tilespmem:s24+$0xFFFFFFE0];
	[tilespmem:s19+$0xFFFFFF10] =	vst v48;
	v12 =	vadd.f32 v44, v12  }
0xc3: {  	v52 =	vadd.f32 v45, v22;
	v53 =	vld [tilespmem:s16+$0xFFFFFF20];
	[tilespmem:s19+$0xFFFFFF90] =	vst v15  }
0xc4: {  	v12 =	vmax.f32 v12, $9.999999740e-06;
	v15 =	vld [tilespmem:s16+$0xFFFFFFA0]  }
0xc5: {  	v20 =	vmax.f32 v52, $9.999999740e-06;
	v54 =	vld [tilespmem:s30+$0xFFFFFF20];
	v12 =	vmul.f32 v12, v12  }
0xc6: {  	v20 =	vmul.f32 v20, v20;
	v27 =	vld [tilespmem:s30+$0xFFFFFFA0]  }
0xc7: {  	v11 =	vld [tilespmem:s31+$0xFFFFFFE0];
	[tilespmem:s19+$0xA0] =	vst v12  }
0xc8: {  	[tilespmem:s19+$0x10] =	vst v20;
	v21 =	vmul.f32 v53, v37;
	v55 =	vld [tilespmem:s16+$0xB0]  }
0xc9: {  	v56 =	vld [tilespmem:s16+$0x20];
	v15 =	vmul.f32 v15, v38  }
0xca: {  	v7 =	vmax.f32 v7, $9.999999740e-06;
	v57 =	vld [tilespmem:s30+$0xB0];
	v21 =	vadd.f32 v54, v21  }
0xcb: {  	v7 =	vmul.f32 v7, v7;
	v59 =	vld [tilespmem:s30+$0x20];
	v15 =	vadd.f32 v27, v15  }
0xcc: {  	v35 =	vld [tilespmem:s19+$0xC0];
	v21 =	vmax.f32 v21, $9.999999740e-06  }
0xcd: {  	[tilespmem:s12+$0xE0] =	vst v7;
	v7 =	vld [tilespmem:s12+$0xF0];
	v21 =	vmul.f32 v21, v21;
	v20 =	vmul.f32 v55, v28;
	v15 =	vmax.f32 v15, $9.999999740e-06  }
0xce: {  	v58 =	vld [tilespmem:s24+$0xF0];
	v17 =	vmul.f32 v56, v39;
	v15 =	vmul.f32 v15, v15  }
0xcf: {  	v3 =	vmul.f32 v14, v3;
	v41 =	vld [tilespmem:s31+$0xF0];
	[tilespmem:s19+$0xFFFFFF20] =	vst v21;
	v19 =	vadd.f32 v57, v20  }
0xd0: {  	v30 =	vadd.f32 v59, v17;
	v29 =	vld [tilespmem:s16+$0xFFFFFF30];
	[tilespmem:s19+$0xFFFFFFA0] =	vst v15  }
0xd1: {  	v3 =	vadd.f32 v13, v3;
	v31 =	vmax.f32 v19, $9.999999740e-06;
	v32 =	vld [tilespmem:s16+$0xFFFFFFB0]  }
0xd2: {  	v33 =	vld [tilespmem:s30+$0xFFFFFF30];
	v15 =	vmax.f32 v30, $9.999999740e-06;
	v17 =	vmul.f32 v31, v31  }
0xd3: {  	v3 =	vmax.f32 v3, $9.999999740e-06;
	v34 =	vld [tilespmem:s30+$0xFFFFFFB0];
	v15 =	vmul.f32 v15, v15  }
0xd4: {  	v3 =	vmul.f32 v3, v3;
	v42 =	vld [tilespmem:s19+$0xFFFFFF60];
	[tilespmem:s19+$0xB0] =	vst v17  }
0xd5: {  	v14 =	vmul.f32 v29, v46;
	[tilespmem:s19+$0x20] =	vst v15;
	v36 =	vld [tilespmem:s16+$0xC0]  }
0xd6: {  	[tilespmem:s12+$0x50] =	vst v3;
	v37 =	vld [tilespmem:s16+$0x30];
	v3 =	vmul.f32 v32, v47  }
0xd7: {  	v38 =	vld [tilespmem:s30+$0xC0];
	v13 =	vadd.f32 v33, v14  }
0xd8: {  	v40 =	vld [tilespmem:s30+$0x30];
	v3 =	vadd.f32 v34, v3  }
0xd9: {  	v1 =	vmul.f32 v8, v1;
	v39 =	vld [tilespmem:s24+$0x60];
	v13 =	vmax.f32 v13, $9.999999740e-06  }
0xda: {  	v43 =	vld [tilespmem:s19+$0xFFFFFFE0];
	v13 =	vmul.f32 v13, v13;
	v15 =	vmul.f32 v36, v35;
	v3 =	vmax.f32 v3, $9.999999740e-06  }
0xdb: {  	v1 =	vadd.f32 v10, v1;
	v48 =	vld [tilespmem:s31+$0x60];
	v18 =	vmul.f32 v37, v49;
	v44 =	vmul.f32 v3, v3  }
0xdc: {  	v10 =	vld [tilespmem:s19+$0xD0];
	[tilespmem:s19+$0xFFFFFF30] =	vst v13;
	v15 =	vadd.f32 v38, v15  }
0xdd: {  	v1 =	vmax.f32 v1, $9.999999740e-06;
	v13 =	vld [tilespmem:s16+$0xFFFFFF40];
	v14 =	vadd.f32 v40, v18;
	[tilespmem:s19+$0xFFFFFFB0] =	vst v44  }
0xde: {  	v1 =	vmul.f32 v1, v1;
	v2 =	vmul.f32 v39, v2;
	v15 =	vmax.f32 v15, $9.999999740e-06;
	v45 =	vld [tilespmem:s16+$0xFFFFFFC0]  }
0xdf: {  	v0 =	vmul.f32 v9, v0;
	v8 =	vld [tilespmem:s30+$0xFFFFFF40];
	v14 =	vmax.f32 v14, $9.999999740e-06;
	v15 =	vmul.f32 v15, v15  }
0xe0: {  	[tilespmem:s12+$0xFFFFFF60] =	vst v1;
	v2 =	vadd.f32 v48, v2;
	v9 =	vld [tilespmem:s30+$0xFFFFFFC0];
	v14 =	vmul.f32 v14, v14  }
0xe1: {  	v0 =	vadd.f32 v11, v0;
	v57 =	vld [tilespmem:s31+$0xFFFFFF70];
	[tilespmem:s19+$0xC0] =	vst v15  }
0xe2: {  	v2 =	vmax.f32 v2, $9.999999740e-06;
	v13 =	vmul.f32 v13, v50;
	[tilespmem:s19+$0x30] =	vst v14;
	v11 =	vld [tilespmem:s16+$0xD0]  }
0xe3: {  	v0 =	vmax.f32 v0, $9.999999740e-06;
	v2 =	vmul.f32 v2, v2;
	v14 =	vld [tilespmem:s16+$0x40];
	v46 =	vmul.f32 v45, v51  }
0xe4: {  	v0 =	vmul.f32 v0, v0;
	v47 =	vld [tilespmem:s30+$0xD0];
	v8 =	vadd.f32 v8, v13  }
0xe5: {  	[tilespmem:s12+$0x60] =	vst v2;
	v1 =	vadd.f32 v9, v46;
	v9 =	vld [tilespmem:s30+$0x40]  }
0xe6: {  	[tilespmem:s12+$0xFFFFFFE0] =	vst v0;
	v54 =	vld [tilespmem:s24+$0x70];
	v0 =	vmax.f32 v8, $9.999999740e-06  }
0xe7: {  	v49 =	vld [tilespmem:s24+$0xFFFFFF70];
	v0 =	vmul.f32 v0, v0;
	v8 =	vmul.f32 v11, v10  }
0xe8: {  	v3 =	vld [tilespmem:s19+$0x60];
	v14 =	vmul.f32 v14, v60;
	v11 =	vmax.f32 v1, $9.999999740e-06  }
0xe9: {  	v10 =	vld [tilespmem:s24+$0xFFFFFFF0];
	[tilespmem:s19+$0xFFFFFF40] =	vst v0;
	v8 =	vadd.f32 v47, v8;
	v11 =	vmul.f32 v11, v11  }
0xea: {  	v50 =	vld [tilespmem:s16+$0xFFFFFF50];
	v9 =	vadd.f32 v9, v14  }
0xeb: {  	v51 =	vld [tilespmem:s30+$0xFFFFFF50];
	[tilespmem:s19+$0xFFFFFFC0] =	vst v11;
	v8 =	vmax.f32 v8, $9.999999740e-06  }
0xec: {  	v11 =	vld [tilespmem:s16+$0xFFFFFFD0];
	v8 =	vmul.f32 v8, v8;
	v9 =	vmax.f32 v9, $9.999999740e-06  }
0xed: {  	v52 =	vld [tilespmem:s30+$0xFFFFFFD0];
	v9 =	vmul.f32 v9, v9  }
0xee: {  	[tilespmem:s19+$0xD0] =	vst v8;
	v8 =	vld [tilespmem:s19+$0xE0]  }
0xef: {  	[tilespmem:s19+$0x40] =	vst v9;
	v9 =	vld [tilespmem:s16+$0xE0]  }
0xf0: {  	v16 =	vmul.f32 v50, v61;
	v53 =	vld [tilespmem:s16+$0x50]  }
0xf1: {  	v2 =	vmul.f32 v11, v62;
	v11 =	vld [tilespmem:s30+$0xE0]  }
0xf2: {  	v0 =	vld [tilespmem:s19+$0xFFFFFFF0];
	v13 =	vadd.f32 v51, v16  }
0xf3: {  	v55 =	vld [tilespmem:s30+$0x50];
	v14 =	vadd.f32 v52, v2  }
0xf4: {  	v1 =	vld [tilespmem:s19+$0xFFFFFF70];
	v13 =	vmax.f32 v13, $9.999999740e-06;
	v8 =	vmul.f32 v9, v8  }
0xf5: {  	v7 =	vmul.f32 v58, v7;
	v2 =	vld [tilespmem:s19+$0x70];
	v9 =	vmul.f32 v13, v13;
	v56 =	vmax.f32 v14, $9.999999740e-06  }
0xf6: {  	v18 =	vmul.f32 v53, v63;
	v13 =	vmul.f32 v56, v56;
	v8 =	vadd.f32 v11, v8;
	v11 =	vld [tilespmem:s31+$0xFFFFFFF0]  }
0xf7: {  	[tilespmem:s19+$0xFFFFFF50] =	vst v9;
	v9 =	vld [tilespmem:s31+$0x70]  }
0xf8: {  	v7 =	vadd.f32 v41, v7;
	v5 =	vmul.f32 v49, v5;
	[tilespmem:s19+$0xFFFFFFD0] =	vst v13;
	v58 =	vadd.f32 v55, v18;
	v59 =	vld [tilespmem:s16+$0xFFFFFF60]  }
0xf9: {  	v6 =	vmul.f32 v54, v6;
	v4 =	vmul.f32 v10, v4;
	v8 =	vmax.f32 v8, $9.999999740e-06;
	v10 =	vld [tilespmem:s16+$0xFFFFFFE0]  }
0xfa: {  	v5 =	vadd.f32 v57, v5;
	v60 =	vld [tilespmem:s30+$0xFFFFFF60];
	v8 =	vmul.f32 v8, v8;
	v12 =	vmax.f32 v58, $9.999999740e-06  }
0xfb: {  	v7 =	vmax.f32 v7, $9.999999740e-06;
	v61 =	vld [tilespmem:s30+$0xFFFFFFE0];
	v12 =	vmul.f32 v12, v12;
	v11 =	vadd.f32 v11, v4  }
0xfc: {  	v7 =	vmul.f32 v7, v7;
	v5 =	vmax.f32 v5, $9.999999740e-06;
	[tilespmem:s19+$0xE0] =	vst v8;
	v4 =	vld [tilespmem:s19+$0xF0];
	v9 =	vadd.f32 v9, v6  }
0xfd: {  	v62 =	vmul.f32 v5, v5;
	v13 =	vmul.f32 v59, v42;
	[tilespmem:s19+$0x50] =	vst v12;
	v6 =	vld [tilespmem:s16+$0xF0];
	v5 =	vmax.f32 v11, $9.999999740e-06  }
0xfe: {  	[tilespmem:s12+$0xF0] =	vst v7;
	v10 =	vmul.f32 v10, v43;
	v8 =	vld [tilespmem:s16+$0x60];
	v7 =	vmax.f32 v9, $9.999999740e-06;
	v63 =	vmul.f32 v5, v5  }
0xff: {  	s25 =	simm.s32 $0x4;
	[tilespmem:s12+$0xFFFFFF70] =	vst v62;
	v5 =	vld [tilespmem:s30+$0xF0];
	v11 =	vadd.f32 v60, v13;
	v7 =	vmul.f32 v7, v7  }
0x100: {  	s1 =	simm.s32 $0x600;
	s24 =	simm.s32 $0x2C00;
	s31 =	simm.s32 $0x1800;
	v9 =	vld [tilespmem:s30+$0x60];
	v10 =	vadd.f32 v61, v10;
	[tilespmem:s12+$0xFFFFFFF0] =	vst v63  }
.LBB2_3:
0x101: {  	v12 =	vld [tilespmem:s1+$0x80];
	v11 =	vmax.f32 v11, $9.999999740e-06;
	s16 =	sadd.s32 $0x200, s16;
	[tilespmem:s12+$0x70] =	vst v7;
	s12 =	smov.u32 s19;
	s19 =	smov.u32 s1  }
0x102: {  	s25 =	sadd.s32 $0x4, s25;
	v7 =	vld [tilespmem:s16+$0x80];
	v11 =	vmul.f32 v11, v11;
	v10 =	vmax.f32 v10, $9.999999740e-06;
	v4 =	vmul.f32 v6, v4  }
0x103: {  	s30 =	sadd.s32 $0x200, s30;
	p0 =	slt.u32 s25, $0x24;
	v6 =	vld [tilespmem:s16+$0xFFFFFF00];
	v10 =	vmul.f32 v10, v10;
	v3 =	vmul.f32 v8, v3  }
0x104: {  	v8 =	vld [tilespmem:s30+$0x80];
	[tilespmem:s12+$0xFFFFFF60] =	vst v11;
	v4 =	vadd.f32 v5, v4  }
0x105: {  	v5 =	vld [tilespmem:s1+$0xFFFFFF80];
	[tilespmem:s12+$0xFFFFFFE0] =	vst v10;
	v3 =	vadd.f32 v9, v3  }
0x106: {  	v9 =	vld [tilespmem:s16+$0xFFFFFF80];
	v4 =	vmax.f32 v4, $9.999999740e-06  }
0x107: {  	v10 =	vld [tilespmem:s1+$0x0];
	v7 =	vmul.f32 v7, v12;
	v3 =	vmax.f32 v3, $9.999999740e-06;
	v4 =	vmul.f32 v4, v4  }
0x108: {  	v11 =	vld [tilespmem:s16+$0x0];
	v3 =	vmul.f32 v3, v3  }
0x109: {  	v12 =	vld [tilespmem:s1+$0xFFFFFF00];
	v7 =	vadd.f32 v8, v7;
	[tilespmem:s12+$0xF0] =	vst v4  }
0x10a: {  	v4 =	vld [tilespmem:s30+$0xFFFFFF00];
	[tilespmem:s12+$0x60] =	vst v3  }
0x10b: {  	v3 =	vld [tilespmem:s30+$0xFFFFFF80];
	v5 =	vmul.f32 v9, v5;
	v7 =	vmax.f32 v7, $9.999999740e-06  }
0x10c: {  	v8 =	vld [tilespmem:s30+$0x0];
	v7 =	vmul.f32 v7, v7  }
0x10d: {  	v9 =	vld [tilespmem:s1+$0xFFFFFF10];
	v10 =	vmul.f32 v11, v10  }
0x10e: {  	v6 =	vmul.f32 v6, v12;
	[tilespmem:s1+$0x80] =	vst v7;
	v7 =	vld [tilespmem:s1+$0x90]  }
0x10f: {  	v11 =	vld [tilespmem:s16+$0x90]  }
0x110: {  	v4 =	vadd.f32 v4, v6;
	v3 =	vadd.f32 v3, v5;
	v5 =	vld [tilespmem:s1+$0xFFFFFF90]  }
0x111: {  	v6 =	vadd.f32 v8, v10;
	v8 =	vld [tilespmem:s30+$0x90]  }
0x112: {  	v4 =	vmax.f32 v4, $9.999999740e-06;
	v3 =	vmax.f32 v3, $9.999999740e-06;
	v10 =	vld [tilespmem:s1+$0x10]  }
0x113: {  	v4 =	vmul.f32 v4, v4;
	v12 =	vld [tilespmem:s1+$0xFFFFFF20];
	v3 =	vmul.f32 v3, v3;
	v6 =	vmax.f32 v6, $9.999999740e-06  }
0x114: {  	v13 =	vld [tilespmem:s1+$0xFFFFFFA0];
	v6 =	vmul.f32 v6, v6;
	v7 =	vmul.f32 v11, v7  }
0x115: {  	[tilespmem:s1+$0xFFFFFF00] =	vst v4;
	v4 =	vld [tilespmem:s1+$0x20]  }
0x116: {  	v11 =	vld [tilespmem:s16+$0xFFFFFF10];
	[tilespmem:s1+$0xFFFFFF80] =	vst v3;
	v3 =	vadd.f32 v8, v7  }
0x117: {  	v7 =	vld [tilespmem:s16+$0xFFFFFF90];
	[tilespmem:s1+$0x0] =	vst v6  }
0x118: {  	v6 =	vld [tilespmem:s16+$0x10];
	v3 =	vmax.f32 v3, $9.999999740e-06  }
0x119: {  	v8 =	vld [tilespmem:s30+$0xFFFFFF10];
	v3 =	vmul.f32 v3, v3  }
0x11a: {  	v14 =	vld [tilespmem:s30+$0xFFFFFF90]  }
0x11b: {  	v9 =	vmul.f32 v11, v9;
	[tilespmem:s1+$0x90] =	vst v3;
	v3 =	vld [tilespmem:s1+$0xA0]  }
0x11c: {  	v5 =	vmul.f32 v7, v5;
	v7 =	vld [tilespmem:s16+$0xA0]  }
0x11d: {  	v11 =	vld [tilespmem:s30+$0x10];
	v6 =	vmul.f32 v6, v10  }
0x11e: {  	v8 =	vadd.f32 v8, v9;
	v9 =	vld [tilespmem:s30+$0xA0]  }
0x11f: {  	v10 =	vld [tilespmem:s1+$0xFFFFFF30];
	v5 =	vadd.f32 v14, v5  }
0x120: {  	v8 =	vmax.f32 v8, $9.999999740e-06;
	v14 =	vld [tilespmem:s1+$0xFFFFFFB0]  }
0x121: {  	v8 =	vmul.f32 v8, v8;
	v5 =	vmax.f32 v5, $9.999999740e-06;
	v15 =	vld [tilespmem:s1+$0x30];
	v3 =	vmul.f32 v7, v3  }
0x122: {  	v7 =	vld [tilespmem:s1+$0xFFFFFF40];
	v5 =	vmul.f32 v5, v5;
	v6 =	vadd.f32 v11, v6  }
0x123: {  	[tilespmem:s1+$0xFFFFFF10] =	vst v8;
	v8 =	vld [tilespmem:s1+$0xFFFFFFC0];
	v3 =	vadd.f32 v9, v3  }
0x124: {  	v9 =	vld [tilespmem:s16+$0xFFFFFF20];
	[tilespmem:s1+$0xFFFFFF90] =	vst v5;
	v5 =	vmax.f32 v6, $9.999999740e-06  }
0x125: {  	v6 =	vld [tilespmem:s16+$0xFFFFFFA0];
	v5 =	vmul.f32 v5, v5;
	v3 =	vmax.f32 v3, $9.999999740e-06  }
0x126: {  	v11 =	vld [tilespmem:s30+$0xFFFFFF20];
	v3 =	vmul.f32 v3, v3  }
0x127: {  	v16 =	vld [tilespmem:s30+$0xFFFFFFA0];
	[tilespmem:s1+$0x10] =	vst v5  }
0x128: {  	[tilespmem:s1+$0xA0] =	vst v3;
	v3 =	vld [tilespmem:s1+$0xB0]  }
0x129: {  	v5 =	vmul.f32 v9, v12;
	v9 =	vld [tilespmem:s16+$0xB0]  }
0x12a: {  	v6 =	vmul.f32 v6, v13;
	v12 =	vld [tilespmem:s16+$0x20]  }
0x12b: {  	v5 =	vadd.f32 v11, v5;
	v11 =	vld [tilespmem:s30+$0xB0]  }
0x12c: {  	v6 =	vadd.f32 v16, v6;
	v13 =	vld [tilespmem:s30+$0x20]  }
0x12d: {  	v5 =	vmax.f32 v5, $9.999999740e-06;
	v16 =	vld [tilespmem:s1+$0x40]  }
0x12e: {  	v5 =	vmul.f32 v5, v5;
	v17 =	vld [tilespmem:s1+$0xFFFFFF50];
	v6 =	vmax.f32 v6, $9.999999740e-06;
	v3 =	vmul.f32 v9, v3  }
0x12f: {  	v6 =	vmul.f32 v6, v6;
	v9 =	vld [tilespmem:s1+$0xFFFFFFD0];
	v12 =	vmul.f32 v12, v4  }
0x130: {  	[tilespmem:s1+$0xFFFFFF20] =	vst v5;
	v4 =	vld [tilespmem:s1+$0x50];
	v3 =	vadd.f32 v11, v3  }
0x131: {  	v5 =	vld [tilespmem:s16+$0xFFFFFF30];
	[tilespmem:s1+$0xFFFFFFA0] =	vst v6;
	v6 =	vadd.f32 v13, v12  }
0x132: {  	v11 =	vld [tilespmem:s16+$0xFFFFFFB0];
	v3 =	vmax.f32 v3, $9.999999740e-06  }
0x133: {  	v12 =	vld [tilespmem:s30+$0xFFFFFF30];
	v6 =	vmax.f32 v6, $9.999999740e-06;
	v3 =	vmul.f32 v3, v3  }
0x134: {  	v13 =	vld [tilespmem:s30+$0xFFFFFFB0];
	v6 =	vmul.f32 v6, v6  }
0x135: {  	[tilespmem:s1+$0xB0] =	vst v3;
	v3 =	vld [tilespmem:s1+$0xC0]  }
0x136: {  	v5 =	vmul.f32 v5, v10;
	[tilespmem:s1+$0x20] =	vst v6;
	v10 =	vld [tilespmem:s16+$0xC0]  }
0x137: {  	v6 =	vmul.f32 v11, v14;
	v11 =	vld [tilespmem:s16+$0x30]  }
0x138: {  	v5 =	vadd.f32 v12, v5;
	v12 =	vld [tilespmem:s30+$0xC0]  }
0x139: {  	v13 =	vadd.f32 v13, v6;
	v14 =	vld [tilespmem:s30+$0x30]  }
0x13a: {  	v5 =	vmax.f32 v5, $9.999999740e-06;
	v6 =	vld [tilespmem:s1+$0xFFFFFF60]  }
0x13b: {  	v18 =	vmul.f32 v5, v5;
	v13 =	vmax.f32 v13, $9.999999740e-06;
	v5 =	vld [tilespmem:s1+$0xFFFFFFE0];
	v10 =	vmul.f32 v10, v3  }
0x13c: {  	v13 =	vmul.f32 v13, v13;
	v11 =	vmul.f32 v11, v15;
	v3 =	vld [tilespmem:s1+$0x60]  }
0x13d: {  	[tilespmem:s1+$0xFFFFFF30] =	vst v18;
	v10 =	vadd.f32 v12, v10;
	v12 =	vld [tilespmem:s31+$0xFFFFFF70]  }
0x13e: {  	v15 =	vld [tilespmem:s16+$0xFFFFFF40];
	[tilespmem:s1+$0xFFFFFFB0] =	vst v13;
	v11 =	vadd.f32 v14, v11  }
0x13f: {  	v13 =	vld [tilespmem:s16+$0xFFFFFFC0];
	v10 =	vmax.f32 v10, $9.999999740e-06  }
0x140: {  	v14 =	vld [tilespmem:s30+$0xFFFFFF40];
	v11 =	vmax.f32 v11, $9.999999740e-06;
	v10 =	vmul.f32 v10, v10  }
0x141: {  	v18 =	vld [tilespmem:s30+$0xFFFFFFC0];
	v11 =	vmul.f32 v11, v11  }
0x142: {  	[tilespmem:s1+$0xC0] =	vst v10;
	v10 =	vld [tilespmem:s1+$0xD0];
	v12 =	vmul.f32 v12, v1  }
0x143: {  	v1 =	vmul.f32 v15, v7;
	[tilespmem:s1+$0x30] =	vst v11;
	v7 =	vld [tilespmem:s16+$0xD0]  }
0x144: {  	v8 =	vmul.f32 v13, v8;
	v11 =	vld [tilespmem:s16+$0x40]  }
0x145: {  	v1 =	vadd.f32 v14, v1;
	v13 =	vld [tilespmem:s30+$0xD0]  }
0x146: {  	v8 =	vadd.f32 v18, v8;
	v14 =	vld [tilespmem:s30+$0x40]  }
0x147: {  	v1 =	vmax.f32 v1, $9.999999740e-06;
	v15 =	vld [tilespmem:s31+$0xFFFFFFF0]  }
0x148: {  	v18 =	vmul.f32 v1, v1;
	v8 =	vmax.f32 v8, $9.999999740e-06;
	v7 =	vmul.f32 v7, v10;
	v10 =	vld [tilespmem:s31+$0x70];
	s31 =	smov.u32 s16  }
0x149: {  	v1 =	vld [tilespmem:s1+$0xFFFFFF70];
	v8 =	vmul.f32 v8, v8;
	v11 =	vmul.f32 v11, v16  }
0x14a: {  	[tilespmem:s1+$0xFFFFFF40] =	vst v18;
	v16 =	vld [tilespmem:s1+$0xFFFFFFF0];
	v7 =	vadd.f32 v13, v7  }
0x14b: {  	v13 =	vld [tilespmem:s16+$0xFFFFFF50];
	[tilespmem:s1+$0xFFFFFFC0] =	vst v8;
	v8 =	vadd.f32 v14, v11  }
0x14c: {  	v11 =	vld [tilespmem:s16+$0xFFFFFFD0];
	v7 =	vmax.f32 v7, $9.999999740e-06;
	v14 =	vmul.f32 v15, v0  }
0x14d: {  	v15 =	vld [tilespmem:s30+$0xFFFFFF50];
	v18 =	vmax.f32 v8, $9.999999740e-06;
	v7 =	vmul.f32 v7, v7;
	v8 =	vmul.f32 v10, v2  }
0x14e: {  	v2 =	vld [tilespmem:s30+$0xFFFFFFD0];
	v10 =	vmul.f32 v18, v18  }
0x14f: {  	[tilespmem:s1+$0xD0] =	vst v7;
	v7 =	vld [tilespmem:s1+$0xE0];
	v0 =	vmov v16  }
0x150: {  	v13 =	vmul.f32 v13, v17;
	[tilespmem:s1+$0x40] =	vst v10;
	v10 =	vld [tilespmem:s16+$0xE0]  }
0x151: {  	v9 =	vmul.f32 v11, v9;
	v11 =	vld [tilespmem:s16+$0x50]  }
0x152: {  	v13 =	vadd.f32 v15, v13;
	v15 =	vld [tilespmem:s30+$0xE0]  }
0x153: {  	v9 =	vadd.f32 v2, v9;
	v16 =	vld [tilespmem:s30+$0x50]  }
0x154: {  	v13 =	vmax.f32 v13, $9.999999740e-06;
	v2 =	vld [tilespmem:s1+$0x70]  }
0x155: {  	v13 =	vmul.f32 v13, v13;
	v9 =	vmax.f32 v9, $9.999999740e-06;
	v7 =	vmul.f32 v10, v7;
	v10 =	vld [tilespmem:s24+$0xFFFFFF70]  }
0x156: {  	v9 =	vmul.f32 v9, v9;
	v4 =	vmul.f32 v11, v4;
	v11 =	vld [tilespmem:s24+$0xFFFFFFF0]  }
0x157: {  	[tilespmem:s1+$0xFFFFFF50] =	vst v13;
	v7 =	vadd.f32 v15, v7;
	v13 =	vld [tilespmem:s24+$0x70];
	s24 =	smov.u32 s30  }
0x158: {  	v15 =	vld [tilespmem:s16+$0xFFFFFF60];
	[tilespmem:s1+$0xFFFFFFD0] =	vst v9;
	v4 =	vadd.f32 v16, v4  }
0x159: {  	v9 =	vld [tilespmem:s16+$0xFFFFFFE0];
	v7 =	vmax.f32 v7, $9.999999740e-06  }
0x15a: {  	v16 =	vld [tilespmem:s30+$0xFFFFFF60];
	v4 =	vmax.f32 v4, $9.999999740e-06;
	v7 =	vmul.f32 v7, v7;
	v10 =	vadd.f32 v10, v12  }
0x15b: {  	v12 =	vld [tilespmem:s30+$0xFFFFFFE0];
	v17 =	vmul.f32 v4, v4;
	v11 =	vadd.f32 v11, v14  }
.Ltmp0:
0x15c: {  	[tilespmem:s1+$0xE0] =	vst v7;
	v4 =	vld [tilespmem:s1+$0xF0];
	v7 =	vmax.f32 v10, $9.999999740e-06;
	v10 =	vadd.f32 v13, v8;
	(pc) =	sbr.rel @p0 .LBB2_3-.Ltmp0, $4  }
0x15d: {  	v13 =	vmul.f32 v15, v6;
	[tilespmem:s1+$0x50] =	vst v17;
	v6 =	vld [tilespmem:s16+$0xF0];
	v7 =	vmul.f32 v7, v7;
	v11 =	vmax.f32 v11, $9.999999740e-06  }
0x15e: {  	v9 =	vmul.f32 v9, v5;
	v8 =	vld [tilespmem:s16+$0x60];
	v14 =	vmul.f32 v11, v11;
	v10 =	vmax.f32 v10, $9.999999740e-06  }
0x15f: {  	v11 =	vadd.f32 v16, v13;
	v5 =	vld [tilespmem:s30+$0xF0];
	[tilespmem:s12+$0xFFFFFF70] =	vst v7;
	v7 =	vmul.f32 v10, v10  }
0x160: {  	s1 =	sadd.s32 $0x200, s1;
	v10 =	vadd.f32 v12, v9;
	v9 =	vld [tilespmem:s30+$0x60];
	[tilespmem:s12+$0xFFFFFFF0] =	vst v14  }
0x161: {  	_ =	sdelay $0x1  }
0x162: {  	v3 =	vmul.f32 v8, v3  }
0x163: {  	v8 =	vmax.f32 v11, $9.999999740e-06  }
0x164: {  	v8 =	vmul.f32 v8, v8;
	v3 =	vadd.f32 v9, v3  }
0x165: {  	v9 =	vmax.f32 v10, $9.999999740e-06  }
0x166: {  	v9 =	vmul.f32 v9, v9;
	[tilespmem:s19+$0xFFFFFF60] =	vst v8;
	v3 =	vmax.f32 v3, $9.999999740e-06  }
0x167: {  	v8 =	vld [tilespmem:s31+$0xFFFFFF70];
	v3 =	vmul.f32 v3, v3  }
0x168: {  	v10 =	vld [tilespmem:s24+$0xFFFFFF70];
	[tilespmem:s19+$0xFFFFFFE0] =	vst v9  }
0x169: {  	[tilespmem:s19+$0x60] =	vst v3;
	v3 =	vld [tilespmem:s31+$0xFFFFFFF0]  }
0x16a: {  	v9 =	vld [tilespmem:s31+$0x70]  }
0x16b: {  	v11 =	vld [tilespmem:s24+$0xFFFFFFF0]  }
0x16c: {  	v4 =	vmul.f32 v6, v4;
	v6 =	vld [tilespmem:s24+$0x70]  }
0x16d: {  	v1 =	vmul.f32 v8, v1  }
0x16e: {  	v4 =	vadd.f32 v5, v4;
	v0 =	vmul.f32 v3, v0  }
0x16f: {  	v1 =	vadd.f32 v10, v1;
	v2 =	vmul.f32 v9, v2  }
0x170: {  	v3 =	vmax.f32 v4, $9.999999740e-06;
	v0 =	vadd.f32 v11, v0  }
0x171: {  	v3 =	vmul.f32 v3, v3;
	v1 =	vmax.f32 v1, $9.999999740e-06;
	v2 =	vadd.f32 v6, v2  }
0x172: {  	[tilespmem:s12+$0x70] =	vst v7;
	v1 =	vmul.f32 v1, v1;
	v0 =	vmax.f32 v0, $9.999999740e-06  }
0x173: {  	[tilespmem:s19+$0xF0] =	vst v3;
	v0 =	vmul.f32 v0, v0;
	v2 =	vmax.f32 v2, $9.999999740e-06  }
0x174: {  	[tilespmem:s19+$0xFFFFFF70] =	vst v1;
	v1 =	vmul.f32 v2, v2  }
0x175: {  	[tilespmem:s19+$0xFFFFFFF0] =	vst v0  }
0x176: {  	s1 =	sadd.s32 $0x50, s18;
	[tilespmem:s19+$0x70] =	vst v1  }
0x177: {  	[spmem:s2] =	stream.indirect.scatter.add.f32 [tilespmem:s23], [sflag:$0x7], $0x80, s21, s22, $0xb8;
	[tilespmem:$0x1BA00] =	vst v63  }
0x178: {  	s18 =	sadd.s32 s10, s1;
	_ =	swait.ge [sflag:s20], $0x1400  }
0x179: {  	s12 =	sshrl.u32 s18, $0x3;
	[sflag:s20] =	ssyncset.done $0x0  }
0x17a: {  	s16 =	sadd.s32 s7, s12;
	[sflag:s20] =	ssyncadd.s32 $0xFFFFEC00  }
0x17b: {  	[tilespmem:s3], [sflag:$0x7] =	stream.linear.gather [hbm4b:s16+s3], $0x28, $0x38;
	[tilespmem:$0x1BA00] =	vst v63  }
0x17c: {  	_ =	swait.ge [sflag:s20], $0x28  }
0x17d: {  	[sflag:s20] =	ssyncset.done $0x0  }
0x17e: {  	s12 =	sadd.s32 s8, s12;
	[sflag:s20] =	ssyncadd.s32 $0xFFFFFFD8  }
0x17f: {  	[tilespmem:s21], [sflag:$0x7] =	stream.linear.gather [hbm4b:s12+s3], $0x28, $0x38;
	[tilespmem:$0x1BA00] =	vst v63  }
0x180: {  	_ =	swait.ge [sflag:s20], $0x28  }
0x181: {  	s1 =	sadd.s32 s9, s1;
	[sflag:s20] =	ssyncset.done $0x0  }
0x182: {  	s1 =	sshll.u32 s1, $0x4;
	[sflag:s20] =	ssyncadd.s32 $0xFFFFFFD8  }
0x183: {  	[tilespmem:s23], [sflag:$0x1] =	stream.indirect.gather [hbm4b:s26+s22], $0x80, s3, s22, $0xb8;
	[tilespmem:$0x1BA00] =	vst v63  }
0x184: {  	s24 =	simm.s32 $0x1500;
	s19 =	sadd.s32 s5, s1  }
0x185: {  	[tilespmem:s24], [sflag:$0x2] =	stream.linear.gather [hbm4b:s19+s3], $0x1400, $0x38;
	[tilespmem:$0x1BA00] =	vst v63  }
0x186: {  	s25 =	simm.s32 $0x2900;
	s1 =	sadd.s32 s6, s1  }
0x187: {  	[tilespmem:s25], [sflag:$0x3] =	stream.linear.gather [hbm4b:s1+s3], $0x1400, $0x38;
	[tilespmem:$0x1BA00] =	vst v63  }
0x188: {  	_ =	swait.ge [sflag:s13], $0x1400  }
0x189: {  	[sflag:s13] =	ssyncset.done $0x0  }
0x18a: {  	[sflag:s13] =	ssyncadd.s32 $0xFFFFEC00  }
0x18b: {  	_ =	swait.ge [sflag:s14], $0x1400  }
0x18c: {  	[sflag:s14] =	ssyncset.done $0x0  }
0x18d: {  	[sflag:s14] =	ssyncadd.s32 $0xFFFFEC00  }
0x18e: {  	_ =	swait.ge [sflag:s15], $0x1400  }
0x18f: {  	[sflag:s15] =	ssyncset.done $0x0  }
0x190: {  	s12 =	simm.s32 $0x3F00;
	[sflag:s15] =	ssyncadd.s32 $0xFFFFEC00  }
0x191: {  	s31 =	smov.u32 s26;
	s26 =	simm.s32 $0x5300;
	v0 =	vld [tilespmem:s12+$0x80]  }
0x192: {  	s30 =	simm.s32 $0x6700;
	v1 =	vld [tilespmem:s26+$0x80]  }
0x193: {  	v2 =	vld [tilespmem:s30+$0x80]  }
0x194: {  	v3 =	vld [tilespmem:s12+$0xFFFFFF80]  }
0x195: {  	v4 =	vld [tilespmem:s12+$0x0]  }
0x196: {  	v5 =	vld [tilespmem:s12+$0xFFFFFF00]  }
0x197: {  	v6 =	vld [tilespmem:s30+$0xFFFFFF00]  }
0x198: {  	v7 =	vld [tilespmem:s30+$0xFFFFFF80]  }
0x199: {  	v9 =	vld [tilespmem:s26+$0x0]  }
0x19a: {  	v10 =	vld [tilespmem:s12+$0xFFFFFF20]  }
0x19b: {  	v12 =	vld [tilespmem:s12+$0x20]  }
0x19c: {  	s18 =	simm.s32 $0x4100;
	v14 =	vld [tilespmem:s12+$0x30]  }
0x19d: {  	s16 =	simm.s32 $0x5500;
	v29 =	vld [tilespmem:s18+$0x80]  }
0x19e: {  	s19 =	simm.s32 $0x6900;
	v15 =	vld [tilespmem:s16+$0x80]  }
0x19f: {  	v16 =	vld [tilespmem:s19+$0x80]  }
0x1a0: {  	v30 =	vld [tilespmem:s18+$0xFFFFFF80]  }
0x1a1: {  	v31 =	vld [tilespmem:s18+$0x0]  }
0x1a2: {  	v32 =	vld [tilespmem:s18+$0x90]  }
0x1a3: {  	v34 =	vld [tilespmem:s18+$0xFFFFFF10]  }
0x1a4: {  	v35 =	vld [tilespmem:s18+$0xFFFFFF90]  }
0x1a5: {  	v36 =	vld [tilespmem:s18+$0x10]  }
0x1a6: {  	v37 =	vld [tilespmem:s18+$0xFFFFFF20]  }
0x1a7: {  	v38 =	vld [tilespmem:s18+$0xFFFFFFA0]  }
0x1a8: {  	v39 =	vld [tilespmem:s18+$0x20]  }
0x1a9: {  	v42 =	vld [tilespmem:s18+$0xA0]  }
0x1aa: {  	v46 =	vld [tilespmem:s18+$0xFFFFFF30]  }
0x1ab: {  	v47 =	vld [tilespmem:s18+$0xFFFFFFB0];
	v0 =	vmul.f32 v1, v0  }
0x1ac: {  	v49 =	vld [tilespmem:s18+$0x30]  }
0x1ad: {  	v50 =	vld [tilespmem:s18+$0xFFFFFF40];
	v0 =	vadd.f32 v2, v0  }
0x1ae: {  	v1 =	vld [tilespmem:s26+$0xFFFFFF00]  }
0x1af: {  	v51 =	vld [tilespmem:s18+$0xFFFFFFC0];
	v0 =	vmax.f32 v0, $9.999999740e-06  }
0x1b0: {  	v2 =	vld [tilespmem:s26+$0xFFFFFF80];
	v0 =	vmul.f32 v0, v0  }
0x1b1: {  	v60 =	vld [tilespmem:s18+$0x40]  }
0x1b2: {  	[tilespmem:s12+$0x80] =	vst v0;
	v0 =	vld [tilespmem:s12+$0x90]  }
0x1b3: {  	v1 =	vmul.f32 v1, v5;
	v8 =	vld [tilespmem:s26+$0x90]  }
0x1b4: {  	v61 =	vld [tilespmem:s18+$0xFFFFFF50]  }
0x1b5: {  	v2 =	vmul.f32 v2, v3;
	v1 =	vadd.f32 v6, v1;
	v3 =	vld [tilespmem:s30+$0x90]  }
0x1b6: {  	v62 =	vld [tilespmem:s18+$0xFFFFFFD0]  }
0x1b7: {  	v5 =	vld [tilespmem:s30+$0x0];
	v2 =	vadd.f32 v7, v2;
	v1 =	vmax.f32 v1, $9.999999740e-06  }
0x1b8: {  	v63 =	vld [tilespmem:s18+$0x50];
	v1 =	vmul.f32 v1, v1;
	v0 =	vmul.f32 v8, v0  }
0x1b9: {  	v6 =	vld [tilespmem:s12+$0xFFFFFF10];
	v2 =	vmax.f32 v2, $9.999999740e-06  }
0x1ba: {  	v7 =	vld [tilespmem:s12+$0xFFFFFF90];
	v2 =	vmul.f32 v2, v2;
	[tilespmem:s12+$0xFFFFFF00] =	vst v1;
	v1 =	vmul.f32 v9, v4;
	v0 =	vadd.f32 v3, v0  }
0x1bb: {  	v4 =	vld [tilespmem:s26+$0xFFFFFF10]  }
0x1bc: {  	[tilespmem:s12+$0xFFFFFF80] =	vst v2;
	v1 =	vadd.f32 v5, v1;
	v5 =	vld [tilespmem:s30+$0xFFFFFF10];
	v0 =	vmax.f32 v0, $9.999999740e-06  }
0x1bd: {  	v2 =	vld [tilespmem:s26+$0xFFFFFF90];
	v0 =	vmul.f32 v0, v0  }
0x1be: {  	v9 =	vld [tilespmem:s30+$0xFFFFFF90]  }
0x1bf: {  	[tilespmem:s12+$0x90] =	vst v0;
	v0 =	vmax.f32 v1, $9.999999740e-06;
	v1 =	vld [tilespmem:s12+$0xA0]  }
0x1c0: {  	v0 =	vmul.f32 v0, v0;
	v11 =	vld [tilespmem:s26+$0xA0]  }
0x1c1: {  	v8 =	vld [tilespmem:s12+$0x10];
	v4 =	vmul.f32 v4, v6  }
0x1c2: {  	[tilespmem:s12+$0x0] =	vst v0;
	v0 =	vmul.f32 v2, v7;
	v2 =	vld [tilespmem:s30+$0xA0]  }
0x1c3: {  	v3 =	vld [tilespmem:s12+$0xFFFFFFA0];
	v4 =	vadd.f32 v5, v4  }
0x1c4: {  	v6 =	vld [tilespmem:s26+$0x10];
	v0 =	vadd.f32 v9, v0  }
0x1c5: {  	v4 =	vmax.f32 v4, $9.999999740e-06;
	v7 =	vld [tilespmem:s12+$0xFFFFFF30];
	v1 =	vmul.f32 v11, v1  }
0x1c6: {  	v4 =	vmul.f32 v4, v4;
	v5 =	vld [tilespmem:s30+$0x10];
	v0 =	vmax.f32 v0, $9.999999740e-06  }
0x1c7: {  	v9 =	vld [tilespmem:s12+$0xFFFFFFB0];
	v0 =	vmul.f32 v0, v0;
	v1 =	vadd.f32 v2, v1  }
0x1c8: {  	[tilespmem:s12+$0xFFFFFF10] =	vst v4;
	v11 =	vld [tilespmem:s12+$0xFFFFFF40]  }
0x1c9: {  	v4 =	vld [tilespmem:s26+$0xFFFFFF20];
	[tilespmem:s12+$0xFFFFFF90] =	vst v0;
	v0 =	vmax.f32 v1, $9.999999740e-06;
	v1 =	vmul.f32 v6, v8  }
0x1ca: {  	v8 =	vld [tilespmem:s30+$0xFFFFFF20]  }
0x1cb: {  	v6 =	vld [tilespmem:s26+$0xFFFFFFA0];
	v0 =	vmul.f32 v0, v0;
	v1 =	vadd.f32 v5, v1  }
0x1cc: {  	v5 =	vld [tilespmem:s30+$0xFFFFFFA0]  }
0x1cd: {  	[tilespmem:s12+$0xA0] =	vst v0;
	v0 =	vld [tilespmem:s12+$0xB0];
	v1 =	vmax.f32 v1, $9.999999740e-06  }
0x1ce: {  	v4 =	vmul.f32 v4, v10;
	v13 =	vld [tilespmem:s26+$0xB0];
	v1 =	vmul.f32 v1, v1  }
0x1cf: {  	v2 =	vld [tilespmem:s12+$0xFFFFFFC0]  }
0x1d0: {  	v3 =	vmul.f32 v6, v3;
	v6 =	vld [tilespmem:s30+$0xB0];
	[tilespmem:s12+$0x10] =	vst v1;
	v1 =	vadd.f32 v8, v4  }
0x1d1: {  	v10 =	vld [tilespmem:s12+$0xFFFFFF50]  }
0x1d2: {  	v4 =	vld [tilespmem:s26+$0x20];
	v3 =	vadd.f32 v5, v3;
	v1 =	vmax.f32 v1, $9.999999740e-06  }
0x1d3: {  	v8 =	vld [tilespmem:s12+$0x40];
	v0 =	vmul.f32 v13, v0;
	v1 =	vmul.f32 v1, v1  }
0x1d4: {  	v5 =	vld [tilespmem:s30+$0x20];
	v3 =	vmax.f32 v3, $9.999999740e-06  }
0x1d5: {  	v3 =	vmul.f32 v3, v3;
	v0 =	vadd.f32 v6, v0;
	v6 =	vld [tilespmem:s12+$0xFFFFFFD0];
	[tilespmem:s12+$0xFFFFFF20] =	vst v1  }
0x1d6: {  	v1 =	vld [tilespmem:s26+$0xFFFFFF30]  }
0x1d7: {  	[tilespmem:s12+$0xFFFFFFA0] =	vst v3;
	v0 =	vmax.f32 v0, $9.999999740e-06;
	v3 =	vmul.f32 v4, v12;
	v17 =	vld [tilespmem:s30+$0xFFFFFF30]  }
0x1d8: {  	v4 =	vld [tilespmem:s26+$0xFFFFFFB0];
	v0 =	vmul.f32 v0, v0  }
0x1d9: {  	v3 =	vadd.f32 v5, v3;
	v5 =	vld [tilespmem:s30+$0xFFFFFFB0]  }
0x1da: {  	v12 =	vmul.f32 v15, v29;
	[tilespmem:s12+$0xB0] =	vst v0;
	v0 =	vld [tilespmem:s12+$0xC0]  }
0x1db: {  	v18 =	vmax.f32 v3, $9.999999740e-06;
	v3 =	vld [tilespmem:s12+$0x50]  }
0x1dc: {  	v12 =	vadd.f32 v16, v12;
	v1 =	vmul.f32 v1, v7;
	v7 =	vld [tilespmem:s26+$0xC0]  }
0x1dd: {  	v13 =	vmul.f32 v18, v18;
	v18 =	vld [tilespmem:s16+$0xFFFFFF80]  }
0x1de: {  	v12 =	vmax.f32 v12, $9.999999740e-06;
	v4 =	vmul.f32 v4, v9;
	v9 =	vld [tilespmem:s30+$0xC0]  }
0x1df: {  	v12 =	vmul.f32 v12, v12;
	v1 =	vadd.f32 v17, v1;
	[tilespmem:s12+$0x20] =	vst v13;
	v17 =	vld [tilespmem:s16+$0xFFFFFF00]  }
0x1e0: {  	v4 =	vadd.f32 v5, v4;
	v5 =	vld [tilespmem:s26+$0x30]  }
0x1e1: {  	[tilespmem:s18+$0x80] =	vst v12;
	v19 =	vld [tilespmem:s30+$0x30]  }
0x1e2: {  	v33 =	vld [tilespmem:s19+$0x90];
	v1 =	vmax.f32 v1, $9.999999740e-06  }
0x1e3: {  	v20 =	vmul.f32 v1, v1;
	v1 =	vld [tilespmem:s12+$0xFFFFFF60]  }
0x1e4: {  	v4 =	vmax.f32 v4, $9.999999740e-06;
	v7 =	vmul.f32 v7, v0;
	v0 =	vld [tilespmem:s12+$0xFFFFFFE0]  }
0x1e5: {  	v4 =	vmul.f32 v4, v4;
	[tilespmem:s12+$0xFFFFFF30] =	vst v20;
	v20 =	vld [tilespmem:s18+$0xFFFFFF00]  }
0x1e6: {  	v7 =	vadd.f32 v9, v7;
	v9 =	vld [tilespmem:s26+$0xFFFFFF40]  }
0x1e7: {  	[tilespmem:s12+$0xFFFFFFB0] =	vst v4;
	v4 =	vmul.f32 v5, v14;
	v13 =	vld [tilespmem:s30+$0xFFFFFF40]  }
0x1e8: {  	v5 =	vld [tilespmem:s26+$0xFFFFFFC0];
	v7 =	vmax.f32 v7, $9.999999740e-06  }
0x1e9: {  	v21 =	vld [tilespmem:s30+$0xFFFFFFC0];
	v7 =	vmul.f32 v7, v7;
	v4 =	vadd.f32 v19, v4  }
0x1ea: {  	v19 =	vld [tilespmem:s16+$0x0]  }
0x1eb: {  	[tilespmem:s12+$0xC0] =	vst v7;
	v4 =	vmax.f32 v4, $9.999999740e-06;
	v7 =	vld [tilespmem:s12+$0xD0]  }
0x1ec: {  	v9 =	vmul.f32 v9, v11;
	v4 =	vmul.f32 v4, v4;
	v11 =	vld [tilespmem:s26+$0xD0]  }
0x1ed: {  	v22 =	vld [tilespmem:s30+$0xD0]  }
0x1ee: {  	v5 =	vmul.f32 v5, v2;
	v2 =	vld [tilespmem:s12+$0x60];
	[tilespmem:s12+$0x30] =	vst v4  }
0x1ef: {  	v9 =	vadd.f32 v13, v9;
	v23 =	vld [tilespmem:s26+$0x40]  }
0x1f0: {  	v4 =	vadd.f32 v21, v5;
	v21 =	vld [tilespmem:s19+$0xFFFFFF00]  }
0x1f1: {  	v5 =	vmax.f32 v9, $9.999999740e-06;
	v9 =	vld [tilespmem:s30+$0x40]  }
0x1f2: {  	v24 =	vmul.f32 v5, v5;
	v4 =	vmax.f32 v4, $9.999999740e-06;
	v7 =	vmul.f32 v11, v7;
	v5 =	vld [tilespmem:s12+$0xFFFFFF70]  }
0x1f3: {  	v11 =	vmul.f32 v4, v4;
	v4 =	vld [tilespmem:s12+$0xFFFFFFF0]  }
0x1f4: {  	v7 =	vadd.f32 v22, v7;
	v22 =	vld [tilespmem:s19+$0xFFFFFF80]  }
0x1f5: {  	[tilespmem:s12+$0xFFFFFF40] =	vst v24;
	v24 =	vld [tilespmem:s19+$0x0]  }
0x1f6: {  	v17 =	vmul.f32 v17, v20;
	v25 =	vld [tilespmem:s26+$0xFFFFFF50]  }
0x1f7: {  	[tilespmem:s12+$0xFFFFFFC0] =	vst v11;
	v8 =	vmul.f32 v23, v8;
	v23 =	vld [tilespmem:s16+$0x90]  }
0x1f8: {  	v17 =	vadd.f32 v21, v17;
	v11 =	vld [tilespmem:s26+$0xFFFFFFD0];
	v7 =	vmax.f32 v7, $9.999999740e-06  }
0x1f9: {  	v15 =	vmul.f32 v18, v30;
	v26 =	vld [tilespmem:s30+$0xFFFFFF50];
	v7 =	vmul.f32 v7, v7;
	v8 =	vadd.f32 v9, v8  }
0x1fa: {  	v16 =	vmul.f32 v19, v31;
	v27 =	vld [tilespmem:s30+$0xFFFFFFD0];
	v17 =	vmax.f32 v17, $9.999999740e-06  }
0x1fb: {  	v9 =	vld [tilespmem:s12+$0xE0];
	v17 =	vmul.f32 v17, v17;
	[tilespmem:s12+$0xD0] =	vst v7;
	v8 =	vmax.f32 v8, $9.999999740e-06;
	v15 =	vadd.f32 v22, v15  }
0x1fc: {  	v7 =	vmul.f32 v25, v10;
	v8 =	vmul.f32 v8, v8;
	v10 =	vld [tilespmem:s26+$0xE0]  }
0x1fd: {  	v12 =	vmul.f32 v23, v32;
	[tilespmem:s18+$0xFFFFFF00] =	vst v17;
	v6 =	vmul.f32 v11, v6;
	v11 =	vld [tilespmem:s30+$0xE0];
	v15 =	vmax.f32 v15, $9.999999740e-06  }
0x1fe: {  	v16 =	vadd.f32 v24, v16;
	v40 =	vld [tilespmem:s16+$0xFFFFFF10];
	v15 =	vmul.f32 v15, v15  }
0x1ff: {  	v41 =	vld [tilespmem:s19+$0xFFFFFF10];
	[tilespmem:s12+$0x40] =	vst v8;
	v12 =	vadd.f32 v33, v12  }
0x200: {  	v16 =	vmax.f32 v16, $9.999999740e-06;
	v14 =	vld [tilespmem:s26+$0x50];
	[tilespmem:s18+$0xFFFFFF80] =	vst v15  }
0x201: {  	v16 =	vmul.f32 v16, v16;
	v12 =	vmax.f32 v12, $9.999999740e-06;
	v15 =	vld [tilespmem:s16+$0xFFFFFF90]  }
0x202: {  	v13 =	vld [tilespmem:s30+$0x50];
	v12 =	vmul.f32 v12, v12  }
0x203: {  	v7 =	vadd.f32 v26, v7;
	[tilespmem:s18+$0x0] =	vst v16;
	v25 =	vld [tilespmem:s19+$0xFFFFFF90]  }
0x204: {  	v26 =	vld [tilespmem:s16+$0x10];
	[tilespmem:s18+$0x90] =	vst v12  }
0x205: {  	v6 =	vadd.f32 v27, v6;
	v7 =	vmax.f32 v7, $9.999999740e-06;
	v18 =	vmul.f32 v40, v34;
	v43 =	vld [tilespmem:s16+$0xA0]  }
0x206: {  	v7 =	vmul.f32 v7, v7;
	v45 =	vld [tilespmem:s19+$0x10];
	v15 =	vmul.f32 v15, v35  }
0x207: {  	v6 =	vmax.f32 v6, $9.999999740e-06;
	v44 =	vld [tilespmem:s19+$0xA0];
	v18 =	vadd.f32 v41, v18  }
0x208: {  	v28 =	vmul.f32 v6, v6;
	v6 =	vld [tilespmem:s12+$0x70];
	[tilespmem:s12+$0xFFFFFF50] =	vst v7;
	v15 =	vadd.f32 v25, v15  }
0x209: {  	v9 =	vmul.f32 v10, v9;
	v8 =	vld [tilespmem:s26+$0xFFFFFF60];
	v18 =	vmax.f32 v18, $9.999999740e-06  }
0x20a: {  	v10 =	vld [tilespmem:s30+$0xFFFFFF60];
	v48 =	vmul.f32 v18, v18;
	v12 =	vmul.f32 v43, v42;
	v15 =	vmax.f32 v15, $9.999999740e-06  }
0x20b: {  	[tilespmem:s12+$0xFFFFFFD0] =	vst v28;
	v28 =	vld [tilespmem:s18+$0xB0];
	v22 =	vmul.f32 v26, v36;
	v15 =	vmul.f32 v15, v15  }
0x20c: {  	v7 =	vadd.f32 v11, v9;
	v9 =	vld [tilespmem:s26+$0xFFFFFFE0];
	[tilespmem:s18+$0xFFFFFF10] =	vst v48;
	v12 =	vadd.f32 v44, v12  }
0x20d: {  	v52 =	vadd.f32 v45, v22;
	v53 =	vld [tilespmem:s16+$0xFFFFFF20];
	[tilespmem:s18+$0xFFFFFF90] =	vst v15  }
0x20e: {  	v12 =	vmax.f32 v12, $9.999999740e-06;
	v15 =	vld [tilespmem:s16+$0xFFFFFFA0]  }
0x20f: {  	v20 =	vmax.f32 v52, $9.999999740e-06;
	v54 =	vld [tilespmem:s19+$0xFFFFFF20];
	v12 =	vmul.f32 v12, v12  }
0x210: {  	v20 =	vmul.f32 v20, v20;
	v27 =	vld [tilespmem:s19+$0xFFFFFFA0]  }
0x211: {  	v11 =	vld [tilespmem:s30+$0xFFFFFFE0];
	[tilespmem:s18+$0xA0] =	vst v12  }
0x212: {  	[tilespmem:s18+$0x10] =	vst v20;
	v21 =	vmul.f32 v53, v37;
	v55 =	vld [tilespmem:s16+$0xB0]  }
0x213: {  	v56 =	vld [tilespmem:s16+$0x20];
	v15 =	vmul.f32 v15, v38  }
0x214: {  	v7 =	vmax.f32 v7, $9.999999740e-06;
	v57 =	vld [tilespmem:s19+$0xB0];
	v21 =	vadd.f32 v54, v21  }
0x215: {  	v7 =	vmul.f32 v7, v7;
	v59 =	vld [tilespmem:s19+$0x20];
	v15 =	vadd.f32 v27, v15  }
0x216: {  	v35 =	vld [tilespmem:s18+$0xC0];
	v21 =	vmax.f32 v21, $9.999999740e-06  }
0x217: {  	[tilespmem:s12+$0xE0] =	vst v7;
	v7 =	vld [tilespmem:s12+$0xF0];
	v21 =	vmul.f32 v21, v21;
	v20 =	vmul.f32 v55, v28;
	v15 =	vmax.f32 v15, $9.999999740e-06  }
0x218: {  	v58 =	vld [tilespmem:s26+$0xF0];
	v17 =	vmul.f32 v56, v39;
	v15 =	vmul.f32 v15, v15  }
0x219: {  	v3 =	vmul.f32 v14, v3;
	v41 =	vld [tilespmem:s30+$0xF0];
	[tilespmem:s18+$0xFFFFFF20] =	vst v21;
	v19 =	vadd.f32 v57, v20  }
0x21a: {  	v30 =	vadd.f32 v59, v17;
	v29 =	vld [tilespmem:s16+$0xFFFFFF30];
	[tilespmem:s18+$0xFFFFFFA0] =	vst v15  }
0x21b: {  	v3 =	vadd.f32 v13, v3;
	v31 =	vmax.f32 v19, $9.999999740e-06;
	v32 =	vld [tilespmem:s16+$0xFFFFFFB0]  }
0x21c: {  	v33 =	vld [tilespmem:s19+$0xFFFFFF30];
	v15 =	vmax.f32 v30, $9.999999740e-06;
	v17 =	vmul.f32 v31, v31  }
0x21d: {  	v3 =	vmax.f32 v3, $9.999999740e-06;
	v34 =	vld [tilespmem:s19+$0xFFFFFFB0];
	v15 =	vmul.f32 v15, v15  }
0x21e: {  	v3 =	vmul.f32 v3, v3;
	v42 =	vld [tilespmem:s18+$0xFFFFFF60];
	[tilespmem:s18+$0xB0] =	vst v17  }
0x21f: {  	v14 =	vmul.f32 v29, v46;
	[tilespmem:s18+$0x20] =	vst v15;
	v36 =	vld [tilespmem:s16+$0xC0]  }
0x220: {  	[tilespmem:s12+$0x50] =	vst v3;
	v37 =	vld [tilespmem:s16+$0x30];
	v3 =	vmul.f32 v32, v47  }
0x221: {  	v38 =	vld [tilespmem:s19+$0xC0];
	v13 =	vadd.f32 v33, v14  }
0x222: {  	v40 =	vld [tilespmem:s19+$0x30];
	v3 =	vadd.f32 v34, v3  }
0x223: {  	v1 =	vmul.f32 v8, v1;
	v39 =	vld [tilespmem:s26+$0x60];
	v13 =	vmax.f32 v13, $9.999999740e-06  }
0x224: {  	v43 =	vld [tilespmem:s18+$0xFFFFFFE0];
	v13 =	vmul.f32 v13, v13;
	v15 =	vmul.f32 v36, v35;
	v3 =	vmax.f32 v3, $9.999999740e-06  }
0x225: {  	v1 =	vadd.f32 v10, v1;
	v48 =	vld [tilespmem:s30+$0x60];
	v18 =	vmul.f32 v37, v49;
	v44 =	vmul.f32 v3, v3  }
0x226: {  	v10 =	vld [tilespmem:s18+$0xD0];
	[tilespmem:s18+$0xFFFFFF30] =	vst v13;
	v15 =	vadd.f32 v38, v15  }
0x227: {  	v1 =	vmax.f32 v1, $9.999999740e-06;
	v13 =	vld [tilespmem:s16+$0xFFFFFF40];
	v14 =	vadd.f32 v40, v18;
	[tilespmem:s18+$0xFFFFFFB0] =	vst v44  }
0x228: {  	v1 =	vmul.f32 v1, v1;
	v2 =	vmul.f32 v39, v2;
	v15 =	vmax.f32 v15, $9.999999740e-06;
	v45 =	vld [tilespmem:s16+$0xFFFFFFC0]  }
0x229: {  	v0 =	vmul.f32 v9, v0;
	v8 =	vld [tilespmem:s19+$0xFFFFFF40];
	v14 =	vmax.f32 v14, $9.999999740e-06;
	v15 =	vmul.f32 v15, v15  }
0x22a: {  	[tilespmem:s12+$0xFFFFFF60] =	vst v1;
	v2 =	vadd.f32 v48, v2;
	v9 =	vld [tilespmem:s19+$0xFFFFFFC0];
	v14 =	vmul.f32 v14, v14  }
0x22b: {  	v0 =	vadd.f32 v11, v0;
	v57 =	vld [tilespmem:s30+$0xFFFFFF70];
	[tilespmem:s18+$0xC0] =	vst v15  }
0x22c: {  	v2 =	vmax.f32 v2, $9.999999740e-06;
	v13 =	vmul.f32 v13, v50;
	[tilespmem:s18+$0x30] =	vst v14;
	v11 =	vld [tilespmem:s16+$0xD0]  }
0x22d: {  	v0 =	vmax.f32 v0, $9.999999740e-06;
	v2 =	vmul.f32 v2, v2;
	v14 =	vld [tilespmem:s16+$0x40];
	v46 =	vmul.f32 v45, v51  }
0x22e: {  	v0 =	vmul.f32 v0, v0;
	v47 =	vld [tilespmem:s19+$0xD0];
	v8 =	vadd.f32 v8, v13  }
0x22f: {  	[tilespmem:s12+$0x60] =	vst v2;
	v1 =	vadd.f32 v9, v46;
	v9 =	vld [tilespmem:s19+$0x40]  }
0x230: {  	[tilespmem:s12+$0xFFFFFFE0] =	vst v0;
	v54 =	vld [tilespmem:s26+$0x70];
	v0 =	vmax.f32 v8, $9.999999740e-06  }
0x231: {  	v49 =	vld [tilespmem:s26+$0xFFFFFF70];
	v0 =	vmul.f32 v0, v0;
	v8 =	vmul.f32 v11, v10  }
0x232: {  	v3 =	vld [tilespmem:s18+$0x60];
	v14 =	vmul.f32 v14, v60;
	v11 =	vmax.f32 v1, $9.999999740e-06  }
0x233: {  	v10 =	vld [tilespmem:s26+$0xFFFFFFF0];
	[tilespmem:s18+$0xFFFFFF40] =	vst v0;
	v8 =	vadd.f32 v47, v8;
	v11 =	vmul.f32 v11, v11  }
0x234: {  	v50 =	vld [tilespmem:s16+$0xFFFFFF50];
	v9 =	vadd.f32 v9, v14  }
0x235: {  	v51 =	vld [tilespmem:s19+$0xFFFFFF50];
	[tilespmem:s18+$0xFFFFFFC0] =	vst v11;
	v8 =	vmax.f32 v8, $9.999999740e-06  }
0x236: {  	v11 =	vld [tilespmem:s16+$0xFFFFFFD0];
	v8 =	vmul.f32 v8, v8;
	v9 =	vmax.f32 v9, $9.999999740e-06  }
0x237: {  	v52 =	vld [tilespmem:s19+$0xFFFFFFD0];
	v9 =	vmul.f32 v9, v9  }
0x238: {  	[tilespmem:s18+$0xD0] =	vst v8;
	v8 =	vld [tilespmem:s18+$0xE0]  }
0x239: {  	[tilespmem:s18+$0x40] =	vst v9;
	v9 =	vld [tilespmem:s16+$0xE0]  }
0x23a: {  	v16 =	vmul.f32 v50, v61;
	v53 =	vld [tilespmem:s16+$0x50]  }
0x23b: {  	v2 =	vmul.f32 v11, v62;
	v11 =	vld [tilespmem:s19+$0xE0]  }
0x23c: {  	v0 =	vld [tilespmem:s18+$0xFFFFFFF0];
	v13 =	vadd.f32 v51, v16  }
0x23d: {  	v55 =	vld [tilespmem:s19+$0x50];
	v14 =	vadd.f32 v52, v2  }
0x23e: {  	v1 =	vld [tilespmem:s18+$0xFFFFFF70];
	v13 =	vmax.f32 v13, $9.999999740e-06;
	v8 =	vmul.f32 v9, v8  }
0x23f: {  	v7 =	vmul.f32 v58, v7;
	v2 =	vld [tilespmem:s18+$0x70];
	v9 =	vmul.f32 v13, v13;
	v56 =	vmax.f32 v14, $9.999999740e-06  }
0x240: {  	v18 =	vmul.f32 v53, v63;
	v13 =	vmul.f32 v56, v56;
	v8 =	vadd.f32 v11, v8;
	v11 =	vld [tilespmem:s30+$0xFFFFFFF0]  }
0x241: {  	[tilespmem:s18+$0xFFFFFF50] =	vst v9;
	v9 =	vld [tilespmem:s30+$0x70]  }
0x242: {  	v7 =	vadd.f32 v41, v7;
	v5 =	vmul.f32 v49, v5;
	[tilespmem:s18+$0xFFFFFFD0] =	vst v13;
	v58 =	vadd.f32 v55, v18;
	v59 =	vld [tilespmem:s16+$0xFFFFFF60]  }
0x243: {  	v6 =	vmul.f32 v54, v6;
	v4 =	vmul.f32 v10, v4;
	v8 =	vmax.f32 v8, $9.999999740e-06;
	v10 =	vld [tilespmem:s16+$0xFFFFFFE0]  }
0x244: {  	v5 =	vadd.f32 v57, v5;
	v60 =	vld [tilespmem:s19+$0xFFFFFF60];
	v8 =	vmul.f32 v8, v8;
	v12 =	vmax.f32 v58, $9.999999740e-06  }
0x245: {  	v7 =	vmax.f32 v7, $9.999999740e-06;
	v61 =	vld [tilespmem:s19+$0xFFFFFFE0];
	v12 =	vmul.f32 v12, v12;
	v11 =	vadd.f32 v11, v4  }
0x246: {  	v7 =	vmul.f32 v7, v7;
	v5 =	vmax.f32 v5, $9.999999740e-06;
	[tilespmem:s18+$0xE0] =	vst v8;
	v4 =	vld [tilespmem:s18+$0xF0];
	v9 =	vadd.f32 v9, v6  }
0x247: {  	v62 =	vmul.f32 v5, v5;
	v13 =	vmul.f32 v59, v42;
	[tilespmem:s18+$0x50] =	vst v12;
	v6 =	vld [tilespmem:s16+$0xF0];
	v5 =	vmax.f32 v11, $9.999999740e-06  }
0x248: {  	[tilespmem:s12+$0xF0] =	vst v7;
	v10 =	vmul.f32 v10, v43;
	v8 =	vld [tilespmem:s16+$0x60];
	v7 =	vmax.f32 v9, $9.999999740e-06;
	v63 =	vmul.f32 v5, v5  }
0x249: {  	s24 =	simm.s32 $0x6900;
	[tilespmem:s12+$0xFFFFFF70] =	vst v62;
	v5 =	vld [tilespmem:s19+$0xF0];
	v11 =	vadd.f32 v60, v13;
	v7 =	vmul.f32 v7, v7  }
0x24a: {  	s25 =	simm.s32 $0x4;
	s1 =	simm.s32 $0x4300;
	s30 =	simm.s32 $0x5500;
	v9 =	vld [tilespmem:s19+$0x60];
	v10 =	vadd.f32 v61, v10;
	[tilespmem:s12+$0xFFFFFFF0] =	vst v63  }
.LBB2_5:
0x24b: {  	v12 =	vld [tilespmem:s1+$0x80];
	v11 =	vmax.f32 v11, $9.999999740e-06;
	s16 =	sadd.s32 $0x200, s16;
	[tilespmem:s12+$0x70] =	vst v7;
	s12 =	smov.u32 s18;
	s18 =	smov.u32 s1  }
0x24c: {  	s25 =	sadd.s32 $0x4, s25;
	v7 =	vld [tilespmem:s16+$0x80];
	v11 =	vmul.f32 v11, v11;
	v10 =	vmax.f32 v10, $9.999999740e-06;
	v4 =	vmul.f32 v6, v4  }
0x24d: {  	s19 =	sadd.s32 $0x200, s19;
	p0 =	slt.u32 s25, $0x24;
	v6 =	vld [tilespmem:s16+$0xFFFFFF00];
	v10 =	vmul.f32 v10, v10;
	v3 =	vmul.f32 v8, v3  }
0x24e: {  	v8 =	vld [tilespmem:s19+$0x80];
	[tilespmem:s12+$0xFFFFFF60] =	vst v11;
	v4 =	vadd.f32 v5, v4  }
0x24f: {  	v5 =	vld [tilespmem:s1+$0xFFFFFF80];
	[tilespmem:s12+$0xFFFFFFE0] =	vst v10;
	v3 =	vadd.f32 v9, v3  }
0x250: {  	v9 =	vld [tilespmem:s16+$0xFFFFFF80];
	v4 =	vmax.f32 v4, $9.999999740e-06  }
0x251: {  	v10 =	vld [tilespmem:s1+$0x0];
	v7 =	vmul.f32 v7, v12;
	v3 =	vmax.f32 v3, $9.999999740e-06;
	v4 =	vmul.f32 v4, v4  }
0x252: {  	v11 =	vld [tilespmem:s16+$0x0];
	v3 =	vmul.f32 v3, v3  }
0x253: {  	v12 =	vld [tilespmem:s1+$0xFFFFFF00];
	v7 =	vadd.f32 v8, v7;
	[tilespmem:s12+$0xF0] =	vst v4  }
0x254: {  	v4 =	vld [tilespmem:s19+$0xFFFFFF00];
	[tilespmem:s12+$0x60] =	vst v3  }
0x255: {  	v3 =	vld [tilespmem:s19+$0xFFFFFF80];
	v5 =	vmul.f32 v9, v5;
	v7 =	vmax.f32 v7, $9.999999740e-06  }
0x256: {  	v8 =	vld [tilespmem:s19+$0x0];
	v7 =	vmul.f32 v7, v7  }
0x257: {  	v9 =	vld [tilespmem:s1+$0xFFFFFF10];
	v10 =	vmul.f32 v11, v10  }
0x258: {  	v6 =	vmul.f32 v6, v12;
	[tilespmem:s1+$0x80] =	vst v7;
	v7 =	vld [tilespmem:s1+$0x90]  }
0x259: {  	v11 =	vld [tilespmem:s16+$0x90]  }
0x25a: {  	v4 =	vadd.f32 v4, v6;
	v3 =	vadd.f32 v3, v5;
	v5 =	vld [tilespmem:s1+$0xFFFFFF90]  }
0x25b: {  	v6 =	vadd.f32 v8, v10;
	v8 =	vld [tilespmem:s19+$0x90]  }
0x25c: {  	v4 =	vmax.f32 v4, $9.999999740e-06;
	v3 =	vmax.f32 v3, $9.999999740e-06;
	v10 =	vld [tilespmem:s1+$0x10]  }
0x25d: {  	v4 =	vmul.f32 v4, v4;
	v12 =	vld [tilespmem:s1+$0xFFFFFF20];
	v3 =	vmul.f32 v3, v3;
	v6 =	vmax.f32 v6, $9.999999740e-06  }
0x25e: {  	v13 =	vld [tilespmem:s1+$0xFFFFFFA0];
	v6 =	vmul.f32 v6, v6;
	v7 =	vmul.f32 v11, v7  }
0x25f: {  	[tilespmem:s1+$0xFFFFFF00] =	vst v4;
	v4 =	vld [tilespmem:s1+$0x20]  }
0x260: {  	v11 =	vld [tilespmem:s16+$0xFFFFFF10];
	[tilespmem:s1+$0xFFFFFF80] =	vst v3;
	v3 =	vadd.f32 v8, v7  }
0x261: {  	v7 =	vld [tilespmem:s16+$0xFFFFFF90];
	[tilespmem:s1+$0x0] =	vst v6  }
0x262: {  	v6 =	vld [tilespmem:s16+$0x10];
	v3 =	vmax.f32 v3, $9.999999740e-06  }
0x263: {  	v8 =	vld [tilespmem:s19+$0xFFFFFF10];
	v3 =	vmul.f32 v3, v3  }
0x264: {  	v14 =	vld [tilespmem:s19+$0xFFFFFF90]  }
0x265: {  	v9 =	vmul.f32 v11, v9;
	[tilespmem:s1+$0x90] =	vst v3;
	v3 =	vld [tilespmem:s1+$0xA0]  }
0x266: {  	v5 =	vmul.f32 v7, v5;
	v7 =	vld [tilespmem:s16+$0xA0]  }
0x267: {  	v11 =	vld [tilespmem:s19+$0x10];
	v6 =	vmul.f32 v6, v10  }
0x268: {  	v8 =	vadd.f32 v8, v9;
	v9 =	vld [tilespmem:s19+$0xA0]  }
0x269: {  	v10 =	vld [tilespmem:s1+$0xFFFFFF30];
	v5 =	vadd.f32 v14, v5  }
0x26a: {  	v8 =	vmax.f32 v8, $9.999999740e-06;
	v14 =	vld [tilespmem:s1+$0xFFFFFFB0]  }
0x26b: {  	v8 =	vmul.f32 v8, v8;
	v5 =	vmax.f32 v5, $9.999999740e-06;
	v15 =	vld [tilespmem:s1+$0x30];
	v3 =	vmul.f32 v7, v3  }
0x26c: {  	v7 =	vld [tilespmem:s1+$0xFFFFFF40];
	v5 =	vmul.f32 v5, v5;
	v6 =	vadd.f32 v11, v6  }
0x26d: {  	[tilespmem:s1+$0xFFFFFF10] =	vst v8;
	v8 =	vld [tilespmem:s1+$0xFFFFFFC0];
	v3 =	vadd.f32 v9, v3  }
0x26e: {  	v9 =	vld [tilespmem:s16+$0xFFFFFF20];
	[tilespmem:s1+$0xFFFFFF90] =	vst v5;
	v5 =	vmax.f32 v6, $9.999999740e-06  }
0x26f: {  	v6 =	vld [tilespmem:s16+$0xFFFFFFA0];
	v5 =	vmul.f32 v5, v5;
	v3 =	vmax.f32 v3, $9.999999740e-06  }
0x270: {  	v11 =	vld [tilespmem:s19+$0xFFFFFF20];
	v3 =	vmul.f32 v3, v3  }
0x271: {  	v16 =	vld [tilespmem:s19+$0xFFFFFFA0];
	[tilespmem:s1+$0x10] =	vst v5  }
0x272: {  	[tilespmem:s1+$0xA0] =	vst v3;
	v3 =	vld [tilespmem:s1+$0xB0]  }
0x273: {  	v5 =	vmul.f32 v9, v12;
	v9 =	vld [tilespmem:s16+$0xB0]  }
0x274: {  	v6 =	vmul.f32 v6, v13;
	v12 =	vld [tilespmem:s16+$0x20]  }
0x275: {  	v5 =	vadd.f32 v11, v5;
	v11 =	vld [tilespmem:s19+$0xB0]  }
0x276: {  	v6 =	vadd.f32 v16, v6;
	v13 =	vld [tilespmem:s19+$0x20]  }
0x277: {  	v5 =	vmax.f32 v5, $9.999999740e-06;
	v16 =	vld [tilespmem:s1+$0x40]  }
0x278: {  	v5 =	vmul.f32 v5, v5;
	v17 =	vld [tilespmem:s1+$0xFFFFFF50];
	v6 =	vmax.f32 v6, $9.999999740e-06;
	v3 =	vmul.f32 v9, v3  }
0x279: {  	v6 =	vmul.f32 v6, v6;
	v9 =	vld [tilespmem:s1+$0xFFFFFFD0];
	v12 =	vmul.f32 v12, v4  }
0x27a: {  	[tilespmem:s1+$0xFFFFFF20] =	vst v5;
	v4 =	vld [tilespmem:s1+$0x50];
	v3 =	vadd.f32 v11, v3  }
0x27b: {  	v5 =	vld [tilespmem:s16+$0xFFFFFF30];
	[tilespmem:s1+$0xFFFFFFA0] =	vst v6;
	v6 =	vadd.f32 v13, v12  }
0x27c: {  	v11 =	vld [tilespmem:s16+$0xFFFFFFB0];
	v3 =	vmax.f32 v3, $9.999999740e-06  }
0x27d: {  	v12 =	vld [tilespmem:s19+$0xFFFFFF30];
	v6 =	vmax.f32 v6, $9.999999740e-06;
	v3 =	vmul.f32 v3, v3  }
0x27e: {  	v13 =	vld [tilespmem:s19+$0xFFFFFFB0];
	v6 =	vmul.f32 v6, v6  }
0x27f: {  	[tilespmem:s1+$0xB0] =	vst v3;
	v3 =	vld [tilespmem:s1+$0xC0]  }
0x280: {  	v5 =	vmul.f32 v5, v10;
	[tilespmem:s1+$0x20] =	vst v6;
	v10 =	vld [tilespmem:s16+$0xC0]  }
0x281: {  	v6 =	vmul.f32 v11, v14;
	v11 =	vld [tilespmem:s16+$0x30]  }
0x282: {  	v5 =	vadd.f32 v12, v5;
	v12 =	vld [tilespmem:s19+$0xC0]  }
0x283: {  	v13 =	vadd.f32 v13, v6;
	v14 =	vld [tilespmem:s19+$0x30]  }
0x284: {  	v5 =	vmax.f32 v5, $9.999999740e-06;
	v6 =	vld [tilespmem:s1+$0xFFFFFF60]  }
0x285: {  	v18 =	vmul.f32 v5, v5;
	v13 =	vmax.f32 v13, $9.999999740e-06;
	v5 =	vld [tilespmem:s1+$0xFFFFFFE0];
	v10 =	vmul.f32 v10, v3  }
0x286: {  	v13 =	vmul.f32 v13, v13;
	v11 =	vmul.f32 v11, v15;
	v3 =	vld [tilespmem:s1+$0x60]  }
0x287: {  	[tilespmem:s1+$0xFFFFFF30] =	vst v18;
	v10 =	vadd.f32 v12, v10;
	v12 =	vld [tilespmem:s30+$0xFFFFFF70]  }
0x288: {  	v15 =	vld [tilespmem:s16+$0xFFFFFF40];
	[tilespmem:s1+$0xFFFFFFB0] =	vst v13;
	v11 =	vadd.f32 v14, v11  }
0x289: {  	v13 =	vld [tilespmem:s16+$0xFFFFFFC0];
	v10 =	vmax.f32 v10, $9.999999740e-06  }
0x28a: {  	v14 =	vld [tilespmem:s19+$0xFFFFFF40];
	v11 =	vmax.f32 v11, $9.999999740e-06;
	v10 =	vmul.f32 v10, v10  }
0x28b: {  	v18 =	vld [tilespmem:s19+$0xFFFFFFC0];
	v11 =	vmul.f32 v11, v11  }
0x28c: {  	[tilespmem:s1+$0xC0] =	vst v10;
	v10 =	vld [tilespmem:s1+$0xD0];
	v12 =	vmul.f32 v12, v1  }
0x28d: {  	v1 =	vmul.f32 v15, v7;
	[tilespmem:s1+$0x30] =	vst v11;
	v7 =	vld [tilespmem:s16+$0xD0]  }
0x28e: {  	v8 =	vmul.f32 v13, v8;
	v11 =	vld [tilespmem:s16+$0x40]  }
0x28f: {  	v1 =	vadd.f32 v14, v1;
	v13 =	vld [tilespmem:s19+$0xD0]  }
0x290: {  	v8 =	vadd.f32 v18, v8;
	v14 =	vld [tilespmem:s19+$0x40]  }
0x291: {  	v1 =	vmax.f32 v1, $9.999999740e-06;
	v15 =	vld [tilespmem:s30+$0xFFFFFFF0]  }
0x292: {  	v18 =	vmul.f32 v1, v1;
	v8 =	vmax.f32 v8, $9.999999740e-06;
	v7 =	vmul.f32 v7, v10;
	v10 =	vld [tilespmem:s30+$0x70];
	s30 =	smov.u32 s16  }
0x293: {  	v1 =	vld [tilespmem:s1+$0xFFFFFF70];
	v8 =	vmul.f32 v8, v8;
	v11 =	vmul.f32 v11, v16  }
0x294: {  	[tilespmem:s1+$0xFFFFFF40] =	vst v18;
	v16 =	vld [tilespmem:s1+$0xFFFFFFF0];
	v7 =	vadd.f32 v13, v7  }
0x295: {  	v13 =	vld [tilespmem:s16+$0xFFFFFF50];
	[tilespmem:s1+$0xFFFFFFC0] =	vst v8;
	v8 =	vadd.f32 v14, v11  }
0x296: {  	v11 =	vld [tilespmem:s16+$0xFFFFFFD0];
	v7 =	vmax.f32 v7, $9.999999740e-06;
	v14 =	vmul.f32 v15, v0  }
0x297: {  	v15 =	vld [tilespmem:s19+$0xFFFFFF50];
	v18 =	vmax.f32 v8, $9.999999740e-06;
	v7 =	vmul.f32 v7, v7;
	v8 =	vmul.f32 v10, v2  }
0x298: {  	v2 =	vld [tilespmem:s19+$0xFFFFFFD0];
	v10 =	vmul.f32 v18, v18  }
0x299: {  	[tilespmem:s1+$0xD0] =	vst v7;
	v7 =	vld [tilespmem:s1+$0xE0];
	v0 =	vmov v16  }
0x29a: {  	v13 =	vmul.f32 v13, v17;
	[tilespmem:s1+$0x40] =	vst v10;
	v10 =	vld [tilespmem:s16+$0xE0]  }
0x29b: {  	v9 =	vmul.f32 v11, v9;
	v11 =	vld [tilespmem:s16+$0x50]  }
0x29c: {  	v13 =	vadd.f32 v15, v13;
	v15 =	vld [tilespmem:s19+$0xE0]  }
0x29d: {  	v9 =	vadd.f32 v2, v9;
	v16 =	vld [tilespmem:s19+$0x50]  }
0x29e: {  	v13 =	vmax.f32 v13, $9.999999740e-06;
	v2 =	vld [tilespmem:s1+$0x70]  }
0x29f: {  	v13 =	vmul.f32 v13, v13;
	v9 =	vmax.f32 v9, $9.999999740e-06;
	v7 =	vmul.f32 v10, v7;
	v10 =	vld [tilespmem:s24+$0xFFFFFF70]  }
0x2a0: {  	v9 =	vmul.f32 v9, v9;
	v4 =	vmul.f32 v11, v4;
	v11 =	vld [tilespmem:s24+$0xFFFFFFF0]  }
0x2a1: {  	[tilespmem:s1+$0xFFFFFF50] =	vst v13;
	v7 =	vadd.f32 v15, v7;
	v13 =	vld [tilespmem:s24+$0x70];
	s24 =	smov.u32 s19  }
0x2a2: {  	v15 =	vld [tilespmem:s16+$0xFFFFFF60];
	[tilespmem:s1+$0xFFFFFFD0] =	vst v9;
	v4 =	vadd.f32 v16, v4  }
0x2a3: {  	v9 =	vld [tilespmem:s16+$0xFFFFFFE0];
	v7 =	vmax.f32 v7, $9.999999740e-06  }
0x2a4: {  	v16 =	vld [tilespmem:s19+$0xFFFFFF60];
	v4 =	vmax.f32 v4, $9.999999740e-06;
	v7 =	vmul.f32 v7, v7;
	v10 =	vadd.f32 v10, v12  }
0x2a5: {  	v12 =	vld [tilespmem:s19+$0xFFFFFFE0];
	v17 =	vmul.f32 v4, v4;
	v11 =	vadd.f32 v11, v14  }
.Ltmp1:
0x2a6: {  	[tilespmem:s1+$0xE0] =	vst v7;
	v4 =	vld [tilespmem:s1+$0xF0];
	v7 =	vmax.f32 v10, $9.999999740e-06;
	v10 =	vadd.f32 v13, v8;
	(pc) =	sbr.rel @p0 .LBB2_5-.Ltmp1, $4  }
0x2a7: {  	v13 =	vmul.f32 v15, v6;
	[tilespmem:s1+$0x50] =	vst v17;
	v6 =	vld [tilespmem:s16+$0xF0];
	v7 =	vmul.f32 v7, v7;
	v11 =	vmax.f32 v11, $9.999999740e-06  }
0x2a8: {  	v9 =	vmul.f32 v9, v5;
	v8 =	vld [tilespmem:s16+$0x60];
	v14 =	vmul.f32 v11, v11;
	v10 =	vmax.f32 v10, $9.999999740e-06  }
0x2a9: {  	v11 =	vadd.f32 v16, v13;
	v5 =	vld [tilespmem:s19+$0xF0];
	[tilespmem:s12+$0xFFFFFF70] =	vst v7;
	v7 =	vmul.f32 v10, v10  }
0x2aa: {  	s1 =	sadd.s32 $0x200, s1;
	v10 =	vadd.f32 v12, v9;
	v9 =	vld [tilespmem:s19+$0x60];
	[tilespmem:s12+$0xFFFFFFF0] =	vst v14  }
0x2ab: {  	_ =	sdelay $0x1  }
0x2ac: {  	v3 =	vmul.f32 v8, v3  }
0x2ad: {  	v55 =	vmax.f32 v11, $9.999999740e-06  }
0x2ae: {  	v8 =	vmul.f32 v55, v55;
	v3 =	vadd.f32 v9, v3  }
0x2af: {  	v56 =	vmax.f32 v10, $9.999999740e-06  }
0x2b0: {  	v9 =	vmul.f32 v56, v56;
	[tilespmem:s18+$0xFFFFFF60] =	vst v8;
	v3 =	vmax.f32 v3, $9.999999740e-06  }
0x2b1: {  	v8 =	vld [tilespmem:s30+$0xFFFFFF70];
	v3 =	vmul.f32 v3, v3  }
0x2b2: {  	v59 =	vld [tilespmem:s24+$0xFFFFFF70];
	[tilespmem:s18+$0xFFFFFFE0] =	vst v9  }
0x2b3: {  	v57 =	vld [tilespmem:s30+$0xFFFFFFF0];
	[tilespmem:s18+$0x60] =	vst v3  }
0x2b4: {  	v58 =	vld [tilespmem:s30+$0x70]  }
0x2b5: {  	v60 =	vld [tilespmem:s24+$0xFFFFFFF0]  }
0x2b6: {  	v4 =	vmul.f32 v6, v4;
	v61 =	vld [tilespmem:s24+$0x70]  }
0x2b7: {  	v1 =	vmul.f32 v8, v1  }
0x2b8: {  	v4 =	vadd.f32 v5, v4;
	v0 =	vmul.f32 v57, v0  }
0x2b9: {  	v1 =	vadd.f32 v59, v1;
	v2 =	vmul.f32 v58, v2  }
0x2ba: {  	v62 =	vmax.f32 v4, $9.999999740e-06;
	v0 =	vadd.f32 v60, v0  }
0x2bb: {  	v3 =	vmul.f32 v62, v62;
	v1 =	vmax.f32 v1, $9.999999740e-06;
	v2 =	vadd.f32 v61, v2  }
0x2bc: {  	[tilespmem:s12+$0x70] =	vst v7;
	v1 =	vmul.f32 v1, v1;
	v0 =	vmax.f32 v0, $9.999999740e-06  }
0x2bd: {  	[tilespmem:s18+$0xF0] =	vst v3;
	v0 =	vmul.f32 v0, v0;
	v2 =	vmax.f32 v2, $9.999999740e-06  }
0x2be: {  	s17 =	sadd.s32 $0x1, s17;
	[tilespmem:s18+$0xFFFFFF70] =	vst v1;
	v63 =	vmul.f32 v2, v2  }
0x2bf: {  	p0 =	sne.s32 s17, $0x3E;
	[tilespmem:s18+$0xFFFFFFF0] =	vst v0  }
.Ltmp2:
0x2c0: {  	[tilespmem:s18+$0x70] =	vst v63;
	(pc) =	sbr.rel @p0 .LBB2_2-.Ltmp2, $4  }
0x2c1: {  	[spmem:s2] =	stream.indirect.scatter.add.f32 [tilespmem:s29], [sflag:$0x7], $0x80, s28, s22, $0xb8;
	[tilespmem:$0x1BA00] =	vst v63  }
0x2c2: {  	_ =	swait.ge [sflag:s20], $0x1400  }
0x2c3: {  	[sflag:s20] =	ssyncset.done $0x0  }
0x2c4: {  	[sflag:s20] =	ssyncadd.s32 $0xFFFFEC00  }
0x2c5: {  	_ =	swait.ge [sflag:s0], $0x1400  }
0x2c6: {  	[sflag:s0] =	ssyncset.done $0x0  }
0x2c7: {  	[sflag:s0] =	ssyncadd.s32 $0xFFFFEC00  }
0x2c8: {  	_ =	swait.ge [sflag:s4], $0x1400  }
0x2c9: {  	[sflag:s4] =	ssyncset.done $0x0  }
0x2ca: {  	[sflag:s4] =	ssyncadd.s32 $0xFFFFEC00  }
0x2cb: {  	_ =	swait.ge [sflag:s11], $0x1400  }
0x2cc: {  	[sflag:s11] =	ssyncset.done $0x0  }
0x2cd: {  	s12 =	simm.s32 $0x200;
	[sflag:s11] =	ssyncadd.s32 $0xFFFFEC00  }
0x2ce: {  	s24 =	simm.s32 $0x1600;
	v0 =	vld [tilespmem:s12+$0x80]  }
0x2cf: {  	s19 =	simm.s32 $0x2A00;
	v1 =	vld [tilespmem:s24+$0x80]  }
0x2d0: {  	v2 =	vld [tilespmem:s19+$0x80]  }
0x2d1: {  	v3 =	vld [tilespmem:s12+$0xFFFFFF80]  }
0x2d2: {  	v4 =	vld [tilespmem:s12+$0x0]  }
0x2d3: {  	v5 =	vld [tilespmem:s12+$0xFFFFFF00]  }
0x2d4: {  	v6 =	vld [tilespmem:s19+$0xFFFFFF00]  }
0x2d5: {  	v7 =	vld [tilespmem:s19+$0xFFFFFF80]  }
0x2d6: {  	v9 =	vld [tilespmem:s24+$0x0]  }
0x2d7: {  	v10 =	vld [tilespmem:s12+$0xFFFFFF20]  }
0x2d8: {  	v12 =	vld [tilespmem:s12+$0x20]  }
0x2d9: {  	s17 =	simm.s32 $0x400;
	v14 =	vld [tilespmem:s12+$0x30]  }
0x2da: {  	s16 =	simm.s32 $0x1800;
	v29 =	vld [tilespmem:s17+$0x80]  }
0x2db: {  	s18 =	simm.s32 $0x2C00;
	v15 =	vld [tilespmem:s16+$0x80]  }
0x2dc: {  	v16 =	vld [tilespmem:s18+$0x80]  }
0x2dd: {  	v30 =	vld [tilespmem:s17+$0xFFFFFF80]  }
0x2de: {  	v31 =	vld [tilespmem:s17+$0x0]  }
0x2df: {  	v32 =	vld [tilespmem:s17+$0x90]  }
0x2e0: {  	v34 =	vld [tilespmem:s17+$0xFFFFFF10]  }
0x2e1: {  	v35 =	vld [tilespmem:s17+$0xFFFFFF90]  }
0x2e2: {  	v36 =	vld [tilespmem:s17+$0x10]  }
0x2e3: {  	v37 =	vld [tilespmem:s17+$0xFFFFFF20]  }
0x2e4: {  	v38 =	vld [tilespmem:s17+$0xFFFFFFA0]  }
0x2e5: {  	v39 =	vld [tilespmem:s17+$0x20]  }
0x2e6: {  	v42 =	vld [tilespmem:s17+$0xA0]  }
0x2e7: {  	v46 =	vld [tilespmem:s17+$0xFFFFFF30]  }
0x2e8: {  	v47 =	vld [tilespmem:s17+$0xFFFFFFB0];
	v0 =	vmul.f32 v1, v0  }
0x2e9: {  	v49 =	vld [tilespmem:s17+$0x30]  }
0x2ea: {  	v50 =	vld [tilespmem:s17+$0xFFFFFF40];
	v0 =	vadd.f32 v2, v0  }
0x2eb: {  	v1 =	vld [tilespmem:s24+$0xFFFFFF00]  }
0x2ec: {  	v51 =	vld [tilespmem:s17+$0xFFFFFFC0];
	v0 =	vmax.f32 v0, $9.999999740e-06  }
0x2ed: {  	v2 =	vld [tilespmem:s24+$0xFFFFFF80];
	v0 =	vmul.f32 v0, v0  }
0x2ee: {  	v60 =	vld [tilespmem:s17+$0x40]  }
0x2ef: {  	[tilespmem:s12+$0x80] =	vst v0;
	v0 =	vld [tilespmem:s12+$0x90]  }
0x2f0: {  	v1 =	vmul.f32 v1, v5;
	v8 =	vld [tilespmem:s24+$0x90]  }
0x2f1: {  	v61 =	vld [tilespmem:s17+$0xFFFFFF50]  }
0x2f2: {  	v2 =	vmul.f32 v2, v3;
	v1 =	vadd.f32 v6, v1;
	v3 =	vld [tilespmem:s19+$0x90]  }
0x2f3: {  	v62 =	vld [tilespmem:s17+$0xFFFFFFD0]  }
0x2f4: {  	v5 =	vld [tilespmem:s19+$0x0];
	v2 =	vadd.f32 v7, v2;
	v1 =	vmax.f32 v1, $9.999999740e-06  }
0x2f5: {  	v63 =	vld [tilespmem:s17+$0x50];
	v1 =	vmul.f32 v1, v1;
	v0 =	vmul.f32 v8, v0  }
0x2f6: {  	v6 =	vld [tilespmem:s12+$0xFFFFFF10];
	v2 =	vmax.f32 v2, $9.999999740e-06  }
0x2f7: {  	v7 =	vld [tilespmem:s12+$0xFFFFFF90];
	v2 =	vmul.f32 v2, v2;
	[tilespmem:s12+$0xFFFFFF00] =	vst v1;
	v1 =	vmul.f32 v9, v4;
	v0 =	vadd.f32 v3, v0  }
0x2f8: {  	v4 =	vld [tilespmem:s24+$0xFFFFFF10]  }
0x2f9: {  	[tilespmem:s12+$0xFFFFFF80] =	vst v2;
	v1 =	vadd.f32 v5, v1;
	v5 =	vld [tilespmem:s19+$0xFFFFFF10];
	v0 =	vmax.f32 v0, $9.999999740e-06  }
0x2fa: {  	v2 =	vld [tilespmem:s24+$0xFFFFFF90];
	v0 =	vmul.f32 v0, v0  }
0x2fb: {  	v9 =	vld [tilespmem:s19+$0xFFFFFF90]  }
0x2fc: {  	[tilespmem:s12+$0x90] =	vst v0;
	v0 =	vmax.f32 v1, $9.999999740e-06;
	v1 =	vld [tilespmem:s12+$0xA0]  }
0x2fd: {  	v0 =	vmul.f32 v0, v0;
	v11 =	vld [tilespmem:s24+$0xA0]  }
0x2fe: {  	v8 =	vld [tilespmem:s12+$0x10];
	v4 =	vmul.f32 v4, v6  }
0x2ff: {  	[tilespmem:s12+$0x0] =	vst v0;
	v0 =	vmul.f32 v2, v7;
	v2 =	vld [tilespmem:s19+$0xA0]  }
0x300: {  	v3 =	vld [tilespmem:s12+$0xFFFFFFA0];
	v4 =	vadd.f32 v5, v4  }
0x301: {  	v6 =	vld [tilespmem:s24+$0x10];
	v0 =	vadd.f32 v9, v0  }
0x302: {  	v4 =	vmax.f32 v4, $9.999999740e-06;
	v7 =	vld [tilespmem:s12+$0xFFFFFF30];
	v1 =	vmul.f32 v11, v1  }
0x303: {  	v4 =	vmul.f32 v4, v4;
	v5 =	vld [tilespmem:s19+$0x10];
	v0 =	vmax.f32 v0, $9.999999740e-06  }
0x304: {  	v9 =	vld [tilespmem:s12+$0xFFFFFFB0];
	v0 =	vmul.f32 v0, v0;
	v1 =	vadd.f32 v2, v1  }
0x305: {  	[tilespmem:s12+$0xFFFFFF10] =	vst v4;
	v11 =	vld [tilespmem:s12+$0xFFFFFF40]  }
0x306: {  	v4 =	vld [tilespmem:s24+$0xFFFFFF20];
	[tilespmem:s12+$0xFFFFFF90] =	vst v0;
	v0 =	vmax.f32 v1, $9.999999740e-06;
	v1 =	vmul.f32 v6, v8  }
0x307: {  	v8 =	vld [tilespmem:s19+$0xFFFFFF20]  }
0x308: {  	v6 =	vld [tilespmem:s24+$0xFFFFFFA0];
	v0 =	vmul.f32 v0, v0;
	v1 =	vadd.f32 v5, v1  }
0x309: {  	v5 =	vld [tilespmem:s19+$0xFFFFFFA0]  }
0x30a: {  	[tilespmem:s12+$0xA0] =	vst v0;
	v0 =	vld [tilespmem:s12+$0xB0];
	v1 =	vmax.f32 v1, $9.999999740e-06  }
0x30b: {  	v4 =	vmul.f32 v4, v10;
	v13 =	vld [tilespmem:s24+$0xB0];
	v1 =	vmul.f32 v1, v1  }
0x30c: {  	v2 =	vld [tilespmem:s12+$0xFFFFFFC0]  }
0x30d: {  	v3 =	vmul.f32 v6, v3;
	v6 =	vld [tilespmem:s19+$0xB0];
	[tilespmem:s12+$0x10] =	vst v1;
	v1 =	vadd.f32 v8, v4  }
0x30e: {  	v10 =	vld [tilespmem:s12+$0xFFFFFF50]  }
0x30f: {  	v4 =	vld [tilespmem:s24+$0x20];
	v3 =	vadd.f32 v5, v3;
	v1 =	vmax.f32 v1, $9.999999740e-06  }
0x310: {  	v8 =	vld [tilespmem:s12+$0x40];
	v0 =	vmul.f32 v13, v0;
	v1 =	vmul.f32 v1, v1  }
0x311: {  	v5 =	vld [tilespmem:s19+$0x20];
	v3 =	vmax.f32 v3, $9.999999740e-06  }
0x312: {  	v3 =	vmul.f32 v3, v3;
	v0 =	vadd.f32 v6, v0;
	v6 =	vld [tilespmem:s12+$0xFFFFFFD0];
	[tilespmem:s12+$0xFFFFFF20] =	vst v1  }
0x313: {  	v1 =	vld [tilespmem:s24+$0xFFFFFF30]  }
0x314: {  	[tilespmem:s12+$0xFFFFFFA0] =	vst v3;
	v0 =	vmax.f32 v0, $9.999999740e-06;
	v3 =	vmul.f32 v4, v12;
	v17 =	vld [tilespmem:s19+$0xFFFFFF30]  }
0x315: {  	v4 =	vld [tilespmem:s24+$0xFFFFFFB0];
	v0 =	vmul.f32 v0, v0  }
0x316: {  	v3 =	vadd.f32 v5, v3;
	v5 =	vld [tilespmem:s19+$0xFFFFFFB0]  }
0x317: {  	v12 =	vmul.f32 v15, v29;
	[tilespmem:s12+$0xB0] =	vst v0;
	v0 =	vld [tilespmem:s12+$0xC0]  }
0x318: {  	v18 =	vmax.f32 v3, $9.999999740e-06;
	v3 =	vld [tilespmem:s12+$0x50]  }
0x319: {  	v12 =	vadd.f32 v16, v12;
	v1 =	vmul.f32 v1, v7;
	v7 =	vld [tilespmem:s24+$0xC0]  }
0x31a: {  	v13 =	vmul.f32 v18, v18;
	v18 =	vld [tilespmem:s16+$0xFFFFFF80]  }
0x31b: {  	v12 =	vmax.f32 v12, $9.999999740e-06;
	v4 =	vmul.f32 v4, v9;
	v9 =	vld [tilespmem:s19+$0xC0]  }
0x31c: {  	v12 =	vmul.f32 v12, v12;
	v1 =	vadd.f32 v17, v1;
	[tilespmem:s12+$0x20] =	vst v13;
	v17 =	vld [tilespmem:s16+$0xFFFFFF00]  }
0x31d: {  	v4 =	vadd.f32 v5, v4;
	v5 =	vld [tilespmem:s24+$0x30]  }
0x31e: {  	[tilespmem:s17+$0x80] =	vst v12;
	v19 =	vld [tilespmem:s19+$0x30]  }
0x31f: {  	v33 =	vld [tilespmem:s18+$0x90];
	v1 =	vmax.f32 v1, $9.999999740e-06  }
0x320: {  	v20 =	vmul.f32 v1, v1;
	v1 =	vld [tilespmem:s12+$0xFFFFFF60]  }
0x321: {  	v4 =	vmax.f32 v4, $9.999999740e-06;
	v7 =	vmul.f32 v7, v0;
	v0 =	vld [tilespmem:s12+$0xFFFFFFE0]  }
0x322: {  	v4 =	vmul.f32 v4, v4;
	[tilespmem:s12+$0xFFFFFF30] =	vst v20;
	v20 =	vld [tilespmem:s17+$0xFFFFFF00]  }
0x323: {  	v7 =	vadd.f32 v9, v7;
	v9 =	vld [tilespmem:s24+$0xFFFFFF40]  }
0x324: {  	[tilespmem:s12+$0xFFFFFFB0] =	vst v4;
	v4 =	vmul.f32 v5, v14;
	v13 =	vld [tilespmem:s19+$0xFFFFFF40]  }
0x325: {  	v5 =	vld [tilespmem:s24+$0xFFFFFFC0];
	v7 =	vmax.f32 v7, $9.999999740e-06  }
0x326: {  	v21 =	vld [tilespmem:s19+$0xFFFFFFC0];
	v7 =	vmul.f32 v7, v7;
	v4 =	vadd.f32 v19, v4  }
0x327: {  	v19 =	vld [tilespmem:s16+$0x0]  }
0x328: {  	[tilespmem:s12+$0xC0] =	vst v7;
	v4 =	vmax.f32 v4, $9.999999740e-06;
	v7 =	vld [tilespmem:s12+$0xD0]  }
0x329: {  	v9 =	vmul.f32 v9, v11;
	v4 =	vmul.f32 v4, v4;
	v11 =	vld [tilespmem:s24+$0xD0]  }
0x32a: {  	v22 =	vld [tilespmem:s19+$0xD0]  }
0x32b: {  	v5 =	vmul.f32 v5, v2;
	v2 =	vld [tilespmem:s12+$0x60];
	[tilespmem:s12+$0x30] =	vst v4  }
0x32c: {  	v9 =	vadd.f32 v13, v9;
	v23 =	vld [tilespmem:s24+$0x40]  }
0x32d: {  	v4 =	vadd.f32 v21, v5;
	v21 =	vld [tilespmem:s18+$0xFFFFFF00]  }
0x32e: {  	v5 =	vmax.f32 v9, $9.999999740e-06;
	v9 =	vld [tilespmem:s19+$0x40]  }
0x32f: {  	v24 =	vmul.f32 v5, v5;
	v4 =	vmax.f32 v4, $9.999999740e-06;
	v7 =	vmul.f32 v11, v7;
	v5 =	vld [tilespmem:s12+$0xFFFFFF70]  }
0x330: {  	v11 =	vmul.f32 v4, v4;
	v4 =	vld [tilespmem:s12+$0xFFFFFFF0]  }
0x331: {  	v7 =	vadd.f32 v22, v7;
	v22 =	vld [tilespmem:s18+$0xFFFFFF80]  }
0x332: {  	[tilespmem:s12+$0xFFFFFF40] =	vst v24;
	v24 =	vld [tilespmem:s18+$0x0]  }
0x333: {  	v17 =	vmul.f32 v17, v20;
	v25 =	vld [tilespmem:s24+$0xFFFFFF50]  }
0x334: {  	[tilespmem:s12+$0xFFFFFFC0] =	vst v11;
	v8 =	vmul.f32 v23, v8;
	v23 =	vld [tilespmem:s16+$0x90]  }
0x335: {  	v17 =	vadd.f32 v21, v17;
	v11 =	vld [tilespmem:s24+$0xFFFFFFD0];
	v7 =	vmax.f32 v7, $9.999999740e-06  }
0x336: {  	v15 =	vmul.f32 v18, v30;
	v26 =	vld [tilespmem:s19+$0xFFFFFF50];
	v7 =	vmul.f32 v7, v7;
	v8 =	vadd.f32 v9, v8  }
0x337: {  	v16 =	vmul.f32 v19, v31;
	v27 =	vld [tilespmem:s19+$0xFFFFFFD0];
	v17 =	vmax.f32 v17, $9.999999740e-06  }
0x338: {  	v9 =	vld [tilespmem:s12+$0xE0];
	v17 =	vmul.f32 v17, v17;
	[tilespmem:s12+$0xD0] =	vst v7;
	v8 =	vmax.f32 v8, $9.999999740e-06;
	v15 =	vadd.f32 v22, v15  }
0x339: {  	v7 =	vmul.f32 v25, v10;
	v8 =	vmul.f32 v8, v8;
	v10 =	vld [tilespmem:s24+$0xE0]  }
0x33a: {  	v12 =	vmul.f32 v23, v32;
	[tilespmem:s17+$0xFFFFFF00] =	vst v17;
	v6 =	vmul.f32 v11, v6;
	v11 =	vld [tilespmem:s19+$0xE0];
	v15 =	vmax.f32 v15, $9.999999740e-06  }
0x33b: {  	v16 =	vadd.f32 v24, v16;
	v40 =	vld [tilespmem:s16+$0xFFFFFF10];
	v15 =	vmul.f32 v15, v15  }
0x33c: {  	v41 =	vld [tilespmem:s18+$0xFFFFFF10];
	[tilespmem:s12+$0x40] =	vst v8;
	v12 =	vadd.f32 v33, v12  }
0x33d: {  	v16 =	vmax.f32 v16, $9.999999740e-06;
	v14 =	vld [tilespmem:s24+$0x50];
	[tilespmem:s17+$0xFFFFFF80] =	vst v15  }
0x33e: {  	v16 =	vmul.f32 v16, v16;
	v12 =	vmax.f32 v12, $9.999999740e-06;
	v15 =	vld [tilespmem:s16+$0xFFFFFF90]  }
0x33f: {  	v13 =	vld [tilespmem:s19+$0x50];
	v12 =	vmul.f32 v12, v12  }
0x340: {  	v7 =	vadd.f32 v26, v7;
	[tilespmem:s17+$0x0] =	vst v16;
	v25 =	vld [tilespmem:s18+$0xFFFFFF90]  }
0x341: {  	v26 =	vld [tilespmem:s16+$0x10];
	[tilespmem:s17+$0x90] =	vst v12  }
0x342: {  	v6 =	vadd.f32 v27, v6;
	v7 =	vmax.f32 v7, $9.999999740e-06;
	v18 =	vmul.f32 v40, v34;
	v43 =	vld [tilespmem:s16+$0xA0]  }
0x343: {  	v7 =	vmul.f32 v7, v7;
	v45 =	vld [tilespmem:s18+$0x10];
	v15 =	vmul.f32 v15, v35  }
0x344: {  	v6 =	vmax.f32 v6, $9.999999740e-06;
	v44 =	vld [tilespmem:s18+$0xA0];
	v18 =	vadd.f32 v41, v18  }
0x345: {  	v28 =	vmul.f32 v6, v6;
	v6 =	vld [tilespmem:s12+$0x70];
	[tilespmem:s12+$0xFFFFFF50] =	vst v7;
	v15 =	vadd.f32 v25, v15  }
0x346: {  	v9 =	vmul.f32 v10, v9;
	v8 =	vld [tilespmem:s24+$0xFFFFFF60];
	v18 =	vmax.f32 v18, $9.999999740e-06  }
0x347: {  	v10 =	vld [tilespmem:s19+$0xFFFFFF60];
	v48 =	vmul.f32 v18, v18;
	v12 =	vmul.f32 v43, v42;
	v15 =	vmax.f32 v15, $9.999999740e-06  }
0x348: {  	[tilespmem:s12+$0xFFFFFFD0] =	vst v28;
	v28 =	vld [tilespmem:s17+$0xB0];
	v22 =	vmul.f32 v26, v36;
	v15 =	vmul.f32 v15, v15  }
0x349: {  	v7 =	vadd.f32 v11, v9;
	v9 =	vld [tilespmem:s24+$0xFFFFFFE0];
	[tilespmem:s17+$0xFFFFFF10] =	vst v48;
	v12 =	vadd.f32 v44, v12  }
0x34a: {  	v52 =	vadd.f32 v45, v22;
	v53 =	vld [tilespmem:s16+$0xFFFFFF20];
	[tilespmem:s17+$0xFFFFFF90] =	vst v15  }
0x34b: {  	v12 =	vmax.f32 v12, $9.999999740e-06;
	v15 =	vld [tilespmem:s16+$0xFFFFFFA0]  }
0x34c: {  	v20 =	vmax.f32 v52, $9.999999740e-06;
	v54 =	vld [tilespmem:s18+$0xFFFFFF20];
	v12 =	vmul.f32 v12, v12  }
0x34d: {  	v20 =	vmul.f32 v20, v20;
	v27 =	vld [tilespmem:s18+$0xFFFFFFA0]  }
0x34e: {  	v11 =	vld [tilespmem:s19+$0xFFFFFFE0];
	[tilespmem:s17+$0xA0] =	vst v12  }
0x34f: {  	[tilespmem:s17+$0x10] =	vst v20;
	v21 =	vmul.f32 v53, v37;
	v55 =	vld [tilespmem:s16+$0xB0]  }
0x350: {  	v56 =	vld [tilespmem:s16+$0x20];
	v15 =	vmul.f32 v15, v38  }
0x351: {  	v7 =	vmax.f32 v7, $9.999999740e-06;
	v57 =	vld [tilespmem:s18+$0xB0];
	v21 =	vadd.f32 v54, v21  }
0x352: {  	v7 =	vmul.f32 v7, v7;
	v59 =	vld [tilespmem:s18+$0x20];
	v15 =	vadd.f32 v27, v15  }
0x353: {  	v35 =	vld [tilespmem:s17+$0xC0];
	v21 =	vmax.f32 v21, $9.999999740e-06  }
0x354: {  	[tilespmem:s12+$0xE0] =	vst v7;
	v7 =	vld [tilespmem:s12+$0xF0];
	v21 =	vmul.f32 v21, v21;
	v20 =	vmul.f32 v55, v28;
	v15 =	vmax.f32 v15, $9.999999740e-06  }
0x355: {  	v58 =	vld [tilespmem:s24+$0xF0];
	v17 =	vmul.f32 v56, v39;
	v15 =	vmul.f32 v15, v15  }
0x356: {  	v3 =	vmul.f32 v14, v3;
	v41 =	vld [tilespmem:s19+$0xF0];
	[tilespmem:s17+$0xFFFFFF20] =	vst v21;
	v19 =	vadd.f32 v57, v20  }
0x357: {  	v30 =	vadd.f32 v59, v17;
	v29 =	vld [tilespmem:s16+$0xFFFFFF30];
	[tilespmem:s17+$0xFFFFFFA0] =	vst v15  }
0x358: {  	v3 =	vadd.f32 v13, v3;
	v31 =	vmax.f32 v19, $9.999999740e-06;
	v32 =	vld [tilespmem:s16+$0xFFFFFFB0]  }
0x359: {  	v33 =	vld [tilespmem:s18+$0xFFFFFF30];
	v15 =	vmax.f32 v30, $9.999999740e-06;
	v17 =	vmul.f32 v31, v31  }
0x35a: {  	v3 =	vmax.f32 v3, $9.999999740e-06;
	v34 =	vld [tilespmem:s18+$0xFFFFFFB0];
	v15 =	vmul.f32 v15, v15  }
0x35b: {  	v3 =	vmul.f32 v3, v3;
	v42 =	vld [tilespmem:s17+$0xFFFFFF60];
	[tilespmem:s17+$0xB0] =	vst v17  }
0x35c: {  	v14 =	vmul.f32 v29, v46;
	[tilespmem:s17+$0x20] =	vst v15;
	v36 =	vld [tilespmem:s16+$0xC0]  }
0x35d: {  	[tilespmem:s12+$0x50] =	vst v3;
	v37 =	vld [tilespmem:s16+$0x30];
	v3 =	vmul.f32 v32, v47  }
0x35e: {  	v38 =	vld [tilespmem:s18+$0xC0];
	v13 =	vadd.f32 v33, v14  }
0x35f: {  	v40 =	vld [tilespmem:s18+$0x30];
	v3 =	vadd.f32 v34, v3  }
0x360: {  	v1 =	vmul.f32 v8, v1;
	v39 =	vld [tilespmem:s24+$0x60];
	v13 =	vmax.f32 v13, $9.999999740e-06  }
0x361: {  	v43 =	vld [tilespmem:s17+$0xFFFFFFE0];
	v13 =	vmul.f32 v13, v13;
	v15 =	vmul.f32 v36, v35;
	v3 =	vmax.f32 v3, $9.999999740e-06  }
0x362: {  	v1 =	vadd.f32 v10, v1;
	v48 =	vld [tilespmem:s19+$0x60];
	v18 =	vmul.f32 v37, v49;
	v44 =	vmul.f32 v3, v3  }
0x363: {  	v10 =	vld [tilespmem:s17+$0xD0];
	[tilespmem:s17+$0xFFFFFF30] =	vst v13;
	v15 =	vadd.f32 v38, v15  }
0x364: {  	v1 =	vmax.f32 v1, $9.999999740e-06;
	v13 =	vld [tilespmem:s16+$0xFFFFFF40];
	v14 =	vadd.f32 v40, v18;
	[tilespmem:s17+$0xFFFFFFB0] =	vst v44  }
0x365: {  	v1 =	vmul.f32 v1, v1;
	v2 =	vmul.f32 v39, v2;
	v15 =	vmax.f32 v15, $9.999999740e-06;
	v45 =	vld [tilespmem:s16+$0xFFFFFFC0]  }
0x366: {  	v0 =	vmul.f32 v9, v0;
	v8 =	vld [tilespmem:s18+$0xFFFFFF40];
	v14 =	vmax.f32 v14, $9.999999740e-06;
	v15 =	vmul.f32 v15, v15  }
0x367: {  	[tilespmem:s12+$0xFFFFFF60] =	vst v1;
	v2 =	vadd.f32 v48, v2;
	v9 =	vld [tilespmem:s18+$0xFFFFFFC0];
	v14 =	vmul.f32 v14, v14  }
0x368: {  	v0 =	vadd.f32 v11, v0;
	v57 =	vld [tilespmem:s19+$0xFFFFFF70];
	[tilespmem:s17+$0xC0] =	vst v15  }
0x369: {  	v2 =	vmax.f32 v2, $9.999999740e-06;
	v13 =	vmul.f32 v13, v50;
	[tilespmem:s17+$0x30] =	vst v14;
	v11 =	vld [tilespmem:s16+$0xD0]  }
0x36a: {  	v0 =	vmax.f32 v0, $9.999999740e-06;
	v2 =	vmul.f32 v2, v2;
	v14 =	vld [tilespmem:s16+$0x40];
	v46 =	vmul.f32 v45, v51  }
0x36b: {  	v0 =	vmul.f32 v0, v0;
	v47 =	vld [tilespmem:s18+$0xD0];
	v8 =	vadd.f32 v8, v13  }
0x36c: {  	[tilespmem:s12+$0x60] =	vst v2;
	v1 =	vadd.f32 v9, v46;
	v9 =	vld [tilespmem:s18+$0x40]  }
0x36d: {  	[tilespmem:s12+$0xFFFFFFE0] =	vst v0;
	v54 =	vld [tilespmem:s24+$0x70];
	v0 =	vmax.f32 v8, $9.999999740e-06  }
0x36e: {  	v49 =	vld [tilespmem:s24+$0xFFFFFF70];
	v0 =	vmul.f32 v0, v0;
	v8 =	vmul.f32 v11, v10  }
0x36f: {  	v3 =	vld [tilespmem:s17+$0x60];
	v14 =	vmul.f32 v14, v60;
	v11 =	vmax.f32 v1, $9.999999740e-06  }
0x370: {  	v10 =	vld [tilespmem:s24+$0xFFFFFFF0];
	[tilespmem:s17+$0xFFFFFF40] =	vst v0;
	v8 =	vadd.f32 v47, v8;
	v11 =	vmul.f32 v11, v11  }
0x371: {  	v50 =	vld [tilespmem:s16+$0xFFFFFF50];
	v9 =	vadd.f32 v9, v14  }
0x372: {  	v51 =	vld [tilespmem:s18+$0xFFFFFF50];
	[tilespmem:s17+$0xFFFFFFC0] =	vst v11;
	v8 =	vmax.f32 v8, $9.999999740e-06  }
0x373: {  	v11 =	vld [tilespmem:s16+$0xFFFFFFD0];
	v8 =	vmul.f32 v8, v8;
	v9 =	vmax.f32 v9, $9.999999740e-06  }
0x374: {  	v52 =	vld [tilespmem:s18+$0xFFFFFFD0];
	v9 =	vmul.f32 v9, v9  }
0x375: {  	[tilespmem:s17+$0xD0] =	vst v8;
	v8 =	vld [tilespmem:s17+$0xE0]  }
0x376: {  	[tilespmem:s17+$0x40] =	vst v9;
	v9 =	vld [tilespmem:s16+$0xE0]  }
0x377: {  	v16 =	vmul.f32 v50, v61;
	v53 =	vld [tilespmem:s16+$0x50]  }
0x378: {  	v2 =	vmul.f32 v11, v62;
	v11 =	vld [tilespmem:s18+$0xE0]  }
0x379: {  	v0 =	vld [tilespmem:s17+$0xFFFFFFF0];
	v13 =	vadd.f32 v51, v16  }
0x37a: {  	v55 =	vld [tilespmem:s18+$0x50];
	v14 =	vadd.f32 v52, v2  }
0x37b: {  	v1 =	vld [tilespmem:s17+$0xFFFFFF70];
	v13 =	vmax.f32 v13, $9.999999740e-06;
	v8 =	vmul.f32 v9, v8  }
0x37c: {  	v7 =	vmul.f32 v58, v7;
	v2 =	vld [tilespmem:s17+$0x70];
	v9 =	vmul.f32 v13, v13;
	v56 =	vmax.f32 v14, $9.999999740e-06  }
0x37d: {  	v18 =	vmul.f32 v53, v63;
	v13 =	vmul.f32 v56, v56;
	v8 =	vadd.f32 v11, v8;
	v11 =	vld [tilespmem:s19+$0xFFFFFFF0]  }
0x37e: {  	[tilespmem:s17+$0xFFFFFF50] =	vst v9;
	v9 =	vld [tilespmem:s19+$0x70]  }
0x37f: {  	v7 =	vadd.f32 v41, v7;
	v5 =	vmul.f32 v49, v5;
	[tilespmem:s17+$0xFFFFFFD0] =	vst v13;
	v58 =	vadd.f32 v55, v18;
	v59 =	vld [tilespmem:s16+$0xFFFFFF60]  }
0x380: {  	v6 =	vmul.f32 v54, v6;
	v4 =	vmul.f32 v10, v4;
	v8 =	vmax.f32 v8, $9.999999740e-06;
	v10 =	vld [tilespmem:s16+$0xFFFFFFE0]  }
0x381: {  	v5 =	vadd.f32 v57, v5;
	v60 =	vld [tilespmem:s18+$0xFFFFFF60];
	v8 =	vmul.f32 v8, v8;
	v12 =	vmax.f32 v58, $9.999999740e-06  }
0x382: {  	v7 =	vmax.f32 v7, $9.999999740e-06;
	v61 =	vld [tilespmem:s18+$0xFFFFFFE0];
	v12 =	vmul.f32 v12, v12;
	v11 =	vadd.f32 v11, v4  }
0x383: {  	v7 =	vmul.f32 v7, v7;
	v5 =	vmax.f32 v5, $9.999999740e-06;
	[tilespmem:s17+$0xE0] =	vst v8;
	v4 =	vld [tilespmem:s17+$0xF0];
	v9 =	vadd.f32 v9, v6  }
0x384: {  	v62 =	vmul.f32 v5, v5;
	v13 =	vmul.f32 v59, v42;
	[tilespmem:s17+$0x50] =	vst v12;
	v6 =	vld [tilespmem:s16+$0xF0];
	v5 =	vmax.f32 v11, $9.999999740e-06  }
0x385: {  	[tilespmem:s12+$0xF0] =	vst v7;
	v10 =	vmul.f32 v10, v43;
	v8 =	vld [tilespmem:s16+$0x60];
	v7 =	vmax.f32 v9, $9.999999740e-06;
	v63 =	vmul.f32 v5, v5  }
0x386: {  	s25 =	simm.s32 $0x4;
	[tilespmem:s12+$0xFFFFFF70] =	vst v62;
	v5 =	vld [tilespmem:s18+$0xF0];
	v11 =	vadd.f32 v60, v13;
	v7 =	vmul.f32 v7, v7  }
0x387: {  	s1 =	simm.s32 $0x600;
	s24 =	simm.s32 $0x1800;
	s19 =	simm.s32 $0x2C00;
	v9 =	vld [tilespmem:s18+$0x60];
	v10 =	vadd.f32 v61, v10;
	[tilespmem:s12+$0xFFFFFFF0] =	vst v63  }
.LBB2_8:
0x388: {  	v12 =	vld [tilespmem:s1+$0x80];
	v11 =	vmax.f32 v11, $9.999999740e-06;
	s16 =	sadd.s32 $0x200, s16;
	[tilespmem:s12+$0x70] =	vst v7;
	s12 =	smov.u32 s17;
	s17 =	smov.u32 s1  }
0x389: {  	s25 =	sadd.s32 $0x4, s25;
	v7 =	vld [tilespmem:s16+$0x80];
	v11 =	vmul.f32 v11, v11;
	v10 =	vmax.f32 v10, $9.999999740e-06;
	v4 =	vmul.f32 v6, v4  }
0x38a: {  	s18 =	sadd.s32 $0x200, s18;
	p0 =	slt.u32 s25, $0x24;
	v6 =	vld [tilespmem:s16+$0xFFFFFF00];
	v10 =	vmul.f32 v10, v10;
	v3 =	vmul.f32 v8, v3  }
0x38b: {  	v8 =	vld [tilespmem:s18+$0x80];
	[tilespmem:s12+$0xFFFFFF60] =	vst v11;
	v4 =	vadd.f32 v5, v4  }
0x38c: {  	v5 =	vld [tilespmem:s1+$0xFFFFFF80];
	[tilespmem:s12+$0xFFFFFFE0] =	vst v10;
	v3 =	vadd.f32 v9, v3  }
0x38d: {  	v9 =	vld [tilespmem:s16+$0xFFFFFF80];
	v4 =	vmax.f32 v4, $9.999999740e-06  }
0x38e: {  	v10 =	vld [tilespmem:s1+$0x0];
	v7 =	vmul.f32 v7, v12;
	v3 =	vmax.f32 v3, $9.999999740e-06;
	v4 =	vmul.f32 v4, v4  }
0x38f: {  	v11 =	vld [tilespmem:s16+$0x0];
	v3 =	vmul.f32 v3, v3  }
0x390: {  	v12 =	vld [tilespmem:s1+$0xFFFFFF00];
	v7 =	vadd.f32 v8, v7;
	[tilespmem:s12+$0xF0] =	vst v4  }
0x391: {  	v4 =	vld [tilespmem:s18+$0xFFFFFF00];
	[tilespmem:s12+$0x60] =	vst v3  }
0x392: {  	v3 =	vld [tilespmem:s18+$0xFFFFFF80];
	v5 =	vmul.f32 v9, v5;
	v7 =	vmax.f32 v7, $9.999999740e-06  }
0x393: {  	v8 =	vld [tilespmem:s18+$0x0];
	v7 =	vmul.f32 v7, v7  }
0x394: {  	v9 =	vld [tilespmem:s1+$0xFFFFFF10];
	v10 =	vmul.f32 v11, v10  }
0x395: {  	v6 =	vmul.f32 v6, v12;
	[tilespmem:s1+$0x80] =	vst v7;
	v7 =	vld [tilespmem:s1+$0x90]  }
0x396: {  	v11 =	vld [tilespmem:s16+$0x90]  }
0x397: {  	v4 =	vadd.f32 v4, v6;
	v3 =	vadd.f32 v3, v5;
	v5 =	vld [tilespmem:s1+$0xFFFFFF90]  }
0x398: {  	v6 =	vadd.f32 v8, v10;
	v8 =	vld [tilespmem:s18+$0x90]  }
0x399: {  	v4 =	vmax.f32 v4, $9.999999740e-06;
	v3 =	vmax.f32 v3, $9.999999740e-06;
	v10 =	vld [tilespmem:s1+$0x10]  }
0x39a: {  	v4 =	vmul.f32 v4, v4;
	v12 =	vld [tilespmem:s1+$0xFFFFFF20];
	v3 =	vmul.f32 v3, v3;
	v6 =	vmax.f32 v6, $9.999999740e-06  }
0x39b: {  	v13 =	vld [tilespmem:s1+$0xFFFFFFA0];
	v6 =	vmul.f32 v6, v6;
	v7 =	vmul.f32 v11, v7  }
0x39c: {  	[tilespmem:s1+$0xFFFFFF00] =	vst v4;
	v4 =	vld [tilespmem:s1+$0x20]  }
0x39d: {  	v11 =	vld [tilespmem:s16+$0xFFFFFF10];
	[tilespmem:s1+$0xFFFFFF80] =	vst v3;
	v3 =	vadd.f32 v8, v7  }
0x39e: {  	v7 =	vld [tilespmem:s16+$0xFFFFFF90];
	[tilespmem:s1+$0x0] =	vst v6  }
0x39f: {  	v6 =	vld [tilespmem:s16+$0x10];
	v3 =	vmax.f32 v3, $9.999999740e-06  }
0x3a0: {  	v8 =	vld [tilespmem:s18+$0xFFFFFF10];
	v3 =	vmul.f32 v3, v3  }
0x3a1: {  	v14 =	vld [tilespmem:s18+$0xFFFFFF90]  }
0x3a2: {  	v9 =	vmul.f32 v11, v9;
	[tilespmem:s1+$0x90] =	vst v3;
	v3 =	vld [tilespmem:s1+$0xA0]  }
0x3a3: {  	v5 =	vmul.f32 v7, v5;
	v7 =	vld [tilespmem:s16+$0xA0]  }
0x3a4: {  	v11 =	vld [tilespmem:s18+$0x10];
	v6 =	vmul.f32 v6, v10  }
0x3a5: {  	v8 =	vadd.f32 v8, v9;
	v9 =	vld [tilespmem:s18+$0xA0]  }
0x3a6: {  	v10 =	vld [tilespmem:s1+$0xFFFFFF30];
	v5 =	vadd.f32 v14, v5  }
0x3a7: {  	v8 =	vmax.f32 v8, $9.999999740e-06;
	v14 =	vld [tilespmem:s1+$0xFFFFFFB0]  }
0x3a8: {  	v8 =	vmul.f32 v8, v8;
	v5 =	vmax.f32 v5, $9.999999740e-06;
	v15 =	vld [tilespmem:s1+$0x30];
	v3 =	vmul.f32 v7, v3  }
0x3a9: {  	v7 =	vld [tilespmem:s1+$0xFFFFFF40];
	v5 =	vmul.f32 v5, v5;
	v6 =	vadd.f32 v11, v6  }
0x3aa: {  	[tilespmem:s1+$0xFFFFFF10] =	vst v8;
	v8 =	vld [tilespmem:s1+$0xFFFFFFC0];
	v3 =	vadd.f32 v9, v3  }
0x3ab: {  	v9 =	vld [tilespmem:s16+$0xFFFFFF20];
	[tilespmem:s1+$0xFFFFFF90] =	vst v5;
	v5 =	vmax.f32 v6, $9.999999740e-06  }
0x3ac: {  	v6 =	vld [tilespmem:s16+$0xFFFFFFA0];
	v5 =	vmul.f32 v5, v5;
	v3 =	vmax.f32 v3, $9.999999740e-06  }
0x3ad: {  	v11 =	vld [tilespmem:s18+$0xFFFFFF20];
	v3 =	vmul.f32 v3, v3  }
0x3ae: {  	v16 =	vld [tilespmem:s18+$0xFFFFFFA0];
	[tilespmem:s1+$0x10] =	vst v5  }
0x3af: {  	[tilespmem:s1+$0xA0] =	vst v3;
	v3 =	vld [tilespmem:s1+$0xB0]  }
0x3b0: {  	v5 =	vmul.f32 v9, v12;
	v9 =	vld [tilespmem:s16+$0xB0]  }
0x3b1: {  	v6 =	vmul.f32 v6, v13;
	v12 =	vld [tilespmem:s16+$0x20]  }
0x3b2: {  	v5 =	vadd.f32 v11, v5;
	v11 =	vld [tilespmem:s18+$0xB0]  }
0x3b3: {  	v6 =	vadd.f32 v16, v6;
	v13 =	vld [tilespmem:s18+$0x20]  }
0x3b4: {  	v5 =	vmax.f32 v5, $9.999999740e-06;
	v16 =	vld [tilespmem:s1+$0x40]  }
0x3b5: {  	v5 =	vmul.f32 v5, v5;
	v17 =	vld [tilespmem:s1+$0xFFFFFF50];
	v6 =	vmax.f32 v6, $9.999999740e-06;
	v3 =	vmul.f32 v9, v3  }
0x3b6: {  	v6 =	vmul.f32 v6, v6;
	v9 =	vld [tilespmem:s1+$0xFFFFFFD0];
	v12 =	vmul.f32 v12, v4  }
0x3b7: {  	[tilespmem:s1+$0xFFFFFF20] =	vst v5;
	v4 =	vld [tilespmem:s1+$0x50];
	v3 =	vadd.f32 v11, v3  }
0x3b8: {  	v5 =	vld [tilespmem:s16+$0xFFFFFF30];
	[tilespmem:s1+$0xFFFFFFA0] =	vst v6;
	v6 =	vadd.f32 v13, v12  }
0x3b9: {  	v11 =	vld [tilespmem:s16+$0xFFFFFFB0];
	v3 =	vmax.f32 v3, $9.999999740e-06  }
0x3ba: {  	v12 =	vld [tilespmem:s18+$0xFFFFFF30];
	v6 =	vmax.f32 v6, $9.999999740e-06;
	v3 =	vmul.f32 v3, v3  }
0x3bb: {  	v13 =	vld [tilespmem:s18+$0xFFFFFFB0];
	v6 =	vmul.f32 v6, v6  }
0x3bc: {  	[tilespmem:s1+$0xB0] =	vst v3;
	v3 =	vld [tilespmem:s1+$0xC0]  }
0x3bd: {  	v5 =	vmul.f32 v5, v10;
	[tilespmem:s1+$0x20] =	vst v6;
	v10 =	vld [tilespmem:s16+$0xC0]  }
0x3be: {  	v6 =	vmul.f32 v11, v14;
	v11 =	vld [tilespmem:s16+$0x30]  }
0x3bf: {  	v5 =	vadd.f32 v12, v5;
	v12 =	vld [tilespmem:s18+$0xC0]  }
0x3c0: {  	v13 =	vadd.f32 v13, v6;
	v14 =	vld [tilespmem:s18+$0x30]  }
0x3c1: {  	v5 =	vmax.f32 v5, $9.999999740e-06;
	v6 =	vld [tilespmem:s1+$0xFFFFFF60]  }
0x3c2: {  	v18 =	vmul.f32 v5, v5;
	v13 =	vmax.f32 v13, $9.999999740e-06;
	v5 =	vld [tilespmem:s1+$0xFFFFFFE0];
	v10 =	vmul.f32 v10, v3  }
0x3c3: {  	v13 =	vmul.f32 v13, v13;
	v11 =	vmul.f32 v11, v15;
	v3 =	vld [tilespmem:s1+$0x60]  }
0x3c4: {  	[tilespmem:s1+$0xFFFFFF30] =	vst v18;
	v10 =	vadd.f32 v12, v10;
	v12 =	vld [tilespmem:s24+$0xFFFFFF70]  }
0x3c5: {  	v15 =	vld [tilespmem:s16+$0xFFFFFF40];
	[tilespmem:s1+$0xFFFFFFB0] =	vst v13;
	v11 =	vadd.f32 v14, v11  }
0x3c6: {  	v13 =	vld [tilespmem:s16+$0xFFFFFFC0];
	v10 =	vmax.f32 v10, $9.999999740e-06  }
0x3c7: {  	v14 =	vld [tilespmem:s18+$0xFFFFFF40];
	v11 =	vmax.f32 v11, $9.999999740e-06;
	v10 =	vmul.f32 v10, v10  }
0x3c8: {  	v18 =	vld [tilespmem:s18+$0xFFFFFFC0];
	v11 =	vmul.f32 v11, v11  }
0x3c9: {  	[tilespmem:s1+$0xC0] =	vst v10;
	v10 =	vld [tilespmem:s1+$0xD0];
	v12 =	vmul.f32 v12, v1  }
0x3ca: {  	v1 =	vmul.f32 v15, v7;
	[tilespmem:s1+$0x30] =	vst v11;
	v7 =	vld [tilespmem:s16+$0xD0]  }
0x3cb: {  	v8 =	vmul.f32 v13, v8;
	v11 =	vld [tilespmem:s16+$0x40]  }
0x3cc: {  	v1 =	vadd.f32 v14, v1;
	v13 =	vld [tilespmem:s18+$0xD0]  }
0x3cd: {  	v8 =	vadd.f32 v18, v8;
	v14 =	vld [tilespmem:s18+$0x40]  }
0x3ce: {  	v1 =	vmax.f32 v1, $9.999999740e-06;
	v15 =	vld [tilespmem:s24+$0xFFFFFFF0]  }
0x3cf: {  	v18 =	vmul.f32 v1, v1;
	v8 =	vmax.f32 v8, $9.999999740e-06;
	v7 =	vmul.f32 v7, v10;
	v10 =	vld [tilespmem:s24+$0x70];
	s24 =	smov.u32 s16  }
0x3d0: {  	v1 =	vld [tilespmem:s1+$0xFFFFFF70];
	v8 =	vmul.f32 v8, v8;
	v11 =	vmul.f32 v11, v16  }
0x3d1: {  	[tilespmem:s1+$0xFFFFFF40] =	vst v18;
	v16 =	vld [tilespmem:s1+$0xFFFFFFF0];
	v7 =	vadd.f32 v13, v7  }
0x3d2: {  	v13 =	vld [tilespmem:s16+$0xFFFFFF50];
	[tilespmem:s1+$0xFFFFFFC0] =	vst v8;
	v8 =	vadd.f32 v14, v11  }
0x3d3: {  	v11 =	vld [tilespmem:s16+$0xFFFFFFD0];
	v7 =	vmax.f32 v7, $9.999999740e-06;
	v14 =	vmul.f32 v15, v0  }
0x3d4: {  	v15 =	vld [tilespmem:s18+$0xFFFFFF50];
	v18 =	vmax.f32 v8, $9.999999740e-06;
	v7 =	vmul.f32 v7, v7;
	v8 =	vmul.f32 v10, v2  }
0x3d5: {  	v2 =	vld [tilespmem:s18+$0xFFFFFFD0];
	v10 =	vmul.f32 v18, v18  }
0x3d6: {  	[tilespmem:s1+$0xD0] =	vst v7;
	v7 =	vld [tilespmem:s1+$0xE0];
	v0 =	vmov v16  }
0x3d7: {  	v13 =	vmul.f32 v13, v17;
	[tilespmem:s1+$0x40] =	vst v10;
	v10 =	vld [tilespmem:s16+$0xE0]  }
0x3d8: {  	v9 =	vmul.f32 v11, v9;
	v11 =	vld [tilespmem:s16+$0x50]  }
0x3d9: {  	v13 =	vadd.f32 v15, v13;
	v15 =	vld [tilespmem:s18+$0xE0]  }
0x3da: {  	v9 =	vadd.f32 v2, v9;
	v16 =	vld [tilespmem:s18+$0x50]  }
0x3db: {  	v13 =	vmax.f32 v13, $9.999999740e-06;
	v2 =	vld [tilespmem:s1+$0x70]  }
0x3dc: {  	v13 =	vmul.f32 v13, v13;
	v9 =	vmax.f32 v9, $9.999999740e-06;
	v7 =	vmul.f32 v10, v7;
	v10 =	vld [tilespmem:s19+$0xFFFFFF70]  }
0x3dd: {  	v9 =	vmul.f32 v9, v9;
	v4 =	vmul.f32 v11, v4;
	v11 =	vld [tilespmem:s19+$0xFFFFFFF0]  }
0x3de: {  	[tilespmem:s1+$0xFFFFFF50] =	vst v13;
	v7 =	vadd.f32 v15, v7;
	v13 =	vld [tilespmem:s19+$0x70];
	s19 =	smov.u32 s18  }
0x3df: {  	v15 =	vld [tilespmem:s16+$0xFFFFFF60];
	[tilespmem:s1+$0xFFFFFFD0] =	vst v9;
	v4 =	vadd.f32 v16, v4  }
0x3e0: {  	v9 =	vld [tilespmem:s16+$0xFFFFFFE0];
	v7 =	vmax.f32 v7, $9.999999740e-06  }
0x3e1: {  	v16 =	vld [tilespmem:s18+$0xFFFFFF60];
	v4 =	vmax.f32 v4, $9.999999740e-06;
	v7 =	vmul.f32 v7, v7;
	v10 =	vadd.f32 v10, v12  }
0x3e2: {  	v12 =	vld [tilespmem:s18+$0xFFFFFFE0];
	v17 =	vmul.f32 v4, v4;
	v11 =	vadd.f32 v11, v14  }
.Ltmp3:
0x3e3: {  	[tilespmem:s1+$0xE0] =	vst v7;
	v4 =	vld [tilespmem:s1+$0xF0];
	v7 =	vmax.f32 v10, $9.999999740e-06;
	v10 =	vadd.f32 v13, v8;
	(pc) =	sbr.rel @p0 .LBB2_8-.Ltmp3, $4  }
0x3e4: {  	v13 =	vmul.f32 v15, v6;
	[tilespmem:s1+$0x50] =	vst v17;
	v6 =	vld [tilespmem:s16+$0xF0];
	v7 =	vmul.f32 v7, v7;
	v11 =	vmax.f32 v11, $9.999999740e-06  }
0x3e5: {  	v9 =	vmul.f32 v9, v5;
	v8 =	vld [tilespmem:s16+$0x60];
	v14 =	vmul.f32 v11, v11;
	v10 =	vmax.f32 v10, $9.999999740e-06  }
0x3e6: {  	v11 =	vadd.f32 v16, v13;
	v5 =	vld [tilespmem:s18+$0xF0];
	[tilespmem:s12+$0xFFFFFF70] =	vst v7;
	v7 =	vmul.f32 v10, v10  }
0x3e7: {  	s1 =	sadd.s32 $0x200, s1;
	v10 =	vadd.f32 v12, v9;
	v9 =	vld [tilespmem:s18+$0x60];
	[tilespmem:s12+$0xFFFFFFF0] =	vst v14  }
0x3e8: {  	_ =	sdelay $0x1  }
0x3e9: {  	v3 =	vmul.f32 v8, v3  }
0x3ea: {  	v55 =	vmax.f32 v11, $9.999999740e-06  }
0x3eb: {  	v8 =	vmul.f32 v55, v55;
	v3 =	vadd.f32 v9, v3  }
0x3ec: {  	v56 =	vmax.f32 v10, $9.999999740e-06  }
0x3ed: {  	v9 =	vmul.f32 v56, v56;
	[tilespmem:s17+$0xFFFFFF60] =	vst v8;
	v3 =	vmax.f32 v3, $9.999999740e-06  }
0x3ee: {  	v8 =	vld [tilespmem:s24+$0xFFFFFF70];
	v3 =	vmul.f32 v3, v3  }
0x3ef: {  	v59 =	vld [tilespmem:s19+$0xFFFFFF70];
	[tilespmem:s17+$0xFFFFFFE0] =	vst v9  }
0x3f0: {  	v57 =	vld [tilespmem:s24+$0xFFFFFFF0];
	[tilespmem:s17+$0x60] =	vst v3  }
0x3f1: {  	v58 =	vld [tilespmem:s24+$0x70]  }
0x3f2: {  	v60 =	vld [tilespmem:s19+$0xFFFFFFF0]  }
0x3f3: {  	v4 =	vmul.f32 v6, v4;
	v61 =	vld [tilespmem:s19+$0x70]  }
0x3f4: {  	v1 =	vmul.f32 v8, v1  }
0x3f5: {  	v4 =	vadd.f32 v5, v4;
	v0 =	vmul.f32 v57, v0  }
0x3f6: {  	v1 =	vadd.f32 v59, v1;
	v2 =	vmul.f32 v58, v2  }
0x3f7: {  	v62 =	vmax.f32 v4, $9.999999740e-06;
	v0 =	vadd.f32 v60, v0  }
0x3f8: {  	v3 =	vmul.f32 v62, v62;
	v1 =	vmax.f32 v1, $9.999999740e-06;
	v2 =	vadd.f32 v61, v2  }
0x3f9: {  	[tilespmem:s12+$0x70] =	vst v7;
	v1 =	vmul.f32 v1, v1;
	v0 =	vmax.f32 v0, $9.999999740e-06  }
0x3fa: {  	[tilespmem:s17+$0xF0] =	vst v3;
	v0 =	vmul.f32 v0, v0;
	v2 =	vmax.f32 v2, $9.999999740e-06  }
0x3fb: {  	[tilespmem:s17+$0xFFFFFF70] =	vst v1;
	v63 =	vmul.f32 v2, v2  }
0x3fc: {  	[tilespmem:s17+$0xFFFFFFF0] =	vst v0  }
0x3fd: {  	[tilespmem:s17+$0x70] =	vst v63  }
0x3fe: {  	[spmem:s2] =	stream.indirect.scatter.add.f32 [tilespmem:s23], [sflag:$0x7], $0x80, s21, s22, $0xb8;
	[tilespmem:$0x1BA00] =	vst v63  }
0x3ff: {  	_ =	swait.ge [sflag:s20], $0x1400  }
0x400: {  	[sflag:s20] =	ssyncset.done $0x0  }
0x401: {  	[sflag:s20] =	ssyncadd.s32 $0xFFFFEC00  }
0x402: {  	[bflag:$0x0] =	sbarrier.arrive $0xFFFF  }
0x403: {  	s12 =	rddreg [dreg:$0x5]  }
0x404: {  	s1 =	rddreg [dreg:$0xa]  }
0x405: {  	s16 =	rddreg [dreg:$0xc]  }
0x406: {  	[hbm:s1], [sflag:s12] =	dma.local [spmem:s16], $0x2800  }
0x407: {  	_ =	swait.ge [sflag:s20], $0x2800  }
0x408: {  	s26 =	rddreg [dreg:$0xd]  }
0x409: {  	s30 =	rddreg [dreg:$0xb];
	s17 =	sadd.s32 $0x1, s26  }
0x40a: {  	p0 =	sne.s32 s17, s30  }
.Ltmp4:
0x40b: {  	_ = 	snop;
	(pc) =	sbr.rel @p0 .LBB2_1-.Ltmp4, $3  }
0x40c: {  	_ =	sdelay $0x1  }
0x40d: {  	[sflag:s20] =	ssyncset.done $0x0  }
0x40e: {  	[sflag:s20] =	ssyncadd.s32 $0xFFFFD800  }
0x40f: {  	_ =	sfence.sel $0x180000  }
0x410: {  	[bflag:$0x0] =	sbarrier.arrive $0xFFFF  }
0x411: {  	_ =	strace $0x9000004D  }
0x412: {  	s0 =	stileid.u32;
	[bflag:$0x2] =	sbarrier.arrive $0xFFFF  }
0x413: {  	p0 =	sne.s32 s0, $0x0;
	s0 =	rddreg [dreg:$0x3]  }
0x414: {  	s0 =	sadd.s32 @!p0 $0x100000, s0  }
0x415: {  	[sflag:s0] =	ssyncadd.tile.s32 @!p0 $0x1;
	_ =	shalt  }
.Lfunc_end2:
_tile_overlayer_lowered:
.L_overlay_start_2:
0x416: {  	(tag) =	ssettag $0x2  }
0x417: {  	s0 =	rddreg [dreg:$0x0];
	s2 =	stileid.u32  }
0x418: {  	s1 =	rddreg [dreg:$0x1];
	p0 =	sne.s32 s2, $0x0  }
0x419: {  	s3 =	rddreg [dreg:$0x2];
	[bflag:$0x3] =	sbarrier.arrive $0xFFFF;
	s2 =	simm.s32 @!p0 $0x1C07  }
0x41a: {  	[timem:s3], [sflag:s2] =	dma.local @!p0 [hbm:s0], s1  }
0x41b: {  	s0 =	simm.s32 @!p0 $0x7  }
0x41c: {  	_ =	swait.ge @!p0 [sflag:s0], s1  }
0x41d: {  	s1 =	ssub.s32 @!p0 $0x0, s1;
	[sflag:s0] =	ssyncset.done @!p0 $0x0  }
0x41e: {  	[sflag:s0] =	ssyncadd.s32 @!p0 s1  }
0x41f: {  	[bflag:$0x3] =	sbarrier.arrive $0xFFFF  }
0x420: {  	_ =	shalt  }

// kernel: kernel.9.cloned.1.call-start
scs
__scs_entry_jumppad:
0x0: {  	(pc) =	sbr.rel $0x88, $3  }
0x1: {  	(tag) =	ssettag $0x0;
	lr =	simm.s32 $0x1  }
0x2: {  	[smem:$0x3F92] =	sst lr;
	_ =	strace $0xD0000000  }
0x3: {  	_ = 	snop  }
0x4: {  	_ = 	snop  }
0x5: {  	_ = 	snop  }
0x6: {  	_ = 	snop  }
0x7: {  	_ = 	snop  }
__scs_overlays_trampoline_lowered:
0x8: {  	[smem:$0x3FA1] =	sst s0  }
0x9: {  	[smem:$0x3FA2] =	sst s1  }
0xa: {  	[smem:$0x3FA3] =	sst s2  }
0xb: {  	[smem:$0x3FA4] =	sst s3  }
0xc: {  	[smem:$0x3FA5] =	sst s4  }
0xd: {  	[smem:$0x3FA6] =	sst s5  }
0xe: {  	[smem:$0x3FA7] =	sst s6  }
0xf: {  	[smem:$0x3FA8] =	sst s7  }
0x10: {  	[smem:$0x3FA9] =	sst s8  }
0x11: {  	[smem:$0x3FAA] =	sst s9;
	s0 =	simm.s32 @!p0 $0x0  }
0x12: {  	s1 =	sld [smem:$0x3F90];
	s0 =	simm.s32 @p0 $0x1  }
0x13: {  	[smem:$0x3FAB] =	sst s0;
	s0 =	simm.s32 @!p1 $0x0  }
0x14: {  	s2 =	sld [smem:$0x3F8F];
	s0 =	simm.s32 @p1 $0x1  }
0x15: {  	[smem:$0x3FAC] =	sst s0;
	s0 =	simm.s32 @!p2 $0x0  }
0x16: {  	s3 =	sld [smem:$0x3FDB];
	s0 =	simm.s32 @p2 $0x1  }
0x17: {  	s4 =	simm.s32 $0x1BF5;
	[smem:$0x3FAE] =	sst s0  }
0x18: {  	s0 =	sld [smem:$0x3F91];
	_ =	swait.ge [sflag:s4], $0x0  }
0x19: {  	s7 =	sld [smem:$0x3F92]  }
0x1a: {  	s8 =	sadd.s32 $0xFFFFE003, lr  }
0x1b: {  	s9 =	sadd.s32 $0xFFFFFEF7, lr;
	s5 =	simm.s32 $0xFFFFFFFF;
	p2 =	slt.u32 s8, $0xFFFFF086  }
0x1c: {  	p1 =	slt.u32 s9, $0xF7A;
	s5 =	simm.s32 @!p2 $0x0  }
0x1d: {  	s5 =	simm.s32 @p1 $0x1;
	p0 =	seq.s32 s7, s2  }
0x1e: {  	s7 =	smul.u32 @!p0 $0xF7A, s2;
	p2 =	seq.s32 @!p0 s5, $0x0  }
0x1f: {  	s9 =	smul.u32 $0xF7A, s1;
	s8 =	simm.s32 @!p0 $0x1BF5;
	p2 =	por !p2, p0  }
0x20: {  	[sflag:s8] =	ssyncset.s32 @!p0 $0xFFFFF086;
	s6 =	sadd.s32 @!p0 s3, s7;
	s7 =	simm.s32 @!p0 $0x108  }
0x21: {  	s3 =	sadd.s32 s3, s9;
	s6 =	sadd.s32 @!p0 $0x88, s6;
	s7 =	simm.s32 @p2 $0x1082  }
0x22: {  	[simem:s7], [sflag:s8] =	dma.local @!p0 [hbm:s6], $0xF7A  }
0x23: {  	s9 =	sor.u32 $0xD0000000, s2;
	s6 =	simm.s32 $0x108;
	_ =	swait.ge @!p0 [sflag:s8], $0x0  }
0x24: {  	s3 =	sadd.s32 $0x88, s3;
	s6 =	simm.s32 @!p1 $0x1082;
	[sflag:s4] =	ssyncset.s32 $0xFFFFF086  }
0x25: {  	[simem:s6], [sflag:s4] =	dma.local [hbm:s3], $0xF7A  }
0x26: {  	[smem:$0x3F92] =	sst s1;
	(tag) =	ssettag s2;
	_ =	strace s9  }
0x27: {  	s1 =	sld [smem:$0x3FA2]  }
0x28: {  	s2 =	sld [smem:$0x3FA3]  }
0x29: {  	s4 =	sld [smem:$0x3FA5]  }
0x2a: {  	p0 =	seq.s32 s5, $0x0;
	s5 =	sld [smem:$0x3FA6]  }
0x2b: {  	s6 =	sld [smem:$0x3FA7]  }
0x2c: {  	s7 =	sld [smem:$0x3FA8]  }
0x2d: {  	s3 =	simm.s32 $0x108;
	s8 =	sld [smem:$0x3FA9]  }
0x2e: {  	s3 =	simm.s32 @!p0 $0x1082;
	s9 =	sld [smem:$0x3FAA]  }
0x2f: {  	lr =	sadd.s32 s0, s3;
	s0 =	sld [smem:$0x3FA1]  }
0x30: {  	s3 =	sld [smem:$0x3FA4]  }
0x31: {  	[smem:$0x3FAD] =	sst s10  }
0x32: {  	s10 =	sld [smem:$0x3FAB];
	_ =	sdelay $0x3  }
0x33: {  	p0 =	seq.s32 s10, $0x1;
	s10 =	sld [smem:$0x3FAD];
	_ =	sdelay $0x3  }
0x34: {  	[smem:$0x3FAD] =	sst s10  }
0x35: {  	s10 =	sld [smem:$0x3FAC];
	_ =	sdelay $0x3  }
0x36: {  	p1 =	seq.s32 s10, $0x1;
	s10 =	sld [smem:$0x3FAD];
	_ =	sdelay $0x3  }
0x37: {  	[smem:$0x3FAD] =	sst s10  }
0x38: {  	s10 =	sld [smem:$0x3FAE]  }
0x39: {  	_ = 	snop;
	(pc) =	sbr.ind lr, $3  }
0x3a: {  	_ = 	snop  }
0x3b: {  	_ = 	snop  }
0x3c: {  	p2 =	seq.s32 s10, $0x1;
	s10 =	sld [smem:$0x3FAD]  }
0x3d: {  	_ =	shalt  }
0x3e: {  	_ =	shalt  }
0x3f: {  	_ =	shalt  }
0x40: {  	_ =	shalt  }
0x41: {  	_ =	shalt  }
0x42: {  	_ =	shalt  }
0x43: {  	_ =	shalt  }
0x44: {  	_ =	shalt  }
0x45: {  	_ =	shalt  }
0x46: {  	_ =	shalt  }
0x47: {  	_ =	shalt  }
0x48: {  	_ =	shalt  }
0x49: {  	_ =	shalt  }
0x4a: {  	_ =	shalt  }
0x4b: {  	_ =	shalt  }
0x4c: {  	_ =	shalt  }
0x4d: {  	_ =	shalt  }
0x4e: {  	_ =	shalt  }
0x4f: {  	_ =	shalt  }
0x50: {  	_ =	shalt  }
0x51: {  	_ =	shalt  }
0x52: {  	_ =	shalt  }
0x53: {  	_ =	shalt  }
0x54: {  	_ =	shalt  }
0x55: {  	_ =	shalt  }
0x56: {  	_ =	shalt  }
0x57: {  	_ =	shalt  }
0x58: {  	_ =	shalt  }
0x59: {  	_ =	shalt  }
0x5a: {  	_ =	shalt  }
0x5b: {  	_ =	shalt  }
0x5c: {  	_ =	shalt  }
0x5d: {  	_ =	shalt  }
0x5e: {  	_ =	shalt  }
0x5f: {  	_ =	shalt  }
0x60: {  	_ =	shalt  }
0x61: {  	_ =	shalt  }
0x62: {  	_ =	shalt  }
0x63: {  	_ =	shalt  }
0x64: {  	_ =	shalt  }
0x65: {  	_ =	shalt  }
0x66: {  	_ =	shalt  }
0x67: {  	_ =	shalt  }
0x68: {  	_ =	shalt  }
0x69: {  	_ =	shalt  }
0x6a: {  	_ =	shalt  }
0x6b: {  	_ =	shalt  }
0x6c: {  	_ =	shalt  }
0x6d: {  	_ =	shalt  }
0x6e: {  	_ =	shalt  }
0x6f: {  	_ =	shalt  }
0x70: {  	_ =	shalt  }
0x71: {  	_ =	shalt  }
0x72: {  	_ =	shalt  }
0x73: {  	_ =	shalt  }
0x74: {  	_ =	shalt  }
0x75: {  	_ =	shalt  }
0x76: {  	_ =	shalt  }
0x77: {  	_ =	shalt  }
0x78: {  	_ =	shalt  }
0x79: {  	_ =	shalt  }
0x7a: {  	_ =	shalt  }
0x7b: {  	_ =	shalt  }
0x7c: {  	_ =	shalt  }
0x7d: {  	_ =	shalt  }
0x7e: {  	_ =	shalt  }
0x7f: {  	_ =	shalt  }
0x80: {  	_ =	shalt  }
0x81: {  	_ =	shalt  }
0x82: {  	_ =	shalt  }
0x83: {  	_ =	shalt  }
0x84: {  	_ =	shalt  }
0x85: {  	_ =	shalt  }
0x86: {  	_ =	shalt  }
0x87: {  	_ =	shalt  }
.Lfunc_end0:
.L_simem_size_0:
called_computation_lowered:
.L_overlay_start_0:
0x88: {  	s2 =	sld [smem:$0x3FD9]  }
0x89: {  	s3 =	sld [smem:$0x3FFE];
	_ =	sdelay $0x1  }
0x8a: {  	s1 =	srdreg.scid  }
0x8b: {  	s0 =	sand.u32 $0x1, s1  }
0x8c: {  	s17 =	sshll.u32 s0, $0xA;
	s2 =	sadd.s32 s3, s2  }
0x8d: {  	s2 =	sadd.s32 s2, s17  }
0x8e: {  	[smem:$0x3FB9] =	sst s2  }
0x8f: {  	_ = 	snop  }
0x90: {  	(tm) =	ssettm $0x1  }
0x91: {  	s18 =	sld [smem:$0x3FFB];
	_ =	sdelay $0x3  }
0x92: {  	_ =	strace s18  }
0x93: {  	s2 =	sld [smem:$0x3FFC];
	_ =	sdelay $0x3  }
0x94: {  	_ =	strace s2  }
0x95: {  	s2 =	sld [smem:$0x3FFD];
	_ =	sdelay $0x3  }
0x96: {  	_ =	strace s2  }
0x97: {  	_ =	strace $0x8FFFFFFF  }
0x98: {  	s19 =	sld [smem:$0x3FDB];
	_ =	sdelay $0x1  }
0x99: {  	s20 =	simm.s32 $_scs_section_size  }
0x9a: {  	s4 =	simm.s32 $_size__tile_overlayer_lowered;
	s5 =	simm.s32 $_tile_overlayer_lowered  }
0x9b: {  	s6 =	simm.s32 $0x1BFF;
	s21 =	sshll.u32 s5, $0x1;
	s3 =	sadd.s32 s20, s19  }
0x9c: {  	s22 =	simm.s32 $0x0;
	s4 =	sshll.u32 s4, $0x1;
	s5 =	sadd.s32 s21, s3  }
0x9d: {  	[timem:s22], [sflag:s6] =	dma.local [hbm:s5], s4  }
0x9e: {  	_ =	swait.ge [sflag:s6], s4  }
0x9f: {  	s4 =	ssub.s32 $0x0, s4;
	[sflag:s6] =	ssyncset.done $0x0  }
0xa0: {  	[sflag:s6] =	ssyncadd.s32 s4;
	_ =	sdelay $0x1  }
0xa1: {  	s23 =	simm.s32 $0x1B8B  }
0xa2: {  	_ =	swait.ge [sflag:s23], $0x1  }
0xa3: {  	[sflag:s23] =	ssyncset.done $0x0  }
0xa4: {  	[sflag:s23] =	ssyncadd.s32 $0xFFFFFFFF  }
0xa5: {  	s4 =	sld [smem:$0x0]  }
0xa6: {  	s5 =	sand.u32 $0xFFFFFFFE, s1  }
0xa7: {  	p0 =	sne.s32 s1, s5  }
0xa8: {  	s5 =	sshll.u32 @p0 s5, $0xE  }
0xa9: {  	s5 =	sadd.s32 @p0 $0x11B8D, s5;
	s6 =	sshll.u32 @p0 s4, $0x11  }
0xaa: {  	s5 =	sor.u32 @p0 s6, s5  }
0xab: {  	[sflag:s5] =	ssyncadd.remote.s32 @p0 $0x1;
	_ =	sdelay $0x1  }
0xac: {  	s5 =	simm.s32 @p0 $0x1B8D  }
0xad: {  	_ =	swait.eq @p0 [sflag:s5], $0x1  }
0xae: {  	[sflag:s5] =	ssyncadd.s32 @p0 $0xFFFFFFFF  }
0xaf: {  	s6 =	sshll.u32 @!p0 s1, $0xE  }
0xb0: {  	s6 =	sor.u32 @!p0 $0x4000, s6;
	s5 =	simm.s32 @!p0 $0x1B8D  }
0xb1: {  	s4 =	sshll.u32 @!p0 s4, $0x11;
	s6 =	sadd.s32 @!p0 $0x11B8D, s6;
	_ =	swait.eq @!p0 [sflag:s5], $0x1  }
0xb2: {  	s4 =	sor.u32 @!p0 s4, s6;
	[sflag:s5] =	ssyncadd.s32 @!p0 $0xFFFFFFFF  }
0xb3: {  	s25 =	simm.s32 $0x1B8E;
	s24 =	sld [smem:$0x3FFE];
	[sflag:s4] =	ssyncadd.remote.s32 @!p0 $0x1  }
0xb4: {  	s26 =	simm.s32 $execute0_lowered;
	[smem:$0x3FD2] =	sst s25  }
0xb5: {  	s5 =	sshll.u32 s26, $0x1;
	_ =	strace $0x80000049;
	[dreg:$0x1] =	wrdreg $0xFFFFFFFF  }
0xb6: {  	s28 =	simm.s32 $_size_execute0_lowered;
	s3 =	sadd.s32 s3, s5;
	[dreg:$0x0] =	wrdreg $0x0  }
0xb7: {  	s5 =	sshll.u32 s28, $0x1;
	[dreg:$0x2] =	wrdreg s3  }
0xb8: {  	[dreg:$0x3] =	wrdreg s5  }
0xb9: {  	[dreg:$0x4] =	wrdreg $0xC0  }
0xba: {  	_ =	task [dreg:s22], $0x5FFFF  }
0xbb: {  	[dreg:$0x1] =	wrdreg $0xFFFFFFFF  }
0xbc: {  	[dreg:$0x0] =	wrdreg $0x60  }
0xbd: {  	[dreg:$0x2] =	wrdreg s24  }
0xbe: {  	[dreg:$0x3] =	wrdreg $0x29000  }
0xbf: {  	[dreg:$0x4] =	wrdreg $0x9  }
0xc0: {  	_ =	task.clear_ibuf [dreg:s22], $0x5FFFF;
	_ =	strace $0x90000049  }
0xc1: {  	s29 =	simm.s32 $0x9;
	_ =	strace $0x8000004B  }
0xc2: {  	_ =	swait.ge [sflag:s29], $0x1  }
0xc3: {  	[sflag:s29] =	ssyncadd.s32 $0xFFFFFFFF  }
0xc4: {  	_ =	strace $0x9000004B  }
0xc5: {  	_ =	sfence  }
0xc6: {  	s30 =	sld [smem:$0x0];
	_ =	sdelay $0x2  }
0xc7: {  	s31 =	sshll.u32 s1, $0xD;
	s1 =	sshrl.u32 s1, $0x2  }
0xc8: {  	s4 =	sand.u32 $0x4000, s31;
	s1 =	sadd.s32 s1, s30  }
0xc9: {  	s0 =	sor.u32 s4, s0;
	s1 =	sshll.u32 s1, $0x11  }
0xca: {  	s0 =	sor.u32 s1, s0  }
0xcb: {  	s0 =	sadd.s32 $0x8F2B, s0  }
0xcc: {  	[sflag:s0] =	ssyncadd.remote.s32 $0x1  }
0xcd: {  	_ =	sfence.sel $0xFFFF  }
0xce: {  	[dreg:$0x0] =	wrdreg $0xFFFFFFFF;
	(pc) =	sbr.abs _section_cstart, $3  }
0xcf: {  	[dreg:$0x1] =	wrdreg $0xFFFFFFFF  }
0xd0: {  	_ =	task.clear_ibuf [dreg:s22], $0x2FFFF;
	_ =	strace $0x9FFFFFFF  }
0xd1: {  	(tm) =	ssettm $0x7FFFFFFF  }
tec
execute0_lowered:
.L_overlay_start_1:
0x0: {  	(tag) =	ssettag $0x1  }
0x1: {  	s6 =	rddreg [dreg:$0x0]  }
0x2: {  	s2 =	rddreg [dreg:$0x1]  }
0x3: {  	s0 =	rddreg [dreg:$0x2];
	s3 =	simm.s32 $0x0;
	s1 =	stileid.u32  }
0x4: {  	s5 =	srdreg.scid;
	s15 =	simm.s32 $0x100;
	s16 =	simm.s32 $0x50  }
0x5: {  	s17 =	simm.s32 $0x80;
	s18 =	simm.s32 $0x1;
	s19 =	simm.s32 $0x2  }
0x6: {  	s20 =	simm.s32 $0x0;
	[smem:$0x7FF] =	sst s3;
	s7 =	smul.u32 $0x2800, s1  }
0x7: {  	s4 =	sadd.s32 $0x2C3E00, s6;
	s8 =	sand.u32 $0x1, s5;
	s12 =	smul.u32 $0x50000, s1  }
0x8: {  	s5 =	sadd.s32 $0x11AE00, s6;
	s28 =	smul.u32 $0x2710, s1;
	s29 =	sshll.u32 s1, $0x6  }
0x9: {  	_ =	strace $0x8000004A;
	s10 =	smul.u32 $0x28000, s8;
	s11 =	sshll.u32 s8, $0x4  }
0xa: {  	s24 =	ssub.s32 $0x2, s8;
	s8 =	smul.u32 $0x27100, s8;
	s9 =	sadd.s32 s7, s6  }
0xb: {  	s11 =	sor.u32 s1, s11;
	s25 =	sshrl.u32 s24, $0x1;
	s26 =	sshrl.u32 s12, $0x2  }
0xc: {  	s7 =	sadd.s32 s7, s10;
	s11 =	smul.u32 $0x2710, s11;
	s10 =	ssub.s32 s24, s25  }
0xd: {  	s14 =	sadd.s32 s26, s2;
	s31 =	sadd.s32 s28, s8;
	s13 =	sadd.s32 s7, s6  }
0xe: {  	s6 =	sadd.s32 $0xF2E00, s9;
	s7 =	sor.u32 $0x1C03, s29;
	s12 =	sadd.s32 $0x50, s31  }
0xf: {  	s10 =	smax.u32 s10, $0x1;
	s30 =	sshrl.u32 s11, $0x3;
	s9 =	sadd.s32 $0x11B400, s13  }
0x10: {  	s11 =	sadd.s32 $0xA0, s31;
	s12 =	sshrl.u32 s12, $0x3;
	s13 =	sshrl.u32 s14, $0x3  }
0x11: {  	s14 =	simm.s32 $0x3;
	s8 =	sadd.s32 s4, s30;
	s12 =	sadd.s32 s12, s4  }
.LBB2_1:
0x12: {  	[spmem:s13], [sflag:s7] =	dma.local [hbm:s6], $0x2800  }
0x13: {  	_ =	swait.ge [sflag:s14], $0x2800  }
0x14: {  	[sflag:s14] =	ssyncset.done $0x0  }
0x15: {  	[sflag:s14] =	ssyncadd.s32 $0xFFFFD800  }
0x16: {  	[tilespmem:s15], [sflag:$0x3] =	stream.linear.gather [hbm4b:s5+s3], $0x2800, $0x38;
	[tilespmem:$0x16900] =	vst v63  }
0x17: {  	_ =	swait.ge [sflag:s14], $0x2800  }
0x18: {  	[sflag:s14] =	ssyncset.done $0x0  }
0x19: {  	[sflag:s14] =	ssyncadd.s32 $0xFFFFD800  }
0x1a: {  	[bflag:$0x0] =	sbarrier.arrive $0xFFFF  }
0x1b: {  	[tilespmem:s3], [sflag:$0x3] =	stream.linear.gather [hbm4b:s8+s3], $0x50, $0x38;
	[tilespmem:$0x16900] =	vst v63  }
0x1c: {  	_ =	swait.ge [sflag:s14], $0x50  }
0x1d: {  	[sflag:s14] =	ssyncset.done $0x0  }
0x1e: {  	[sflag:s14] =	ssyncadd.s32 $0xFFFFFFB0  }
0x1f: {  	[spmem:s2] =	stream.indirect.scatter.add.f32 [tilespmem:s15], [sflag:$0x1], $0x80, s3, s16, $0xb8;
	[tilespmem:$0x16900] =	vst v63  }
0x20: {  	s21 =	sadd.s32 $0x0, s12  }
0x21: {  	[tilespmem:s17], [sflag:$0x3] =	stream.linear.gather [hbm4b:s21+s3], $0x50, $0x38;
	[tilespmem:$0x16900] =	vst v63  }
0x22: {  	_ =	swait.ge [sflag:s14], $0x50  }
0x23: {  	[sflag:s14] =	ssyncset.done $0x0  }
0x24: {  	[sflag:s14] =	ssyncadd.s32 $0xFFFFFFB0  }
0x25: {  	_ =	swait.ge [sflag:s18], $0x2800  }
0x26: {  	[sflag:s18] =	ssyncset.done $0x0  }
0x27: {  	s31 =	sshrl.u32 s11, $0x3;
	[sflag:s18] =	ssyncadd.s32 $0xFFFFD800  }
0x28: {  	[spmem:s2] =	stream.indirect.scatter.add.f32 [tilespmem:s15], [sflag:$0x2], $0x80, s17, s16, $0xb8;
	[tilespmem:$0x16900] =	vst v63  }
0x29: {  	s21 =	sadd.s32 s4, s31  }
0x2a: {  	[tilespmem:s3], [sflag:$0x3] =	stream.linear.gather [hbm4b:s21+s3], $0x50, $0x38;
	[tilespmem:$0x16900] =	vst v63  }
0x2b: {  	_ =	swait.ge [sflag:s14], $0x50  }
0x2c: {  	[sflag:s14] =	ssyncset.done $0x0  }
0x2d: {  	[sflag:s14] =	ssyncadd.s32 $0xFFFFFFB0  }
0x2e: {  	_ =	swait.ge [sflag:s19], $0x2800  }
0x2f: {  	s22 =	smov.u32 s11;
	s21 =	simm.s32 $0x14;
	[sflag:s19] =	ssyncset.done $0x0  }
.LBB2_2:
0x30: {  	p0 =	sne.s32 s21, $0x4C4;
	[sflag:s19] =	ssyncadd.s32 $0xFFFFD800;
	s22 =	sadd.s32 $0xA0, s22  }
0x31: {  	[spmem:s2] =	stream.indirect.scatter.add.f32 [tilespmem:s15], [sflag:$0x1], $0x80, s3, s16, $0xb8;
	[tilespmem:$0x16900] =	vst v63  }
0x32: {  	s23 =	sadd.s32 s21, s12;
	s21 =	sadd.s32 $0x14, s21  }
0x33: {  	[tilespmem:s17], [sflag:$0x3] =	stream.linear.gather [hbm4b:s23+s3], $0x50, $0x38;
	[tilespmem:$0x16900] =	vst v63  }
0x34: {  	_ =	swait.ge [sflag:s14], $0x50  }
0x35: {  	[sflag:s14] =	ssyncset.done $0x0  }
0x36: {  	[sflag:s14] =	ssyncadd.s32 $0xFFFFFFB0  }
0x37: {  	_ =	swait.ge [sflag:s18], $0x2800  }
0x38: {  	[sflag:s18] =	ssyncset.done $0x0  }
0x39: {  	s23 =	sshrl.u32 s22, $0x3;
	[sflag:s18] =	ssyncadd.s32 $0xFFFFD800  }
0x3a: {  	[spmem:s2] =	stream.indirect.scatter.add.f32 [tilespmem:s15], [sflag:$0x2], $0x80, s17, s16, $0xb8;
	[tilespmem:$0x16900] =	vst v63  }
0x3b: {  	s23 =	sadd.s32 s4, s23  }
0x3c: {  	[tilespmem:s3], [sflag:$0x3] =	stream.linear.gather [hbm4b:s23+s3], $0x50, $0x38;
	[tilespmem:$0x16900] =	vst v63  }
.Ltmp0:
0x3d: {  	_ =	swait.ge [sflag:s14], $0x50;
	(pc) =	sbr.rel @p0 .LBB2_2-.Ltmp0, $4  }
0x3e: {  	[sflag:s14] =	ssyncset.done $0x0  }
0x3f: {  	[sflag:s14] =	ssyncadd.s32 $0xFFFFFFB0  }
0x40: {  	_ =	swait.ge [sflag:s19], $0x2800  }
0x41: {  	[sflag:s19] =	ssyncset.done $0x0  }
0x42: {  	[sflag:s19] =	ssyncadd.s32 $0xFFFFD800  }
0x43: {  	[spmem:s2] =	stream.indirect.scatter.add.f32 [tilespmem:s15], [sflag:$0x1], $0x80, s3, s16, $0xb8;
	[tilespmem:$0x16900] =	vst v63  }
0x44: {  	_ =	swait.ge [sflag:s18], $0x2800  }
0x45: {  	s20 =	sadd.s32 $0x1, s20;
	[sflag:s18] =	ssyncset.done $0x0  }
0x46: {  	p0 =	sne.s32 s20, s10;
	[sflag:s18] =	ssyncadd.s32 $0xFFFFD800  }
.Ltmp1:
0x47: {  	[bflag:$0x0] =	sbarrier.arrive $0xFFFF;
	(pc) =	sbr.rel @p0 .LBB2_1-.Ltmp1, $4  }
0x48: {  	[hbm:s9], [sflag:s7] =	dma.local [spmem:s13], $0x2800  }
0x49: {  	_ =	swait.ge [sflag:s14], $0x2800  }
0x4a: {  	[sflag:s14] =	ssyncset.done $0x0  }
0x4b: {  	[sflag:s14] =	ssyncadd.s32 $0xFFFFD800  }
0x4c: {  	_ =	sfence.sel $0x180000  }
0x4d: {  	[bflag:$0x0] =	sbarrier.arrive $0xFFFF  }
0x4e: {  	p0 =	sne.s32 s1, $0x0;
	_ =	strace $0x9000004A  }
0x4f: {  	s0 =	sadd.s32 @!p0 $0x100000, s0;
	[bflag:$0x2] =	sbarrier.arrive $0xFFFF  }
0x50: {  	[sflag:s0] =	ssyncadd.tile.s32 @!p0 $0x1;
	_ =	shalt  }
.Lfunc_end2:
_tile_overlayer_lowered:
.L_overlay_start_2:
0x51: {  	(tag) =	ssettag $0x2  }
0x52: {  	s0 =	rddreg [dreg:$0x0];
	s2 =	stileid.u32  }
0x53: {  	s1 =	rddreg [dreg:$0x1];
	p0 =	sne.s32 s2, $0x0  }
0x54: {  	s3 =	rddreg [dreg:$0x2];
	[bflag:$0x3] =	sbarrier.arrive $0xFFFF;
	s2 =	simm.s32 @!p0 $0x1C03  }
0x55: {  	[timem:s3], [sflag:s2] =	dma.local @!p0 [hbm:s0], s1  }
0x56: {  	s0 =	simm.s32 @!p0 $0x3  }
0x57: {  	_ =	swait.ge @!p0 [sflag:s0], s1  }
0x58: {  	s1 =	ssub.s32 @!p0 $0x0, s1;
	[sflag:s0] =	ssyncset.done @!p0 $0x0  }
0x59: {  	[sflag:s0] =	ssyncadd.s32 @!p0 s1  }
0x5a: {  	[bflag:$0x3] =	sbarrier.arrive $0xFFFF  }
0x5b: {  	_ =	shalt  }

</sc_bundles>
